<compile_context>
chip_gen: v7x
topology: tpu7x:2x2x1
jax: 0.10.2.dev20260603
libtpu: 0.0.44.dev20260713+nightly
codegen_flags: <defaults>
</compile_context>

<pallas_src>
import functools

import jax
import jax.numpy as jnp
from jax import lax
from jax.experimental import pallas as pl
from jax.experimental.pallas import tpu as pltpu
from jax.experimental.pallas import tpu_sc as plsc

_B = 16384
_EMB = 64
_FEAT = 10
_NC = 2
_NS = 16
_NW = _NC * _NS
_BPW = _B // _NW
_K = 16


_NUSERS = 1000000
_W = 256
_WSH = 8
_NWIN_FULL = _NUSERS // _W
_TAILW = _NUSERS - _NWIN_FULL * _W
_CAP_CH = 32
_CAP_ST = 768
_NT = 124
_SENT = jnp.int32(1 << 30)


def _make_sc_gather():
    mesh = plsc.VectorSubcoreMesh(core_axis_name="c", subcore_axis_name="s")
    i32 = jnp.int32

    @functools.partial(
        pl.kernel,
        mesh=mesh,
        compiler_params=pltpu.CompilerParams(needs_layout_passes=False),
        out_type=jax.ShapeDtypeStruct((_B * _EMB,), jnp.float32),
        scratch_types=[
            pltpu.VMEM((_B,), i32),
            pltpu.VMEM((_CAP_ST,), i32),
            pltpu.VMEM((_CAP_ST,), i32),
            pltpu.VMEM((_NT * _CAP_CH,), i32),
            pltpu.SMEM((_NT + 4,), i32),
            pltpu.VMEM((_EMB, 2 * _W), jnp.float32),
            pltpu.VMEM((_EMB, _TAILW), jnp.float32),
            pltpu.VMEM((_CAP_ST * _EMB,), jnp.float32),
            pltpu.VMEM((_CAP_ST,), i32),
            pltpu.SemaphoreType.DMA,
            pltpu.SemaphoreType.DMA,
            pltpu.SemaphoreType.DMA,
        ],
    )
    def gather_user(uidx_hbm, utabT_hbm, utail_hbm, uout_hbm,
                    uidx_v, ridx_v, rpos_v, bkt_v, bcnt_s, win_v, tail_v,
                    stg_v, spos_v, sem0, sem1, osem):
        wid = lax.axis_index("s") * _NC + lax.axis_index("c")
        lanes = lax.iota(i32, 16)
        pltpu.sync_copy(uidx_hbm, uidx_v)

        def filt(g, cnt):
            v = uidx_v[pl.ds(g * 16, 16)]
            m = jnp.bitwise_and(lax.shift_right_logical(v, _WSH), 31) == wid
            cs = plsc.cumsum(m.astype(i32))
            posn = jnp.minimum(cnt + cs - 1, _CAP_ST - 1)
            plsc.store_scatter(ridx_v, [posn], v, mask=m)
            plsc.store_scatter(rpos_v, [posn], g * 16 + lanes, mask=m)
            return jnp.minimum(cnt + cs[15], _CAP_ST - 1)
        H1 = lax.fori_loop(0, _B // 16, filt, jnp.int32(0))

        def zcnt(c, carry):
            bcnt_s[c] = 0
            return carry
        lax.fori_loop(0, _NT, zcnt, 0)

        def bins(i, carry):
            vidx = plsc.load_gather(ridx_v, [jnp.full((16,), i, i32)])[0]
            vpos = plsc.load_gather(rpos_v, [jnp.full((16,), i, i32)])[0]
            c = lax.shift_right_logical(
                lax.shift_right_logical(vidx, _WSH) - wid, 5)
            u = jnp.bitwise_and(vidx, _W - 1)
            e = jnp.bitwise_or(lax.shift_left(u, 14), vpos)
            cnt = jnp.minimum(bcnt_s[c], _CAP_CH - 1)
            plsc.store_scatter(bkt_v, [jnp.full((16,), c * _CAP_CH + cnt, i32)],
                               jnp.full((16,), e, i32), mask=lanes == 0)
            bcnt_s[c] = cnt + 1
            return carry
        lax.fori_loop(0, H1, bins, 0)

        def fire(j, slot):
            cb = pl.multiple_of((wid + 32 * j) * _W, _W)
            pltpu.make_async_copy(
                utabT_hbm.at[:, pl.ds(cb, _W)],
                win_v.at[:, pl.ds(slot * _W, _W)],
                sem0 if slot == 0 else sem1).start()

        def wwait(slot):
            pltpu.make_async_copy(
                utabT_hbm.at[:, pl.ds(0, _W)],
                win_v.at[:, pl.ds(slot * _W, _W)],
                sem0 if slot == 0 else sem1).wait()

        def extract(c, base, H, buf):
            n = bcnt_s[c]

            def hit(i, H):
                e = plsc.load_gather(
                    bkt_v, [jnp.full((16,), c * _CAP_CH + i, i32)])[0]
                upos = jnp.bitwise_and(e, (1 << 14) - 1)
                u = jnp.full((16,), lax.shift_right_logical(e, 14) + base, i32)
                Hc = jnp.minimum(H, _CAP_ST - 1)
                for q in range(4):
                    vals = plsc.load_gather(buf, [lanes + q * 16, u])
                    off = pl.multiple_of(Hc * _EMB, _EMB) + q * 16
                    stg_v[pl.ds(off, 16)] = vals
                plsc.store_scatter(spos_v, [jnp.full((16,), Hc, i32)],
                                   jnp.full((16,), upos, i32),
                                   mask=lanes == 0)
                return H + 1
            return lax.fori_loop(0, n, hit, H)

        ntrip = jnp.where(wid < _NWIN_FULL % 32,
                          _NWIN_FULL // 32 + 1, _NWIN_FULL // 32)
        fire(jnp.int32(0), 0)

        def body(c, H):
            nxt = c + 1
            even = (c % 2) == 0

            @pl.when((nxt < ntrip) & even)
            def _():
                fire(nxt, 1)

            @pl.when((nxt < ntrip) & jnp.logical_not(even))
            def _():
                fire(nxt, 0)

            def p0():
                wwait(0)
                return extract(c, 0, H, win_v)

            def p1():
                wwait(1)
                return extract(c, _W, H, win_v)
            return lax.cond(even, p0, p1)

        H = lax.fori_loop(0, ntrip, body, jnp.int32(0))

        def ptail():
            pltpu.make_async_copy(utail_hbm, tail_v, sem0).start()
            pltpu.make_async_copy(utail_hbm, tail_v, sem0).wait()
            return extract(jnp.int32((_NWIN_FULL - (_NWIN_FULL & 31)) >> 5),
                           0, H, tail_v)
        H = lax.cond(wid == (_NWIN_FULL & 31), ptail, lambda: H)

        Hpad = jnp.minimum((H + 15) & ~15, _CAP_ST)
        pos0 = spos_v[pl.ds(0, 16)][0]

        def pad(i, carry):
            for q in range(4):
                stg_v[pl.ds(pl.multiple_of(i * _EMB, _EMB) + q * 16, 16)] = (
                    stg_v[pl.ds(q * 16, 16)])
            plsc.store_scatter(spos_v, [jnp.full((16,), i, i32)],
                               jnp.full((16,), pos0, i32),
                               mask=lanes == 0)
            return carry
        lax.fori_loop(H, Hpad, pad, 0)

        def drain(b, carry):
            o = b * 16
            pv = spos_v[pl.ds(pl.multiple_of(o, 16), 16)] * _EMB
            for j in range(16):
                pltpu.make_async_copy(
                    stg_v.at[pl.ds(pl.multiple_of((o + j) * _EMB, _EMB), _EMB)],
                    uout_hbm.at[pl.ds(pl.multiple_of(pv[j], _EMB), _EMB)],
                    osem).start()
            for j in range(16):
                pltpu.make_async_copy(
                    stg_v.at[pl.ds(0, _EMB)],
                    uout_hbm.at[pl.ds(0, _EMB)], osem).wait()
            return carry
        lax.fori_loop(0, Hpad // 16, drain, 0)

    return gather_user


def _make_sc_game():
    mesh = plsc.VectorSubcoreMesh(core_axis_name="c", subcore_axis_name="s")
    i32 = jnp.int32

    @functools.partial(
        pl.kernel,
        mesh=mesh,
        compiler_params=pltpu.CompilerParams(needs_layout_passes=False),
        out_type=jax.ShapeDtypeStruct((_B, _EMB), jnp.float32),
        scratch_types=[
            pltpu.VMEM((_BPW,), i32),
            pltpu.VMEM((_K, _EMB), jnp.float32),
            pltpu.SemaphoreType.DMA,
        ],
    )
    def gather_game(gidx_hbm, gtab_hbm, gout_hbm, gidx_v, grow_v, gsem):
        wid = lax.axis_index("s") * _NC + lax.axis_index("c")
        gbase = wid * _BPW
        pltpu.sync_copy(gidx_hbm.at[pl.ds(gbase, _BPW)], gidx_v)

        def gchunk(c, carry):
            o = c * _K
            gv = gidx_v[pl.ds(o, _K)]
            for j in range(_K):
                pltpu.make_async_copy(
                    gtab_hbm.at[pl.ds(gv[j], 1)],
                    grow_v.at[pl.ds(j, 1)], gsem).start()
            for j in range(_K):
                pltpu.make_async_copy(
                    gtab_hbm.at[pl.ds(0, 1)],
                    grow_v.at[pl.ds(j, 1)], gsem).wait()
            pltpu.sync_copy(grow_v, gout_hbm.at[pl.ds(gbase + o, _K)])
            return carry
        lax.fori_loop(0, _BPW // _K, gchunk, 0)

    return gather_game


_sc_gather_cache = []


def _sc_gather(uidx, utabT, utail, gidx, gtab):
    if not _sc_gather_cache:
        _sc_gather_cache.append(_make_sc_gather())
        _sc_gather_cache.append(_make_sc_game())
    umf_flat = _sc_gather_cache[0](uidx, utabT, utail)
    gmf = _sc_gather_cache[1](gidx, gtab)
    return umf_flat, gmf


def _dotT(lhsT, rhs):
    return lax.dot_general(lhsT, rhs, (((0,), (0,)), ((), ())),
                           preferred_element_type=jnp.float32)


def _mlp_body(gfT_ref, glT_ref, umf_ref, gmf_ref,
              gw1_ref, gb1_ref, gw2_ref, gb2_ref,
              uw1_ref, ub1_ref, uw2_ref, ub2_ref,
              dw1a_ref, dw1b_ref, db1_ref, dw2_ref, db2_ref,
              out_ref):
    g1 = jnp.maximum(_dotT(gfT_ref[...], gw1_ref[...]) + gb1_ref[...], 0.0)
    genc = jnp.maximum(
        jnp.dot(g1, gw2_ref[...], preferred_element_type=jnp.float32)
        + gb2_ref[...], 0.0)
    u1 = jnp.maximum(_dotT(glT_ref[...], uw1_ref[...]) + ub1_ref[...], 0.0)
    uenc = jnp.maximum(
        jnp.dot(u1, uw2_ref[...], preferred_element_type=jnp.float32)
        + ub2_ref[...], 0.0)
    fu = umf_ref[...] + uenc
    fg = gmf_ref[...] + genc
    h = jnp.maximum(
        jnp.dot(fu, dw1a_ref[...], preferred_element_type=jnp.float32)
        + jnp.dot(fg, dw1b_ref[...], preferred_element_type=jnp.float32)
        + db1_ref[...], 0.0)
    out_ref[...] = (jnp.dot(h, dw2_ref[...], preferred_element_type=jnp.float32)
                    + db2_ref[...])


_R = 2048


def _dense(gfT, glT, umf, gmf, gW1, gb1, gW2, gb2, uW1, ub1, uW2, ub2,
           dW1a, dW1b, db1, dW2, db2):
    nblk = _B // _R

    def cols(i):
        return (0, i)

    def rows(i):
        return (i, 0)

    def whole(i):
        return (0, 0)

    col_spec_feat = pl.BlockSpec((_FEAT, _R), cols)
    row_spec_emb = pl.BlockSpec((_R, _EMB), rows)

    def wspec(a):
        return pl.BlockSpec(a.shape, whole)

    out = pl.pallas_call(
        _mlp_body,
        grid=(nblk,),
        in_specs=[
            col_spec_feat, col_spec_feat, row_spec_emb, row_spec_emb,
            wspec(gW1), wspec(gb1), wspec(gW2), wspec(gb2),
            wspec(uW1), wspec(ub1), wspec(uW2), wspec(ub2),
            wspec(dW1a), wspec(dW1b), wspec(db1), wspec(dW2), wspec(db2),
        ],
        out_specs=pl.BlockSpec((_R, 1), lambda i: (i, 0)),
        out_shape=jax.ShapeDtypeStruct((_B, 1), jnp.float32),
    )(gfT, glT, umf, gmf, gW1, gb1, gW2, gb2, uW1, ub1, uW2, ub2,
      dW1a, dW1b, db1, dW2, db2)
    return out[:, 0]


def kernel(user_input, game_input, game_features, global_features,
           user_table, game_table,
           gW1, gb1, gW2, gb2,
           uW1, ub1, uW2, ub2,
           dW1, db1, dW2, db2):
    utabT = user_table.T
    umf_flat, gmf = _sc_gather(
        user_input, utabT, utabT[:, _NWIN_FULL * _W:], game_input, game_table)
    umf = umf_flat.reshape(_B, _EMB)
    dW1a = dW1[:_EMB]
    dW1b = dW1[_EMB:]
    return _dense(
        game_features.T, global_features.T, umf, gmf,
        gW1, gb1.reshape(1, -1), gW2, gb2.reshape(1, -1),
        uW1, ub1.reshape(1, -1), uW2, ub2.reshape(1, -1),
        dW1a, dW1b, db1.reshape(1, -1), dW2, db2.reshape(1, -1))

# --- scband reference (transcript-rebuilt; emitter-appended) ---
"""Pipeline reference for scband-siamese-recommendation-model-35708358099352 (READ-ONLY COPY).

The authoritative reference and input builder live on the scoring server;
editing this copy changes nothing except your own understanding.
"""

import jax, jax.numpy as jnp
import numpy as np

B = 16384
NUM_USERS = 1000000
NUM_GAMES = 100000
EMB = 64
FEAT = 10


def setup_inputs(seed: int = 0) -> dict:
    key = jax.random.key(seed)
    ks = jax.random.split(key, 20)
    inp = {}
    inp['user_input'] = jax.random.randint(ks[0], (B,), 0, NUM_USERS, dtype=jnp.int32)
    inp['game_input'] = jax.random.randint(ks[1], (B,), 0, NUM_GAMES, dtype=jnp.int32)
    inp['game_features'] = jax.random.normal(ks[2], (B, FEAT), dtype=jnp.float32)
    inp['global_features'] = jax.random.normal(ks[3], (B, FEAT), dtype=jnp.float32)
    # learned params
    inp['user_table'] = jax.random.normal(ks[4], (NUM_USERS, EMB), dtype=jnp.float32) * 0.05
    inp['game_table'] = jax.random.normal(ks[5], (NUM_GAMES, EMB), dtype=jnp.float32) * 0.05
    # game encoder
    inp['gW1'] = jax.random.normal(ks[6], (FEAT, 128), dtype=jnp.float32) * 0.1
    inp['gb1'] = jnp.zeros((128,), dtype=jnp.float32)
    inp['gW2'] = jax.random.normal(ks[7], (128, EMB), dtype=jnp.float32) * 0.1
    inp['gb2'] = jnp.zeros((EMB,), dtype=jnp.float32)
    # user encoder
    inp['uW1'] = jax.random.normal(ks[8], (FEAT, 128), dtype=jnp.float32) * 0.1
    inp['ub1'] = jnp.zeros((128,), dtype=jnp.float32)
    inp['uW2'] = jax.random.normal(ks[9], (128, EMB), dtype=jnp.float32) * 0.1
    inp['ub2'] = jnp.zeros((EMB,), dtype=jnp.float32)
    # decoder
    inp['dW1'] = jax.random.normal(ks[10], (2 * EMB, 128), dtype=jnp.float32) * 0.1
    inp['db1'] = jnp.zeros((128,), dtype=jnp.float32)
    inp['dW2'] = jax.random.normal(ks[11], (128, 1), dtype=jnp.float32) * 0.1
    inp['db2'] = jnp.zeros((1,), dtype=jnp.float32)
    return inp


def reference(user_input, game_input, game_features, global_features,
              user_table, game_table,
              gW1, gb1, gW2, gb2,
              uW1, ub1, uW2, ub2,
              dW1, db1, dW2, db2):
    # MatrixFactorization: embedding lookups (SparseCore gathers)
    user_embedding_mf = jnp.take(user_table, user_input, axis=0)
    game_embedding_mf = jnp.take(game_table, game_input, axis=0)
    # Game encoder: Dense(128, relu) -> Dense(EMB, relu)
    g = jax.nn.relu(game_features @ gW1 + gb1)
    game_embedding_encoded = jax.nn.relu(g @ gW2 + gb2)
    # User encoder on global features
    u = jax.nn.relu(global_features @ uW1 + ub1)
    user_embedding_encoded = jax.nn.relu(u @ uW2 + ub2)
    final_user_embedding = user_embedding_mf + user_embedding_encoded
    final_game_embedding = game_embedding_mf + game_embedding_encoded
    # Decoder
    combined = jnp.concatenate([final_user_embedding, final_game_embedding], axis=-1)
    h = jax.nn.relu(combined @ dW1 + db1)
    score = h @ dW2 + db2
    return jnp.squeeze(score, axis=-1)

if __name__ == "__main__":
    import jax
    _d = setup_inputs()
    print(jax.jit(kernel)(*tuple(_d.values())))

</pallas_src>

<mosaic_0001>
#map = affine_map<(d0, d1) -> (0)>
#map1 = affine_map<(d0, d1) -> (0, 0)>
module attributes {stable_mosaic.version = 14 : i64} {
  func.func @gather_game(%arg0: i32, %arg1: i32, %arg2: memref<16384xi32, #tpu.memory_space<hbm>>, %arg3: memref<100000x64xf32, #tpu.memory_space<hbm>>, %arg4: memref<16384x64xf32, #tpu.memory_space<hbm>>, %arg5: memref<512xi32, #tpu.memory_space<vmem>>, %arg6: memref<16x64xf32, #tpu.memory_space<vmem>>, %arg7: memref<!tpu.dma_semaphore, #tpu.memory_space<semaphore_mem>>) attributes {dimension_semantics = [#tpu.dimension_semantics<core_parallel>, #tpu.dimension_semantics<subcore_parallel>], iteration_bounds = array<i64: 2, 16>, scalar_prefetch = 0 : i64, scratch_operands = 3 : i64, tpu.core_type = #tpu.core_type<sc_vector_subcore>, window_params = [{transform_indices = #map}, {transform_indices = #map1}, {transform_indices = #map1}]} {
    %mul3A = arith.constant 2 : i32
    %mul3A_0 = arith.muli %arg1, %mul3A : i32
    %add3A = arith.addi %mul3A_0, %arg0 : i32
    %mul3A_1 = arith.constant 512 : i32
    %mul3A_2 = arith.muli %add3A, %mul3A_1 : i32
    "tpu.region"() ({
      %run_scoped3A = tpu.sem_alloc : memref<!tpu.dma_semaphore, #tpu.memory_space<semaphore_mem>>
      %dma_start3A = tpu.memref_slice %arg2[%mul3A_2] : memref<16384xi32, #tpu.memory_space<hbm>> -> memref<512xi32, #tpu.memory_space<hbm>>
      %dma_start3A_8 = tpu.memref_slice %arg2[%mul3A_2] : memref<16384xi32, #tpu.memory_space<hbm>> -> memref<512xi32, #tpu.memory_space<hbm>>
      tpu.enqueue_dma source(%dma_start3A_8 : memref<512xi32, #tpu.memory_space<hbm>>) target(%arg5 : memref<512xi32, #tpu.memory_space<vmem>>) target_semaphore(%run_scoped3A : memref<!tpu.dma_semaphore, #tpu.memory_space<semaphore_mem>>)
      %dma_wait3A = tpu.memref_slice %arg2[%mul3A_2] : memref<16384xi32, #tpu.memory_space<hbm>> -> memref<512xi32, #tpu.memory_space<hbm>>
      %dma_wait3A_9 = tpu.memref_slice %arg2[%mul3A_2] : memref<16384xi32, #tpu.memory_space<hbm>> -> memref<512xi32, #tpu.memory_space<hbm>>
      tpu.wait_dma2 semaphore(%run_scoped3A : memref<!tpu.dma_semaphore, #tpu.memory_space<semaphore_mem>>) src(%dma_wait3A_9 : memref<512xi32, #tpu.memory_space<hbm>>) dst(%arg5 : memref<512xi32, #tpu.memory_space<vmem>>)
      tpu.yield
    }) : () -> ()
    %scan3A = arith.constant 0 : i32
    %scan3A_3 = arith.constant 0 : i32
    %scan3A_4 = arith.constant 32 : i32
    %scan3A_5 = arith.addi %scan3A_3, %scan3A_4 : i32
    %scan3A_6 = arith.constant 1 : i32
    scf.for %scan3A_8 = %scan3A_3 to %scan3A_5 step %scan3A_6  : i32 {
      %mul3A_9 = arith.constant 16 : i32
      %mul3A_10 = arith.muli %scan3A_8, %mul3A_9 : i32
      %get3A = arith.index_cast %mul3A_10 : i32 to index
      %get3A_11 = tpu.vector_load %arg5[%get3A] {strides = array<i32>} : memref<512xi32, #tpu.memory_space<vmem>>, vector<16xi32>,
      %slice3A = vector.extract_strided_slice %get3A_11 {offsets = [0], sizes = [1], strides = [1]} : vector<16xi32> to vector<1xi32>
      %squeeze3A = vector.extract %slice3A[0] : i32 from vector<1xi32>
      %dma_start3A = arith.constant 0 : i32
      %dma_start3A_12 = arith.constant 0 : i32
      %dma_start3A_13 = tpu.memref_slice %arg6[%dma_start3A, %dma_start3A_12] : memref<16x64xf32, #tpu.memory_space<vmem>> -> memref<1x64xf32, #tpu.memory_space<vmem>>
      %dma_start3A_14 = arith.constant 0 : i32
      %dma_start3A_15 = tpu.memref_slice %arg3[%squeeze3A, %dma_start3A_14] : memref<100000x64xf32, #tpu.memory_space<hbm>> -> memref<1x64xf32, #tpu.memory_space<hbm>>
      %dma_start3A_16 = arith.constant 0 : i32
      %dma_start3A_17 = arith.constant 0 : i32
      %dma_start3A_18 = tpu.memref_slice %arg6[%dma_start3A_16, %dma_start3A_17] : memref<16x64xf32, #tpu.memory_space<vmem>> -> memref<1x64xf32, #tpu.memory_space<vmem>>
      %dma_start3A_19 = arith.constant 0 : i32
      %dma_start3A_20 = tpu.memref_slice %arg3[%squeeze3A, %dma_start3A_19] : memref<100000x64xf32, #tpu.memory_space<hbm>> -> memref<1x64xf32, #tpu.memory_space<hbm>>
      tpu.enqueue_dma source(%dma_start3A_20 : memref<1x64xf32, #tpu.memory_space<hbm>>) target(%dma_start3A_18 : memref<1x64xf32, #tpu.memory_space<vmem>>) target_semaphore(%arg7 : memref<!tpu.dma_semaphore, #tpu.memory_space<semaphore_mem>>)
      %slice3A_21 = vector.extract_strided_slice %get3A_11 {offsets = [1], sizes = [1], strides = [1]} : vector<16xi32> to vector<1xi32>
      %squeeze3A_22 = vector.extract %slice3A_21[0] : i32 from vector<1xi32>
      %dma_start3A_23 = arith.constant 1 : i32
      %dma_start3A_24 = arith.constant 0 : i32
      %dma_start3A_25 = tpu.memref_slice %arg6[%dma_start3A_23, %dma_start3A_24] : memref<16x64xf32, #tpu.memory_space<vmem>> -> memref<1x64xf32, #tpu.memory_space<vmem>>
      %dma_start3A_26 = arith.constant 0 : i32
      %dma_start3A_27 = tpu.memref_slice %arg3[%squeeze3A_22, %dma_start3A_26] : memref<100000x64xf32, #tpu.memory_space<hbm>> -> memref<1x64xf32, #tpu.memory_space<hbm>>
      %dma_start3A_28 = arith.constant 1 : i32
      %dma_start3A_29 = arith.constant 0 : i32
      %dma_start3A_30 = tpu.memref_slice %arg6[%dma_start3A_28, %dma_start3A_29] : memref<16x64xf32, #tpu.memory_space<vmem>> -> memref<1x64xf32, #tpu.memory_space<vmem>>
      %dma_start3A_31 = arith.constant 0 : i32
      %dma_start3A_32 = tpu.memref_slice %arg3[%squeeze3A_22, %dma_start3A_31] : memref<100000x64xf32, #tpu.memory_space<hbm>> -> memref<1x64xf32, #tpu.memory_space<hbm>>
      tpu.enqueue_dma source(%dma_start3A_32 : memref<1x64xf32, #tpu.memory_space<hbm>>) target(%dma_start3A_30 : memref<1x64xf32, #tpu.memory_space<vmem>>) target_semaphore(%arg7 : memref<!tpu.dma_semaphore, #tpu.memory_space<semaphore_mem>>)
      %slice3A_33 = vector.extract_strided_slice %get3A_11 {offsets = [2], sizes = [1], strides = [1]} : vector<16xi32> to vector<1xi32>
      %squeeze3A_34 = vector.extract %slice3A_33[0] : i32 from vector<1xi32>
      %dma_start3A_35 = arith.constant 2 : i32
      %dma_start3A_36 = arith.constant 0 : i32
      %dma_start3A_37 = tpu.memref_slice %arg6[%dma_start3A_35, %dma_start3A_36] : memref<16x64xf32, #tpu.memory_space<vmem>> -> memref<1x64xf32, #tpu.memory_space<vmem>>
      %dma_start3A_38 = arith.constant 0 : i32
      %dma_start3A_39 = tpu.memref_slice %arg3[%squeeze3A_34, %dma_start3A_38] : memref<100000x64xf32, #tpu.memory_space<hbm>> -> memref<1x64xf32, #tpu.memory_space<hbm>>
      %dma_start3A_40 = arith.constant 2 : i32
      %dma_start3A_41 = arith.constant 0 : i32
      %dma_start3A_42 = tpu.memref_slice %arg6[%dma_start3A_40, %dma_start3A_41] : memref<16x64xf32, #tpu.memory_space<vmem>> -> memref<1x64xf32, #tpu.memory_space<vmem>>
      %dma_start3A_43 = arith.constant 0 : i32
      %dma_start3A_44 = tpu.memref_slice %arg3[%squeeze3A_34, %dma_start3A_43] : memref<100000x64xf32, #tpu.memory_space<hbm>> -> memref<1x64xf32, #tpu.memory_space<hbm>>
      tpu.enqueue_dma source(%dma_start3A_44 : memref<1x64xf32, #tpu.memory_space<hbm>>) target(%dma_start3A_42 : memref<1x64xf32, #tpu.memory_space<vmem>>) target_semaphore(%arg7 : memref<!tpu.dma_semaphore, #tpu.memory_space<semaphore_mem>>)
      %slice3A_45 = vector.extract_strided_slice %get3A_11 {offsets = [3], sizes = [1], strides = [1]} : vector<16xi32> to vector<1xi32>
      %squeeze3A_46 = vector.extract %slice3A_45[0] : i32 from vector<1xi32>
      %dma_start3A_47 = arith.constant 3 : i32
      %dma_start3A_48 = arith.constant 0 : i32
      %dma_start3A_49 = tpu.memref_slice %arg6[%dma_start3A_47, %dma_start3A_48] : memref<16x64xf32, #tpu.memory_space<vmem>> -> memref<1x64xf32, #tpu.memory_space<vmem>>
      %dma_start3A_50 = arith.constant 0 : i32
      %dma_start3A_51 = tpu.memref_slice %arg3[%squeeze3A_46, %dma_start3A_50] : memref<100000x64xf32, #tpu.memory_space<hbm>> -> memref<1x64xf32, #tpu.memory_space<hbm>>
      %dma_start3A_52 = arith.constant 3 : i32
      %dma_start3A_53 = arith.constant 0 : i32
      %dma_start3A_54 = tpu.memref_slice %arg6[%dma_start3A_52, %dma_start3A_53] : memref<16x64xf32, #tpu.memory_space<vmem>> -> memref<1x64xf32, #tpu.memory_space<vmem>>
      %dma_start3A_55 = arith.constant 0 : i32
      %dma_start3A_56 = tpu.memref_slice %arg3[%squeeze3A_46, %dma_start3A_55] : memref<100000x64xf32, #tpu.memory_space<hbm>> -> memref<1x64xf32, #tpu.memory_space<hbm>>
      tpu.enqueue_dma source(%dma_start3A_56 : memref<1x64xf32, #tpu.memory_space<hbm>>) target(%dma_start3A_54 : memref<1x64xf32, #tpu.memory_space<vmem>>) target_semaphore(%arg7 : memref<!tpu.dma_semaphore, #tpu.memory_space<semaphore_mem>>)
      %slice3A_57 = vector.extract_strided_slice %get3A_11 {offsets = [4], sizes = [1], strides = [1]} : vector<16xi32> to vector<1xi32>
      %squeeze3A_58 = vector.extract %slice3A_57[0] : i32 from vector<1xi32>
      %dma_start3A_59 = arith.constant 4 : i32
      %dma_start3A_60 = arith.constant 0 : i32
      %dma_start3A_61 = tpu.memref_slice %arg6[%dma_start3A_59, %dma_start3A_60] : memref<16x64xf32, #tpu.memory_space<vmem>> -> memref<1x64xf32, #tpu.memory_space<vmem>>
      %dma_start3A_62 = arith.constant 0 : i32
      %dma_start3A_63 = tpu.memref_slice %arg3[%squeeze3A_58, %dma_start3A_62] : memref<100000x64xf32, #tpu.memory_space<hbm>> -> memref<1x64xf32, #tpu.memory_space<hbm>>
      %dma_start3A_64 = arith.constant 4 : i32
      %dma_start3A_65 = arith.constant 0 : i32
      %dma_start3A_66 = tpu.memref_slice %arg6[%dma_start3A_64, %dma_start3A_65] : memref<16x64xf32, #tpu.memory_space<vmem>> -> memref<1x64xf32, #tpu.memory_space<vmem>>
      %dma_start3A_67 = arith.constant 0 : i32
      %dma_start3A_68 = tpu.memref_slice %arg3[%squeeze3A_58, %dma_start3A_67] : memref<100000x64xf32, #tpu.memory_space<hbm>> -> memref<1x64xf32, #tpu.memory_space<hbm>>
      tpu.enqueue_dma source(%dma_start3A_68 : memref<1x64xf32, #tpu.memory_space<hbm>>) target(%dma_start3A_66 : memref<1x64xf32, #tpu.memory_space<vmem>>) target_semaphore(%arg7 : memref<!tpu.dma_semaphore, #tpu.memory_space<semaphore_mem>>)
      %slice3A_69 = vector.extract_strided_slice %get3A_11 {offsets = [5], sizes = [1], strides = [1]} : vector<16xi32> to vector<1xi32>
      %squeeze3A_70 = vector.extract %slice3A_69[0] : i32 from vector<1xi32>
      %dma_start3A_71 = arith.constant 5 : i32
      %dma_start3A_72 = arith.constant 0 : i32
      %dma_start3A_73 = tpu.memref_slice %arg6[%dma_start3A_71, %dma_start3A_72] : memref<16x64xf32, #tpu.memory_space<vmem>> -> memref<1x64xf32, #tpu.memory_space<vmem>>
      %dma_start3A_74 = arith.constant 0 : i32
      %dma_start3A_75 = tpu.memref_slice %arg3[%squeeze3A_70, %dma_start3A_74] : memref<100000x64xf32, #tpu.memory_space<hbm>> -> memref<1x64xf32, #tpu.memory_space<hbm>>
      %dma_start3A_76 = arith.constant 5 : i32
      %dma_start3A_77 = arith.constant 0 : i32
      %dma_start3A_78 = tpu.memref_slice %arg6[%dma_start3A_76, %dma_start3A_77] : memref<16x64xf32, #tpu.memory_space<vmem>> -> memref<1x64xf32, #tpu.memory_space<vmem>>
      %dma_start3A_79 = arith.constant 0 : i32
      %dma_start3A_80 = tpu.memref_slice %arg3[%squeeze3A_70, %dma_start3A_79] : memref<100000x64xf32, #tpu.memory_space<hbm>> -> memref<1x64xf32, #tpu.memory_space<hbm>>
      tpu.enqueue_dma source(%dma_start3A_80 : memref<1x64xf32, #tpu.memory_space<hbm>>) target(%dma_start3A_78 : memref<1x64xf32, #tpu.memory_space<vmem>>) target_semaphore(%arg7 : memref<!tpu.dma_semaphore, #tpu.memory_space<semaphore_mem>>)
      %slice3A_81 = vector.extract_strided_slice %get3A_11 {offsets = [6], sizes = [1], strides = [1]} : vector<16xi32> to vector<1xi32>
      %squeeze3A_82 = vector.extract %slice3A_81[0] : i32 from vector<1xi32>
      %dma_start3A_83 = arith.constant 6 : i32
      %dma_start3A_84 = arith.constant 0 : i32
      %dma_start3A_85 = tpu.memref_slice %arg6[%dma_start3A_83, %dma_start3A_84] : memref<16x64xf32, #tpu.memory_space<vmem>> -> memref<1x64xf32, #tpu.memory_space<vmem>>
      %dma_start3A_86 = arith.constant 0 : i32
      %dma_start3A_87 = tpu.memref_slice %arg3[%squeeze3A_82, %dma_start3A_86] : memref<100000x64xf32, #tpu.memory_space<hbm>> -> memref<1x64xf32, #tpu.memory_space<hbm>>
      %dma_start3A_88 = arith.constant 6 : i32
      %dma_start3A_89 = arith.constant 0 : i32
      %dma_start3A_90 = tpu.memref_slice %arg6[%dma_start3A_88, %dma_start3A_89] : memref<16x64xf32, #tpu.memory_space<vmem>> -> memref<1x64xf32, #tpu.memory_space<vmem>>
      %dma_start3A_91 = arith.constant 0 : i32
      %dma_start3A_92 = tpu.memref_slice %arg3[%squeeze3A_82, %dma_start3A_91] : memref<100000x64xf32, #tpu.memory_space<hbm>> -> memref<1x64xf32, #tpu.memory_space<hbm>>
      tpu.enqueue_dma source(%dma_start3A_92 : memref<1x64xf32, #tpu.memory_space<hbm>>) target(%dma_start3A_90 : memref<1x64xf32, #tpu.memory_space<vmem>>) target_semaphore(%arg7 : memref<!tpu.dma_semaphore, #tpu.memory_space<semaphore_mem>>)
      %slice3A_93 = vector.extract_strided_slice %get3A_11 {offsets = [7], sizes = [1], strides = [1]} : vector<16xi32> to vector<1xi32>
      %squeeze3A_94 = vector.extract %slice3A_93[0] : i32 from vector<1xi32>
      %dma_start3A_95 = arith.constant 7 : i32
      %dma_start3A_96 = arith.constant 0 : i32
      %dma_start3A_97 = tpu.memref_slice %arg6[%dma_start3A_95, %dma_start3A_96] : memref<16x64xf32, #tpu.memory_space<vmem>> -> memref<1x64xf32, #tpu.memory_space<vmem>>
      %dma_start3A_98 = arith.constant 0 : i32
      %dma_start3A_99 = tpu.memref_slice %arg3[%squeeze3A_94, %dma_start3A_98] : memref<100000x64xf32, #tpu.memory_space<hbm>> -> memref<1x64xf32, #tpu.memory_space<hbm>>
      %dma_start3A_100 = arith.constant 7 : i32
      %dma_start3A_101 = arith.constant 0 : i32
      %dma_start3A_102 = tpu.memref_slice %arg6[%dma_start3A_100, %dma_start3A_101] : memref<16x64xf32, #tpu.memory_space<vmem>> -> memref<1x64xf32, #tpu.memory_space<vmem>>
      %dma_start3A_103 = arith.constant 0 : i32
      %dma_start3A_104 = tpu.memref_slice %arg3[%squeeze3A_94, %dma_start3A_103] : memref<100000x64xf32, #tpu.memory_space<hbm>> -> memref<1x64xf32, #tpu.memory_space<hbm>>
      tpu.enqueue_dma source(%dma_start3A_104 : memref<1x64xf32, #tpu.memory_space<hbm>>) target(%dma_start3A_102 : memref<1x64xf32, #tpu.memory_space<vmem>>) target_semaphore(%arg7 : memref<!tpu.dma_semaphore, #tpu.memory_space<semaphore_mem>>)
      %slice3A_105 = vector.extract_strided_slice %get3A_11 {offsets = [8], sizes = [1], strides = [1]} : vector<16xi32> to vector<1xi32>
      %squeeze3A_106 = vector.extract %slice3A_105[0] : i32 from vector<1xi32>
      %dma_start3A_107 = arith.constant 8 : i32
      %dma_start3A_108 = arith.constant 0 : i32
      %dma_start3A_109 = tpu.memref_slice %arg6[%dma_start3A_107, %dma_start3A_108] : memref<16x64xf32, #tpu.memory_space<vmem>> -> memref<1x64xf32, #tpu.memory_space<vmem>>
      %dma_start3A_110 = arith.constant 0 : i32
      %dma_start3A_111 = tpu.memref_slice %arg3[%squeeze3A_106, %dma_start3A_110] : memref<100000x64xf32, #tpu.memory_space<hbm>> -> memref<1x64xf32, #tpu.memory_space<hbm>>
      %dma_start3A_112 = arith.constant 8 : i32
      %dma_start3A_113 = arith.constant 0 : i32
      %dma_start3A_114 = tpu.memref_slice %arg6[%dma_start3A_112, %dma_start3A_113] : memref<16x64xf32, #tpu.memory_space<vmem>> -> memref<1x64xf32, #tpu.memory_space<vmem>>
      %dma_start3A_115 = arith.constant 0 : i32
      %dma_start3A_116 = tpu.memref_slice %arg3[%squeeze3A_106, %dma_start3A_115] : memref<100000x64xf32, #tpu.memory_space<hbm>> -> memref<1x64xf32, #tpu.memory_space<hbm>>
      tpu.enqueue_dma source(%dma_start3A_116 : memref<1x64xf32, #tpu.memory_space<hbm>>) target(%dma_start3A_114 : memref<1x64xf32, #tpu.memory_space<vmem>>) target_semaphore(%arg7 : memref<!tpu.dma_semaphore, #tpu.memory_space<semaphore_mem>>)
      %slice3A_117 = vector.extract_strided_slice %get3A_11 {offsets = [9], sizes = [1], strides = [1]} : vector<16xi32> to vector<1xi32>
      %squeeze3A_118 = vector.extract %slice3A_117[0] : i32 from vector<1xi32>
      %dma_start3A_119 = arith.constant 9 : i32
      %dma_start3A_120 = arith.constant 0 : i32
      %dma_start3A_121 = tpu.memref_slice %arg6[%dma_start3A_119, %dma_start3A_120] : memref<16x64xf32, #tpu.memory_space<vmem>> -> memref<1x64xf32, #tpu.memory_space<vmem>>
      %dma_start3A_122 = arith.constant 0 : i32
      %dma_start3A_123 = tpu.memref_slice %arg3[%squeeze3A_118, %dma_start3A_122] : memref<100000x64xf32, #tpu.memory_space<hbm>> -> memref<1x64xf32, #tpu.memory_space<hbm>>
      %dma_start3A_124 = arith.constant 9 : i32
      %dma_start3A_125 = arith.constant 0 : i32
      %dma_start3A_126 = tpu.memref_slice %arg6[%dma_start3A_124, %dma_start3A_125] : memref<16x64xf32, #tpu.memory_space<vmem>> -> memref<1x64xf32, #tpu.memory_space<vmem>>
      %dma_start3A_127 = arith.constant 0 : i32
      %dma_start3A_128 = tpu.memref_slice %arg3[%squeeze3A_118, %dma_start3A_127] : memref<100000x64xf32, #tpu.memory_space<hbm>> -> memref<1x64xf32, #tpu.memory_space<hbm>>
      tpu.enqueue_dma source(%dma_start3A_128 : memref<1x64xf32, #tpu.memory_space<hbm>>) target(%dma_start3A_126 : memref<1x64xf32, #tpu.memory_space<vmem>>) target_semaphore(%arg7 : memref<!tpu.dma_semaphore, #tpu.memory_space<semaphore_mem>>)
      %slice3A_129 = vector.extract_strided_slice %get3A_11 {offsets = [10], sizes = [1], strides = [1]} : vector<16xi32> to vector<1xi32>
      %squeeze3A_130 = vector.extract %slice3A_129[0] : i32 from vector<1xi32>
      %dma_start3A_131 = arith.constant 10 : i32
      %dma_start3A_132 = arith.constant 0 : i32
      %dma_start3A_133 = tpu.memref_slice %arg6[%dma_start3A_131, %dma_start3A_132] : memref<16x64xf32, #tpu.memory_space<vmem>> -> memref<1x64xf32, #tpu.memory_space<vmem>>
      %dma_start3A_134 = arith.constant 0 : i32
      %dma_start3A_135 = tpu.memref_slice %arg3[%squeeze3A_130, %dma_start3A_134] : memref<100000x64xf32, #tpu.memory_space<hbm>> -> memref<1x64xf32, #tpu.memory_space<hbm>>
      %dma_start3A_136 = arith.constant 10 : i32
      %dma_start3A_137 = arith.constant 0 : i32
      %dma_start3A_138 = tpu.memref_slice %arg6[%dma_start3A_136, %dma_start3A_137] : memref<16x64xf32, #tpu.memory_space<vmem>> -> memref<1x64xf32, #tpu.memory_space<vmem>>
      %dma_start3A_139 = arith.constant 0 : i32
      %dma_start3A_140 = tpu.memref_slice %arg3[%squeeze3A_130, %dma_start3A_139] : memref<100000x64xf32, #tpu.memory_space<hbm>> -> memref<1x64xf32, #tpu.memory_space<hbm>>
      tpu.enqueue_dma source(%dma_start3A_140 : memref<1x64xf32, #tpu.memory_space<hbm>>) target(%dma_start3A_138 : memref<1x64xf32, #tpu.memory_space<vmem>>) target_semaphore(%arg7 : memref<!tpu.dma_semaphore, #tpu.memory_space<semaphore_mem>>)
      %slice3A_141 = vector.extract_strided_slice %get3A_11 {offsets = [11], sizes = [1], strides = [1]} : vector<16xi32> to vector<1xi32>
      %squeeze3A_142 = vector.extract %slice3A_141[0] : i32 from vector<1xi32>
      %dma_start3A_143 = arith.constant 11 : i32
      %dma_start3A_144 = arith.constant 0 : i32
      %dma_start3A_145 = tpu.memref_slice %arg6[%dma_start3A_143, %dma_start3A_144] : memref<16x64xf32, #tpu.memory_space<vmem>> -> memref<1x64xf32, #tpu.memory_space<vmem>>
      %dma_start3A_146 = arith.constant 0 : i32
      %dma_start3A_147 = tpu.memref_slice %arg3[%squeeze3A_142, %dma_start3A_146] : memref<100000x64xf32, #tpu.memory_space<hbm>> -> memref<1x64xf32, #tpu.memory_space<hbm>>
      %dma_start3A_148 = arith.constant 11 : i32
      %dma_start3A_149 = arith.constant 0 : i32
      %dma_start3A_150 = tpu.memref_slice %arg6[%dma_start3A_148, %dma_start3A_149] : memref<16x64xf32, #tpu.memory_space<vmem>> -> memref<1x64xf32, #tpu.memory_space<vmem>>
      %dma_start3A_151 = arith.constant 0 : i32
      %dma_start3A_152 = tpu.memref_slice %arg3[%squeeze3A_142, %dma_start3A_151] : memref<100000x64xf32, #tpu.memory_space<hbm>> -> memref<1x64xf32, #tpu.memory_space<hbm>>
      tpu.enqueue_dma source(%dma_start3A_152 : memref<1x64xf32, #tpu.memory_space<hbm>>) target(%dma_start3A_150 : memref<1x64xf32, #tpu.memory_space<vmem>>) target_semaphore(%arg7 : memref<!tpu.dma_semaphore, #tpu.memory_space<semaphore_mem>>)
      %slice3A_153 = vector.extract_strided_slice %get3A_11 {offsets = [12], sizes = [1], strides = [1]} : vector<16xi32> to vector<1xi32>
      %squeeze3A_154 = vector.extract %slice3A_153[0] : i32 from vector<1xi32>
      %dma_start3A_155 = arith.constant 12 : i32
      %dma_start3A_156 = arith.constant 0 : i32
      %dma_start3A_157 = tpu.memref_slice %arg6[%dma_start3A_155, %dma_start3A_156] : memref<16x64xf32, #tpu.memory_space<vmem>> -> memref<1x64xf32, #tpu.memory_space<vmem>>
      %dma_start3A_158 = arith.constant 0 : i32
      %dma_start3A_159 = tpu.memref_slice %arg3[%squeeze3A_154, %dma_start3A_158] : memref<100000x64xf32, #tpu.memory_space<hbm>> -> memref<1x64xf32, #tpu.memory_space<hbm>>
      %dma_start3A_160 = arith.constant 12 : i32
      %dma_start3A_161 = arith.constant 0 : i32
      %dma_start3A_162 = tpu.memref_slice %arg6[%dma_start3A_160, %dma_start3A_161] : memref<16x64xf32, #tpu.memory_space<vmem>> -> memref<1x64xf32, #tpu.memory_space<vmem>>
      %dma_start3A_163 = arith.constant 0 : i32
      %dma_start3A_164 = tpu.memref_slice %arg3[%squeeze3A_154, %dma_start3A_163] : memref<100000x64xf32, #tpu.memory_space<hbm>> -> memref<1x64xf32, #tpu.memory_space<hbm>>
      tpu.enqueue_dma source(%dma_start3A_164 : memref<1x64xf32, #tpu.memory_space<hbm>>) target(%dma_start3A_162 : memref<1x64xf32, #tpu.memory_space<vmem>>) target_semaphore(%arg7 : memref<!tpu.dma_semaphore, #tpu.memory_space<semaphore_mem>>)
      %slice3A_165 = vector.extract_strided_slice %get3A_11 {offsets = [13], sizes = [1], strides = [1]} : vector<16xi32> to vector<1xi32>
      %squeeze3A_166 = vector.extract %slice3A_165[0] : i32 from vector<1xi32>
      %dma_start3A_167 = arith.constant 13 : i32
      %dma_start3A_168 = arith.constant 0 : i32
      %dma_start3A_169 = tpu.memref_slice %arg6[%dma_start3A_167, %dma_start3A_168] : memref<16x64xf32, #tpu.memory_space<vmem>> -> memref<1x64xf32, #tpu.memory_space<vmem>>
      %dma_start3A_170 = arith.constant 0 : i32
      %dma_start3A_171 = tpu.memref_slice %arg3[%squeeze3A_166, %dma_start3A_170] : memref<100000x64xf32, #tpu.memory_space<hbm>> -> memref<1x64xf32, #tpu.memory_space<hbm>>
      %dma_start3A_172 = arith.constant 13 : i32
      %dma_start3A_173 = arith.constant 0 : i32
      %dma_start3A_174 = tpu.memref_slice %arg6[%dma_start3A_172, %dma_start3A_173] : memref<16x64xf32, #tpu.memory_space<vmem>> -> memref<1x64xf32, #tpu.memory_space<vmem>>
      %dma_start3A_175 = arith.constant 0 : i32
      %dma_start3A_176 = tpu.memref_slice %arg3[%squeeze3A_166, %dma_start3A_175] : memref<100000x64xf32, #tpu.memory_space<hbm>> -> memref<1x64xf32, #tpu.memory_space<hbm>>
      tpu.enqueue_dma source(%dma_start3A_176 : memref<1x64xf32, #tpu.memory_space<hbm>>) target(%dma_start3A_174 : memref<1x64xf32, #tpu.memory_space<vmem>>) target_semaphore(%arg7 : memref<!tpu.dma_semaphore, #tpu.memory_space<semaphore_mem>>)
      %slice3A_177 = vector.extract_strided_slice %get3A_11 {offsets = [14], sizes = [1], strides = [1]} : vector<16xi32> to vector<1xi32>
      %squeeze3A_178 = vector.extract %slice3A_177[0] : i32 from vector<1xi32>
      %dma_start3A_179 = arith.constant 14 : i32
      %dma_start3A_180 = arith.constant 0 : i32
      %dma_start3A_181 = tpu.memref_slice %arg6[%dma_start3A_179, %dma_start3A_180] : memref<16x64xf32, #tpu.memory_space<vmem>> -> memref<1x64xf32, #tpu.memory_space<vmem>>
      %dma_start3A_182 = arith.constant 0 : i32
      %dma_start3A_183 = tpu.memref_slice %arg3[%squeeze3A_178, %dma_start3A_182] : memref<100000x64xf32, #tpu.memory_space<hbm>> -> memref<1x64xf32, #tpu.memory_space<hbm>>
      %dma_start3A_184 = arith.constant 14 : i32
      %dma_start3A_185 = arith.constant 0 : i32
      %dma_start3A_186 = tpu.memref_slice %arg6[%dma_start3A_184, %dma_start3A_185] : memref<16x64xf32, #tpu.memory_space<vmem>> -> memref<1x64xf32, #tpu.memory_space<vmem>>
      %dma_start3A_187 = arith.constant 0 : i32
      %dma_start3A_188 = tpu.memref_slice %arg3[%squeeze3A_178, %dma_start3A_187] : memref<100000x64xf32, #tpu.memory_space<hbm>> -> memref<1x64xf32, #tpu.memory_space<hbm>>
      tpu.enqueue_dma source(%dma_start3A_188 : memref<1x64xf32, #tpu.memory_space<hbm>>) target(%dma_start3A_186 : memref<1x64xf32, #tpu.memory_space<vmem>>) target_semaphore(%arg7 : memref<!tpu.dma_semaphore, #tpu.memory_space<semaphore_mem>>)
      %slice3A_189 = vector.extract_strided_slice %get3A_11 {offsets = [15], sizes = [1], strides = [1]} : vector<16xi32> to vector<1xi32>
      %squeeze3A_190 = vector.extract %slice3A_189[0] : i32 from vector<1xi32>
      %dma_start3A_191 = arith.constant 15 : i32
      %dma_start3A_192 = arith.constant 0 : i32
      %dma_start3A_193 = tpu.memref_slice %arg6[%dma_start3A_191, %dma_start3A_192] : memref<16x64xf32, #tpu.memory_space<vmem>> -> memref<1x64xf32, #tpu.memory_space<vmem>>
      %dma_start3A_194 = arith.constant 0 : i32
      %dma_start3A_195 = tpu.memref_slice %arg3[%squeeze3A_190, %dma_start3A_194] : memref<100000x64xf32, #tpu.memory_space<hbm>> -> memref<1x64xf32, #tpu.memory_space<hbm>>
      %dma_start3A_196 = arith.constant 15 : i32
      %dma_start3A_197 = arith.constant 0 : i32
      %dma_start3A_198 = tpu.memref_slice %arg6[%dma_start3A_196, %dma_start3A_197] : memref<16x64xf32, #tpu.memory_space<vmem>> -> memref<1x64xf32, #tpu.memory_space<vmem>>
      %dma_start3A_199 = arith.constant 0 : i32
      %dma_start3A_200 = tpu.memref_slice %arg3[%squeeze3A_190, %dma_start3A_199] : memref<100000x64xf32, #tpu.memory_space<hbm>> -> memref<1x64xf32, #tpu.memory_space<hbm>>
      tpu.enqueue_dma source(%dma_start3A_200 : memref<1x64xf32, #tpu.memory_space<hbm>>) target(%dma_start3A_198 : memref<1x64xf32, #tpu.memory_space<vmem>>) target_semaphore(%arg7 : memref<!tpu.dma_semaphore, #tpu.memory_space<semaphore_mem>>)
      %dma_wait3A = arith.constant 0 : i32
      %dma_wait3A_201 = arith.constant 0 : i32
      %dma_wait3A_202 = tpu.memref_slice %arg6[%dma_wait3A, %dma_wait3A_201] : memref<16x64xf32, #tpu.memory_space<vmem>> -> memref<1x64xf32, #tpu.memory_space<vmem>>
      %dma_wait3A_203 = arith.constant 0 : i32
      %dma_wait3A_204 = arith.constant 0 : i32
      %dma_wait3A_205 = tpu.memref_slice %arg3[%dma_wait3A_203, %dma_wait3A_204] : memref<100000x64xf32, #tpu.memory_space<hbm>> -> memref<1x64xf32, #tpu.memory_space<hbm>>
      %dma_wait3A_206 = arith.constant 0 : i32
      %dma_wait3A_207 = arith.constant 0 : i32
      %dma_wait3A_208 = tpu.memref_slice %arg6[%dma_wait3A_206, %dma_wait3A_207] : memref<16x64xf32, #tpu.memory_space<vmem>> -> memref<1x64xf32, #tpu.memory_space<vmem>>
      %dma_wait3A_209 = arith.constant 0 : i32
      %dma_wait3A_210 = arith.constant 0 : i32
      %dma_wait3A_211 = tpu.memref_slice %arg3[%dma_wait3A_209, %dma_wait3A_210] : memref<100000x64xf32, #tpu.memory_space<hbm>> -> memref<1x64xf32, #tpu.memory_space<hbm>>
      tpu.wait_dma2 semaphore(%arg7 : memref<!tpu.dma_semaphore, #tpu.memory_space<semaphore_mem>>) src(%dma_wait3A_211 : memref<1x64xf32, #tpu.memory_space<hbm>>) dst(%dma_wait3A_208 : memref<1x64xf32, #tpu.memory_space<vmem>>)
      %dma_wait3A_212 = arith.constant 1 : i32
      %dma_wait3A_213 = arith.constant 0 : i32
      %dma_wait3A_214 = tpu.memref_slice %arg6[%dma_wait3A_212, %dma_wait3A_213] : memref<16x64xf32, #tpu.memory_space<vmem>> -> memref<1x64xf32, #tpu.memory_space<vmem>>
      %dma_wait3A_215 = arith.constant 0 : i32
      %dma_wait3A_216 = arith.constant 0 : i32
      %dma_wait3A_217 = tpu.memref_slice %arg3[%dma_wait3A_215, %dma_wait3A_216] : memref<100000x64xf32, #tpu.memory_space<hbm>> -> memref<1x64xf32, #tpu.memory_space<hbm>>
      %dma_wait3A_218 = arith.constant 1 : i32
      %dma_wait3A_219 = arith.constant 0 : i32
      %dma_wait3A_220 = tpu.memref_slice %arg6[%dma_wait3A_218, %dma_wait3A_219] : memref<16x64xf32, #tpu.memory_space<vmem>> -> memref<1x64xf32, #tpu.memory_space<vmem>>
      %dma_wait3A_221 = arith.constant 0 : i32
      %dma_wait3A_222 = arith.constant 0 : i32
      %dma_wait3A_223 = tpu.memref_slice %arg3[%dma_wait3A_221, %dma_wait3A_222] : memref<100000x64xf32, #tpu.memory_space<hbm>> -> memref<1x64xf32, #tpu.memory_space<hbm>>
      tpu.wait_dma2 semaphore(%arg7 : memref<!tpu.dma_semaphore, #tpu.memory_space<semaphore_mem>>) src(%dma_wait3A_223 : memref<1x64xf32, #tpu.memory_space<hbm>>) dst(%dma_wait3A_220 : memref<1x64xf32, #tpu.memory_space<vmem>>)
      %dma_wait3A_224 = arith.constant 2 : i32
      %dma_wait3A_225 = arith.constant 0 : i32
      %dma_wait3A_226 = tpu.memref_slice %arg6[%dma_wait3A_224, %dma_wait3A_225] : memref<16x64xf32, #tpu.memory_space<vmem>> -> memref<1x64xf32, #tpu.memory_space<vmem>>
      %dma_wait3A_227 = arith.constant 0 : i32
      %dma_wait3A_228 = arith.constant 0 : i32
      %dma_wait3A_229 = tpu.memref_slice %arg3[%dma_wait3A_227, %dma_wait3A_228] : memref<100000x64xf32, #tpu.memory_space<hbm>> -> memref<1x64xf32, #tpu.memory_space<hbm>>
      %dma_wait3A_230 = arith.constant 2 : i32
      %dma_wait3A_231 = arith.constant 0 : i32
      %dma_wait3A_232 = tpu.memref_slice %arg6[%dma_wait3A_230, %dma_wait3A_231] : memref<16x64xf32, #tpu.memory_space<vmem>> -> memref<1x64xf32, #tpu.memory_space<vmem>>
      %dma_wait3A_233 = arith.constant 0 : i32
      %dma_wait3A_234 = arith.constant 0 : i32
      %dma_wait3A_235 = tpu.memref_slice %arg3[%dma_wait3A_233, %dma_wait3A_234] : memref<100000x64xf32, #tpu.memory_space<hbm>> -> memref<1x64xf32, #tpu.memory_space<hbm>>
      tpu.wait_dma2 semaphore(%arg7 : memref<!tpu.dma_semaphore, #tpu.memory_space<semaphore_mem>>) src(%dma_wait3A_235 : memref<1x64xf32, #tpu.memory_space<hbm>>) dst(%dma_wait3A_232 : memref<1x64xf32, #tpu.memory_space<vmem>>)
      %dma_wait3A_236 = arith.constant 3 : i32
      %dma_wait3A_237 = arith.constant 0 : i32
      %dma_wait3A_238 = tpu.memref_slice %arg6[%dma_wait3A_236, %dma_wait3A_237] : memref<16x64xf32, #tpu.memory_space<vmem>> -> memref<1x64xf32, #tpu.memory_space<vmem>>
      %dma_wait3A_239 = arith.constant 0 : i32
      %dma_wait3A_240 = arith.constant 0 : i32
      %dma_wait3A_241 = tpu.memref_slice %arg3[%dma_wait3A_239, %dma_wait3A_240] : memref<100000x64xf32, #tpu.memory_space<hbm>> -> memref<1x64xf32, #tpu.memory_space<hbm>>
      %dma_wait3A_242 = arith.constant 3 : i32
      %dma_wait3A_243 = arith.constant 0 : i32
      %dma_wait3A_244 = tpu.memref_slice %arg6[%dma_wait3A_242, %dma_wait3A_243] : memref<16x64xf32, #tpu.memory_space<vmem>> -> memref<1x64xf32, #tpu.memory_space<vmem>>
      %dma_wait3A_245 = arith.constant 0 : i32
      %dma_wait3A_246 = arith.constant 0 : i32
      %dma_wait3A_247 = tpu.memref_slice %arg3[%dma_wait3A_245, %dma_wait3A_246] : memref<100000x64xf32, #tpu.memory_space<hbm>> -> memref<1x64xf32, #tpu.memory_space<hbm>>
      tpu.wait_dma2 semaphore(%arg7 : memref<!tpu.dma_semaphore, #tpu.memory_space<semaphore_mem>>) src(%dma_wait3A_247 : memref<1x64xf32, #tpu.memory_space<hbm>>) dst(%dma_wait3A_244 : memref<1x64xf32, #tpu.memory_space<vmem>>)
      %dma_wait3A_248 = arith.constant 4 : i32
      %dma_wait3A_249 = arith.constant 0 : i32
      %dma_wait3A_250 = tpu.memref_slice %arg6[%dma_wait3A_248, %dma_wait3A_249] : memref<16x64xf32, #tpu.memory_space<vmem>> -> memref<1x64xf32, #tpu.memory_space<vmem>>
      %dma_wait3A_251 = arith.constant 0 : i32
      %dma_wait3A_252 = arith.constant 0 : i32
      %dma_wait3A_253 = tpu.memref_slice %arg3[%dma_wait3A_251, %dma_wait3A_252] : memref<100000x64xf32, #tpu.memory_space<hbm>> -> memref<1x64xf32, #tpu.memory_space<hbm>>
      %dma_wait3A_254 = arith.constant 4 : i32
      %dma_wait3A_255 = arith.constant 0 : i32
      %dma_wait3A_256 = tpu.memref_slice %arg6[%dma_wait3A_254, %dma_wait3A_255] : memref<16x64xf32, #tpu.memory_space<vmem>> -> memref<1x64xf32, #tpu.memory_space<vmem>>
      %dma_wait3A_257 = arith.constant 0 : i32
      %dma_wait3A_258 = arith.constant 0 : i32
      %dma_wait3A_259 = tpu.memref_slice %arg3[%dma_wait3A_257, %dma_wait3A_258] : memref<100000x64xf32, #tpu.memory_space<hbm>> -> memref<1x64xf32, #tpu.memory_space<hbm>>
      tpu.wait_dma2 semaphore(%arg7 : memref<!tpu.dma_semaphore, #tpu.memory_space<semaphore_mem>>) src(%dma_wait3A_259 : memref<1x64xf32, #tpu.memory_space<hbm>>) dst(%dma_wait3A_256 : memref<1x64xf32, #tpu.memory_space<vmem>>)
      %dma_wait3A_260 = arith.constant 5 : i32
      %dma_wait3A_261 = arith.constant 0 : i32
      %dma_wait3A_262 = tpu.memref_slice %arg6[%dma_wait3A_260, %dma_wait3A_261] : memref<16x64xf32, #tpu.memory_space<vmem>> -> memref<1x64xf32, #tpu.memory_space<vmem>>
      %dma_wait3A_263 = arith.constant 0 : i32
      %dma_wait3A_264 = arith.constant 0 : i32
      %dma_wait3A_265 = tpu.memref_slice %arg3[%dma_wait3A_263, %dma_wait3A_264] : memref<100000x64xf32, #tpu.memory_space<hbm>> -> memref<1x64xf32, #tpu.memory_space<hbm>>
      %dma_wait3A_266 = arith.constant 5 : i32
      %dma_wait3A_267 = arith.constant 0 : i32
      %dma_wait3A_268 = tpu.memref_slice %arg6[%dma_wait3A_266, %dma_wait3A_267] : memref<16x64xf32, #tpu.memory_space<vmem>> -> memref<1x64xf32, #tpu.memory_space<vmem>>
      %dma_wait3A_269 = arith.constant 0 : i32
      %dma_wait3A_270 = arith.constant 0 : i32
      %dma_wait3A_271 = tpu.memref_slice %arg3[%dma_wait3A_269, %dma_wait3A_270] : memref<100000x64xf32, #tpu.memory_space<hbm>> -> memref<1x64xf32, #tpu.memory_space<hbm>>
      tpu.wait_dma2 semaphore(%arg7 : memref<!tpu.dma_semaphore, #tpu.memory_space<semaphore_mem>>) src(%dma_wait3A_271 : memref<1x64xf32, #tpu.memory_space<hbm>>) dst(%dma_wait3A_268 : memref<1x64xf32, #tpu.memory_space<vmem>>)
      %dma_wait3A_272 = arith.constant 6 : i32
      %dma_wait3A_273 = arith.constant 0 : i32
      %dma_wait3A_274 = tpu.memref_slice %arg6[%dma_wait3A_272, %dma_wait3A_273] : memref<16x64xf32, #tpu.memory_space<vmem>> -> memref<1x64xf32, #tpu.memory_space<vmem>>
      %dma_wait3A_275 = arith.constant 0 : i32
      %dma_wait3A_276 = arith.constant 0 : i32
      %dma_wait3A_277 = tpu.memref_slice %arg3[%dma_wait3A_275, %dma_wait3A_276] : memref<100000x64xf32, #tpu.memory_space<hbm>> -> memref<1x64xf32, #tpu.memory_space<hbm>>
      %dma_wait3A_278 = arith.constant 6 : i32
      %dma_wait3A_279 = arith.constant 0 : i32
      %dma_wait3A_280 = tpu.memref_slice %arg6[%dma_wait3A_278, %dma_wait3A_279] : memref<16x64xf32, #tpu.memory_space<vmem>> -> memref<1x64xf32, #tpu.memory_space<vmem>>
      %dma_wait3A_281 = arith.constant 0 : i32
      %dma_wait3A_282 = arith.constant 0 : i32
      %dma_wait3A_283 = tpu.memref_slice %arg3[%dma_wait3A_281, %dma_wait3A_282] : memref<100000x64xf32, #tpu.memory_space<hbm>> -> memref<1x64xf32, #tpu.memory_space<hbm>>
      tpu.wait_dma2 semaphore(%arg7 : memref<!tpu.dma_semaphore, #tpu.memory_space<semaphore_mem>>) src(%dma_wait3A_283 : memref<1x64xf32, #tpu.memory_space<hbm>>) dst(%dma_wait3A_280 : memref<1x64xf32, #tpu.memory_space<vmem>>)
      %dma_wait3A_284 = arith.constant 7 : i32
      %dma_wait3A_285 = arith.constant 0 : i32
      %dma_wait3A_286 = tpu.memref_slice %arg6[%dma_wait3A_284, %dma_wait3A_285] : memref<16x64xf32, #tpu.memory_space<vmem>> -> memref<1x64xf32, #tpu.memory_space<vmem>>
      %dma_wait3A_287 = arith.constant 0 : i32
      %dma_wait3A_288 = arith.constant 0 : i32
      %dma_wait3A_289 = tpu.memref_slice %arg3[%dma_wait3A_287, %dma_wait3A_288] : memref<100000x64xf32, #tpu.memory_space<hbm>> -> memref<1x64xf32, #tpu.memory_space<hbm>>
      %dma_wait3A_290 = arith.constant 7 : i32
      %dma_wait3A_291 = arith.constant 0 : i32
      %dma_wait3A_292 = tpu.memref_slice %arg6[%dma_wait3A_290, %dma_wait3A_291] : memref<16x64xf32, #tpu.memory_space<vmem>> -> memref<1x64xf32, #tpu.memory_space<vmem>>
      %dma_wait3A_293 = arith.constant 0 : i32
      %dma_wait3A_294 = arith.constant 0 : i32
      %dma_wait3A_295 = tpu.memref_slice %arg3[%dma_wait3A_293, %dma_wait3A_294] : memref<100000x64xf32, #tpu.memory_space<hbm>> -> memref<1x64xf32, #tpu.memory_space<hbm>>
      tpu.wait_dma2 semaphore(%arg7 : memref<!tpu.dma_semaphore, #tpu.memory_space<semaphore_mem>>) src(%dma_wait3A_295 : memref<1x64xf32, #tpu.memory_space<hbm>>) dst(%dma_wait3A_292 : memref<1x64xf32, #tpu.memory_space<vmem>>)
      %dma_wait3A_296 = arith.constant 8 : i32
      %dma_wait3A_297 = arith.constant 0 : i32
      %dma_wait3A_298 = tpu.memref_slice %arg6[%dma_wait3A_296, %dma_wait3A_297] : memref<16x64xf32, #tpu.memory_space<vmem>> -> memref<1x64xf32, #tpu.memory_space<vmem>>
      %dma_wait3A_299 = arith.constant 0 : i32
      %dma_wait3A_300 = arith.constant 0 : i32
      %dma_wait3A_301 = tpu.memref_slice %arg3[%dma_wait3A_299, %dma_wait3A_300] : memref<100000x64xf32, #tpu.memory_space<hbm>> -> memref<1x64xf32, #tpu.memory_space<hbm>>
      %dma_wait3A_302 = arith.constant 8 : i32
      %dma_wait3A_303 = arith.constant 0 : i32
      %dma_wait3A_304 = tpu.memref_slice %arg6[%dma_wait3A_302, %dma_wait3A_303] : memref<16x64xf32, #tpu.memory_space<vmem>> -> memref<1x64xf32, #tpu.memory_space<vmem>>
      %dma_wait3A_305 = arith.constant 0 : i32
      %dma_wait3A_306 = arith.constant 0 : i32
      %dma_wait3A_307 = tpu.memref_slice %arg3[%dma_wait3A_305, %dma_wait3A_306] : memref<100000x64xf32, #tpu.memory_space<hbm>> -> memref<1x64xf32, #tpu.memory_space<hbm>>
      tpu.wait_dma2 semaphore(%arg7 : memref<!tpu.dma_semaphore, #tpu.memory_space<semaphore_mem>>) src(%dma_wait3A_307 : memref<1x64xf32, #tpu.memory_space<hbm>>) dst(%dma_wait3A_304 : memref<1x64xf32, #tpu.memory_space<vmem>>)
      %dma_wait3A_308 = arith.constant 9 : i32
      %dma_wait3A_309 = arith.constant 0 : i32
      %dma_wait3A_310 = tpu.memref_slice %arg6[%dma_wait3A_308, %dma_wait3A_309] : memref<16x64xf32, #tpu.memory_space<vmem>> -> memref<1x64xf32, #tpu.memory_space<vmem>>
      %dma_wait3A_311 = arith.constant 0 : i32
      %dma_wait3A_312 = arith.constant 0 : i32
      %dma_wait3A_313 = tpu.memref_slice %arg3[%dma_wait3A_311, %dma_wait3A_312] : memref<100000x64xf32, #tpu.memory_space<hbm>> -> memref<1x64xf32, #tpu.memory_space<hbm>>
      %dma_wait3A_314 = arith.constant 9 : i32
      %dma_wait3A_315 = arith.constant 0 : i32
      %dma_wait3A_316 = tpu.memref_slice %arg6[%dma_wait3A_314, %dma_wait3A_315] : memref<16x64xf32, #tpu.memory_space<vmem>> -> memref<1x64xf32, #tpu.memory_space<vmem>>
      %dma_wait3A_317 = arith.constant 0 : i32
      %dma_wait3A_318 = arith.constant 0 : i32
      %dma_wait3A_319 = tpu.memref_slice %arg3[%dma_wait3A_317, %dma_wait3A_318] : memref<100000x64xf32, #tpu.memory_space<hbm>> -> memref<1x64xf32, #tpu.memory_space<hbm>>
      tpu.wait_dma2 semaphore(%arg7 : memref<!tpu.dma_semaphore, #tpu.memory_space<semaphore_mem>>) src(%dma_wait3A_319 : memref<1x64xf32, #tpu.memory_space<hbm>>) dst(%dma_wait3A_316 : memref<1x64xf32, #tpu.memory_space<vmem>>)
      %dma_wait3A_320 = arith.constant 10 : i32
      %dma_wait3A_321 = arith.constant 0 : i32
      %dma_wait3A_322 = tpu.memref_slice %arg6[%dma_wait3A_320, %dma_wait3A_321] : memref<16x64xf32, #tpu.memory_space<vmem>> -> memref<1x64xf32, #tpu.memory_space<vmem>>
      %dma_wait3A_323 = arith.constant 0 : i32
      %dma_wait3A_324 = arith.constant 0 : i32
      %dma_wait3A_325 = tpu.memref_slice %arg3[%dma_wait3A_323, %dma_wait3A_324] : memref<100000x64xf32, #tpu.memory_space<hbm>> -> memref<1x64xf32, #tpu.memory_space<hbm>>
      %dma_wait3A_326 = arith.constant 10 : i32
      %dma_wait3A_327 = arith.constant 0 : i32
      %dma_wait3A_328 = tpu.memref_slice %arg6[%dma_wait3A_326, %dma_wait3A_327] : memref<16x64xf32, #tpu.memory_space<vmem>> -> memref<1x64xf32, #tpu.memory_space<vmem>>
      %dma_wait3A_329 = arith.constant 0 : i32
      %dma_wait3A_330 = arith.constant 0 : i32
      %dma_wait3A_331 = tpu.memref_slice %arg3[%dma_wait3A_329, %dma_wait3A_330] : memref<100000x64xf32, #tpu.memory_space<hbm>> -> memref<1x64xf32, #tpu.memory_space<hbm>>
      tpu.wait_dma2 semaphore(%arg7 : memref<!tpu.dma_semaphore, #tpu.memory_space<semaphore_mem>>) src(%dma_wait3A_331 : memref<1x64xf32, #tpu.memory_space<hbm>>) dst(%dma_wait3A_328 : memref<1x64xf32, #tpu.memory_space<vmem>>)
      %dma_wait3A_332 = arith.constant 11 : i32
      %dma_wait3A_333 = arith.constant 0 : i32
      %dma_wait3A_334 = tpu.memref_slice %arg6[%dma_wait3A_332, %dma_wait3A_333] : memref<16x64xf32, #tpu.memory_space<vmem>> -> memref<1x64xf32, #tpu.memory_space<vmem>>
      %dma_wait3A_335 = arith.constant 0 : i32
      %dma_wait3A_336 = arith.constant 0 : i32
      %dma_wait3A_337 = tpu.memref_slice %arg3[%dma_wait3A_335, %dma_wait3A_336] : memref<100000x64xf32, #tpu.memory_space<hbm>> -> memref<1x64xf32, #tpu.memory_space<hbm>>
      %dma_wait3A_338 = arith.constant 11 : i32
      %dma_wait3A_339 = arith.constant 0 : i32
      %dma_wait3A_340 = tpu.memref_slice %arg6[%dma_wait3A_338, %dma_wait3A_339] : memref<16x64xf32, #tpu.memory_space<vmem>> -> memref<1x64xf32, #tpu.memory_space<vmem>>
      %dma_wait3A_341 = arith.constant 0 : i32
      %dma_wait3A_342 = arith.constant 0 : i32
      %dma_wait3A_343 = tpu.memref_slice %arg3[%dma_wait3A_341, %dma_wait3A_342] : memref<100000x64xf32, #tpu.memory_space<hbm>> -> memref<1x64xf32, #tpu.memory_space<hbm>>
      tpu.wait_dma2 semaphore(%arg7 : memref<!tpu.dma_semaphore, #tpu.memory_space<semaphore_mem>>) src(%dma_wait3A_343 : memref<1x64xf32, #tpu.memory_space<hbm>>) dst(%dma_wait3A_340 : memref<1x64xf32, #tpu.memory_space<vmem>>)
      %dma_wait3A_344 = arith.constant 12 : i32
      %dma_wait3A_345 = arith.constant 0 : i32
      %dma_wait3A_346 = tpu.memref_slice %arg6[%dma_wait3A_344, %dma_wait3A_345] : memref<16x64xf32, #tpu.memory_space<vmem>> -> memref<1x64xf32, #tpu.memory_space<vmem>>
      %dma_wait3A_347 = arith.constant 0 : i32
      %dma_wait3A_348 = arith.constant 0 : i32
      %dma_wait3A_349 = tpu.memref_slice %arg3[%dma_wait3A_347, %dma_wait3A_348] : memref<100000x64xf32, #tpu.memory_space<hbm>> -> memref<1x64xf32, #tpu.memory_space<hbm>>
      %dma_wait3A_350 = arith.constant 12 : i32
      %dma_wait3A_351 = arith.constant 0 : i32
      %dma_wait3A_352 = tpu.memref_slice %arg6[%dma_wait3A_350, %dma_wait3A_351] : memref<16x64xf32, #tpu.memory_space<vmem>> -> memref<1x64xf32, #tpu.memory_space<vmem>>
      %dma_wait3A_353 = arith.constant 0 : i32
      %dma_wait3A_354 = arith.constant 0 : i32
      %dma_wait3A_355 = tpu.memref_slice %arg3[%dma_wait3A_353, %dma_wait3A_354] : memref<100000x64xf32, #tpu.memory_space<hbm>> -> memref<1x64xf32, #tpu.memory_space<hbm>>
      tpu.wait_dma2 semaphore(%arg7 : memref<!tpu.dma_semaphore, #tpu.memory_space<semaphore_mem>>) src(%dma_wait3A_355 : memref<1x64xf32, #tpu.memory_space<hbm>>) dst(%dma_wait3A_352 : memref<1x64xf32, #tpu.memory_space<vmem>>)
      %dma_wait3A_356 = arith.constant 13 : i32
      %dma_wait3A_357 = arith.constant 0 : i32
      %dma_wait3A_358 = tpu.memref_slice %arg6[%dma_wait3A_356, %dma_wait3A_357] : memref<16x64xf32, #tpu.memory_space<vmem>> -> memref<1x64xf32, #tpu.memory_space<vmem>>
      %dma_wait3A_359 = arith.constant 0 : i32
      %dma_wait3A_360 = arith.constant 0 : i32
      %dma_wait3A_361 = tpu.memref_slice %arg3[%dma_wait3A_359, %dma_wait3A_360] : memref<100000x64xf32, #tpu.memory_space<hbm>> -> memref<1x64xf32, #tpu.memory_space<hbm>>
      %dma_wait3A_362 = arith.constant 13 : i32
      %dma_wait3A_363 = arith.constant 0 : i32
      %dma_wait3A_364 = tpu.memref_slice %arg6[%dma_wait3A_362, %dma_wait3A_363] : memref<16x64xf32, #tpu.memory_space<vmem>> -> memref<1x64xf32, #tpu.memory_space<vmem>>
      %dma_wait3A_365 = arith.constant 0 : i32
      %dma_wait3A_366 = arith.constant 0 : i32
      %dma_wait3A_367 = tpu.memref_slice %arg3[%dma_wait3A_365, %dma_wait3A_366] : memref<100000x64xf32, #tpu.memory_space<hbm>> -> memref<1x64xf32, #tpu.memory_space<hbm>>
      tpu.wait_dma2 semaphore(%arg7 : memref<!tpu.dma_semaphore, #tpu.memory_space<semaphore_mem>>) src(%dma_wait3A_367 : memref<1x64xf32, #tpu.memory_space<hbm>>) dst(%dma_wait3A_364 : memref<1x64xf32, #tpu.memory_space<vmem>>)
      %dma_wait3A_368 = arith.constant 14 : i32
      %dma_wait3A_369 = arith.constant 0 : i32
      %dma_wait3A_370 = tpu.memref_slice %arg6[%dma_wait3A_368, %dma_wait3A_369] : memref<16x64xf32, #tpu.memory_space<vmem>> -> memref<1x64xf32, #tpu.memory_space<vmem>>
      %dma_wait3A_371 = arith.constant 0 : i32
      %dma_wait3A_372 = arith.constant 0 : i32
      %dma_wait3A_373 = tpu.memref_slice %arg3[%dma_wait3A_371, %dma_wait3A_372] : memref<100000x64xf32, #tpu.memory_space<hbm>> -> memref<1x64xf32, #tpu.memory_space<hbm>>
      %dma_wait3A_374 = arith.constant 14 : i32
      %dma_wait3A_375 = arith.constant 0 : i32
      %dma_wait3A_376 = tpu.memref_slice %arg6[%dma_wait3A_374, %dma_wait3A_375] : memref<16x64xf32, #tpu.memory_space<vmem>> -> memref<1x64xf32, #tpu.memory_space<vmem>>
      %dma_wait3A_377 = arith.constant 0 : i32
      %dma_wait3A_378 = arith.constant 0 : i32
      %dma_wait3A_379 = tpu.memref_slice %arg3[%dma_wait3A_377, %dma_wait3A_378] : memref<100000x64xf32, #tpu.memory_space<hbm>> -> memref<1x64xf32, #tpu.memory_space<hbm>>
      tpu.wait_dma2 semaphore(%arg7 : memref<!tpu.dma_semaphore, #tpu.memory_space<semaphore_mem>>) src(%dma_wait3A_379 : memref<1x64xf32, #tpu.memory_space<hbm>>) dst(%dma_wait3A_376 : memref<1x64xf32, #tpu.memory_space<vmem>>)
      %dma_wait3A_380 = arith.constant 15 : i32
      %dma_wait3A_381 = arith.constant 0 : i32
      %dma_wait3A_382 = tpu.memref_slice %arg6[%dma_wait3A_380, %dma_wait3A_381] : memref<16x64xf32, #tpu.memory_space<vmem>> -> memref<1x64xf32, #tpu.memory_space<vmem>>
      %dma_wait3A_383 = arith.constant 0 : i32
      %dma_wait3A_384 = arith.constant 0 : i32
      %dma_wait3A_385 = tpu.memref_slice %arg3[%dma_wait3A_383, %dma_wait3A_384] : memref<100000x64xf32, #tpu.memory_space<hbm>> -> memref<1x64xf32, #tpu.memory_space<hbm>>
      %dma_wait3A_386 = arith.constant 15 : i32
      %dma_wait3A_387 = arith.constant 0 : i32
      %dma_wait3A_388 = tpu.memref_slice %arg6[%dma_wait3A_386, %dma_wait3A_387] : memref<16x64xf32, #tpu.memory_space<vmem>> -> memref<1x64xf32, #tpu.memory_space<vmem>>
      %dma_wait3A_389 = arith.constant 0 : i32
      %dma_wait3A_390 = arith.constant 0 : i32
      %dma_wait3A_391 = tpu.memref_slice %arg3[%dma_wait3A_389, %dma_wait3A_390] : memref<100000x64xf32, #tpu.memory_space<hbm>> -> memref<1x64xf32, #tpu.memory_space<hbm>>
      tpu.wait_dma2 semaphore(%arg7 : memref<!tpu.dma_semaphore, #tpu.memory_space<semaphore_mem>>) src(%dma_wait3A_391 : memref<1x64xf32, #tpu.memory_space<hbm>>) dst(%dma_wait3A_388 : memref<1x64xf32, #tpu.memory_space<vmem>>)
      %add3A_392 = arith.addi %mul3A_2, %mul3A_10 : i32
      "tpu.region"() ({
        %run_scoped3A = tpu.sem_alloc : memref<!tpu.dma_semaphore, #tpu.memory_space<semaphore_mem>>
        %dma_start3A_393 = arith.constant 0 : i32
        %dma_start3A_394 = tpu.memref_slice %arg4[%add3A_392, %dma_start3A_393] : memref<16384x64xf32, #tpu.memory_space<hbm>> -> memref<16x64xf32, #tpu.memory_space<hbm>>
        %dma_start3A_395 = arith.constant 0 : i32
        %dma_start3A_396 = tpu.memref_slice %arg4[%add3A_392, %dma_start3A_395] : memref<16384x64xf32, #tpu.memory_space<hbm>> -> memref<16x64xf32, #tpu.memory_space<hbm>>
        tpu.enqueue_dma source(%arg6 : memref<16x64xf32, #tpu.memory_space<vmem>>) target(%dma_start3A_396 : memref<16x64xf32, #tpu.memory_space<hbm>>) target_semaphore(%run_scoped3A : memref<!tpu.dma_semaphore, #tpu.memory_space<semaphore_mem>>)
        %dma_wait3A_397 = arith.constant 0 : i32
        %dma_wait3A_398 = tpu.memref_slice %arg4[%add3A_392, %dma_wait3A_397] : memref<16384x64xf32, #tpu.memory_space<hbm>> -> memref<16x64xf32, #tpu.memory_space<hbm>>
        %dma_wait3A_399 = arith.constant 0 : i32
        %dma_wait3A_400 = tpu.memref_slice %arg4[%add3A_392, %dma_wait3A_399] : memref<16384x64xf32, #tpu.memory_space<hbm>> -> memref<16x64xf32, #tpu.memory_space<hbm>>
        tpu.wait_dma2 semaphore(%run_scoped3A : memref<!tpu.dma_semaphore, #tpu.memory_space<semaphore_mem>>) src(%arg6 : memref<16x64xf32, #tpu.memory_space<vmem>>) dst(%dma_wait3A_400 : memref<16x64xf32, #tpu.memory_space<hbm>>)
        tpu.yield
      }) : () -> ()
    }
    %scan3A_7 = arith.constant 32 : i32
    return
  }
}

#map = affine_map<(d0, d1) -> (0)>
#map1 = affine_map<(d0, d1) -> (0, 0)>
module attributes {stable_mosaic.version = 14 : i64} {
  func.func @gather_user(%arg0: i32, %arg1: i32, %arg2: memref<16384xi32, #tpu.memory_space<hbm>>, %arg3: memref<64x1000000xf32, #tpu.memory_space<hbm>>, %arg4: memref<64x64xf32, #tpu.memory_space<hbm>>, %arg5: memref<1048576xf32, #tpu.memory_space<hbm>>, %arg6: memref<16384xi32, #tpu.memory_space<vmem>>, %arg7: memref<768xi32, #tpu.memory_space<vmem>>, %arg8: memref<768xi32, #tpu.memory_space<vmem>>, %arg9: memref<3968xi32, #tpu.memory_space<vmem>>, %arg10: memref<128xi32, #tpu.memory_space<smem>>, %arg11: memref<64x512xf32, #tpu.memory_space<vmem>>, %arg12: memref<64x64xf32, #tpu.memory_space<vmem>>, %arg13: memref<49152xf32, #tpu.memory_space<vmem>>, %arg14: memref<768xi32, #tpu.memory_space<vmem>>, %arg15: memref<!tpu.dma_semaphore, #tpu.memory_space<semaphore_mem>>, %arg16: memref<!tpu.dma_semaphore, #tpu.memory_space<semaphore_mem>>, %arg17: memref<!tpu.dma_semaphore, #tpu.memory_space<semaphore_mem>>) attributes {dimension_semantics = [#tpu.dimension_semantics<core_parallel>, #tpu.dimension_semantics<subcore_parallel>], iteration_bounds = array<i64: 2, 16>, scalar_prefetch = 0 : i64, scratch_operands = 12 : i64, tpu.core_type = #tpu.core_type<sc_vector_subcore>, window_params = [{transform_indices = #map}, {transform_indices = #map1}, {transform_indices = #map1}, {transform_indices = #map}]} {
    %mul3A = arith.constant 2 : i32
    %mul3A_0 = arith.muli %arg1, %mul3A : i32
    %add3A = arith.addi %mul3A_0, %arg0 : i32
    %iota3A = tpu.iota {dimensions = array<i32: 0>} : vector<16xi32>
    "tpu.region"() ({
      %run_scoped3A = tpu.sem_alloc : memref<!tpu.dma_semaphore, #tpu.memory_space<semaphore_mem>>
      tpu.enqueue_dma source(%arg2 : memref<16384xi32, #tpu.memory_space<hbm>>) target(%arg6 : memref<16384xi32, #tpu.memory_space<vmem>>) target_semaphore(%run_scoped3A : memref<!tpu.dma_semaphore, #tpu.memory_space<semaphore_mem>>)
      tpu.wait_dma2 semaphore(%run_scoped3A : memref<!tpu.dma_semaphore, #tpu.memory_space<semaphore_mem>>) src(%arg2 : memref<16384xi32, #tpu.memory_space<hbm>>) dst(%arg6 : memref<16384xi32, #tpu.memory_space<vmem>>)
      tpu.yield
    }) : () -> ()
    %scan3A = arith.constant 0 : i32
    %scan3A_1 = arith.constant 0 : i32
    %scan3A_2 = arith.constant 1024 : i32
    %scan3A_3 = arith.addi %scan3A_1, %scan3A_2 : i32
    %scan3A_4 = arith.constant 1 : i32
    %scan3A_5 = scf.for %scan3A_97 = %scan3A_1 to %scan3A_3 step %scan3A_4 iter_args(%scan3A_98 = %scan3A) -> (i32)  : i32 {
      %mul3A_99 = arith.constant 16 : i32
      %mul3A_100 = arith.muli %scan3A_97, %mul3A_99 : i32
      %get3A_101 = arith.index_cast %mul3A_100 : i32 to index
      %get3A_102 = tpu.vector_load %arg6[%get3A_101] {strides = array<i32>} : memref<16384xi32, #tpu.memory_space<vmem>>, vector<16xi32>,
      %shift_right_logical3A = arith.constant 8 : i32
      %shift_right_logical3A_103 = vector.broadcast %shift_right_logical3A : i32 to vector<16xi32>
      %shift_right_logical3A_104 = arith.shrui %get3A_102, %shift_right_logical3A_103 : vector<16xi32>
      %and3A_105 = arith.constant 31 : i32
      %and3A_106 = vector.broadcast %and3A_105 : i32 to vector<16xi32>
      %and3A_107 = arith.andi %shift_right_logical3A_104, %and3A_106 : vector<16xi32>
      %eq3A_108 = vector.broadcast %add3A : i32 to vector<16xi32>
      %eq3A_109 = arith.cmpi eq, %and3A_107, %eq3A_108 : vector<16xi32>
      %convert_element_type3A_110 = arith.extui %eq3A_109 : vector<16xi1> to vector<16xi32>
      %broadcast_in_dim3A = arith.constant true
      %broadcast_in_dim3A_111 = vector.broadcast %broadcast_in_dim3A : i1 to vector<16xi1>
      %masked_cumsum3A = tpu.scan <sum>, %convert_element_type3A_110 masked %broadcast_in_dim3A_111 : vector<16xi32>, vector<16xi1> -> vector<16xi32>
      %add3A_112 = vector.broadcast %scan3A_98 : i32 to vector<16xi32>
      %add3A_113 = arith.addi %add3A_112, %masked_cumsum3A : vector<16xi32>
      %sub3A_114 = arith.constant 1 : i32
      %sub3A_115 = vector.broadcast %sub3A_114 : i32 to vector<16xi32>
      %sub3A_116 = arith.subi %add3A_113, %sub3A_115 : vector<16xi32>
      %min3A_117 = arith.constant 767 : i32
      %min3A_118 = vector.broadcast %min3A_117 : i32 to vector<16xi32>
      %min3A_119 = arith.minsi %sub3A_116, %min3A_118 : vector<16xi32>
      tpu.vector_store_idx %arg7[%min3A_119], %get3A_102 masked %eq3A_109 : memref<768xi32, #tpu.memory_space<vmem>>[vector<16xi32>], vector<16xi32>, vector<16xi1>
      %mul3A_120 = arith.constant 16 : i32
      %mul3A_121 = arith.muli %scan3A_97, %mul3A_120 : i32
      %add3A_122 = vector.broadcast %mul3A_121 : i32 to vector<16xi32>
      %add3A_123 = arith.addi %add3A_122, %iota3A : vector<16xi32>
      tpu.vector_store_idx %arg8[%min3A_119], %add3A_123 masked %eq3A_109 : memref<768xi32, #tpu.memory_space<vmem>>[vector<16xi32>], vector<16xi32>, vector<16xi1>
      %slice3A_124 = vector.extract_strided_slice %masked_cumsum3A {offsets = [15], sizes = [1], strides = [1]} : vector<16xi32> to vector<1xi32>
      %squeeze3A_125 = vector.extract %slice3A_124[0] : i32 from vector<1xi32>
      %add3A_126 = arith.addi %scan3A_98, %squeeze3A_125 : i32
      %min3A_127 = arith.constant 767 : i32
      %min3A_128 = arith.minsi %add3A_126, %min3A_127 : i32
      scf.yield %min3A_128 : i32
    }
    %scan3A_6 = arith.constant 1024 : i32
    %scan3A_7 = arith.constant 0 : i32
    %scan3A_8 = arith.constant 0 : i32
    %scan3A_9 = arith.constant 124 : i32
    %scan3A_10 = arith.addi %scan3A_8, %scan3A_9 : i32
    %scan3A_11 = arith.constant 1 : i32
    scf.for %scan3A_97 = %scan3A_8 to %scan3A_10 step %scan3A_11  : i32 {
      %swap3A = arith.constant 0 : i32
      %swap3A_98 = arith.index_cast %scan3A_97 : i32 to index
      %swap3A_99 = memref.load %arg10[%swap3A_98] : memref<128xi32, #tpu.memory_space<smem>>
      memref.store %swap3A, %arg10[%swap3A_98] : memref<128xi32, #tpu.memory_space<smem>>
    }
    %scan3A_12 = arith.constant 124 : i32
    %while3A = arith.constant 0 : i32
    %while3A_13 = arith.constant 0 : i32
    %while3A_14 = arith.subi %scan3A_5, %while3A_13 : i32
    %while3A_15 = arith.addi %while3A_13, %while3A_14 : i32
    %while3A_16 = arith.constant 1 : i32
    %while3A_17 = arith.divsi %while3A_14, %while3A_16 : i32
    %while3A_18 = arith.muli %while3A_17, %while3A_16 : i32
    %while3A_19 = arith.addi %while3A_13, %while3A_18 : i32
    %while3A_20 = arith.constant 1 : i32
    scf.for %while3A_97 = %while3A_13 to %while3A_19 step %while3A_20  : i32 {
      %broadcast_in_dim3A = vector.broadcast %while3A_97 : i32 to vector<16xi32>
      %gather3A = tpu.vector_load_idx %arg7[%broadcast_in_dim3A] : memref<768xi32, #tpu.memory_space<vmem>>[vector<16xi32>], vector<16xi32>,
      %slice3A_98 = vector.extract_strided_slice %gather3A {offsets = [0], sizes = [1], strides = [1]} : vector<16xi32> to vector<1xi32>
      %squeeze3A_99 = vector.extract %slice3A_98[0] : i32 from vector<1xi32>
      %broadcast_in_dim3A_100 = vector.broadcast %while3A_97 : i32 to vector<16xi32>
      %gather3A_101 = tpu.vector_load_idx %arg8[%broadcast_in_dim3A_100] : memref<768xi32, #tpu.memory_space<vmem>>[vector<16xi32>], vector<16xi32>,
      %slice3A_102 = vector.extract_strided_slice %gather3A_101 {offsets = [0], sizes = [1], strides = [1]} : vector<16xi32> to vector<1xi32>
      %squeeze3A_103 = vector.extract %slice3A_102[0] : i32 from vector<1xi32>
      %shift_right_logical3A = arith.constant 8 : i32
      %shift_right_logical3A_104 = arith.shrui %squeeze3A_99, %shift_right_logical3A : i32
      %sub3A_105 = arith.subi %shift_right_logical3A_104, %add3A : i32
      %shift_right_logical3A_106 = arith.constant 5 : i32
      %shift_right_logical3A_107 = arith.shrui %sub3A_105, %shift_right_logical3A_106 : i32
      %and3A_108 = arith.constant 255 : i32
      %and3A_109 = arith.andi %squeeze3A_99, %and3A_108 : i32
      %shift_left3A = arith.constant 14 : i32
      %shift_left3A_110 = arith.shli %and3A_109, %shift_left3A : i32
      %or3A = arith.ori %shift_left3A_110, %squeeze3A_103 : i32
      %get3A_111 = arith.index_cast %shift_right_logical3A_107 : i32 to index
      %get3A_112 = memref.load %arg10[%get3A_111] : memref<128xi32, #tpu.memory_space<smem>>
      %min3A_113 = arith.constant 31 : i32
      %min3A_114 = arith.minsi %get3A_112, %min3A_113 : i32
      %mul3A_115 = arith.constant 32 : i32
      %mul3A_116 = arith.muli %shift_right_logical3A_107, %mul3A_115 : i32
      %add3A_117 = arith.addi %mul3A_116, %min3A_114 : i32
      %broadcast_in_dim3A_118 = vector.broadcast %add3A_117 : i32 to vector<16xi32>
      %broadcast_in_dim3A_119 = vector.broadcast %or3A : i32 to vector<16xi32>
      %eq3A_120 = arith.constant 0 : i32
      %eq3A_121 = vector.broadcast %eq3A_120 : i32 to vector<16xi32>
      %eq3A_122 = arith.cmpi eq, %iota3A, %eq3A_121 : vector<16xi32>
      tpu.vector_store_idx %arg9[%broadcast_in_dim3A_118], %broadcast_in_dim3A_119 masked %eq3A_122 : memref<3968xi32, #tpu.memory_space<vmem>>[vector<16xi32>], vector<16xi32>, vector<16xi1>
      %add3A_123 = arith.constant 1 : i32
      %add3A_124 = arith.addi %min3A_114, %add3A_123 : i32
      %swap3A = arith.index_cast %shift_right_logical3A_107 : i32 to index
      %swap3A_125 = memref.load %arg10[%swap3A] : memref<128xi32, #tpu.memory_space<smem>>
      memref.store %add3A_124, %arg10[%swap3A] : memref<128xi32, #tpu.memory_space<smem>>
    }
    %while3A_21 = arith.constant 1 : i32
    scf.for %while3A_97 = %while3A_19 to %while3A_15 step %while3A_21  : i32 {
      %broadcast_in_dim3A = vector.broadcast %while3A_97 : i32 to vector<16xi32>
      %gather3A = tpu.vector_load_idx %arg7[%broadcast_in_dim3A] : memref<768xi32, #tpu.memory_space<vmem>>[vector<16xi32>], vector<16xi32>,
      %slice3A_98 = vector.extract_strided_slice %gather3A {offsets = [0], sizes = [1], strides = [1]} : vector<16xi32> to vector<1xi32>
      %squeeze3A_99 = vector.extract %slice3A_98[0] : i32 from vector<1xi32>
      %broadcast_in_dim3A_100 = vector.broadcast %while3A_97 : i32 to vector<16xi32>
      %gather3A_101 = tpu.vector_load_idx %arg8[%broadcast_in_dim3A_100] : memref<768xi32, #tpu.memory_space<vmem>>[vector<16xi32>], vector<16xi32>,
      %slice3A_102 = vector.extract_strided_slice %gather3A_101 {offsets = [0], sizes = [1], strides = [1]} : vector<16xi32> to vector<1xi32>
      %squeeze3A_103 = vector.extract %slice3A_102[0] : i32 from vector<1xi32>
      %shift_right_logical3A = arith.constant 8 : i32
      %shift_right_logical3A_104 = arith.shrui %squeeze3A_99, %shift_right_logical3A : i32
      %sub3A_105 = arith.subi %shift_right_logical3A_104, %add3A : i32
      %shift_right_logical3A_106 = arith.constant 5 : i32
      %shift_right_logical3A_107 = arith.shrui %sub3A_105, %shift_right_logical3A_106 : i32
      %and3A_108 = arith.constant 255 : i32
      %and3A_109 = arith.andi %squeeze3A_99, %and3A_108 : i32
      %shift_left3A = arith.constant 14 : i32
      %shift_left3A_110 = arith.shli %and3A_109, %shift_left3A : i32
      %or3A = arith.ori %shift_left3A_110, %squeeze3A_103 : i32
      %get3A_111 = arith.index_cast %shift_right_logical3A_107 : i32 to index
      %get3A_112 = memref.load %arg10[%get3A_111] : memref<128xi32, #tpu.memory_space<smem>>
      %min3A_113 = arith.constant 31 : i32
      %min3A_114 = arith.minsi %get3A_112, %min3A_113 : i32
      %mul3A_115 = arith.constant 32 : i32
      %mul3A_116 = arith.muli %shift_right_logical3A_107, %mul3A_115 : i32
      %add3A_117 = arith.addi %mul3A_116, %min3A_114 : i32
      %broadcast_in_dim3A_118 = vector.broadcast %add3A_117 : i32 to vector<16xi32>
      %broadcast_in_dim3A_119 = vector.broadcast %or3A : i32 to vector<16xi32>
      %eq3A_120 = arith.constant 0 : i32
      %eq3A_121 = vector.broadcast %eq3A_120 : i32 to vector<16xi32>
      %eq3A_122 = arith.cmpi eq, %iota3A, %eq3A_121 : vector<16xi32>
      tpu.vector_store_idx %arg9[%broadcast_in_dim3A_118], %broadcast_in_dim3A_119 masked %eq3A_122 : memref<3968xi32, #tpu.memory_space<vmem>>[vector<16xi32>], vector<16xi32>, vector<16xi1>
      %add3A_123 = arith.constant 1 : i32
      %add3A_124 = arith.addi %min3A_114, %add3A_123 : i32
      %swap3A = arith.index_cast %shift_right_logical3A_107 : i32 to index
      %swap3A_125 = memref.load %arg10[%swap3A] : memref<128xi32, #tpu.memory_space<smem>>
      memref.store %add3A_124, %arg10[%swap3A] : memref<128xi32, #tpu.memory_space<smem>>
    }
    %lt3A = arith.constant 2 : i32
    %lt3A_22 = arith.cmpi slt, %add3A, %lt3A : i32
    %jit3A = arith.constant 123 : i32
    %jit3A_23 = arith.constant 122 : i32
    %select_n3A = arith.select %lt3A_22, %jit3A, %jit3A_23 : i32
    %mul3A_24 = arith.constant 32 : i32
    %mul3A_25 = arith.constant 0 : i32
    %mul3A_26 = arith.muli %mul3A_24, %mul3A_25 : i32
    %add3A_27 = arith.addi %add3A, %mul3A_26 : i32
    %mul3A_28 = arith.constant 256 : i32
    %mul3A_29 = arith.muli %add3A_27, %mul3A_28 : i32
    %multiple_of3A = tpu.assume_multiple %mul3A_29, 256 : i32
    %dma_start3A = arith.constant 0 : i32
    %dma_start3A_30 = arith.constant 0 : i32
    %dma_start3A_31 = tpu.memref_slice %arg11[%dma_start3A, %dma_start3A_30] : memref<64x512xf32, #tpu.memory_space<vmem>> -> memref<64x256xf32, #tpu.memory_space<vmem>>
    %dma_start3A_32 = arith.constant 0 : i32
    %dma_start3A_33 = tpu.memref_slice %arg3[%dma_start3A_32, %multiple_of3A] : memref<64x1000000xf32, #tpu.memory_space<hbm>> -> memref<64x256xf32, #tpu.memory_space<hbm>>
    %dma_start3A_34 = arith.constant 0 : i32
    %dma_start3A_35 = arith.constant 0 : i32
    %dma_start3A_36 = tpu.memref_slice %arg11[%dma_start3A_34, %dma_start3A_35] : memref<64x512xf32, #tpu.memory_space<vmem>> -> memref<64x256xf32, #tpu.memory_space<vmem>>
    %dma_start3A_37 = arith.constant 0 : i32
    %dma_start3A_38 = tpu.memref_slice %arg3[%dma_start3A_37, %multiple_of3A] : memref<64x1000000xf32, #tpu.memory_space<hbm>> -> memref<64x256xf32, #tpu.memory_space<hbm>>
    tpu.enqueue_dma source(%dma_start3A_38 : memref<64x256xf32, #tpu.memory_space<hbm>>) target(%dma_start3A_36 : memref<64x256xf32, #tpu.memory_space<vmem>>) target_semaphore(%arg15 : memref<!tpu.dma_semaphore, #tpu.memory_space<semaphore_mem>>)
    %while3A_39 = arith.constant 0 : i32
    %while3A_40 = arith.constant 0 : i32
    %while3A_41 = arith.subi %select_n3A, %while3A_39 : i32
    %while3A_42 = arith.addi %while3A_39, %while3A_41 : i32
    %while3A_43 = arith.constant 1 : i32
    %while3A_44 = arith.divsi %while3A_41, %while3A_43 : i32
    %while3A_45 = arith.muli %while3A_44, %while3A_43 : i32
    %while3A_46 = arith.addi %while3A_39, %while3A_45 : i32
    %while3A_47 = arith.constant 1 : i32
    %while3A_48 = scf.for %while3A_97 = %while3A_39 to %while3A_46 step %while3A_47 iter_args(%while3A_98 = %while3A_40) -> (i32)  : i32 {
      %add3A_99 = arith.constant 1 : i32
      %add3A_100 = arith.addi %while3A_97, %add3A_99 : i32
      %jit3A_101 = arith.constant 2 : i32
      %eq3A_102 = arith.constant 0 : i32
      %eq3A_103 = arith.cmpi eq, %jit3A_101, %eq3A_102 : i32
      %jit3A_104 = arith.constant 1 : i32
      %select_n3A_105 = arith.select %eq3A_103, %jit3A_104, %jit3A_101 : i32
      %rem3A_106 = arith.remsi %while3A_97, %select_n3A_105 : i32
      %ne3A_107 = arith.constant 0 : i32
      %ne3A_108 = arith.cmpi ne, %rem3A_106, %ne3A_107 : i32
      %lt3A_109 = arith.constant 0 : i32
      %lt3A_110 = arith.cmpi slt, %rem3A_106, %lt3A_109 : i32
      %lt3A_111 = arith.constant 0 : i32
      %lt3A_112 = arith.cmpi slt, %select_n3A_105, %lt3A_111 : i32
      %ne3A_113 = arith.xori %lt3A_110, %lt3A_112 : i1
      %and3A_114 = arith.andi %ne3A_113, %ne3A_108 : i1
      %add3A_115 = arith.addi %rem3A_106, %select_n3A_105 : i32
      %select_n3A_116 = arith.select %and3A_114, %add3A_115, %rem3A_106 : i32
      %eq3A_117 = arith.constant 0 : i32
      %eq3A_118 = arith.cmpi eq, %select_n3A_116, %eq3A_117 : i32
      %lt3A_119 = arith.cmpi slt, %add3A_100, %select_n3A : i32
      %and3A_120 = arith.andi %lt3A_119, %eq3A_118 : i1
      %convert_element_type3A_121 = arith.extui %and3A_120 : i1 to i32
      %cond3A_122 = arith.constant 0 : i32
      %cond3A_123 = arith.cmpi ne, %convert_element_type3A_121, %cond3A_122 : i32
      scf.if %cond3A_123 {
        %mul3A_134 = arith.constant 32 : i32
        %mul3A_135 = arith.muli %mul3A_134, %add3A_100 : i32
        %add3A_136 = arith.addi %add3A, %mul3A_135 : i32
        %mul3A_137 = arith.constant 256 : i32
        %mul3A_138 = arith.muli %add3A_136, %mul3A_137 : i32
        %multiple_of3A_139 = tpu.assume_multiple %mul3A_138, 256 : i32
        %dma_start3A_140 = arith.constant 0 : i32
        %dma_start3A_141 = arith.constant 256 : i32
        %dma_start3A_142 = tpu.memref_slice %arg11[%dma_start3A_140, %dma_start3A_141] : memref<64x512xf32, #tpu.memory_space<vmem>> -> memref<64x256xf32, #tpu.memory_space<vmem>>
        %dma_start3A_143 = arith.constant 0 : i32
        %dma_start3A_144 = tpu.memref_slice %arg3[%dma_start3A_143, %multiple_of3A_139] : memref<64x1000000xf32, #tpu.memory_space<hbm>> -> memref<64x256xf32, #tpu.memory_space<hbm>>
        %dma_start3A_145 = arith.constant 0 : i32
        %dma_start3A_146 = arith.constant 256 : i32
        %dma_start3A_147 = tpu.memref_slice %arg11[%dma_start3A_145, %dma_start3A_146] : memref<64x512xf32, #tpu.memory_space<vmem>> -> memref<64x256xf32, #tpu.memory_space<vmem>>
        %dma_start3A_148 = arith.constant 0 : i32
        %dma_start3A_149 = tpu.memref_slice %arg3[%dma_start3A_148, %multiple_of3A_139] : memref<64x1000000xf32, #tpu.memory_space<hbm>> -> memref<64x256xf32, #tpu.memory_space<hbm>>
        tpu.enqueue_dma source(%dma_start3A_149 : memref<64x256xf32, #tpu.memory_space<hbm>>) target(%dma_start3A_147 : memref<64x256xf32, #tpu.memory_space<vmem>>) target_semaphore(%arg16 : memref<!tpu.dma_semaphore, #tpu.memory_space<semaphore_mem>>)
      } else {
      }
      %lt3A_124 = arith.cmpi slt, %add3A_100, %select_n3A : i32
      %not3A = arith.constant true
      %not3A_125 = arith.xori %eq3A_118, %not3A : i1
      %and3A_126 = arith.andi %lt3A_124, %not3A_125 : i1
      %convert_element_type3A_127 = arith.extui %and3A_126 : i1 to i32
      %cond3A_128 = arith.constant 0 : i32
      %cond3A_129 = arith.cmpi ne, %convert_element_type3A_127, %cond3A_128 : i32
      scf.if %cond3A_129 {
        %mul3A_134 = arith.constant 32 : i32
        %mul3A_135 = arith.muli %mul3A_134, %add3A_100 : i32
        %add3A_136 = arith.addi %add3A, %mul3A_135 : i32
        %mul3A_137 = arith.constant 256 : i32
        %mul3A_138 = arith.muli %add3A_136, %mul3A_137 : i32
        %multiple_of3A_139 = tpu.assume_multiple %mul3A_138, 256 : i32
        %dma_start3A_140 = arith.constant 0 : i32
        %dma_start3A_141 = arith.constant 0 : i32
        %dma_start3A_142 = tpu.memref_slice %arg11[%dma_start3A_140, %dma_start3A_141] : memref<64x512xf32, #tpu.memory_space<vmem>> -> memref<64x256xf32, #tpu.memory_space<vmem>>
        %dma_start3A_143 = arith.constant 0 : i32
        %dma_start3A_144 = tpu.memref_slice %arg3[%dma_start3A_143, %multiple_of3A_139] : memref<64x1000000xf32, #tpu.memory_space<hbm>> -> memref<64x256xf32, #tpu.memory_space<hbm>>
        %dma_start3A_145 = arith.constant 0 : i32
        %dma_start3A_146 = arith.constant 0 : i32
        %dma_start3A_147 = tpu.memref_slice %arg11[%dma_start3A_145, %dma_start3A_146] : memref<64x512xf32, #tpu.memory_space<vmem>> -> memref<64x256xf32, #tpu.memory_space<vmem>>
        %dma_start3A_148 = arith.constant 0 : i32
        %dma_start3A_149 = tpu.memref_slice %arg3[%dma_start3A_148, %multiple_of3A_139] : memref<64x1000000xf32, #tpu.memory_space<hbm>> -> memref<64x256xf32, #tpu.memory_space<hbm>>
        tpu.enqueue_dma source(%dma_start3A_149 : memref<64x256xf32, #tpu.memory_space<hbm>>) target(%dma_start3A_147 : memref<64x256xf32, #tpu.memory_space<vmem>>) target_semaphore(%arg15 : memref<!tpu.dma_semaphore, #tpu.memory_space<semaphore_mem>>)
      } else {
      }
      %convert_element_type3A_130 = arith.extui %eq3A_118 : i1 to i32
      %cond3A_131 = arith.constant 0 : i32
      %cond3A_132 = arith.cmpi ne, %convert_element_type3A_130, %cond3A_131 : i32
      %cond3A_133 = scf.if %cond3A_132 -> (i32) {
        %dma_wait3A = arith.constant 0 : i32
        %dma_wait3A_134 = arith.constant 0 : i32
        %dma_wait3A_135 = tpu.memref_slice %arg11[%dma_wait3A, %dma_wait3A_134] : memref<64x512xf32, #tpu.memory_space<vmem>> -> memref<64x256xf32, #tpu.memory_space<vmem>>
        %dma_wait3A_136 = arith.constant 0 : i32
        %dma_wait3A_137 = arith.constant 0 : i32
        %dma_wait3A_138 = tpu.memref_slice %arg3[%dma_wait3A_136, %dma_wait3A_137] : memref<64x1000000xf32, #tpu.memory_space<hbm>> -> memref<64x256xf32, #tpu.memory_space<hbm>>
        %dma_wait3A_139 = arith.constant 0 : i32
        %dma_wait3A_140 = arith.constant 0 : i32
        %dma_wait3A_141 = tpu.memref_slice %arg11[%dma_wait3A_139, %dma_wait3A_140] : memref<64x512xf32, #tpu.memory_space<vmem>> -> memref<64x256xf32, #tpu.memory_space<vmem>>
        %dma_wait3A_142 = arith.constant 0 : i32
        %dma_wait3A_143 = arith.constant 0 : i32
        %dma_wait3A_144 = tpu.memref_slice %arg3[%dma_wait3A_142, %dma_wait3A_143] : memref<64x1000000xf32, #tpu.memory_space<hbm>> -> memref<64x256xf32, #tpu.memory_space<hbm>>
        tpu.wait_dma2 semaphore(%arg15 : memref<!tpu.dma_semaphore, #tpu.memory_space<semaphore_mem>>) src(%dma_wait3A_144 : memref<64x256xf32, #tpu.memory_space<hbm>>) dst(%dma_wait3A_141 : memref<64x256xf32, #tpu.memory_space<vmem>>)
        %get3A_145 = arith.index_cast %while3A_97 : i32 to index
        %get3A_146 = memref.load %arg10[%get3A_145] : memref<128xi32, #tpu.memory_space<smem>>
        %while3A_147 = arith.constant 0 : i32
        %while3A_148 = arith.subi %get3A_146, %while3A_147 : i32
        %while3A_149 = arith.addi %while3A_147, %while3A_148 : i32
        %while3A_150 = arith.constant 1 : i32
        %while3A_151 = arith.divsi %while3A_148, %while3A_150 : i32
        %while3A_152 = arith.muli %while3A_151, %while3A_150 : i32
        %while3A_153 = arith.addi %while3A_147, %while3A_152 : i32
        %while3A_154 = arith.constant 1 : i32
        %while3A_155 = scf.for %while3A_158 = %while3A_147 to %while3A_153 step %while3A_154 iter_args(%while3A_159 = %while3A_98) -> (i32)  : i32 {
          %mul3A_160 = arith.constant 32 : i32
          %mul3A_161 = arith.muli %while3A_97, %mul3A_160 : i32
          %add3A_162 = arith.addi %mul3A_161, %while3A_158 : i32
          %broadcast_in_dim3A = vector.broadcast %add3A_162 : i32 to vector<16xi32>
          %gather3A = tpu.vector_load_idx %arg9[%broadcast_in_dim3A] : memref<3968xi32, #tpu.memory_space<vmem>>[vector<16xi32>], vector<16xi32>,
          %slice3A_163 = vector.extract_strided_slice %gather3A {offsets = [0], sizes = [1], strides = [1]} : vector<16xi32> to vector<1xi32>
          %squeeze3A_164 = vector.extract %slice3A_163[0] : i32 from vector<1xi32>
          %and3A_165 = arith.constant 16383 : i32
          %and3A_166 = arith.andi %squeeze3A_164, %and3A_165 : i32
          %shift_right_logical3A = arith.constant 14 : i32
          %shift_right_logical3A_167 = arith.shrui %squeeze3A_164, %shift_right_logical3A : i32
          %add3A_168 = arith.constant 0 : i32
          %add3A_169 = arith.addi %shift_right_logical3A_167, %add3A_168 : i32
          %broadcast_in_dim3A_170 = vector.broadcast %add3A_169 : i32 to vector<16xi32>
          %min3A_171 = arith.constant 767 : i32
          %min3A_172 = arith.minsi %while3A_159, %min3A_171 : i32
          %add3A_173 = arith.constant 0 : i32
          %add3A_174 = vector.broadcast %add3A_173 : i32 to vector<16xi32>
          %add3A_175 = arith.addi %iota3A, %add3A_174 : vector<16xi32>
          %gather3A_176 = tpu.vector_load_idx %arg11[%add3A_175, %broadcast_in_dim3A_170] : memref<64x512xf32, #tpu.memory_space<vmem>>[vector<16xi32>, vector<16xi32>], vector<16xf32>,
          %mul3A_177 = arith.constant 64 : i32
          %mul3A_178 = arith.muli %min3A_172, %mul3A_177 : i32
          %multiple_of3A_179 = tpu.assume_multiple %mul3A_178, 64 : i32
          %add3A_180 = arith.constant 0 : i32
          %add3A_181 = arith.addi %multiple_of3A_179, %add3A_180 : i32
          %swap3A = arith.index_cast %add3A_181 : i32 to index
          %swap3A_182 = tpu.vector_load %arg13[%swap3A] {strides = array<i32>} : memref<49152xf32, #tpu.memory_space<vmem>>, vector<16xf32>,
          tpu.vector_store %arg13[%swap3A], %gather3A_176 {strides = array<i32>} : memref<49152xf32, #tpu.memory_space<vmem>>, vector<16xf32>,
          %add3A_183 = arith.constant 16 : i32
          %add3A_184 = vector.broadcast %add3A_183 : i32 to vector<16xi32>
          %add3A_185 = arith.addi %iota3A, %add3A_184 : vector<16xi32>
          %gather3A_186 = tpu.vector_load_idx %arg11[%add3A_185, %broadcast_in_dim3A_170] : memref<64x512xf32, #tpu.memory_space<vmem>>[vector<16xi32>, vector<16xi32>], vector<16xf32>,
          %mul3A_187 = arith.constant 64 : i32
          %mul3A_188 = arith.muli %min3A_172, %mul3A_187 : i32
          %multiple_of3A_189 = tpu.assume_multiple %mul3A_188, 64 : i32
          %add3A_190 = arith.constant 16 : i32
          %add3A_191 = arith.addi %multiple_of3A_189, %add3A_190 : i32
          %swap3A_192 = arith.index_cast %add3A_191 : i32 to index
          %swap3A_193 = tpu.vector_load %arg13[%swap3A_192] {strides = array<i32>} : memref<49152xf32, #tpu.memory_space<vmem>>, vector<16xf32>,
          tpu.vector_store %arg13[%swap3A_192], %gather3A_186 {strides = array<i32>} : memref<49152xf32, #tpu.memory_space<vmem>>, vector<16xf32>,
          %add3A_194 = arith.constant 32 : i32
          %add3A_195 = vector.broadcast %add3A_194 : i32 to vector<16xi32>
          %add3A_196 = arith.addi %iota3A, %add3A_195 : vector<16xi32>
          %gather3A_197 = tpu.vector_load_idx %arg11[%add3A_196, %broadcast_in_dim3A_170] : memref<64x512xf32, #tpu.memory_space<vmem>>[vector<16xi32>, vector<16xi32>], vector<16xf32>,
          %mul3A_198 = arith.constant 64 : i32
          %mul3A_199 = arith.muli %min3A_172, %mul3A_198 : i32
          %multiple_of3A_200 = tpu.assume_multiple %mul3A_199, 64 : i32
          %add3A_201 = arith.constant 32 : i32
          %add3A_202 = arith.addi %multiple_of3A_200, %add3A_201 : i32
          %swap3A_203 = arith.index_cast %add3A_202 : i32 to index
          %swap3A_204 = tpu.vector_load %arg13[%swap3A_203] {strides = array<i32>} : memref<49152xf32, #tpu.memory_space<vmem>>, vector<16xf32>,
          tpu.vector_store %arg13[%swap3A_203], %gather3A_197 {strides = array<i32>} : memref<49152xf32, #tpu.memory_space<vmem>>, vector<16xf32>,
          %add3A_205 = arith.constant 48 : i32
          %add3A_206 = vector.broadcast %add3A_205 : i32 to vector<16xi32>
          %add3A_207 = arith.addi %iota3A, %add3A_206 : vector<16xi32>
          %gather3A_208 = tpu.vector_load_idx %arg11[%add3A_207, %broadcast_in_dim3A_170] : memref<64x512xf32, #tpu.memory_space<vmem>>[vector<16xi32>, vector<16xi32>], vector<16xf32>,
          %mul3A_209 = arith.constant 64 : i32
          %mul3A_210 = arith.muli %min3A_172, %mul3A_209 : i32
          %multiple_of3A_211 = tpu.assume_multiple %mul3A_210, 64 : i32
          %add3A_212 = arith.constant 48 : i32
          %add3A_213 = arith.addi %multiple_of3A_211, %add3A_212 : i32
          %swap3A_214 = arith.index_cast %add3A_213 : i32 to index
          %swap3A_215 = tpu.vector_load %arg13[%swap3A_214] {strides = array<i32>} : memref<49152xf32, #tpu.memory_space<vmem>>, vector<16xf32>,
          tpu.vector_store %arg13[%swap3A_214], %gather3A_208 {strides = array<i32>} : memref<49152xf32, #tpu.memory_space<vmem>>, vector<16xf32>,
          %broadcast_in_dim3A_216 = vector.broadcast %min3A_172 : i32 to vector<16xi32>
          %broadcast_in_dim3A_217 = vector.broadcast %and3A_166 : i32 to vector<16xi32>
          %eq3A_218 = arith.constant 0 : i32
          %eq3A_219 = vector.broadcast %eq3A_218 : i32 to vector<16xi32>
          %eq3A_220 = arith.cmpi eq, %iota3A, %eq3A_219 : vector<16xi32>
          tpu.vector_store_idx %arg14[%broadcast_in_dim3A_216], %broadcast_in_dim3A_217 masked %eq3A_220 : memref<768xi32, #tpu.memory_space<vmem>>[vector<16xi32>], vector<16xi32>, vector<16xi1>
          %add3A_221 = arith.constant 1 : i32
          %add3A_222 = arith.addi %while3A_159, %add3A_221 : i32
          scf.yield %add3A_222 : i32
        }
        %while3A_156 = arith.constant 1 : i32
        %while3A_157 = scf.for %while3A_158 = %while3A_153 to %while3A_149 step %while3A_156 iter_args(%while3A_159 = %while3A_155) -> (i32)  : i32 {
          %mul3A_160 = arith.constant 32 : i32
          %mul3A_161 = arith.muli %while3A_97, %mul3A_160 : i32
          %add3A_162 = arith.addi %mul3A_161, %while3A_158 : i32
          %broadcast_in_dim3A = vector.broadcast %add3A_162 : i32 to vector<16xi32>
          %gather3A = tpu.vector_load_idx %arg9[%broadcast_in_dim3A] : memref<3968xi32, #tpu.memory_space<vmem>>[vector<16xi32>], vector<16xi32>,
          %slice3A_163 = vector.extract_strided_slice %gather3A {offsets = [0], sizes = [1], strides = [1]} : vector<16xi32> to vector<1xi32>
          %squeeze3A_164 = vector.extract %slice3A_163[0] : i32 from vector<1xi32>
          %and3A_165 = arith.constant 16383 : i32
          %and3A_166 = arith.andi %squeeze3A_164, %and3A_165 : i32
          %shift_right_logical3A = arith.constant 14 : i32
          %shift_right_logical3A_167 = arith.shrui %squeeze3A_164, %shift_right_logical3A : i32
          %add3A_168 = arith.constant 0 : i32
          %add3A_169 = arith.addi %shift_right_logical3A_167, %add3A_168 : i32
          %broadcast_in_dim3A_170 = vector.broadcast %add3A_169 : i32 to vector<16xi32>
          %min3A_171 = arith.constant 767 : i32
          %min3A_172 = arith.minsi %while3A_159, %min3A_171 : i32
          %add3A_173 = arith.constant 0 : i32
          %add3A_174 = vector.broadcast %add3A_173 : i32 to vector<16xi32>
          %add3A_175 = arith.addi %iota3A, %add3A_174 : vector<16xi32>
          %gather3A_176 = tpu.vector_load_idx %arg11[%add3A_175, %broadcast_in_dim3A_170] : memref<64x512xf32, #tpu.memory_space<vmem>>[vector<16xi32>, vector<16xi32>], vector<16xf32>,
          %mul3A_177 = arith.constant 64 : i32
          %mul3A_178 = arith.muli %min3A_172, %mul3A_177 : i32
          %multiple_of3A_179 = tpu.assume_multiple %mul3A_178, 64 : i32
          %add3A_180 = arith.constant 0 : i32
          %add3A_181 = arith.addi %multiple_of3A_179, %add3A_180 : i32
          %swap3A = arith.index_cast %add3A_181 : i32 to index
          %swap3A_182 = tpu.vector_load %arg13[%swap3A] {strides = array<i32>} : memref<49152xf32, #tpu.memory_space<vmem>>, vector<16xf32>,
          tpu.vector_store %arg13[%swap3A], %gather3A_176 {strides = array<i32>} : memref<49152xf32, #tpu.memory_space<vmem>>, vector<16xf32>,
          %add3A_183 = arith.constant 16 : i32
          %add3A_184 = vector.broadcast %add3A_183 : i32 to vector<16xi32>
          %add3A_185 = arith.addi %iota3A, %add3A_184 : vector<16xi32>
          %gather3A_186 = tpu.vector_load_idx %arg11[%add3A_185, %broadcast_in_dim3A_170] : memref<64x512xf32, #tpu.memory_space<vmem>>[vector<16xi32>, vector<16xi32>], vector<16xf32>,
          %mul3A_187 = arith.constant 64 : i32
          %mul3A_188 = arith.muli %min3A_172, %mul3A_187 : i32
          %multiple_of3A_189 = tpu.assume_multiple %mul3A_188, 64 : i32
          %add3A_190 = arith.constant 16 : i32
          %add3A_191 = arith.addi %multiple_of3A_189, %add3A_190 : i32
          %swap3A_192 = arith.index_cast %add3A_191 : i32 to index
          %swap3A_193 = tpu.vector_load %arg13[%swap3A_192] {strides = array<i32>} : memref<49152xf32, #tpu.memory_space<vmem>>, vector<16xf32>,
          tpu.vector_store %arg13[%swap3A_192], %gather3A_186 {strides = array<i32>} : memref<49152xf32, #tpu.memory_space<vmem>>, vector<16xf32>,
          %add3A_194 = arith.constant 32 : i32
          %add3A_195 = vector.broadcast %add3A_194 : i32 to vector<16xi32>
          %add3A_196 = arith.addi %iota3A, %add3A_195 : vector<16xi32>
          %gather3A_197 = tpu.vector_load_idx %arg11[%add3A_196, %broadcast_in_dim3A_170] : memref<64x512xf32, #tpu.memory_space<vmem>>[vector<16xi32>, vector<16xi32>], vector<16xf32>,
          %mul3A_198 = arith.constant 64 : i32
          %mul3A_199 = arith.muli %min3A_172, %mul3A_198 : i32
          %multiple_of3A_200 = tpu.assume_multiple %mul3A_199, 64 : i32
          %add3A_201 = arith.constant 32 : i32
          %add3A_202 = arith.addi %multiple_of3A_200, %add3A_201 : i32
          %swap3A_203 = arith.index_cast %add3A_202 : i32 to index
          %swap3A_204 = tpu.vector_load %arg13[%swap3A_203] {strides = array<i32>} : memref<49152xf32, #tpu.memory_space<vmem>>, vector<16xf32>,
          tpu.vector_store %arg13[%swap3A_203], %gather3A_197 {strides = array<i32>} : memref<49152xf32, #tpu.memory_space<vmem>>, vector<16xf32>,
          %add3A_205 = arith.constant 48 : i32
          %add3A_206 = vector.broadcast %add3A_205 : i32 to vector<16xi32>
          %add3A_207 = arith.addi %iota3A, %add3A_206 : vector<16xi32>
          %gather3A_208 = tpu.vector_load_idx %arg11[%add3A_207, %broadcast_in_dim3A_170] : memref<64x512xf32, #tpu.memory_space<vmem>>[vector<16xi32>, vector<16xi32>], vector<16xf32>,
          %mul3A_209 = arith.constant 64 : i32
          %mul3A_210 = arith.muli %min3A_172, %mul3A_209 : i32
          %multiple_of3A_211 = tpu.assume_multiple %mul3A_210, 64 : i32
          %add3A_212 = arith.constant 48 : i32
          %add3A_213 = arith.addi %multiple_of3A_211, %add3A_212 : i32
          %swap3A_214 = arith.index_cast %add3A_213 : i32 to index
          %swap3A_215 = tpu.vector_load %arg13[%swap3A_214] {strides = array<i32>} : memref<49152xf32, #tpu.memory_space<vmem>>, vector<16xf32>,
          tpu.vector_store %arg13[%swap3A_214], %gather3A_208 {strides = array<i32>} : memref<49152xf32, #tpu.memory_space<vmem>>, vector<16xf32>,
          %broadcast_in_dim3A_216 = vector.broadcast %min3A_172 : i32 to vector<16xi32>
          %broadcast_in_dim3A_217 = vector.broadcast %and3A_166 : i32 to vector<16xi32>
          %eq3A_218 = arith.constant 0 : i32
          %eq3A_219 = vector.broadcast %eq3A_218 : i32 to vector<16xi32>
          %eq3A_220 = arith.cmpi eq, %iota3A, %eq3A_219 : vector<16xi32>
          tpu.vector_store_idx %arg14[%broadcast_in_dim3A_216], %broadcast_in_dim3A_217 masked %eq3A_220 : memref<768xi32, #tpu.memory_space<vmem>>[vector<16xi32>], vector<16xi32>, vector<16xi1>
          %add3A_221 = arith.constant 1 : i32
          %add3A_222 = arith.addi %while3A_159, %add3A_221 : i32
          scf.yield %add3A_222 : i32
        }
        scf.yield %while3A_157 : i32
      } else {
        %dma_wait3A = arith.constant 0 : i32
        %dma_wait3A_134 = arith.constant 256 : i32
        %dma_wait3A_135 = tpu.memref_slice %arg11[%dma_wait3A, %dma_wait3A_134] : memref<64x512xf32, #tpu.memory_space<vmem>> -> memref<64x256xf32, #tpu.memory_space<vmem>>
        %dma_wait3A_136 = arith.constant 0 : i32
        %dma_wait3A_137 = arith.constant 0 : i32
        %dma_wait3A_138 = tpu.memref_slice %arg3[%dma_wait3A_136, %dma_wait3A_137] : memref<64x1000000xf32, #tpu.memory_space<hbm>> -> memref<64x256xf32, #tpu.memory_space<hbm>>
        %dma_wait3A_139 = arith.constant 0 : i32
        %dma_wait3A_140 = arith.constant 256 : i32
        %dma_wait3A_141 = tpu.memref_slice %arg11[%dma_wait3A_139, %dma_wait3A_140] : memref<64x512xf32, #tpu.memory_space<vmem>> -> memref<64x256xf32, #tpu.memory_space<vmem>>
        %dma_wait3A_142 = arith.constant 0 : i32
        %dma_wait3A_143 = arith.constant 0 : i32
        %dma_wait3A_144 = tpu.memref_slice %arg3[%dma_wait3A_142, %dma_wait3A_143] : memref<64x1000000xf32, #tpu.memory_space<hbm>> -> memref<64x256xf32, #tpu.memory_space<hbm>>
        tpu.wait_dma2 semaphore(%arg16 : memref<!tpu.dma_semaphore, #tpu.memory_space<semaphore_mem>>) src(%dma_wait3A_144 : memref<64x256xf32, #tpu.memory_space<hbm>>) dst(%dma_wait3A_141 : memref<64x256xf32, #tpu.memory_space<vmem>>)
        %get3A_145 = arith.index_cast %while3A_97 : i32 to index
        %get3A_146 = memref.load %arg10[%get3A_145] : memref<128xi32, #tpu.memory_space<smem>>
        %while3A_147 = arith.constant 0 : i32
        %while3A_148 = arith.subi %get3A_146, %while3A_147 : i32
        %while3A_149 = arith.addi %while3A_147, %while3A_148 : i32
        %while3A_150 = arith.constant 1 : i32
        %while3A_151 = arith.divsi %while3A_148, %while3A_150 : i32
        %while3A_152 = arith.muli %while3A_151, %while3A_150 : i32
        %while3A_153 = arith.addi %while3A_147, %while3A_152 : i32
        %while3A_154 = arith.constant 1 : i32
        %while3A_155 = scf.for %while3A_158 = %while3A_147 to %while3A_153 step %while3A_154 iter_args(%while3A_159 = %while3A_98) -> (i32)  : i32 {
          %mul3A_160 = arith.constant 32 : i32
          %mul3A_161 = arith.muli %while3A_97, %mul3A_160 : i32
          %add3A_162 = arith.addi %mul3A_161, %while3A_158 : i32
          %broadcast_in_dim3A = vector.broadcast %add3A_162 : i32 to vector<16xi32>
          %gather3A = tpu.vector_load_idx %arg9[%broadcast_in_dim3A] : memref<3968xi32, #tpu.memory_space<vmem>>[vector<16xi32>], vector<16xi32>,
          %slice3A_163 = vector.extract_strided_slice %gather3A {offsets = [0], sizes = [1], strides = [1]} : vector<16xi32> to vector<1xi32>
          %squeeze3A_164 = vector.extract %slice3A_163[0] : i32 from vector<1xi32>
          %and3A_165 = arith.constant 16383 : i32
          %and3A_166 = arith.andi %squeeze3A_164, %and3A_165 : i32
          %shift_right_logical3A = arith.constant 14 : i32
          %shift_right_logical3A_167 = arith.shrui %squeeze3A_164, %shift_right_logical3A : i32
          %add3A_168 = arith.constant 256 : i32
          %add3A_169 = arith.addi %shift_right_logical3A_167, %add3A_168 : i32
          %broadcast_in_dim3A_170 = vector.broadcast %add3A_169 : i32 to vector<16xi32>
          %min3A_171 = arith.constant 767 : i32
          %min3A_172 = arith.minsi %while3A_159, %min3A_171 : i32
          %add3A_173 = arith.constant 0 : i32
          %add3A_174 = vector.broadcast %add3A_173 : i32 to vector<16xi32>
          %add3A_175 = arith.addi %iota3A, %add3A_174 : vector<16xi32>
          %gather3A_176 = tpu.vector_load_idx %arg11[%add3A_175, %broadcast_in_dim3A_170] : memref<64x512xf32, #tpu.memory_space<vmem>>[vector<16xi32>, vector<16xi32>], vector<16xf32>,
          %mul3A_177 = arith.constant 64 : i32
          %mul3A_178 = arith.muli %min3A_172, %mul3A_177 : i32
          %multiple_of3A_179 = tpu.assume_multiple %mul3A_178, 64 : i32
          %add3A_180 = arith.constant 0 : i32
          %add3A_181 = arith.addi %multiple_of3A_179, %add3A_180 : i32
          %swap3A = arith.index_cast %add3A_181 : i32 to index
          %swap3A_182 = tpu.vector_load %arg13[%swap3A] {strides = array<i32>} : memref<49152xf32, #tpu.memory_space<vmem>>, vector<16xf32>,
          tpu.vector_store %arg13[%swap3A], %gather3A_176 {strides = array<i32>} : memref<49152xf32, #tpu.memory_space<vmem>>, vector<16xf32>,
          %add3A_183 = arith.constant 16 : i32
          %add3A_184 = vector.broadcast %add3A_183 : i32 to vector<16xi32>
          %add3A_185 = arith.addi %iota3A, %add3A_184 : vector<16xi32>
          %gather3A_186 = tpu.vector_load_idx %arg11[%add3A_185, %broadcast_in_dim3A_170] : memref<64x512xf32, #tpu.memory_space<vmem>>[vector<16xi32>, vector<16xi32>], vector<16xf32>,
          %mul3A_187 = arith.constant 64 : i32
          %mul3A_188 = arith.muli %min3A_172, %mul3A_187 : i32
          %multiple_of3A_189 = tpu.assume_multiple %mul3A_188, 64 : i32
          %add3A_190 = arith.constant 16 : i32
          %add3A_191 = arith.addi %multiple_of3A_189, %add3A_190 : i32
          %swap3A_192 = arith.index_cast %add3A_191 : i32 to index
          %swap3A_193 = tpu.vector_load %arg13[%swap3A_192] {strides = array<i32>} : memref<49152xf32, #tpu.memory_space<vmem>>, vector<16xf32>,
          tpu.vector_store %arg13[%swap3A_192], %gather3A_186 {strides = array<i32>} : memref<49152xf32, #tpu.memory_space<vmem>>, vector<16xf32>,
          %add3A_194 = arith.constant 32 : i32
          %add3A_195 = vector.broadcast %add3A_194 : i32 to vector<16xi32>
          %add3A_196 = arith.addi %iota3A, %add3A_195 : vector<16xi32>
          %gather3A_197 = tpu.vector_load_idx %arg11[%add3A_196, %broadcast_in_dim3A_170] : memref<64x512xf32, #tpu.memory_space<vmem>>[vector<16xi32>, vector<16xi32>], vector<16xf32>,
          %mul3A_198 = arith.constant 64 : i32
          %mul3A_199 = arith.muli %min3A_172, %mul3A_198 : i32
          %multiple_of3A_200 = tpu.assume_multiple %mul3A_199, 64 : i32
          %add3A_201 = arith.constant 32 : i32
          %add3A_202 = arith.addi %multiple_of3A_200, %add3A_201 : i32
          %swap3A_203 = arith.index_cast %add3A_202 : i32 to index
          %swap3A_204 = tpu.vector_load %arg13[%swap3A_203] {strides = array<i32>} : memref<49152xf32, #tpu.memory_space<vmem>>, vector<16xf32>,
          tpu.vector_store %arg13[%swap3A_203], %gather3A_197 {strides = array<i32>} : memref<49152xf32, #tpu.memory_space<vmem>>, vector<16xf32>,
          %add3A_205 = arith.constant 48 : i32
          %add3A_206 = vector.broadcast %add3A_205 : i32 to vector<16xi32>
          %add3A_207 = arith.addi %iota3A, %add3A_206 : vector<16xi32>
          %gather3A_208 = tpu.vector_load_idx %arg11[%add3A_207, %broadcast_in_dim3A_170] : memref<64x512xf32, #tpu.memory_space<vmem>>[vector<16xi32>, vector<16xi32>], vector<16xf32>,
          %mul3A_209 = arith.constant 64 : i32
          %mul3A_210 = arith.muli %min3A_172, %mul3A_209 : i32
          %multiple_of3A_211 = tpu.assume_multiple %mul3A_210, 64 : i32
          %add3A_212 = arith.constant 48 : i32
          %add3A_213 = arith.addi %multiple_of3A_211, %add3A_212 : i32
          %swap3A_214 = arith.index_cast %add3A_213 : i32 to index
          %swap3A_215 = tpu.vector_load %arg13[%swap3A_214] {strides = array<i32>} : memref<49152xf32, #tpu.memory_space<vmem>>, vector<16xf32>,
          tpu.vector_store %arg13[%swap3A_214], %gather3A_208 {strides = array<i32>} : memref<49152xf32, #tpu.memory_space<vmem>>, vector<16xf32>,
          %broadcast_in_dim3A_216 = vector.broadcast %min3A_172 : i32 to vector<16xi32>
          %broadcast_in_dim3A_217 = vector.broadcast %and3A_166 : i32 to vector<16xi32>
          %eq3A_218 = arith.constant 0 : i32
          %eq3A_219 = vector.broadcast %eq3A_218 : i32 to vector<16xi32>
          %eq3A_220 = arith.cmpi eq, %iota3A, %eq3A_219 : vector<16xi32>
          tpu.vector_store_idx %arg14[%broadcast_in_dim3A_216], %broadcast_in_dim3A_217 masked %eq3A_220 : memref<768xi32, #tpu.memory_space<vmem>>[vector<16xi32>], vector<16xi32>, vector<16xi1>
          %add3A_221 = arith.constant 1 : i32
          %add3A_222 = arith.addi %while3A_159, %add3A_221 : i32
          scf.yield %add3A_222 : i32
        }
        %while3A_156 = arith.constant 1 : i32
        %while3A_157 = scf.for %while3A_158 = %while3A_153 to %while3A_149 step %while3A_156 iter_args(%while3A_159 = %while3A_155) -> (i32)  : i32 {
          %mul3A_160 = arith.constant 32 : i32
          %mul3A_161 = arith.muli %while3A_97, %mul3A_160 : i32
          %add3A_162 = arith.addi %mul3A_161, %while3A_158 : i32
          %broadcast_in_dim3A = vector.broadcast %add3A_162 : i32 to vector<16xi32>
          %gather3A = tpu.vector_load_idx %arg9[%broadcast_in_dim3A] : memref<3968xi32, #tpu.memory_space<vmem>>[vector<16xi32>], vector<16xi32>,
          %slice3A_163 = vector.extract_strided_slice %gather3A {offsets = [0], sizes = [1], strides = [1]} : vector<16xi32> to vector<1xi32>
          %squeeze3A_164 = vector.extract %slice3A_163[0] : i32 from vector<1xi32>
          %and3A_165 = arith.constant 16383 : i32
          %and3A_166 = arith.andi %squeeze3A_164, %and3A_165 : i32
          %shift_right_logical3A = arith.constant 14 : i32
          %shift_right_logical3A_167 = arith.shrui %squeeze3A_164, %shift_right_logical3A : i32
          %add3A_168 = arith.constant 256 : i32
          %add3A_169 = arith.addi %shift_right_logical3A_167, %add3A_168 : i32
          %broadcast_in_dim3A_170 = vector.broadcast %add3A_169 : i32 to vector<16xi32>
          %min3A_171 = arith.constant 767 : i32
          %min3A_172 = arith.minsi %while3A_159, %min3A_171 : i32
          %add3A_173 = arith.constant 0 : i32
          %add3A_174 = vector.broadcast %add3A_173 : i32 to vector<16xi32>
          %add3A_175 = arith.addi %iota3A, %add3A_174 : vector<16xi32>
          %gather3A_176 = tpu.vector_load_idx %arg11[%add3A_175, %broadcast_in_dim3A_170] : memref<64x512xf32, #tpu.memory_space<vmem>>[vector<16xi32>, vector<16xi32>], vector<16xf32>,
          %mul3A_177 = arith.constant 64 : i32
          %mul3A_178 = arith.muli %min3A_172, %mul3A_177 : i32
          %multiple_of3A_179 = tpu.assume_multiple %mul3A_178, 64 : i32
          %add3A_180 = arith.constant 0 : i32
          %add3A_181 = arith.addi %multiple_of3A_179, %add3A_180 : i32
          %swap3A = arith.index_cast %add3A_181 : i32 to index
          %swap3A_182 = tpu.vector_load %arg13[%swap3A] {strides = array<i32>} : memref<49152xf32, #tpu.memory_space<vmem>>, vector<16xf32>,
          tpu.vector_store %arg13[%swap3A], %gather3A_176 {strides = array<i32>} : memref<49152xf32, #tpu.memory_space<vmem>>, vector<16xf32>,
          %add3A_183 = arith.constant 16 : i32
          %add3A_184 = vector.broadcast %add3A_183 : i32 to vector<16xi32>
          %add3A_185 = arith.addi %iota3A, %add3A_184 : vector<16xi32>
          %gather3A_186 = tpu.vector_load_idx %arg11[%add3A_185, %broadcast_in_dim3A_170] : memref<64x512xf32, #tpu.memory_space<vmem>>[vector<16xi32>, vector<16xi32>], vector<16xf32>,
          %mul3A_187 = arith.constant 64 : i32
          %mul3A_188 = arith.muli %min3A_172, %mul3A_187 : i32
          %multiple_of3A_189 = tpu.assume_multiple %mul3A_188, 64 : i32
          %add3A_190 = arith.constant 16 : i32
          %add3A_191 = arith.addi %multiple_of3A_189, %add3A_190 : i32
          %swap3A_192 = arith.index_cast %add3A_191 : i32 to index
          %swap3A_193 = tpu.vector_load %arg13[%swap3A_192] {strides = array<i32>} : memref<49152xf32, #tpu.memory_space<vmem>>, vector<16xf32>,
          tpu.vector_store %arg13[%swap3A_192], %gather3A_186 {strides = array<i32>} : memref<49152xf32, #tpu.memory_space<vmem>>, vector<16xf32>,
          %add3A_194 = arith.constant 32 : i32
          %add3A_195 = vector.broadcast %add3A_194 : i32 to vector<16xi32>
          %add3A_196 = arith.addi %iota3A, %add3A_195 : vector<16xi32>
          %gather3A_197 = tpu.vector_load_idx %arg11[%add3A_196, %broadcast_in_dim3A_170] : memref<64x512xf32, #tpu.memory_space<vmem>>[vector<16xi32>, vector<16xi32>], vector<16xf32>,
          %mul3A_198 = arith.constant 64 : i32
          %mul3A_199 = arith.muli %min3A_172, %mul3A_198 : i32
          %multiple_of3A_200 = tpu.assume_multiple %mul3A_199, 64 : i32
          %add3A_201 = arith.constant 32 : i32
          %add3A_202 = arith.addi %multiple_of3A_200, %add3A_201 : i32
          %swap3A_203 = arith.index_cast %add3A_202 : i32 to index
          %swap3A_204 = tpu.vector_load %arg13[%swap3A_203] {strides = array<i32>} : memref<49152xf32, #tpu.memory_space<vmem>>, vector<16xf32>,
          tpu.vector_store %arg13[%swap3A_203], %gather3A_197 {strides = array<i32>} : memref<49152xf32, #tpu.memory_space<vmem>>, vector<16xf32>,
          %add3A_205 = arith.constant 48 : i32
          %add3A_206 = vector.broadcast %add3A_205 : i32 to vector<16xi32>
          %add3A_207 = arith.addi %iota3A, %add3A_206 : vector<16xi32>
          %gather3A_208 = tpu.vector_load_idx %arg11[%add3A_207, %broadcast_in_dim3A_170] : memref<64x512xf32, #tpu.memory_space<vmem>>[vector<16xi32>, vector<16xi32>], vector<16xf32>,
          %mul3A_209 = arith.constant 64 : i32
          %mul3A_210 = arith.muli %min3A_172, %mul3A_209 : i32
          %multiple_of3A_211 = tpu.assume_multiple %mul3A_210, 64 : i32
          %add3A_212 = arith.constant 48 : i32
          %add3A_213 = arith.addi %multiple_of3A_211, %add3A_212 : i32
          %swap3A_214 = arith.index_cast %add3A_213 : i32 to index
          %swap3A_215 = tpu.vector_load %arg13[%swap3A_214] {strides = array<i32>} : memref<49152xf32, #tpu.memory_space<vmem>>, vector<16xf32>,
          tpu.vector_store %arg13[%swap3A_214], %gather3A_208 {strides = array<i32>} : memref<49152xf32, #tpu.memory_space<vmem>>, vector<16xf32>,
          %broadcast_in_dim3A_216 = vector.broadcast %min3A_172 : i32 to vector<16xi32>
          %broadcast_in_dim3A_217 = vector.broadcast %and3A_166 : i32 to vector<16xi32>
          %eq3A_218 = arith.constant 0 : i32
          %eq3A_219 = vector.broadcast %eq3A_218 : i32 to vector<16xi32>
          %eq3A_220 = arith.cmpi eq, %iota3A, %eq3A_219 : vector<16xi32>
          tpu.vector_store_idx %arg14[%broadcast_in_dim3A_216], %broadcast_in_dim3A_217 masked %eq3A_220 : memref<768xi32, #tpu.memory_space<vmem>>[vector<16xi32>], vector<16xi32>, vector<16xi1>
          %add3A_221 = arith.constant 1 : i32
          %add3A_222 = arith.addi %while3A_159, %add3A_221 : i32
          scf.yield %add3A_222 : i32
        }
        scf.yield %while3A_157 : i32
      }
      scf.yield %cond3A_133 : i32
    }
    %while3A_49 = arith.constant 1 : i32
    %while3A_50 = scf.for %while3A_97 = %while3A_46 to %while3A_42 step %while3A_49 iter_args(%while3A_98 = %while3A_48) -> (i32)  : i32 {
      %add3A_99 = arith.constant 1 : i32
      %add3A_100 = arith.addi %while3A_97, %add3A_99 : i32
      %jit3A_101 = arith.constant 2 : i32
      %eq3A_102 = arith.constant 0 : i32
      %eq3A_103 = arith.cmpi eq, %jit3A_101, %eq3A_102 : i32
      %jit3A_104 = arith.constant 1 : i32
      %select_n3A_105 = arith.select %eq3A_103, %jit3A_104, %jit3A_101 : i32
      %rem3A_106 = arith.remsi %while3A_97, %select_n3A_105 : i32
      %ne3A_107 = arith.constant 0 : i32
      %ne3A_108 = arith.cmpi ne, %rem3A_106, %ne3A_107 : i32
      %lt3A_109 = arith.constant 0 : i32
      %lt3A_110 = arith.cmpi slt, %rem3A_106, %lt3A_109 : i32
      %lt3A_111 = arith.constant 0 : i32
      %lt3A_112 = arith.cmpi slt, %select_n3A_105, %lt3A_111 : i32
      %ne3A_113 = arith.xori %lt3A_110, %lt3A_112 : i1
      %and3A_114 = arith.andi %ne3A_113, %ne3A_108 : i1
      %add3A_115 = arith.addi %rem3A_106, %select_n3A_105 : i32
      %select_n3A_116 = arith.select %and3A_114, %add3A_115, %rem3A_106 : i32
      %eq3A_117 = arith.constant 0 : i32
      %eq3A_118 = arith.cmpi eq, %select_n3A_116, %eq3A_117 : i32
      %lt3A_119 = arith.cmpi slt, %add3A_100, %select_n3A : i32
      %and3A_120 = arith.andi %lt3A_119, %eq3A_118 : i1
      %convert_element_type3A_121 = arith.extui %and3A_120 : i1 to i32
      %cond3A_122 = arith.constant 0 : i32
      %cond3A_123 = arith.cmpi ne, %convert_element_type3A_121, %cond3A_122 : i32
      scf.if %cond3A_123 {
        %mul3A_134 = arith.constant 32 : i32
        %mul3A_135 = arith.muli %mul3A_134, %add3A_100 : i32
        %add3A_136 = arith.addi %add3A, %mul3A_135 : i32
        %mul3A_137 = arith.constant 256 : i32
        %mul3A_138 = arith.muli %add3A_136, %mul3A_137 : i32
        %multiple_of3A_139 = tpu.assume_multiple %mul3A_138, 256 : i32
        %dma_start3A_140 = arith.constant 0 : i32
        %dma_start3A_141 = arith.constant 256 : i32
        %dma_start3A_142 = tpu.memref_slice %arg11[%dma_start3A_140, %dma_start3A_141] : memref<64x512xf32, #tpu.memory_space<vmem>> -> memref<64x256xf32, #tpu.memory_space<vmem>>
        %dma_start3A_143 = arith.constant 0 : i32
        %dma_start3A_144 = tpu.memref_slice %arg3[%dma_start3A_143, %multiple_of3A_139] : memref<64x1000000xf32, #tpu.memory_space<hbm>> -> memref<64x256xf32, #tpu.memory_space<hbm>>
        %dma_start3A_145 = arith.constant 0 : i32
        %dma_start3A_146 = arith.constant 256 : i32
        %dma_start3A_147 = tpu.memref_slice %arg11[%dma_start3A_145, %dma_start3A_146] : memref<64x512xf32, #tpu.memory_space<vmem>> -> memref<64x256xf32, #tpu.memory_space<vmem>>
        %dma_start3A_148 = arith.constant 0 : i32
        %dma_start3A_149 = tpu.memref_slice %arg3[%dma_start3A_148, %multiple_of3A_139] : memref<64x1000000xf32, #tpu.memory_space<hbm>> -> memref<64x256xf32, #tpu.memory_space<hbm>>
        tpu.enqueue_dma source(%dma_start3A_149 : memref<64x256xf32, #tpu.memory_space<hbm>>) target(%dma_start3A_147 : memref<64x256xf32, #tpu.memory_space<vmem>>) target_semaphore(%arg16 : memref<!tpu.dma_semaphore, #tpu.memory_space<semaphore_mem>>)
      } else {
      }
      %lt3A_124 = arith.cmpi slt, %add3A_100, %select_n3A : i32
      %not3A = arith.constant true
      %not3A_125 = arith.xori %eq3A_118, %not3A : i1
      %and3A_126 = arith.andi %lt3A_124, %not3A_125 : i1
      %convert_element_type3A_127 = arith.extui %and3A_126 : i1 to i32
      %cond3A_128 = arith.constant 0 : i32
      %cond3A_129 = arith.cmpi ne, %convert_element_type3A_127, %cond3A_128 : i32
      scf.if %cond3A_129 {
        %mul3A_134 = arith.constant 32 : i32
        %mul3A_135 = arith.muli %mul3A_134, %add3A_100 : i32
        %add3A_136 = arith.addi %add3A, %mul3A_135 : i32
        %mul3A_137 = arith.constant 256 : i32
        %mul3A_138 = arith.muli %add3A_136, %mul3A_137 : i32
        %multiple_of3A_139 = tpu.assume_multiple %mul3A_138, 256 : i32
        %dma_start3A_140 = arith.constant 0 : i32
        %dma_start3A_141 = arith.constant 0 : i32
        %dma_start3A_142 = tpu.memref_slice %arg11[%dma_start3A_140, %dma_start3A_141] : memref<64x512xf32, #tpu.memory_space<vmem>> -> memref<64x256xf32, #tpu.memory_space<vmem>>
        %dma_start3A_143 = arith.constant 0 : i32
        %dma_start3A_144 = tpu.memref_slice %arg3[%dma_start3A_143, %multiple_of3A_139] : memref<64x1000000xf32, #tpu.memory_space<hbm>> -> memref<64x256xf32, #tpu.memory_space<hbm>>
        %dma_start3A_145 = arith.constant 0 : i32
        %dma_start3A_146 = arith.constant 0 : i32
        %dma_start3A_147 = tpu.memref_slice %arg11[%dma_start3A_145, %dma_start3A_146] : memref<64x512xf32, #tpu.memory_space<vmem>> -> memref<64x256xf32, #tpu.memory_space<vmem>>
        %dma_start3A_148 = arith.constant 0 : i32
        %dma_start3A_149 = tpu.memref_slice %arg3[%dma_start3A_148, %multiple_of3A_139] : memref<64x1000000xf32, #tpu.memory_space<hbm>> -> memref<64x256xf32, #tpu.memory_space<hbm>>
        tpu.enqueue_dma source(%dma_start3A_149 : memref<64x256xf32, #tpu.memory_space<hbm>>) target(%dma_start3A_147 : memref<64x256xf32, #tpu.memory_space<vmem>>) target_semaphore(%arg15 : memref<!tpu.dma_semaphore, #tpu.memory_space<semaphore_mem>>)
      } else {
      }
      %convert_element_type3A_130 = arith.extui %eq3A_118 : i1 to i32
      %cond3A_131 = arith.constant 0 : i32
      %cond3A_132 = arith.cmpi ne, %convert_element_type3A_130, %cond3A_131 : i32
      %cond3A_133 = scf.if %cond3A_132 -> (i32) {
        %dma_wait3A = arith.constant 0 : i32
        %dma_wait3A_134 = arith.constant 0 : i32
        %dma_wait3A_135 = tpu.memref_slice %arg11[%dma_wait3A, %dma_wait3A_134] : memref<64x512xf32, #tpu.memory_space<vmem>> -> memref<64x256xf32, #tpu.memory_space<vmem>>
        %dma_wait3A_136 = arith.constant 0 : i32
        %dma_wait3A_137 = arith.constant 0 : i32
        %dma_wait3A_138 = tpu.memref_slice %arg3[%dma_wait3A_136, %dma_wait3A_137] : memref<64x1000000xf32, #tpu.memory_space<hbm>> -> memref<64x256xf32, #tpu.memory_space<hbm>>
        %dma_wait3A_139 = arith.constant 0 : i32
        %dma_wait3A_140 = arith.constant 0 : i32
        %dma_wait3A_141 = tpu.memref_slice %arg11[%dma_wait3A_139, %dma_wait3A_140] : memref<64x512xf32, #tpu.memory_space<vmem>> -> memref<64x256xf32, #tpu.memory_space<vmem>>
        %dma_wait3A_142 = arith.constant 0 : i32
        %dma_wait3A_143 = arith.constant 0 : i32
        %dma_wait3A_144 = tpu.memref_slice %arg3[%dma_wait3A_142, %dma_wait3A_143] : memref<64x1000000xf32, #tpu.memory_space<hbm>> -> memref<64x256xf32, #tpu.memory_space<hbm>>
        tpu.wait_dma2 semaphore(%arg15 : memref<!tpu.dma_semaphore, #tpu.memory_space<semaphore_mem>>) src(%dma_wait3A_144 : memref<64x256xf32, #tpu.memory_space<hbm>>) dst(%dma_wait3A_141 : memref<64x256xf32, #tpu.memory_space<vmem>>)
        %get3A_145 = arith.index_cast %while3A_97 : i32 to index
        %get3A_146 = memref.load %arg10[%get3A_145] : memref<128xi32, #tpu.memory_space<smem>>
        %while3A_147 = arith.constant 0 : i32
        %while3A_148 = arith.subi %get3A_146, %while3A_147 : i32
        %while3A_149 = arith.addi %while3A_147, %while3A_148 : i32
        %while3A_150 = arith.constant 1 : i32
        %while3A_151 = arith.divsi %while3A_148, %while3A_150 : i32
        %while3A_152 = arith.muli %while3A_151, %while3A_150 : i32
        %while3A_153 = arith.addi %while3A_147, %while3A_152 : i32
        %while3A_154 = arith.constant 1 : i32
        %while3A_155 = scf.for %while3A_158 = %while3A_147 to %while3A_153 step %while3A_154 iter_args(%while3A_159 = %while3A_98) -> (i32)  : i32 {
          %mul3A_160 = arith.constant 32 : i32
          %mul3A_161 = arith.muli %while3A_97, %mul3A_160 : i32
          %add3A_162 = arith.addi %mul3A_161, %while3A_158 : i32
          %broadcast_in_dim3A = vector.broadcast %add3A_162 : i32 to vector<16xi32>
          %gather3A = tpu.vector_load_idx %arg9[%broadcast_in_dim3A] : memref<3968xi32, #tpu.memory_space<vmem>>[vector<16xi32>], vector<16xi32>,
          %slice3A_163 = vector.extract_strided_slice %gather3A {offsets = [0], sizes = [1], strides = [1]} : vector<16xi32> to vector<1xi32>
          %squeeze3A_164 = vector.extract %slice3A_163[0] : i32 from vector<1xi32>
          %and3A_165 = arith.constant 16383 : i32
          %and3A_166 = arith.andi %squeeze3A_164, %and3A_165 : i32
          %shift_right_logical3A = arith.constant 14 : i32
          %shift_right_logical3A_167 = arith.shrui %squeeze3A_164, %shift_right_logical3A : i32
          %add3A_168 = arith.constant 0 : i32
          %add3A_169 = arith.addi %shift_right_logical3A_167, %add3A_168 : i32
          %broadcast_in_dim3A_170 = vector.broadcast %add3A_169 : i32 to vector<16xi32>
          %min3A_171 = arith.constant 767 : i32
          %min3A_172 = arith.minsi %while3A_159, %min3A_171 : i32
          %add3A_173 = arith.constant 0 : i32
          %add3A_174 = vector.broadcast %add3A_173 : i32 to vector<16xi32>
          %add3A_175 = arith.addi %iota3A, %add3A_174 : vector<16xi32>
          %gather3A_176 = tpu.vector_load_idx %arg11[%add3A_175, %broadcast_in_dim3A_170] : memref<64x512xf32, #tpu.memory_space<vmem>>[vector<16xi32>, vector<16xi32>], vector<16xf32>,
          %mul3A_177 = arith.constant 64 : i32
          %mul3A_178 = arith.muli %min3A_172, %mul3A_177 : i32
          %multiple_of3A_179 = tpu.assume_multiple %mul3A_178, 64 : i32
          %add3A_180 = arith.constant 0 : i32
          %add3A_181 = arith.addi %multiple_of3A_179, %add3A_180 : i32
          %swap3A = arith.index_cast %add3A_181 : i32 to index
          %swap3A_182 = tpu.vector_load %arg13[%swap3A] {strides = array<i32>} : memref<49152xf32, #tpu.memory_space<vmem>>, vector<16xf32>,
          tpu.vector_store %arg13[%swap3A], %gather3A_176 {strides = array<i32>} : memref<49152xf32, #tpu.memory_space<vmem>>, vector<16xf32>,
          %add3A_183 = arith.constant 16 : i32
          %add3A_184 = vector.broadcast %add3A_183 : i32 to vector<16xi32>
          %add3A_185 = arith.addi %iota3A, %add3A_184 : vector<16xi32>
          %gather3A_186 = tpu.vector_load_idx %arg11[%add3A_185, %broadcast_in_dim3A_170] : memref<64x512xf32, #tpu.memory_space<vmem>>[vector<16xi32>, vector<16xi32>], vector<16xf32>,
          %mul3A_187 = arith.constant 64 : i32
          %mul3A_188 = arith.muli %min3A_172, %mul3A_187 : i32
          %multiple_of3A_189 = tpu.assume_multiple %mul3A_188, 64 : i32
          %add3A_190 = arith.constant 16 : i32
          %add3A_191 = arith.addi %multiple_of3A_189, %add3A_190 : i32
          %swap3A_192 = arith.index_cast %add3A_191 : i32 to index
          %swap3A_193 = tpu.vector_load %arg13[%swap3A_192] {strides = array<i32>} : memref<49152xf32, #tpu.memory_space<vmem>>, vector<16xf32>,
          tpu.vector_store %arg13[%swap3A_192], %gather3A_186 {strides = array<i32>} : memref<49152xf32, #tpu.memory_space<vmem>>, vector<16xf32>,
          %add3A_194 = arith.constant 32 : i32
          %add3A_195 = vector.broadcast %add3A_194 : i32 to vector<16xi32>
          %add3A_196 = arith.addi %iota3A, %add3A_195 : vector<16xi32>
          %gather3A_197 = tpu.vector_load_idx %arg11[%add3A_196, %broadcast_in_dim3A_170] : memref<64x512xf32, #tpu.memory_space<vmem>>[vector<16xi32>, vector<16xi32>], vector<16xf32>,
          %mul3A_198 = arith.constant 64 : i32
          %mul3A_199 = arith.muli %min3A_172, %mul3A_198 : i32
          %multiple_of3A_200 = tpu.assume_multiple %mul3A_199, 64 : i32
          %add3A_201 = arith.constant 32 : i32
          %add3A_202 = arith.addi %multiple_of3A_200, %add3A_201 : i32
          %swap3A_203 = arith.index_cast %add3A_202 : i32 to index
          %swap3A_204 = tpu.vector_load %arg13[%swap3A_203] {strides = array<i32>} : memref<49152xf32, #tpu.memory_space<vmem>>, vector<16xf32>,
          tpu.vector_store %arg13[%swap3A_203], %gather3A_197 {strides = array<i32>} : memref<49152xf32, #tpu.memory_space<vmem>>, vector<16xf32>,
          %add3A_205 = arith.constant 48 : i32
          %add3A_206 = vector.broadcast %add3A_205 : i32 to vector<16xi32>
          %add3A_207 = arith.addi %iota3A, %add3A_206 : vector<16xi32>
          %gather3A_208 = tpu.vector_load_idx %arg11[%add3A_207, %broadcast_in_dim3A_170] : memref<64x512xf32, #tpu.memory_space<vmem>>[vector<16xi32>, vector<16xi32>], vector<16xf32>,
          %mul3A_209 = arith.constant 64 : i32
          %mul3A_210 = arith.muli %min3A_172, %mul3A_209 : i32
          %multiple_of3A_211 = tpu.assume_multiple %mul3A_210, 64 : i32
          %add3A_212 = arith.constant 48 : i32
          %add3A_213 = arith.addi %multiple_of3A_211, %add3A_212 : i32
          %swap3A_214 = arith.index_cast %add3A_213 : i32 to index
          %swap3A_215 = tpu.vector_load %arg13[%swap3A_214] {strides = array<i32>} : memref<49152xf32, #tpu.memory_space<vmem>>, vector<16xf32>,
          tpu.vector_store %arg13[%swap3A_214], %gather3A_208 {strides = array<i32>} : memref<49152xf32, #tpu.memory_space<vmem>>, vector<16xf32>,
          %broadcast_in_dim3A_216 = vector.broadcast %min3A_172 : i32 to vector<16xi32>
          %broadcast_in_dim3A_217 = vector.broadcast %and3A_166 : i32 to vector<16xi32>
          %eq3A_218 = arith.constant 0 : i32
          %eq3A_219 = vector.broadcast %eq3A_218 : i32 to vector<16xi32>
          %eq3A_220 = arith.cmpi eq, %iota3A, %eq3A_219 : vector<16xi32>
          tpu.vector_store_idx %arg14[%broadcast_in_dim3A_216], %broadcast_in_dim3A_217 masked %eq3A_220 : memref<768xi32, #tpu.memory_space<vmem>>[vector<16xi32>], vector<16xi32>, vector<16xi1>
          %add3A_221 = arith.constant 1 : i32
          %add3A_222 = arith.addi %while3A_159, %add3A_221 : i32
          scf.yield %add3A_222 : i32
        }
        %while3A_156 = arith.constant 1 : i32
        %while3A_157 = scf.for %while3A_158 = %while3A_153 to %while3A_149 step %while3A_156 iter_args(%while3A_159 = %while3A_155) -> (i32)  : i32 {
          %mul3A_160 = arith.constant 32 : i32
          %mul3A_161 = arith.muli %while3A_97, %mul3A_160 : i32
          %add3A_162 = arith.addi %mul3A_161, %while3A_158 : i32
          %broadcast_in_dim3A = vector.broadcast %add3A_162 : i32 to vector<16xi32>
          %gather3A = tpu.vector_load_idx %arg9[%broadcast_in_dim3A] : memref<3968xi32, #tpu.memory_space<vmem>>[vector<16xi32>], vector<16xi32>,
          %slice3A_163 = vector.extract_strided_slice %gather3A {offsets = [0], sizes = [1], strides = [1]} : vector<16xi32> to vector<1xi32>
          %squeeze3A_164 = vector.extract %slice3A_163[0] : i32 from vector<1xi32>
          %and3A_165 = arith.constant 16383 : i32
          %and3A_166 = arith.andi %squeeze3A_164, %and3A_165 : i32
          %shift_right_logical3A = arith.constant 14 : i32
          %shift_right_logical3A_167 = arith.shrui %squeeze3A_164, %shift_right_logical3A : i32
          %add3A_168 = arith.constant 0 : i32
          %add3A_169 = arith.addi %shift_right_logical3A_167, %add3A_168 : i32
          %broadcast_in_dim3A_170 = vector.broadcast %add3A_169 : i32 to vector<16xi32>
          %min3A_171 = arith.constant 767 : i32
          %min3A_172 = arith.minsi %while3A_159, %min3A_171 : i32
          %add3A_173 = arith.constant 0 : i32
          %add3A_174 = vector.broadcast %add3A_173 : i32 to vector<16xi32>
          %add3A_175 = arith.addi %iota3A, %add3A_174 : vector<16xi32>
          %gather3A_176 = tpu.vector_load_idx %arg11[%add3A_175, %broadcast_in_dim3A_170] : memref<64x512xf32, #tpu.memory_space<vmem>>[vector<16xi32>, vector<16xi32>], vector<16xf32>,
          %mul3A_177 = arith.constant 64 : i32
          %mul3A_178 = arith.muli %min3A_172, %mul3A_177 : i32
          %multiple_of3A_179 = tpu.assume_multiple %mul3A_178, 64 : i32
          %add3A_180 = arith.constant 0 : i32
          %add3A_181 = arith.addi %multiple_of3A_179, %add3A_180 : i32
          %swap3A = arith.index_cast %add3A_181 : i32 to index
          %swap3A_182 = tpu.vector_load %arg13[%swap3A] {strides = array<i32>} : memref<49152xf32, #tpu.memory_space<vmem>>, vector<16xf32>,
          tpu.vector_store %arg13[%swap3A], %gather3A_176 {strides = array<i32>} : memref<49152xf32, #tpu.memory_space<vmem>>, vector<16xf32>,
          %add3A_183 = arith.constant 16 : i32
          %add3A_184 = vector.broadcast %add3A_183 : i32 to vector<16xi32>
          %add3A_185 = arith.addi %iota3A, %add3A_184 : vector<16xi32>
          %gather3A_186 = tpu.vector_load_idx %arg11[%add3A_185, %broadcast_in_dim3A_170] : memref<64x512xf32, #tpu.memory_space<vmem>>[vector<16xi32>, vector<16xi32>], vector<16xf32>,
          %mul3A_187 = arith.constant 64 : i32
          %mul3A_188 = arith.muli %min3A_172, %mul3A_187 : i32
          %multiple_of3A_189 = tpu.assume_multiple %mul3A_188, 64 : i32
          %add3A_190 = arith.constant 16 : i32
          %add3A_191 = arith.addi %multiple_of3A_189, %add3A_190 : i32
          %swap3A_192 = arith.index_cast %add3A_191 : i32 to index
          %swap3A_193 = tpu.vector_load %arg13[%swap3A_192] {strides = array<i32>} : memref<49152xf32, #tpu.memory_space<vmem>>, vector<16xf32>,
          tpu.vector_store %arg13[%swap3A_192], %gather3A_186 {strides = array<i32>} : memref<49152xf32, #tpu.memory_space<vmem>>, vector<16xf32>,
          %add3A_194 = arith.constant 32 : i32
          %add3A_195 = vector.broadcast %add3A_194 : i32 to vector<16xi32>
          %add3A_196 = arith.addi %iota3A, %add3A_195 : vector<16xi32>
          %gather3A_197 = tpu.vector_load_idx %arg11[%add3A_196, %broadcast_in_dim3A_170] : memref<64x512xf32, #tpu.memory_space<vmem>>[vector<16xi32>, vector<16xi32>], vector<16xf32>,
          %mul3A_198 = arith.constant 64 : i32
          %mul3A_199 = arith.muli %min3A_172, %mul3A_198 : i32
          %multiple_of3A_200 = tpu.assume_multiple %mul3A_199, 64 : i32
          %add3A_201 = arith.constant 32 : i32
          %add3A_202 = arith.addi %multiple_of3A_200, %add3A_201 : i32
          %swap3A_203 = arith.index_cast %add3A_202 : i32 to index
          %swap3A_204 = tpu.vector_load %arg13[%swap3A_203] {strides = array<i32>} : memref<49152xf32, #tpu.memory_space<vmem>>, vector<16xf32>,
          tpu.vector_store %arg13[%swap3A_203], %gather3A_197 {strides = array<i32>} : memref<49152xf32, #tpu.memory_space<vmem>>, vector<16xf32>,
          %add3A_205 = arith.constant 48 : i32
          %add3A_206 = vector.broadcast %add3A_205 : i32 to vector<16xi32>
          %add3A_207 = arith.addi %iota3A, %add3A_206 : vector<16xi32>
          %gather3A_208 = tpu.vector_load_idx %arg11[%add3A_207, %broadcast_in_dim3A_170] : memref<64x512xf32, #tpu.memory_space<vmem>>[vector<16xi32>, vector<16xi32>], vector<16xf32>,
          %mul3A_209 = arith.constant 64 : i32
          %mul3A_210 = arith.muli %min3A_172, %mul3A_209 : i32
          %multiple_of3A_211 = tpu.assume_multiple %mul3A_210, 64 : i32
          %add3A_212 = arith.constant 48 : i32
          %add3A_213 = arith.addi %multiple_of3A_211, %add3A_212 : i32
          %swap3A_214 = arith.index_cast %add3A_213 : i32 to index
          %swap3A_215 = tpu.vector_load %arg13[%swap3A_214] {strides = array<i32>} : memref<49152xf32, #tpu.memory_space<vmem>>, vector<16xf32>,
          tpu.vector_store %arg13[%swap3A_214], %gather3A_208 {strides = array<i32>} : memref<49152xf32, #tpu.memory_space<vmem>>, vector<16xf32>,
          %broadcast_in_dim3A_216 = vector.broadcast %min3A_172 : i32 to vector<16xi32>
          %broadcast_in_dim3A_217 = vector.broadcast %and3A_166 : i32 to vector<16xi32>
          %eq3A_218 = arith.constant 0 : i32
          %eq3A_219 = vector.broadcast %eq3A_218 : i32 to vector<16xi32>
          %eq3A_220 = arith.cmpi eq, %iota3A, %eq3A_219 : vector<16xi32>
          tpu.vector_store_idx %arg14[%broadcast_in_dim3A_216], %broadcast_in_dim3A_217 masked %eq3A_220 : memref<768xi32, #tpu.memory_space<vmem>>[vector<16xi32>], vector<16xi32>, vector<16xi1>
          %add3A_221 = arith.constant 1 : i32
          %add3A_222 = arith.addi %while3A_159, %add3A_221 : i32
          scf.yield %add3A_222 : i32
        }
        scf.yield %while3A_157 : i32
      } else {
        %dma_wait3A = arith.constant 0 : i32
        %dma_wait3A_134 = arith.constant 256 : i32
        %dma_wait3A_135 = tpu.memref_slice %arg11[%dma_wait3A, %dma_wait3A_134] : memref<64x512xf32, #tpu.memory_space<vmem>> -> memref<64x256xf32, #tpu.memory_space<vmem>>
        %dma_wait3A_136 = arith.constant 0 : i32
        %dma_wait3A_137 = arith.constant 0 : i32
        %dma_wait3A_138 = tpu.memref_slice %arg3[%dma_wait3A_136, %dma_wait3A_137] : memref<64x1000000xf32, #tpu.memory_space<hbm>> -> memref<64x256xf32, #tpu.memory_space<hbm>>
        %dma_wait3A_139 = arith.constant 0 : i32
        %dma_wait3A_140 = arith.constant 256 : i32
        %dma_wait3A_141 = tpu.memref_slice %arg11[%dma_wait3A_139, %dma_wait3A_140] : memref<64x512xf32, #tpu.memory_space<vmem>> -> memref<64x256xf32, #tpu.memory_space<vmem>>
        %dma_wait3A_142 = arith.constant 0 : i32
        %dma_wait3A_143 = arith.constant 0 : i32
        %dma_wait3A_144 = tpu.memref_slice %arg3[%dma_wait3A_142, %dma_wait3A_143] : memref<64x1000000xf32, #tpu.memory_space<hbm>> -> memref<64x256xf32, #tpu.memory_space<hbm>>
        tpu.wait_dma2 semaphore(%arg16 : memref<!tpu.dma_semaphore, #tpu.memory_space<semaphore_mem>>) src(%dma_wait3A_144 : memref<64x256xf32, #tpu.memory_space<hbm>>) dst(%dma_wait3A_141 : memref<64x256xf32, #tpu.memory_space<vmem>>)
        %get3A_145 = arith.index_cast %while3A_97 : i32 to index
        %get3A_146 = memref.load %arg10[%get3A_145] : memref<128xi32, #tpu.memory_space<smem>>
        %while3A_147 = arith.constant 0 : i32
        %while3A_148 = arith.subi %get3A_146, %while3A_147 : i32
        %while3A_149 = arith.addi %while3A_147, %while3A_148 : i32
        %while3A_150 = arith.constant 1 : i32
        %while3A_151 = arith.divsi %while3A_148, %while3A_150 : i32
        %while3A_152 = arith.muli %while3A_151, %while3A_150 : i32
        %while3A_153 = arith.addi %while3A_147, %while3A_152 : i32
        %while3A_154 = arith.constant 1 : i32
        %while3A_155 = scf.for %while3A_158 = %while3A_147 to %while3A_153 step %while3A_154 iter_args(%while3A_159 = %while3A_98) -> (i32)  : i32 {
          %mul3A_160 = arith.constant 32 : i32
          %mul3A_161 = arith.muli %while3A_97, %mul3A_160 : i32
          %add3A_162 = arith.addi %mul3A_161, %while3A_158 : i32
          %broadcast_in_dim3A = vector.broadcast %add3A_162 : i32 to vector<16xi32>
          %gather3A = tpu.vector_load_idx %arg9[%broadcast_in_dim3A] : memref<3968xi32, #tpu.memory_space<vmem>>[vector<16xi32>], vector<16xi32>,
          %slice3A_163 = vector.extract_strided_slice %gather3A {offsets = [0], sizes = [1], strides = [1]} : vector<16xi32> to vector<1xi32>
          %squeeze3A_164 = vector.extract %slice3A_163[0] : i32 from vector<1xi32>
          %and3A_165 = arith.constant 16383 : i32
          %and3A_166 = arith.andi %squeeze3A_164, %and3A_165 : i32
          %shift_right_logical3A = arith.constant 14 : i32
          %shift_right_logical3A_167 = arith.shrui %squeeze3A_164, %shift_right_logical3A : i32
          %add3A_168 = arith.constant 256 : i32
          %add3A_169 = arith.addi %shift_right_logical3A_167, %add3A_168 : i32
          %broadcast_in_dim3A_170 = vector.broadcast %add3A_169 : i32 to vector<16xi32>
          %min3A_171 = arith.constant 767 : i32
          %min3A_172 = arith.minsi %while3A_159, %min3A_171 : i32
          %add3A_173 = arith.constant 0 : i32
          %add3A_174 = vector.broadcast %add3A_173 : i32 to vector<16xi32>
          %add3A_175 = arith.addi %iota3A, %add3A_174 : vector<16xi32>
          %gather3A_176 = tpu.vector_load_idx %arg11[%add3A_175, %broadcast_in_dim3A_170] : memref<64x512xf32, #tpu.memory_space<vmem>>[vector<16xi32>, vector<16xi32>], vector<16xf32>,
          %mul3A_177 = arith.constant 64 : i32
          %mul3A_178 = arith.muli %min3A_172, %mul3A_177 : i32
          %multiple_of3A_179 = tpu.assume_multiple %mul3A_178, 64 : i32
          %add3A_180 = arith.constant 0 : i32
          %add3A_181 = arith.addi %multiple_of3A_179, %add3A_180 : i32
          %swap3A = arith.index_cast %add3A_181 : i32 to index
          %swap3A_182 = tpu.vector_load %arg13[%swap3A] {strides = array<i32>} : memref<49152xf32, #tpu.memory_space<vmem>>, vector<16xf32>,
          tpu.vector_store %arg13[%swap3A], %gather3A_176 {strides = array<i32>} : memref<49152xf32, #tpu.memory_space<vmem>>, vector<16xf32>,
          %add3A_183 = arith.constant 16 : i32
          %add3A_184 = vector.broadcast %add3A_183 : i32 to vector<16xi32>
          %add3A_185 = arith.addi %iota3A, %add3A_184 : vector<16xi32>
          %gather3A_186 = tpu.vector_load_idx %arg11[%add3A_185, %broadcast_in_dim3A_170] : memref<64x512xf32, #tpu.memory_space<vmem>>[vector<16xi32>, vector<16xi32>], vector<16xf32>,
          %mul3A_187 = arith.constant 64 : i32
          %mul3A_188 = arith.muli %min3A_172, %mul3A_187 : i32
          %multiple_of3A_189 = tpu.assume_multiple %mul3A_188, 64 : i32
          %add3A_190 = arith.constant 16 : i32
          %add3A_191 = arith.addi %multiple_of3A_189, %add3A_190 : i32
          %swap3A_192 = arith.index_cast %add3A_191 : i32 to index
          %swap3A_193 = tpu.vector_load %arg13[%swap3A_192] {strides = array<i32>} : memref<49152xf32, #tpu.memory_space<vmem>>, vector<16xf32>,
          tpu.vector_store %arg13[%swap3A_192], %gather3A_186 {strides = array<i32>} : memref<49152xf32, #tpu.memory_space<vmem>>, vector<16xf32>,
          %add3A_194 = arith.constant 32 : i32
          %add3A_195 = vector.broadcast %add3A_194 : i32 to vector<16xi32>
          %add3A_196 = arith.addi %iota3A, %add3A_195 : vector<16xi32>
          %gather3A_197 = tpu.vector_load_idx %arg11[%add3A_196, %broadcast_in_dim3A_170] : memref<64x512xf32, #tpu.memory_space<vmem>>[vector<16xi32>, vector<16xi32>], vector<16xf32>,
          %mul3A_198 = arith.constant 64 : i32
          %mul3A_199 = arith.muli %min3A_172, %mul3A_198 : i32
          %multiple_of3A_200 = tpu.assume_multiple %mul3A_199, 64 : i32
          %add3A_201 = arith.constant 32 : i32
          %add3A_202 = arith.addi %multiple_of3A_200, %add3A_201 : i32
          %swap3A_203 = arith.index_cast %add3A_202 : i32 to index
          %swap3A_204 = tpu.vector_load %arg13[%swap3A_203] {strides = array<i32>} : memref<49152xf32, #tpu.memory_space<vmem>>, vector<16xf32>,
          tpu.vector_store %arg13[%swap3A_203], %gather3A_197 {strides = array<i32>} : memref<49152xf32, #tpu.memory_space<vmem>>, vector<16xf32>,
          %add3A_205 = arith.constant 48 : i32
          %add3A_206 = vector.broadcast %add3A_205 : i32 to vector<16xi32>
          %add3A_207 = arith.addi %iota3A, %add3A_206 : vector<16xi32>
          %gather3A_208 = tpu.vector_load_idx %arg11[%add3A_207, %broadcast_in_dim3A_170] : memref<64x512xf32, #tpu.memory_space<vmem>>[vector<16xi32>, vector<16xi32>], vector<16xf32>,
          %mul3A_209 = arith.constant 64 : i32
          %mul3A_210 = arith.muli %min3A_172, %mul3A_209 : i32
          %multiple_of3A_211 = tpu.assume_multiple %mul3A_210, 64 : i32
          %add3A_212 = arith.constant 48 : i32
          %add3A_213 = arith.addi %multiple_of3A_211, %add3A_212 : i32
          %swap3A_214 = arith.index_cast %add3A_213 : i32 to index
          %swap3A_215 = tpu.vector_load %arg13[%swap3A_214] {strides = array<i32>} : memref<49152xf32, #tpu.memory_space<vmem>>, vector<16xf32>,
          tpu.vector_store %arg13[%swap3A_214], %gather3A_208 {strides = array<i32>} : memref<49152xf32, #tpu.memory_space<vmem>>, vector<16xf32>,
          %broadcast_in_dim3A_216 = vector.broadcast %min3A_172 : i32 to vector<16xi32>
          %broadcast_in_dim3A_217 = vector.broadcast %and3A_166 : i32 to vector<16xi32>
          %eq3A_218 = arith.constant 0 : i32
          %eq3A_219 = vector.broadcast %eq3A_218 : i32 to vector<16xi32>
          %eq3A_220 = arith.cmpi eq, %iota3A, %eq3A_219 : vector<16xi32>
          tpu.vector_store_idx %arg14[%broadcast_in_dim3A_216], %broadcast_in_dim3A_217 masked %eq3A_220 : memref<768xi32, #tpu.memory_space<vmem>>[vector<16xi32>], vector<16xi32>, vector<16xi1>
          %add3A_221 = arith.constant 1 : i32
          %add3A_222 = arith.addi %while3A_159, %add3A_221 : i32
          scf.yield %add3A_222 : i32
        }
        %while3A_156 = arith.constant 1 : i32
        %while3A_157 = scf.for %while3A_158 = %while3A_153 to %while3A_149 step %while3A_156 iter_args(%while3A_159 = %while3A_155) -> (i32)  : i32 {
          %mul3A_160 = arith.constant 32 : i32
          %mul3A_161 = arith.muli %while3A_97, %mul3A_160 : i32
          %add3A_162 = arith.addi %mul3A_161, %while3A_158 : i32
          %broadcast_in_dim3A = vector.broadcast %add3A_162 : i32 to vector<16xi32>
          %gather3A = tpu.vector_load_idx %arg9[%broadcast_in_dim3A] : memref<3968xi32, #tpu.memory_space<vmem>>[vector<16xi32>], vector<16xi32>,
          %slice3A_163 = vector.extract_strided_slice %gather3A {offsets = [0], sizes = [1], strides = [1]} : vector<16xi32> to vector<1xi32>
          %squeeze3A_164 = vector.extract %slice3A_163[0] : i32 from vector<1xi32>
          %and3A_165 = arith.constant 16383 : i32
          %and3A_166 = arith.andi %squeeze3A_164, %and3A_165 : i32
          %shift_right_logical3A = arith.constant 14 : i32
          %shift_right_logical3A_167 = arith.shrui %squeeze3A_164, %shift_right_logical3A : i32
          %add3A_168 = arith.constant 256 : i32
          %add3A_169 = arith.addi %shift_right_logical3A_167, %add3A_168 : i32
          %broadcast_in_dim3A_170 = vector.broadcast %add3A_169 : i32 to vector<16xi32>
          %min3A_171 = arith.constant 767 : i32
          %min3A_172 = arith.minsi %while3A_159, %min3A_171 : i32
          %add3A_173 = arith.constant 0 : i32
          %add3A_174 = vector.broadcast %add3A_173 : i32 to vector<16xi32>
          %add3A_175 = arith.addi %iota3A, %add3A_174 : vector<16xi32>
          %gather3A_176 = tpu.vector_load_idx %arg11[%add3A_175, %broadcast_in_dim3A_170] : memref<64x512xf32, #tpu.memory_space<vmem>>[vector<16xi32>, vector<16xi32>], vector<16xf32>,
          %mul3A_177 = arith.constant 64 : i32
          %mul3A_178 = arith.muli %min3A_172, %mul3A_177 : i32
          %multiple_of3A_179 = tpu.assume_multiple %mul3A_178, 64 : i32
          %add3A_180 = arith.constant 0 : i32
          %add3A_181 = arith.addi %multiple_of3A_179, %add3A_180 : i32
          %swap3A = arith.index_cast %add3A_181 : i32 to index
          %swap3A_182 = tpu.vector_load %arg13[%swap3A] {strides = array<i32>} : memref<49152xf32, #tpu.memory_space<vmem>>, vector<16xf32>,
          tpu.vector_store %arg13[%swap3A], %gather3A_176 {strides = array<i32>} : memref<49152xf32, #tpu.memory_space<vmem>>, vector<16xf32>,
          %add3A_183 = arith.constant 16 : i32
          %add3A_184 = vector.broadcast %add3A_183 : i32 to vector<16xi32>
          %add3A_185 = arith.addi %iota3A, %add3A_184 : vector<16xi32>
          %gather3A_186 = tpu.vector_load_idx %arg11[%add3A_185, %broadcast_in_dim3A_170] : memref<64x512xf32, #tpu.memory_space<vmem>>[vector<16xi32>, vector<16xi32>], vector<16xf32>,
          %mul3A_187 = arith.constant 64 : i32
          %mul3A_188 = arith.muli %min3A_172, %mul3A_187 : i32
          %multiple_of3A_189 = tpu.assume_multiple %mul3A_188, 64 : i32
          %add3A_190 = arith.constant 16 : i32
          %add3A_191 = arith.addi %multiple_of3A_189, %add3A_190 : i32
          %swap3A_192 = arith.index_cast %add3A_191 : i32 to index
          %swap3A_193 = tpu.vector_load %arg13[%swap3A_192] {strides = array<i32>} : memref<49152xf32, #tpu.memory_space<vmem>>, vector<16xf32>,
          tpu.vector_store %arg13[%swap3A_192], %gather3A_186 {strides = array<i32>} : memref<49152xf32, #tpu.memory_space<vmem>>, vector<16xf32>,
          %add3A_194 = arith.constant 32 : i32
          %add3A_195 = vector.broadcast %add3A_194 : i32 to vector<16xi32>
          %add3A_196 = arith.addi %iota3A, %add3A_195 : vector<16xi32>
          %gather3A_197 = tpu.vector_load_idx %arg11[%add3A_196, %broadcast_in_dim3A_170] : memref<64x512xf32, #tpu.memory_space<vmem>>[vector<16xi32>, vector<16xi32>], vector<16xf32>,
          %mul3A_198 = arith.constant 64 : i32
          %mul3A_199 = arith.muli %min3A_172, %mul3A_198 : i32
          %multiple_of3A_200 = tpu.assume_multiple %mul3A_199, 64 : i32
          %add3A_201 = arith.constant 32 : i32
          %add3A_202 = arith.addi %multiple_of3A_200, %add3A_201 : i32
          %swap3A_203 = arith.index_cast %add3A_202 : i32 to index
          %swap3A_204 = tpu.vector_load %arg13[%swap3A_203] {strides = array<i32>} : memref<49152xf32, #tpu.memory_space<vmem>>, vector<16xf32>,
          tpu.vector_store %arg13[%swap3A_203], %gather3A_197 {strides = array<i32>} : memref<49152xf32, #tpu.memory_space<vmem>>, vector<16xf32>,
          %add3A_205 = arith.constant 48 : i32
          %add3A_206 = vector.broadcast %add3A_205 : i32 to vector<16xi32>
          %add3A_207 = arith.addi %iota3A, %add3A_206 : vector<16xi32>
          %gather3A_208 = tpu.vector_load_idx %arg11[%add3A_207, %broadcast_in_dim3A_170] : memref<64x512xf32, #tpu.memory_space<vmem>>[vector<16xi32>, vector<16xi32>], vector<16xf32>,
          %mul3A_209 = arith.constant 64 : i32
          %mul3A_210 = arith.muli %min3A_172, %mul3A_209 : i32
          %multiple_of3A_211 = tpu.assume_multiple %mul3A_210, 64 : i32
          %add3A_212 = arith.constant 48 : i32
          %add3A_213 = arith.addi %multiple_of3A_211, %add3A_212 : i32
          %swap3A_214 = arith.index_cast %add3A_213 : i32 to index
          %swap3A_215 = tpu.vector_load %arg13[%swap3A_214] {strides = array<i32>} : memref<49152xf32, #tpu.memory_space<vmem>>, vector<16xf32>,
          tpu.vector_store %arg13[%swap3A_214], %gather3A_208 {strides = array<i32>} : memref<49152xf32, #tpu.memory_space<vmem>>, vector<16xf32>,
          %broadcast_in_dim3A_216 = vector.broadcast %min3A_172 : i32 to vector<16xi32>
          %broadcast_in_dim3A_217 = vector.broadcast %and3A_166 : i32 to vector<16xi32>
          %eq3A_218 = arith.constant 0 : i32
          %eq3A_219 = vector.broadcast %eq3A_218 : i32 to vector<16xi32>
          %eq3A_220 = arith.cmpi eq, %iota3A, %eq3A_219 : vector<16xi32>
          tpu.vector_store_idx %arg14[%broadcast_in_dim3A_216], %broadcast_in_dim3A_217 masked %eq3A_220 : memref<768xi32, #tpu.memory_space<vmem>>[vector<16xi32>], vector<16xi32>, vector<16xi1>
          %add3A_221 = arith.constant 1 : i32
          %add3A_222 = arith.addi %while3A_159, %add3A_221 : i32
          scf.yield %add3A_222 : i32
        }
        scf.yield %while3A_157 : i32
      }
      scf.yield %cond3A_133 : i32
    }
    %eq3A = arith.constant 2 : i32
    %eq3A_51 = arith.cmpi eq, %add3A, %eq3A : i32
    %convert_element_type3A = arith.extui %eq3A_51 : i1 to i32
    %cond3A = arith.constant 0 : i32
    %cond3A_52 = arith.cmpi ne, %convert_element_type3A, %cond3A : i32
    %cond3A_53 = scf.if %cond3A_52 -> (i32) {
      tpu.enqueue_dma source(%arg4 : memref<64x64xf32, #tpu.memory_space<hbm>>) target(%arg12 : memref<64x64xf32, #tpu.memory_space<vmem>>) target_semaphore(%arg15 : memref<!tpu.dma_semaphore, #tpu.memory_space<semaphore_mem>>)
      tpu.wait_dma2 semaphore(%arg15 : memref<!tpu.dma_semaphore, #tpu.memory_space<semaphore_mem>>) src(%arg4 : memref<64x64xf32, #tpu.memory_space<hbm>>) dst(%arg12 : memref<64x64xf32, #tpu.memory_space<vmem>>)
      %get3A_97 = arith.constant 122 : i32
      %get3A_98 = arith.index_cast %get3A_97 : i32 to index
      %get3A_99 = memref.load %arg10[%get3A_98] : memref<128xi32, #tpu.memory_space<smem>>
      %while3A_100 = arith.constant 122 : i32
      %while3A_101 = arith.constant 0 : i32
      %while3A_102 = arith.subi %get3A_99, %while3A_101 : i32
      %while3A_103 = arith.addi %while3A_101, %while3A_102 : i32
      %while3A_104 = arith.constant 1 : i32
      %while3A_105 = arith.divsi %while3A_102, %while3A_104 : i32
      %while3A_106 = arith.muli %while3A_105, %while3A_104 : i32
      %while3A_107 = arith.addi %while3A_101, %while3A_106 : i32
      %while3A_108 = arith.constant 1 : i32
      %while3A_109 = scf.for %while3A_112 = %while3A_101 to %while3A_107 step %while3A_108 iter_args(%while3A_113 = %while3A_50) -> (i32)  : i32 {
        %mul3A_114 = arith.constant 32 : i32
        %mul3A_115 = arith.muli %while3A_100, %mul3A_114 : i32
        %add3A_116 = arith.addi %mul3A_115, %while3A_112 : i32
        %broadcast_in_dim3A = vector.broadcast %add3A_116 : i32 to vector<16xi32>
        %gather3A = tpu.vector_load_idx %arg9[%broadcast_in_dim3A] : memref<3968xi32, #tpu.memory_space<vmem>>[vector<16xi32>], vector<16xi32>,
        %slice3A_117 = vector.extract_strided_slice %gather3A {offsets = [0], sizes = [1], strides = [1]} : vector<16xi32> to vector<1xi32>
        %squeeze3A_118 = vector.extract %slice3A_117[0] : i32 from vector<1xi32>
        %and3A_119 = arith.constant 16383 : i32
        %and3A_120 = arith.andi %squeeze3A_118, %and3A_119 : i32
        %shift_right_logical3A = arith.constant 14 : i32
        %shift_right_logical3A_121 = arith.shrui %squeeze3A_118, %shift_right_logical3A : i32
        %add3A_122 = arith.constant 0 : i32
        %add3A_123 = arith.addi %shift_right_logical3A_121, %add3A_122 : i32
        %broadcast_in_dim3A_124 = vector.broadcast %add3A_123 : i32 to vector<16xi32>
        %min3A_125 = arith.constant 767 : i32
        %min3A_126 = arith.minsi %while3A_113, %min3A_125 : i32
        %add3A_127 = arith.constant 0 : i32
        %add3A_128 = vector.broadcast %add3A_127 : i32 to vector<16xi32>
        %add3A_129 = arith.addi %iota3A, %add3A_128 : vector<16xi32>
        %gather3A_130 = tpu.vector_load_idx %arg12[%add3A_129, %broadcast_in_dim3A_124] : memref<64x64xf32, #tpu.memory_space<vmem>>[vector<16xi32>, vector<16xi32>], vector<16xf32>,
        %mul3A_131 = arith.constant 64 : i32
        %mul3A_132 = arith.muli %min3A_126, %mul3A_131 : i32
        %multiple_of3A_133 = tpu.assume_multiple %mul3A_132, 64 : i32
        %add3A_134 = arith.constant 0 : i32
        %add3A_135 = arith.addi %multiple_of3A_133, %add3A_134 : i32
        %swap3A = arith.index_cast %add3A_135 : i32 to index
        %swap3A_136 = tpu.vector_load %arg13[%swap3A] {strides = array<i32>} : memref<49152xf32, #tpu.memory_space<vmem>>, vector<16xf32>,
        tpu.vector_store %arg13[%swap3A], %gather3A_130 {strides = array<i32>} : memref<49152xf32, #tpu.memory_space<vmem>>, vector<16xf32>,
        %add3A_137 = arith.constant 16 : i32
        %add3A_138 = vector.broadcast %add3A_137 : i32 to vector<16xi32>
        %add3A_139 = arith.addi %iota3A, %add3A_138 : vector<16xi32>
        %gather3A_140 = tpu.vector_load_idx %arg12[%add3A_139, %broadcast_in_dim3A_124] : memref<64x64xf32, #tpu.memory_space<vmem>>[vector<16xi32>, vector<16xi32>], vector<16xf32>,
        %mul3A_141 = arith.constant 64 : i32
        %mul3A_142 = arith.muli %min3A_126, %mul3A_141 : i32
        %multiple_of3A_143 = tpu.assume_multiple %mul3A_142, 64 : i32
        %add3A_144 = arith.constant 16 : i32
        %add3A_145 = arith.addi %multiple_of3A_143, %add3A_144 : i32
        %swap3A_146 = arith.index_cast %add3A_145 : i32 to index
        %swap3A_147 = tpu.vector_load %arg13[%swap3A_146] {strides = array<i32>} : memref<49152xf32, #tpu.memory_space<vmem>>, vector<16xf32>,
        tpu.vector_store %arg13[%swap3A_146], %gather3A_140 {strides = array<i32>} : memref<49152xf32, #tpu.memory_space<vmem>>, vector<16xf32>,
        %add3A_148 = arith.constant 32 : i32
        %add3A_149 = vector.broadcast %add3A_148 : i32 to vector<16xi32>
        %add3A_150 = arith.addi %iota3A, %add3A_149 : vector<16xi32>
        %gather3A_151 = tpu.vector_load_idx %arg12[%add3A_150, %broadcast_in_dim3A_124] : memref<64x64xf32, #tpu.memory_space<vmem>>[vector<16xi32>, vector<16xi32>], vector<16xf32>,
        %mul3A_152 = arith.constant 64 : i32
        %mul3A_153 = arith.muli %min3A_126, %mul3A_152 : i32
        %multiple_of3A_154 = tpu.assume_multiple %mul3A_153, 64 : i32
        %add3A_155 = arith.constant 32 : i32
        %add3A_156 = arith.addi %multiple_of3A_154, %add3A_155 : i32
        %swap3A_157 = arith.index_cast %add3A_156 : i32 to index
        %swap3A_158 = tpu.vector_load %arg13[%swap3A_157] {strides = array<i32>} : memref<49152xf32, #tpu.memory_space<vmem>>, vector<16xf32>,
        tpu.vector_store %arg13[%swap3A_157], %gather3A_151 {strides = array<i32>} : memref<49152xf32, #tpu.memory_space<vmem>>, vector<16xf32>,
        %add3A_159 = arith.constant 48 : i32
        %add3A_160 = vector.broadcast %add3A_159 : i32 to vector<16xi32>
        %add3A_161 = arith.addi %iota3A, %add3A_160 : vector<16xi32>
        %gather3A_162 = tpu.vector_load_idx %arg12[%add3A_161, %broadcast_in_dim3A_124] : memref<64x64xf32, #tpu.memory_space<vmem>>[vector<16xi32>, vector<16xi32>], vector<16xf32>,
        %mul3A_163 = arith.constant 64 : i32
        %mul3A_164 = arith.muli %min3A_126, %mul3A_163 : i32
        %multiple_of3A_165 = tpu.assume_multiple %mul3A_164, 64 : i32
        %add3A_166 = arith.constant 48 : i32
        %add3A_167 = arith.addi %multiple_of3A_165, %add3A_166 : i32
        %swap3A_168 = arith.index_cast %add3A_167 : i32 to index
        %swap3A_169 = tpu.vector_load %arg13[%swap3A_168] {strides = array<i32>} : memref<49152xf32, #tpu.memory_space<vmem>>, vector<16xf32>,
        tpu.vector_store %arg13[%swap3A_168], %gather3A_162 {strides = array<i32>} : memref<49152xf32, #tpu.memory_space<vmem>>, vector<16xf32>,
        %broadcast_in_dim3A_170 = vector.broadcast %min3A_126 : i32 to vector<16xi32>
        %broadcast_in_dim3A_171 = vector.broadcast %and3A_120 : i32 to vector<16xi32>
        %eq3A_172 = arith.constant 0 : i32
        %eq3A_173 = vector.broadcast %eq3A_172 : i32 to vector<16xi32>
        %eq3A_174 = arith.cmpi eq, %iota3A, %eq3A_173 : vector<16xi32>
        tpu.vector_store_idx %arg14[%broadcast_in_dim3A_170], %broadcast_in_dim3A_171 masked %eq3A_174 : memref<768xi32, #tpu.memory_space<vmem>>[vector<16xi32>], vector<16xi32>, vector<16xi1>
        %add3A_175 = arith.constant 1 : i32
        %add3A_176 = arith.addi %while3A_113, %add3A_175 : i32
        scf.yield %add3A_176 : i32
      }
      %while3A_110 = arith.constant 1 : i32
      %while3A_111 = scf.for %while3A_112 = %while3A_107 to %while3A_103 step %while3A_110 iter_args(%while3A_113 = %while3A_109) -> (i32)  : i32 {
        %mul3A_114 = arith.constant 32 : i32
        %mul3A_115 = arith.muli %while3A_100, %mul3A_114 : i32
        %add3A_116 = arith.addi %mul3A_115, %while3A_112 : i32
        %broadcast_in_dim3A = vector.broadcast %add3A_116 : i32 to vector<16xi32>
        %gather3A = tpu.vector_load_idx %arg9[%broadcast_in_dim3A] : memref<3968xi32, #tpu.memory_space<vmem>>[vector<16xi32>], vector<16xi32>,
        %slice3A_117 = vector.extract_strided_slice %gather3A {offsets = [0], sizes = [1], strides = [1]} : vector<16xi32> to vector<1xi32>
        %squeeze3A_118 = vector.extract %slice3A_117[0] : i32 from vector<1xi32>
        %and3A_119 = arith.constant 16383 : i32
        %and3A_120 = arith.andi %squeeze3A_118, %and3A_119 : i32
        %shift_right_logical3A = arith.constant 14 : i32
        %shift_right_logical3A_121 = arith.shrui %squeeze3A_118, %shift_right_logical3A : i32
        %add3A_122 = arith.constant 0 : i32
        %add3A_123 = arith.addi %shift_right_logical3A_121, %add3A_122 : i32
        %broadcast_in_dim3A_124 = vector.broadcast %add3A_123 : i32 to vector<16xi32>
        %min3A_125 = arith.constant 767 : i32
        %min3A_126 = arith.minsi %while3A_113, %min3A_125 : i32
        %add3A_127 = arith.constant 0 : i32
        %add3A_128 = vector.broadcast %add3A_127 : i32 to vector<16xi32>
        %add3A_129 = arith.addi %iota3A, %add3A_128 : vector<16xi32>
        %gather3A_130 = tpu.vector_load_idx %arg12[%add3A_129, %broadcast_in_dim3A_124] : memref<64x64xf32, #tpu.memory_space<vmem>>[vector<16xi32>, vector<16xi32>], vector<16xf32>,
        %mul3A_131 = arith.constant 64 : i32
        %mul3A_132 = arith.muli %min3A_126, %mul3A_131 : i32
        %multiple_of3A_133 = tpu.assume_multiple %mul3A_132, 64 : i32
        %add3A_134 = arith.constant 0 : i32
        %add3A_135 = arith.addi %multiple_of3A_133, %add3A_134 : i32
        %swap3A = arith.index_cast %add3A_135 : i32 to index
        %swap3A_136 = tpu.vector_load %arg13[%swap3A] {strides = array<i32>} : memref<49152xf32, #tpu.memory_space<vmem>>, vector<16xf32>,
        tpu.vector_store %arg13[%swap3A], %gather3A_130 {strides = array<i32>} : memref<49152xf32, #tpu.memory_space<vmem>>, vector<16xf32>,
        %add3A_137 = arith.constant 16 : i32
        %add3A_138 = vector.broadcast %add3A_137 : i32 to vector<16xi32>
        %add3A_139 = arith.addi %iota3A, %add3A_138 : vector<16xi32>
        %gather3A_140 = tpu.vector_load_idx %arg12[%add3A_139, %broadcast_in_dim3A_124] : memref<64x64xf32, #tpu.memory_space<vmem>>[vector<16xi32>, vector<16xi32>], vector<16xf32>,
        %mul3A_141 = arith.constant 64 : i32
        %mul3A_142 = arith.muli %min3A_126, %mul3A_141 : i32
        %multiple_of3A_143 = tpu.assume_multiple %mul3A_142, 64 : i32
        %add3A_144 = arith.constant 16 : i32
        %add3A_145 = arith.addi %multiple_of3A_143, %add3A_144 : i32
        %swap3A_146 = arith.index_cast %add3A_145 : i32 to index
        %swap3A_147 = tpu.vector_load %arg13[%swap3A_146] {strides = array<i32>} : memref<49152xf32, #tpu.memory_space<vmem>>, vector<16xf32>,
        tpu.vector_store %arg13[%swap3A_146], %gather3A_140 {strides = array<i32>} : memref<49152xf32, #tpu.memory_space<vmem>>, vector<16xf32>,
        %add3A_148 = arith.constant 32 : i32
        %add3A_149 = vector.broadcast %add3A_148 : i32 to vector<16xi32>
        %add3A_150 = arith.addi %iota3A, %add3A_149 : vector<16xi32>
        %gather3A_151 = tpu.vector_load_idx %arg12[%add3A_150, %broadcast_in_dim3A_124] : memref<64x64xf32, #tpu.memory_space<vmem>>[vector<16xi32>, vector<16xi32>], vector<16xf32>,
        %mul3A_152 = arith.constant 64 : i32
        %mul3A_153 = arith.muli %min3A_126, %mul3A_152 : i32
        %multiple_of3A_154 = tpu.assume_multiple %mul3A_153, 64 : i32
        %add3A_155 = arith.constant 32 : i32
        %add3A_156 = arith.addi %multiple_of3A_154, %add3A_155 : i32
        %swap3A_157 = arith.index_cast %add3A_156 : i32 to index
        %swap3A_158 = tpu.vector_load %arg13[%swap3A_157] {strides = array<i32>} : memref<49152xf32, #tpu.memory_space<vmem>>, vector<16xf32>,
        tpu.vector_store %arg13[%swap3A_157], %gather3A_151 {strides = array<i32>} : memref<49152xf32, #tpu.memory_space<vmem>>, vector<16xf32>,
        %add3A_159 = arith.constant 48 : i32
        %add3A_160 = vector.broadcast %add3A_159 : i32 to vector<16xi32>
        %add3A_161 = arith.addi %iota3A, %add3A_160 : vector<16xi32>
        %gather3A_162 = tpu.vector_load_idx %arg12[%add3A_161, %broadcast_in_dim3A_124] : memref<64x64xf32, #tpu.memory_space<vmem>>[vector<16xi32>, vector<16xi32>], vector<16xf32>,
        %mul3A_163 = arith.constant 64 : i32
        %mul3A_164 = arith.muli %min3A_126, %mul3A_163 : i32
        %multiple_of3A_165 = tpu.assume_multiple %mul3A_164, 64 : i32
        %add3A_166 = arith.constant 48 : i32
        %add3A_167 = arith.addi %multiple_of3A_165, %add3A_166 : i32
        %swap3A_168 = arith.index_cast %add3A_167 : i32 to index
        %swap3A_169 = tpu.vector_load %arg13[%swap3A_168] {strides = array<i32>} : memref<49152xf32, #tpu.memory_space<vmem>>, vector<16xf32>,
        tpu.vector_store %arg13[%swap3A_168], %gather3A_162 {strides = array<i32>} : memref<49152xf32, #tpu.memory_space<vmem>>, vector<16xf32>,
        %broadcast_in_dim3A_170 = vector.broadcast %min3A_126 : i32 to vector<16xi32>
        %broadcast_in_dim3A_171 = vector.broadcast %and3A_120 : i32 to vector<16xi32>
        %eq3A_172 = arith.constant 0 : i32
        %eq3A_173 = vector.broadcast %eq3A_172 : i32 to vector<16xi32>
        %eq3A_174 = arith.cmpi eq, %iota3A, %eq3A_173 : vector<16xi32>
        tpu.vector_store_idx %arg14[%broadcast_in_dim3A_170], %broadcast_in_dim3A_171 masked %eq3A_174 : memref<768xi32, #tpu.memory_space<vmem>>[vector<16xi32>], vector<16xi32>, vector<16xi1>
        %add3A_175 = arith.constant 1 : i32
        %add3A_176 = arith.addi %while3A_113, %add3A_175 : i32
        scf.yield %add3A_176 : i32
      }
      scf.yield %while3A_111 : i32
    } else {
      scf.yield %while3A_50 : i32
    }
    %add3A_54 = arith.constant 15 : i32
    %add3A_55 = arith.addi %cond3A_53, %add3A_54 : i32
    %and3A = arith.constant -16 : i32
    %and3A_56 = arith.andi %add3A_55, %and3A : i32
    %min3A = arith.constant 768 : i32
    %min3A_57 = arith.minsi %and3A_56, %min3A : i32
    %get3A = arith.constant 0 : index
    %get3A_58 = tpu.vector_load %arg14[%get3A] {strides = array<i32>} : memref<768xi32, #tpu.memory_space<vmem>>, vector<16xi32>,
    %slice3A = vector.extract_strided_slice %get3A_58 {offsets = [0], sizes = [1], strides = [1]} : vector<16xi32> to vector<1xi32>
    %squeeze3A = vector.extract %slice3A[0] : i32 from vector<1xi32>
    %while3A_59 = arith.constant 0 : i32
    %while3A_60 = arith.subi %min3A_57, %cond3A_53 : i32
    %while3A_61 = arith.addi %cond3A_53, %while3A_60 : i32
    %while3A_62 = arith.constant 1 : i32
    %while3A_63 = arith.divsi %while3A_60, %while3A_62 : i32
    %while3A_64 = arith.muli %while3A_63, %while3A_62 : i32
    %while3A_65 = arith.addi %cond3A_53, %while3A_64 : i32
    %while3A_66 = arith.constant 1 : i32
    scf.for %while3A_97 = %cond3A_53 to %while3A_65 step %while3A_66  : i32 {
      %get3A_98 = arith.constant 0 : index
      %get3A_99 = tpu.vector_load %arg13[%get3A_98] {strides = array<i32>} : memref<49152xf32, #tpu.memory_space<vmem>>, vector<16xf32>,
      %mul3A_100 = arith.constant 64 : i32
      %mul3A_101 = arith.muli %while3A_97, %mul3A_100 : i32
      %multiple_of3A_102 = tpu.assume_multiple %mul3A_101, 64 : i32
      %add3A_103 = arith.constant 0 : i32
      %add3A_104 = arith.addi %multiple_of3A_102, %add3A_103 : i32
      %swap3A = arith.index_cast %add3A_104 : i32 to index
      %swap3A_105 = tpu.vector_load %arg13[%swap3A] {strides = array<i32>} : memref<49152xf32, #tpu.memory_space<vmem>>, vector<16xf32>,
      tpu.vector_store %arg13[%swap3A], %get3A_99 {strides = array<i32>} : memref<49152xf32, #tpu.memory_space<vmem>>, vector<16xf32>,
      %get3A_106 = arith.constant 16 : index
      %get3A_107 = tpu.vector_load %arg13[%get3A_106] {strides = array<i32>} : memref<49152xf32, #tpu.memory_space<vmem>>, vector<16xf32>,
      %mul3A_108 = arith.constant 64 : i32
      %mul3A_109 = arith.muli %while3A_97, %mul3A_108 : i32
      %multiple_of3A_110 = tpu.assume_multiple %mul3A_109, 64 : i32
      %add3A_111 = arith.constant 16 : i32
      %add3A_112 = arith.addi %multiple_of3A_110, %add3A_111 : i32
      %swap3A_113 = arith.index_cast %add3A_112 : i32 to index
      %swap3A_114 = tpu.vector_load %arg13[%swap3A_113] {strides = array<i32>} : memref<49152xf32, #tpu.memory_space<vmem>>, vector<16xf32>,
      tpu.vector_store %arg13[%swap3A_113], %get3A_107 {strides = array<i32>} : memref<49152xf32, #tpu.memory_space<vmem>>, vector<16xf32>,
      %get3A_115 = arith.constant 32 : index
      %get3A_116 = tpu.vector_load %arg13[%get3A_115] {strides = array<i32>} : memref<49152xf32, #tpu.memory_space<vmem>>, vector<16xf32>,
      %mul3A_117 = arith.constant 64 : i32
      %mul3A_118 = arith.muli %while3A_97, %mul3A_117 : i32
      %multiple_of3A_119 = tpu.assume_multiple %mul3A_118, 64 : i32
      %add3A_120 = arith.constant 32 : i32
      %add3A_121 = arith.addi %multiple_of3A_119, %add3A_120 : i32
      %swap3A_122 = arith.index_cast %add3A_121 : i32 to index
      %swap3A_123 = tpu.vector_load %arg13[%swap3A_122] {strides = array<i32>} : memref<49152xf32, #tpu.memory_space<vmem>>, vector<16xf32>,
      tpu.vector_store %arg13[%swap3A_122], %get3A_116 {strides = array<i32>} : memref<49152xf32, #tpu.memory_space<vmem>>, vector<16xf32>,
      %get3A_124 = arith.constant 48 : index
      %get3A_125 = tpu.vector_load %arg13[%get3A_124] {strides = array<i32>} : memref<49152xf32, #tpu.memory_space<vmem>>, vector<16xf32>,
      %mul3A_126 = arith.constant 64 : i32
      %mul3A_127 = arith.muli %while3A_97, %mul3A_126 : i32
      %multiple_of3A_128 = tpu.assume_multiple %mul3A_127, 64 : i32
      %add3A_129 = arith.constant 48 : i32
      %add3A_130 = arith.addi %multiple_of3A_128, %add3A_129 : i32
      %swap3A_131 = arith.index_cast %add3A_130 : i32 to index
      %swap3A_132 = tpu.vector_load %arg13[%swap3A_131] {strides = array<i32>} : memref<49152xf32, #tpu.memory_space<vmem>>, vector<16xf32>,
      tpu.vector_store %arg13[%swap3A_131], %get3A_125 {strides = array<i32>} : memref<49152xf32, #tpu.memory_space<vmem>>, vector<16xf32>,
      %broadcast_in_dim3A = vector.broadcast %while3A_97 : i32 to vector<16xi32>
      %broadcast_in_dim3A_133 = vector.broadcast %squeeze3A : i32 to vector<16xi32>
      %eq3A_134 = arith.constant 0 : i32
      %eq3A_135 = vector.broadcast %eq3A_134 : i32 to vector<16xi32>
      %eq3A_136 = arith.cmpi eq, %iota3A, %eq3A_135 : vector<16xi32>
      tpu.vector_store_idx %arg14[%broadcast_in_dim3A], %broadcast_in_dim3A_133 masked %eq3A_136 : memref<768xi32, #tpu.memory_space<vmem>>[vector<16xi32>], vector<16xi32>, vector<16xi1>
    }
    %while3A_67 = arith.constant 1 : i32
    scf.for %while3A_97 = %while3A_65 to %while3A_61 step %while3A_67  : i32 {
      %get3A_98 = arith.constant 0 : index
      %get3A_99 = tpu.vector_load %arg13[%get3A_98] {strides = array<i32>} : memref<49152xf32, #tpu.memory_space<vmem>>, vector<16xf32>,
      %mul3A_100 = arith.constant 64 : i32
      %mul3A_101 = arith.muli %while3A_97, %mul3A_100 : i32
      %multiple_of3A_102 = tpu.assume_multiple %mul3A_101, 64 : i32
      %add3A_103 = arith.constant 0 : i32
      %add3A_104 = arith.addi %multiple_of3A_102, %add3A_103 : i32
      %swap3A = arith.index_cast %add3A_104 : i32 to index
      %swap3A_105 = tpu.vector_load %arg13[%swap3A] {strides = array<i32>} : memref<49152xf32, #tpu.memory_space<vmem>>, vector<16xf32>,
      tpu.vector_store %arg13[%swap3A], %get3A_99 {strides = array<i32>} : memref<49152xf32, #tpu.memory_space<vmem>>, vector<16xf32>,
      %get3A_106 = arith.constant 16 : index
      %get3A_107 = tpu.vector_load %arg13[%get3A_106] {strides = array<i32>} : memref<49152xf32, #tpu.memory_space<vmem>>, vector<16xf32>,
      %mul3A_108 = arith.constant 64 : i32
      %mul3A_109 = arith.muli %while3A_97, %mul3A_108 : i32
      %multiple_of3A_110 = tpu.assume_multiple %mul3A_109, 64 : i32
      %add3A_111 = arith.constant 16 : i32
      %add3A_112 = arith.addi %multiple_of3A_110, %add3A_111 : i32
      %swap3A_113 = arith.index_cast %add3A_112 : i32 to index
      %swap3A_114 = tpu.vector_load %arg13[%swap3A_113] {strides = array<i32>} : memref<49152xf32, #tpu.memory_space<vmem>>, vector<16xf32>,
      tpu.vector_store %arg13[%swap3A_113], %get3A_107 {strides = array<i32>} : memref<49152xf32, #tpu.memory_space<vmem>>, vector<16xf32>,
      %get3A_115 = arith.constant 32 : index
      %get3A_116 = tpu.vector_load %arg13[%get3A_115] {strides = array<i32>} : memref<49152xf32, #tpu.memory_space<vmem>>, vector<16xf32>,
      %mul3A_117 = arith.constant 64 : i32
      %mul3A_118 = arith.muli %while3A_97, %mul3A_117 : i32
      %multiple_of3A_119 = tpu.assume_multiple %mul3A_118, 64 : i32
      %add3A_120 = arith.constant 32 : i32
      %add3A_121 = arith.addi %multiple_of3A_119, %add3A_120 : i32
      %swap3A_122 = arith.index_cast %add3A_121 : i32 to index
      %swap3A_123 = tpu.vector_load %arg13[%swap3A_122] {strides = array<i32>} : memref<49152xf32, #tpu.memory_space<vmem>>, vector<16xf32>,
      tpu.vector_store %arg13[%swap3A_122], %get3A_116 {strides = array<i32>} : memref<49152xf32, #tpu.memory_space<vmem>>, vector<16xf32>,
      %get3A_124 = arith.constant 48 : index
      %get3A_125 = tpu.vector_load %arg13[%get3A_124] {strides = array<i32>} : memref<49152xf32, #tpu.memory_space<vmem>>, vector<16xf32>,
      %mul3A_126 = arith.constant 64 : i32
      %mul3A_127 = arith.muli %while3A_97, %mul3A_126 : i32
      %multiple_of3A_128 = tpu.assume_multiple %mul3A_127, 64 : i32
      %add3A_129 = arith.constant 48 : i32
      %add3A_130 = arith.addi %multiple_of3A_128, %add3A_129 : i32
      %swap3A_131 = arith.index_cast %add3A_130 : i32 to index
      %swap3A_132 = tpu.vector_load %arg13[%swap3A_131] {strides = array<i32>} : memref<49152xf32, #tpu.memory_space<vmem>>, vector<16xf32>,
      tpu.vector_store %arg13[%swap3A_131], %get3A_125 {strides = array<i32>} : memref<49152xf32, #tpu.memory_space<vmem>>, vector<16xf32>,
      %broadcast_in_dim3A = vector.broadcast %while3A_97 : i32 to vector<16xi32>
      %broadcast_in_dim3A_133 = vector.broadcast %squeeze3A : i32 to vector<16xi32>
      %eq3A_134 = arith.constant 0 : i32
      %eq3A_135 = vector.broadcast %eq3A_134 : i32 to vector<16xi32>
      %eq3A_136 = arith.cmpi eq, %iota3A, %eq3A_135 : vector<16xi32>
      tpu.vector_store_idx %arg14[%broadcast_in_dim3A], %broadcast_in_dim3A_133 masked %eq3A_136 : memref<768xi32, #tpu.memory_space<vmem>>[vector<16xi32>], vector<16xi32>, vector<16xi1>
    }
    %jit3A_68 = arith.constant 16 : i32
    %div3A = arith.divsi %min3A_57, %jit3A_68 : i32
    %sign3A = arith.constant 0 : i32
    %sign3A_69 = arith.cmpi sgt, %min3A_57, %sign3A : i32
    %sign3A_70 = arith.extui %sign3A_69 : i1 to i32
    %sign3A_71 = arith.constant 0 : i32
    %sign3A_72 = arith.cmpi slt, %min3A_57, %sign3A_71 : i32
    %sign3A_73 = arith.extui %sign3A_72 : i1 to i32
    %sign3A_74 = arith.subi %sign3A_70, %sign3A_73 : i32
    %sign3A_75 = arith.constant 0 : i32
    %sign3A_76 = arith.cmpi sgt, %jit3A_68, %sign3A_75 : i32
    %sign3A_77 = arith.extui %sign3A_76 : i1 to i32
    %sign3A_78 = arith.constant 0 : i32
    %sign3A_79 = arith.cmpi slt, %jit3A_68, %sign3A_78 : i32
    %sign3A_80 = arith.extui %sign3A_79 : i1 to i32
    %sign3A_81 = arith.subi %sign3A_77, %sign3A_80 : i32
    %ne3A = arith.cmpi ne, %sign3A_74, %sign3A_81 : i32
    %rem3A = arith.remsi %min3A_57, %jit3A_68 : i32
    %ne3A_82 = arith.constant 0 : i32
    %ne3A_83 = arith.cmpi ne, %rem3A, %ne3A_82 : i32
    %and3A_84 = arith.andi %ne3A, %ne3A_83 : i1
    %sub3A = arith.constant 1 : i32
    %sub3A_85 = arith.subi %div3A, %sub3A : i32
    %select_n3A_86 = arith.select %and3A_84, %sub3A_85, %div3A : i32
    %while3A_87 = arith.constant 0 : i32
    %while3A_88 = arith.constant 0 : i32
    %while3A_89 = arith.subi %select_n3A_86, %while3A_88 : i32
    %while3A_90 = arith.addi %while3A_88, %while3A_89 : i32
    %while3A_91 = arith.constant 1 : i32
    %while3A_92 = arith.divsi %while3A_89, %while3A_91 : i32
    %while3A_93 = arith.muli %while3A_92, %while3A_91 : i32
    %while3A_94 = arith.addi %while3A_88, %while3A_93 : i32
    %while3A_95 = arith.constant 1 : i32
    scf.for %while3A_97 = %while3A_88 to %while3A_94 step %while3A_95  : i32 {
      %mul3A_98 = arith.constant 16 : i32
      %mul3A_99 = arith.muli %while3A_97, %mul3A_98 : i32
      %multiple_of3A_100 = tpu.assume_multiple %mul3A_99, 16 : i32
      %get3A_101 = arith.index_cast %multiple_of3A_100 : i32 to index
      %get3A_102 = tpu.vector_load %arg14[%get3A_101] {strides = array<i32>} : memref<768xi32, #tpu.memory_space<vmem>>, vector<16xi32>,
      %mul3A_103 = arith.constant 64 : i32
      %mul3A_104 = vector.broadcast %mul3A_103 : i32 to vector<16xi32>
      %mul3A_105 = arith.muli %get3A_102, %mul3A_104 : vector<16xi32>
      %add3A_106 = arith.constant 0 : i32
      %add3A_107 = arith.addi %mul3A_99, %add3A_106 : i32
      %mul3A_108 = arith.constant 64 : i32
      %mul3A_109 = arith.muli %add3A_107, %mul3A_108 : i32
      %multiple_of3A_110 = tpu.assume_multiple %mul3A_109, 64 : i32
      %slice3A_111 = vector.extract_strided_slice %mul3A_105 {offsets = [0], sizes = [1], strides = [1]} : vector<16xi32> to vector<1xi32>
      %squeeze3A_112 = vector.extract %slice3A_111[0] : i32 from vector<1xi32>
      %multiple_of3A_113 = tpu.assume_multiple %squeeze3A_112, 64 : i32
      %dma_start3A_114 = tpu.memref_slice %arg13[%multiple_of3A_110] : memref<49152xf32, #tpu.memory_space<vmem>> -> memref<64xf32, #tpu.memory_space<vmem>>
      %dma_start3A_115 = tpu.memref_slice %arg5[%multiple_of3A_113] : memref<1048576xf32, #tpu.memory_space<hbm>> -> memref<64xf32, #tpu.memory_space<hbm>>
      %dma_start3A_116 = tpu.memref_slice %arg5[%multiple_of3A_113] : memref<1048576xf32, #tpu.memory_space<hbm>> -> memref<64xf32, #tpu.memory_space<hbm>>
      %dma_start3A_117 = tpu.memref_slice %arg13[%multiple_of3A_110] : memref<49152xf32, #tpu.memory_space<vmem>> -> memref<64xf32, #tpu.memory_space<vmem>>
      tpu.enqueue_dma source(%dma_start3A_117 : memref<64xf32, #tpu.memory_space<vmem>>) target(%dma_start3A_116 : memref<64xf32, #tpu.memory_space<hbm>>) target_semaphore(%arg17 : memref<!tpu.dma_semaphore, #tpu.memory_space<semaphore_mem>>)
      %add3A_118 = arith.constant 1 : i32
      %add3A_119 = arith.addi %mul3A_99, %add3A_118 : i32
      %mul3A_120 = arith.constant 64 : i32
      %mul3A_121 = arith.muli %add3A_119, %mul3A_120 : i32
      %multiple_of3A_122 = tpu.assume_multiple %mul3A_121, 64 : i32
      %slice3A_123 = vector.extract_strided_slice %mul3A_105 {offsets = [1], sizes = [1], strides = [1]} : vector<16xi32> to vector<1xi32>
      %squeeze3A_124 = vector.extract %slice3A_123[0] : i32 from vector<1xi32>
      %multiple_of3A_125 = tpu.assume_multiple %squeeze3A_124, 64 : i32
      %dma_start3A_126 = tpu.memref_slice %arg13[%multiple_of3A_122] : memref<49152xf32, #tpu.memory_space<vmem>> -> memref<64xf32, #tpu.memory_space<vmem>>
      %dma_start3A_127 = tpu.memref_slice %arg5[%multiple_of3A_125] : memref<1048576xf32, #tpu.memory_space<hbm>> -> memref<64xf32, #tpu.memory_space<hbm>>
      %dma_start3A_128 = tpu.memref_slice %arg5[%multiple_of3A_125] : memref<1048576xf32, #tpu.memory_space<hbm>> -> memref<64xf32, #tpu.memory_space<hbm>>
      %dma_start3A_129 = tpu.memref_slice %arg13[%multiple_of3A_122] : memref<49152xf32, #tpu.memory_space<vmem>> -> memref<64xf32, #tpu.memory_space<vmem>>
      tpu.enqueue_dma source(%dma_start3A_129 : memref<64xf32, #tpu.memory_space<vmem>>) target(%dma_start3A_128 : memref<64xf32, #tpu.memory_space<hbm>>) target_semaphore(%arg17 : memref<!tpu.dma_semaphore, #tpu.memory_space<semaphore_mem>>)
      %add3A_130 = arith.constant 2 : i32
      %add3A_131 = arith.addi %mul3A_99, %add3A_130 : i32
      %mul3A_132 = arith.constant 64 : i32
      %mul3A_133 = arith.muli %add3A_131, %mul3A_132 : i32
      %multiple_of3A_134 = tpu.assume_multiple %mul3A_133, 64 : i32
      %slice3A_135 = vector.extract_strided_slice %mul3A_105 {offsets = [2], sizes = [1], strides = [1]} : vector<16xi32> to vector<1xi32>
      %squeeze3A_136 = vector.extract %slice3A_135[0] : i32 from vector<1xi32>
      %multiple_of3A_137 = tpu.assume_multiple %squeeze3A_136, 64 : i32
      %dma_start3A_138 = tpu.memref_slice %arg13[%multiple_of3A_134] : memref<49152xf32, #tpu.memory_space<vmem>> -> memref<64xf32, #tpu.memory_space<vmem>>
      %dma_start3A_139 = tpu.memref_slice %arg5[%multiple_of3A_137] : memref<1048576xf32, #tpu.memory_space<hbm>> -> memref<64xf32, #tpu.memory_space<hbm>>
      %dma_start3A_140 = tpu.memref_slice %arg5[%multiple_of3A_137] : memref<1048576xf32, #tpu.memory_space<hbm>> -> memref<64xf32, #tpu.memory_space<hbm>>
      %dma_start3A_141 = tpu.memref_slice %arg13[%multiple_of3A_134] : memref<49152xf32, #tpu.memory_space<vmem>> -> memref<64xf32, #tpu.memory_space<vmem>>
      tpu.enqueue_dma source(%dma_start3A_141 : memref<64xf32, #tpu.memory_space<vmem>>) target(%dma_start3A_140 : memref<64xf32, #tpu.memory_space<hbm>>) target_semaphore(%arg17 : memref<!tpu.dma_semaphore, #tpu.memory_space<semaphore_mem>>)
      %add3A_142 = arith.constant 3 : i32
      %add3A_143 = arith.addi %mul3A_99, %add3A_142 : i32
      %mul3A_144 = arith.constant 64 : i32
      %mul3A_145 = arith.muli %add3A_143, %mul3A_144 : i32
      %multiple_of3A_146 = tpu.assume_multiple %mul3A_145, 64 : i32
      %slice3A_147 = vector.extract_strided_slice %mul3A_105 {offsets = [3], sizes = [1], strides = [1]} : vector<16xi32> to vector<1xi32>
      %squeeze3A_148 = vector.extract %slice3A_147[0] : i32 from vector<1xi32>
      %multiple_of3A_149 = tpu.assume_multiple %squeeze3A_148, 64 : i32
      %dma_start3A_150 = tpu.memref_slice %arg13[%multiple_of3A_146] : memref<49152xf32, #tpu.memory_space<vmem>> -> memref<64xf32, #tpu.memory_space<vmem>>
      %dma_start3A_151 = tpu.memref_slice %arg5[%multiple_of3A_149] : memref<1048576xf32, #tpu.memory_space<hbm>> -> memref<64xf32, #tpu.memory_space<hbm>>
      %dma_start3A_152 = tpu.memref_slice %arg5[%multiple_of3A_149] : memref<1048576xf32, #tpu.memory_space<hbm>> -> memref<64xf32, #tpu.memory_space<hbm>>
      %dma_start3A_153 = tpu.memref_slice %arg13[%multiple_of3A_146] : memref<49152xf32, #tpu.memory_space<vmem>> -> memref<64xf32, #tpu.memory_space<vmem>>
      tpu.enqueue_dma source(%dma_start3A_153 : memref<64xf32, #tpu.memory_space<vmem>>) target(%dma_start3A_152 : memref<64xf32, #tpu.memory_space<hbm>>) target_semaphore(%arg17 : memref<!tpu.dma_semaphore, #tpu.memory_space<semaphore_mem>>)
      %add3A_154 = arith.constant 4 : i32
      %add3A_155 = arith.addi %mul3A_99, %add3A_154 : i32
      %mul3A_156 = arith.constant 64 : i32
      %mul3A_157 = arith.muli %add3A_155, %mul3A_156 : i32
      %multiple_of3A_158 = tpu.assume_multiple %mul3A_157, 64 : i32
      %slice3A_159 = vector.extract_strided_slice %mul3A_105 {offsets = [4], sizes = [1], strides = [1]} : vector<16xi32> to vector<1xi32>
      %squeeze3A_160 = vector.extract %slice3A_159[0] : i32 from vector<1xi32>
      %multiple_of3A_161 = tpu.assume_multiple %squeeze3A_160, 64 : i32
      %dma_start3A_162 = tpu.memref_slice %arg13[%multiple_of3A_158] : memref<49152xf32, #tpu.memory_space<vmem>> -> memref<64xf32, #tpu.memory_space<vmem>>
      %dma_start3A_163 = tpu.memref_slice %arg5[%multiple_of3A_161] : memref<1048576xf32, #tpu.memory_space<hbm>> -> memref<64xf32, #tpu.memory_space<hbm>>
      %dma_start3A_164 = tpu.memref_slice %arg5[%multiple_of3A_161] : memref<1048576xf32, #tpu.memory_space<hbm>> -> memref<64xf32, #tpu.memory_space<hbm>>
      %dma_start3A_165 = tpu.memref_slice %arg13[%multiple_of3A_158] : memref<49152xf32, #tpu.memory_space<vmem>> -> memref<64xf32, #tpu.memory_space<vmem>>
      tpu.enqueue_dma source(%dma_start3A_165 : memref<64xf32, #tpu.memory_space<vmem>>) target(%dma_start3A_164 : memref<64xf32, #tpu.memory_space<hbm>>) target_semaphore(%arg17 : memref<!tpu.dma_semaphore, #tpu.memory_space<semaphore_mem>>)
      %add3A_166 = arith.constant 5 : i32
      %add3A_167 = arith.addi %mul3A_99, %add3A_166 : i32
      %mul3A_168 = arith.constant 64 : i32
      %mul3A_169 = arith.muli %add3A_167, %mul3A_168 : i32
      %multiple_of3A_170 = tpu.assume_multiple %mul3A_169, 64 : i32
      %slice3A_171 = vector.extract_strided_slice %mul3A_105 {offsets = [5], sizes = [1], strides = [1]} : vector<16xi32> to vector<1xi32>
      %squeeze3A_172 = vector.extract %slice3A_171[0] : i32 from vector<1xi32>
      %multiple_of3A_173 = tpu.assume_multiple %squeeze3A_172, 64 : i32
      %dma_start3A_174 = tpu.memref_slice %arg13[%multiple_of3A_170] : memref<49152xf32, #tpu.memory_space<vmem>> -> memref<64xf32, #tpu.memory_space<vmem>>
      %dma_start3A_175 = tpu.memref_slice %arg5[%multiple_of3A_173] : memref<1048576xf32, #tpu.memory_space<hbm>> -> memref<64xf32, #tpu.memory_space<hbm>>
      %dma_start3A_176 = tpu.memref_slice %arg5[%multiple_of3A_173] : memref<1048576xf32, #tpu.memory_space<hbm>> -> memref<64xf32, #tpu.memory_space<hbm>>
      %dma_start3A_177 = tpu.memref_slice %arg13[%multiple_of3A_170] : memref<49152xf32, #tpu.memory_space<vmem>> -> memref<64xf32, #tpu.memory_space<vmem>>
      tpu.enqueue_dma source(%dma_start3A_177 : memref<64xf32, #tpu.memory_space<vmem>>) target(%dma_start3A_176 : memref<64xf32, #tpu.memory_space<hbm>>) target_semaphore(%arg17 : memref<!tpu.dma_semaphore, #tpu.memory_space<semaphore_mem>>)
      %add3A_178 = arith.constant 6 : i32
      %add3A_179 = arith.addi %mul3A_99, %add3A_178 : i32
      %mul3A_180 = arith.constant 64 : i32
      %mul3A_181 = arith.muli %add3A_179, %mul3A_180 : i32
      %multiple_of3A_182 = tpu.assume_multiple %mul3A_181, 64 : i32
      %slice3A_183 = vector.extract_strided_slice %mul3A_105 {offsets = [6], sizes = [1], strides = [1]} : vector<16xi32> to vector<1xi32>
      %squeeze3A_184 = vector.extract %slice3A_183[0] : i32 from vector<1xi32>
      %multiple_of3A_185 = tpu.assume_multiple %squeeze3A_184, 64 : i32
      %dma_start3A_186 = tpu.memref_slice %arg13[%multiple_of3A_182] : memref<49152xf32, #tpu.memory_space<vmem>> -> memref<64xf32, #tpu.memory_space<vmem>>
      %dma_start3A_187 = tpu.memref_slice %arg5[%multiple_of3A_185] : memref<1048576xf32, #tpu.memory_space<hbm>> -> memref<64xf32, #tpu.memory_space<hbm>>
      %dma_start3A_188 = tpu.memref_slice %arg5[%multiple_of3A_185] : memref<1048576xf32, #tpu.memory_space<hbm>> -> memref<64xf32, #tpu.memory_space<hbm>>
      %dma_start3A_189 = tpu.memref_slice %arg13[%multiple_of3A_182] : memref<49152xf32, #tpu.memory_space<vmem>> -> memref<64xf32, #tpu.memory_space<vmem>>
      tpu.enqueue_dma source(%dma_start3A_189 : memref<64xf32, #tpu.memory_space<vmem>>) target(%dma_start3A_188 : memref<64xf32, #tpu.memory_space<hbm>>) target_semaphore(%arg17 : memref<!tpu.dma_semaphore, #tpu.memory_space<semaphore_mem>>)
      %add3A_190 = arith.constant 7 : i32
      %add3A_191 = arith.addi %mul3A_99, %add3A_190 : i32
      %mul3A_192 = arith.constant 64 : i32
      %mul3A_193 = arith.muli %add3A_191, %mul3A_192 : i32
      %multiple_of3A_194 = tpu.assume_multiple %mul3A_193, 64 : i32
      %slice3A_195 = vector.extract_strided_slice %mul3A_105 {offsets = [7], sizes = [1], strides = [1]} : vector<16xi32> to vector<1xi32>
      %squeeze3A_196 = vector.extract %slice3A_195[0] : i32 from vector<1xi32>
      %multiple_of3A_197 = tpu.assume_multiple %squeeze3A_196, 64 : i32
      %dma_start3A_198 = tpu.memref_slice %arg13[%multiple_of3A_194] : memref<49152xf32, #tpu.memory_space<vmem>> -> memref<64xf32, #tpu.memory_space<vmem>>
      %dma_start3A_199 = tpu.memref_slice %arg5[%multiple_of3A_197] : memref<1048576xf32, #tpu.memory_space<hbm>> -> memref<64xf32, #tpu.memory_space<hbm>>
      %dma_start3A_200 = tpu.memref_slice %arg5[%multiple_of3A_197] : memref<1048576xf32, #tpu.memory_space<hbm>> -> memref<64xf32, #tpu.memory_space<hbm>>
      %dma_start3A_201 = tpu.memref_slice %arg13[%multiple_of3A_194] : memref<49152xf32, #tpu.memory_space<vmem>> -> memref<64xf32, #tpu.memory_space<vmem>>
      tpu.enqueue_dma source(%dma_start3A_201 : memref<64xf32, #tpu.memory_space<vmem>>) target(%dma_start3A_200 : memref<64xf32, #tpu.memory_space<hbm>>) target_semaphore(%arg17 : memref<!tpu.dma_semaphore, #tpu.memory_space<semaphore_mem>>)
      %add3A_202 = arith.constant 8 : i32
      %add3A_203 = arith.addi %mul3A_99, %add3A_202 : i32
      %mul3A_204 = arith.constant 64 : i32
      %mul3A_205 = arith.muli %add3A_203, %mul3A_204 : i32
      %multiple_of3A_206 = tpu.assume_multiple %mul3A_205, 64 : i32
      %slice3A_207 = vector.extract_strided_slice %mul3A_105 {offsets = [8], sizes = [1], strides = [1]} : vector<16xi32> to vector<1xi32>
      %squeeze3A_208 = vector.extract %slice3A_207[0] : i32 from vector<1xi32>
      %multiple_of3A_209 = tpu.assume_multiple %squeeze3A_208, 64 : i32
      %dma_start3A_210 = tpu.memref_slice %arg13[%multiple_of3A_206] : memref<49152xf32, #tpu.memory_space<vmem>> -> memref<64xf32, #tpu.memory_space<vmem>>
      %dma_start3A_211 = tpu.memref_slice %arg5[%multiple_of3A_209] : memref<1048576xf32, #tpu.memory_space<hbm>> -> memref<64xf32, #tpu.memory_space<hbm>>
      %dma_start3A_212 = tpu.memref_slice %arg5[%multiple_of3A_209] : memref<1048576xf32, #tpu.memory_space<hbm>> -> memref<64xf32, #tpu.memory_space<hbm>>
      %dma_start3A_213 = tpu.memref_slice %arg13[%multiple_of3A_206] : memref<49152xf32, #tpu.memory_space<vmem>> -> memref<64xf32, #tpu.memory_space<vmem>>
      tpu.enqueue_dma source(%dma_start3A_213 : memref<64xf32, #tpu.memory_space<vmem>>) target(%dma_start3A_212 : memref<64xf32, #tpu.memory_space<hbm>>) target_semaphore(%arg17 : memref<!tpu.dma_semaphore, #tpu.memory_space<semaphore_mem>>)
      %add3A_214 = arith.constant 9 : i32
      %add3A_215 = arith.addi %mul3A_99, %add3A_214 : i32
      %mul3A_216 = arith.constant 64 : i32
      %mul3A_217 = arith.muli %add3A_215, %mul3A_216 : i32
      %multiple_of3A_218 = tpu.assume_multiple %mul3A_217, 64 : i32
      %slice3A_219 = vector.extract_strided_slice %mul3A_105 {offsets = [9], sizes = [1], strides = [1]} : vector<16xi32> to vector<1xi32>
      %squeeze3A_220 = vector.extract %slice3A_219[0] : i32 from vector<1xi32>
      %multiple_of3A_221 = tpu.assume_multiple %squeeze3A_220, 64 : i32
      %dma_start3A_222 = tpu.memref_slice %arg13[%multiple_of3A_218] : memref<49152xf32, #tpu.memory_space<vmem>> -> memref<64xf32, #tpu.memory_space<vmem>>
      %dma_start3A_223 = tpu.memref_slice %arg5[%multiple_of3A_221] : memref<1048576xf32, #tpu.memory_space<hbm>> -> memref<64xf32, #tpu.memory_space<hbm>>
      %dma_start3A_224 = tpu.memref_slice %arg5[%multiple_of3A_221] : memref<1048576xf32, #tpu.memory_space<hbm>> -> memref<64xf32, #tpu.memory_space<hbm>>
      %dma_start3A_225 = tpu.memref_slice %arg13[%multiple_of3A_218] : memref<49152xf32, #tpu.memory_space<vmem>> -> memref<64xf32, #tpu.memory_space<vmem>>
      tpu.enqueue_dma source(%dma_start3A_225 : memref<64xf32, #tpu.memory_space<vmem>>) target(%dma_start3A_224 : memref<64xf32, #tpu.memory_space<hbm>>) target_semaphore(%arg17 : memref<!tpu.dma_semaphore, #tpu.memory_space<semaphore_mem>>)
      %add3A_226 = arith.constant 10 : i32
      %add3A_227 = arith.addi %mul3A_99, %add3A_226 : i32
      %mul3A_228 = arith.constant 64 : i32
      %mul3A_229 = arith.muli %add3A_227, %mul3A_228 : i32
      %multiple_of3A_230 = tpu.assume_multiple %mul3A_229, 64 : i32
      %slice3A_231 = vector.extract_strided_slice %mul3A_105 {offsets = [10], sizes = [1], strides = [1]} : vector<16xi32> to vector<1xi32>
      %squeeze3A_232 = vector.extract %slice3A_231[0] : i32 from vector<1xi32>
      %multiple_of3A_233 = tpu.assume_multiple %squeeze3A_232, 64 : i32
      %dma_start3A_234 = tpu.memref_slice %arg13[%multiple_of3A_230] : memref<49152xf32, #tpu.memory_space<vmem>> -> memref<64xf32, #tpu.memory_space<vmem>>
      %dma_start3A_235 = tpu.memref_slice %arg5[%multiple_of3A_233] : memref<1048576xf32, #tpu.memory_space<hbm>> -> memref<64xf32, #tpu.memory_space<hbm>>
      %dma_start3A_236 = tpu.memref_slice %arg5[%multiple_of3A_233] : memref<1048576xf32, #tpu.memory_space<hbm>> -> memref<64xf32, #tpu.memory_space<hbm>>
      %dma_start3A_237 = tpu.memref_slice %arg13[%multiple_of3A_230] : memref<49152xf32, #tpu.memory_space<vmem>> -> memref<64xf32, #tpu.memory_space<vmem>>
      tpu.enqueue_dma source(%dma_start3A_237 : memref<64xf32, #tpu.memory_space<vmem>>) target(%dma_start3A_236 : memref<64xf32, #tpu.memory_space<hbm>>) target_semaphore(%arg17 : memref<!tpu.dma_semaphore, #tpu.memory_space<semaphore_mem>>)
      %add3A_238 = arith.constant 11 : i32
      %add3A_239 = arith.addi %mul3A_99, %add3A_238 : i32
      %mul3A_240 = arith.constant 64 : i32
      %mul3A_241 = arith.muli %add3A_239, %mul3A_240 : i32
      %multiple_of3A_242 = tpu.assume_multiple %mul3A_241, 64 : i32
      %slice3A_243 = vector.extract_strided_slice %mul3A_105 {offsets = [11], sizes = [1], strides = [1]} : vector<16xi32> to vector<1xi32>
      %squeeze3A_244 = vector.extract %slice3A_243[0] : i32 from vector<1xi32>
      %multiple_of3A_245 = tpu.assume_multiple %squeeze3A_244, 64 : i32
      %dma_start3A_246 = tpu.memref_slice %arg13[%multiple_of3A_242] : memref<49152xf32, #tpu.memory_space<vmem>> -> memref<64xf32, #tpu.memory_space<vmem>>
      %dma_start3A_247 = tpu.memref_slice %arg5[%multiple_of3A_245] : memref<1048576xf32, #tpu.memory_space<hbm>> -> memref<64xf32, #tpu.memory_space<hbm>>
      %dma_start3A_248 = tpu.memref_slice %arg5[%multiple_of3A_245] : memref<1048576xf32, #tpu.memory_space<hbm>> -> memref<64xf32, #tpu.memory_space<hbm>>
      %dma_start3A_249 = tpu.memref_slice %arg13[%multiple_of3A_242] : memref<49152xf32, #tpu.memory_space<vmem>> -> memref<64xf32, #tpu.memory_space<vmem>>
      tpu.enqueue_dma source(%dma_start3A_249 : memref<64xf32, #tpu.memory_space<vmem>>) target(%dma_start3A_248 : memref<64xf32, #tpu.memory_space<hbm>>) target_semaphore(%arg17 : memref<!tpu.dma_semaphore, #tpu.memory_space<semaphore_mem>>)
      %add3A_250 = arith.constant 12 : i32
      %add3A_251 = arith.addi %mul3A_99, %add3A_250 : i32
      %mul3A_252 = arith.constant 64 : i32
      %mul3A_253 = arith.muli %add3A_251, %mul3A_252 : i32
      %multiple_of3A_254 = tpu.assume_multiple %mul3A_253, 64 : i32
      %slice3A_255 = vector.extract_strided_slice %mul3A_105 {offsets = [12], sizes = [1], strides = [1]} : vector<16xi32> to vector<1xi32>
      %squeeze3A_256 = vector.extract %slice3A_255[0] : i32 from vector<1xi32>
      %multiple_of3A_257 = tpu.assume_multiple %squeeze3A_256, 64 : i32
      %dma_start3A_258 = tpu.memref_slice %arg13[%multiple_of3A_254] : memref<49152xf32, #tpu.memory_space<vmem>> -> memref<64xf32, #tpu.memory_space<vmem>>
      %dma_start3A_259 = tpu.memref_slice %arg5[%multiple_of3A_257] : memref<1048576xf32, #tpu.memory_space<hbm>> -> memref<64xf32, #tpu.memory_space<hbm>>
      %dma_start3A_260 = tpu.memref_slice %arg5[%multiple_of3A_257] : memref<1048576xf32, #tpu.memory_space<hbm>> -> memref<64xf32, #tpu.memory_space<hbm>>
      %dma_start3A_261 = tpu.memref_slice %arg13[%multiple_of3A_254] : memref<49152xf32, #tpu.memory_space<vmem>> -> memref<64xf32, #tpu.memory_space<vmem>>
      tpu.enqueue_dma source(%dma_start3A_261 : memref<64xf32, #tpu.memory_space<vmem>>) target(%dma_start3A_260 : memref<64xf32, #tpu.memory_space<hbm>>) target_semaphore(%arg17 : memref<!tpu.dma_semaphore, #tpu.memory_space<semaphore_mem>>)
      %add3A_262 = arith.constant 13 : i32
      %add3A_263 = arith.addi %mul3A_99, %add3A_262 : i32
      %mul3A_264 = arith.constant 64 : i32
      %mul3A_265 = arith.muli %add3A_263, %mul3A_264 : i32
      %multiple_of3A_266 = tpu.assume_multiple %mul3A_265, 64 : i32
      %slice3A_267 = vector.extract_strided_slice %mul3A_105 {offsets = [13], sizes = [1], strides = [1]} : vector<16xi32> to vector<1xi32>
      %squeeze3A_268 = vector.extract %slice3A_267[0] : i32 from vector<1xi32>
      %multiple_of3A_269 = tpu.assume_multiple %squeeze3A_268, 64 : i32
      %dma_start3A_270 = tpu.memref_slice %arg13[%multiple_of3A_266] : memref<49152xf32, #tpu.memory_space<vmem>> -> memref<64xf32, #tpu.memory_space<vmem>>
      %dma_start3A_271 = tpu.memref_slice %arg5[%multiple_of3A_269] : memref<1048576xf32, #tpu.memory_space<hbm>> -> memref<64xf32, #tpu.memory_space<hbm>>
      %dma_start3A_272 = tpu.memref_slice %arg5[%multiple_of3A_269] : memref<1048576xf32, #tpu.memory_space<hbm>> -> memref<64xf32, #tpu.memory_space<hbm>>
      %dma_start3A_273 = tpu.memref_slice %arg13[%multiple_of3A_266] : memref<49152xf32, #tpu.memory_space<vmem>> -> memref<64xf32, #tpu.memory_space<vmem>>
      tpu.enqueue_dma source(%dma_start3A_273 : memref<64xf32, #tpu.memory_space<vmem>>) target(%dma_start3A_272 : memref<64xf32, #tpu.memory_space<hbm>>) target_semaphore(%arg17 : memref<!tpu.dma_semaphore, #tpu.memory_space<semaphore_mem>>)
      %add3A_274 = arith.constant 14 : i32
      %add3A_275 = arith.addi %mul3A_99, %add3A_274 : i32
      %mul3A_276 = arith.constant 64 : i32
      %mul3A_277 = arith.muli %add3A_275, %mul3A_276 : i32
      %multiple_of3A_278 = tpu.assume_multiple %mul3A_277, 64 : i32
      %slice3A_279 = vector.extract_strided_slice %mul3A_105 {offsets = [14], sizes = [1], strides = [1]} : vector<16xi32> to vector<1xi32>
      %squeeze3A_280 = vector.extract %slice3A_279[0] : i32 from vector<1xi32>
      %multiple_of3A_281 = tpu.assume_multiple %squeeze3A_280, 64 : i32
      %dma_start3A_282 = tpu.memref_slice %arg13[%multiple_of3A_278] : memref<49152xf32, #tpu.memory_space<vmem>> -> memref<64xf32, #tpu.memory_space<vmem>>
      %dma_start3A_283 = tpu.memref_slice %arg5[%multiple_of3A_281] : memref<1048576xf32, #tpu.memory_space<hbm>> -> memref<64xf32, #tpu.memory_space<hbm>>
      %dma_start3A_284 = tpu.memref_slice %arg5[%multiple_of3A_281] : memref<1048576xf32, #tpu.memory_space<hbm>> -> memref<64xf32, #tpu.memory_space<hbm>>
      %dma_start3A_285 = tpu.memref_slice %arg13[%multiple_of3A_278] : memref<49152xf32, #tpu.memory_space<vmem>> -> memref<64xf32, #tpu.memory_space<vmem>>
      tpu.enqueue_dma source(%dma_start3A_285 : memref<64xf32, #tpu.memory_space<vmem>>) target(%dma_start3A_284 : memref<64xf32, #tpu.memory_space<hbm>>) target_semaphore(%arg17 : memref<!tpu.dma_semaphore, #tpu.memory_space<semaphore_mem>>)
      %add3A_286 = arith.constant 15 : i32
      %add3A_287 = arith.addi %mul3A_99, %add3A_286 : i32
      %mul3A_288 = arith.constant 64 : i32
      %mul3A_289 = arith.muli %add3A_287, %mul3A_288 : i32
      %multiple_of3A_290 = tpu.assume_multiple %mul3A_289, 64 : i32
      %slice3A_291 = vector.extract_strided_slice %mul3A_105 {offsets = [15], sizes = [1], strides = [1]} : vector<16xi32> to vector<1xi32>
      %squeeze3A_292 = vector.extract %slice3A_291[0] : i32 from vector<1xi32>
      %multiple_of3A_293 = tpu.assume_multiple %squeeze3A_292, 64 : i32
      %dma_start3A_294 = tpu.memref_slice %arg13[%multiple_of3A_290] : memref<49152xf32, #tpu.memory_space<vmem>> -> memref<64xf32, #tpu.memory_space<vmem>>
      %dma_start3A_295 = tpu.memref_slice %arg5[%multiple_of3A_293] : memref<1048576xf32, #tpu.memory_space<hbm>> -> memref<64xf32, #tpu.memory_space<hbm>>
      %dma_start3A_296 = tpu.memref_slice %arg5[%multiple_of3A_293] : memref<1048576xf32, #tpu.memory_space<hbm>> -> memref<64xf32, #tpu.memory_space<hbm>>
      %dma_start3A_297 = tpu.memref_slice %arg13[%multiple_of3A_290] : memref<49152xf32, #tpu.memory_space<vmem>> -> memref<64xf32, #tpu.memory_space<vmem>>
      tpu.enqueue_dma source(%dma_start3A_297 : memref<64xf32, #tpu.memory_space<vmem>>) target(%dma_start3A_296 : memref<64xf32, #tpu.memory_space<hbm>>) target_semaphore(%arg17 : memref<!tpu.dma_semaphore, #tpu.memory_space<semaphore_mem>>)
      %dma_wait3A = arith.constant 0 : i32
      %dma_wait3A_298 = tpu.memref_slice %arg13[%dma_wait3A] : memref<49152xf32, #tpu.memory_space<vmem>> -> memref<64xf32, #tpu.memory_space<vmem>>
      %dma_wait3A_299 = arith.constant 0 : i32
      %dma_wait3A_300 = tpu.memref_slice %arg5[%dma_wait3A_299] : memref<1048576xf32, #tpu.memory_space<hbm>> -> memref<64xf32, #tpu.memory_space<hbm>>
      %dma_wait3A_301 = arith.constant 0 : i32
      %dma_wait3A_302 = tpu.memref_slice %arg5[%dma_wait3A_301] : memref<1048576xf32, #tpu.memory_space<hbm>> -> memref<64xf32, #tpu.memory_space<hbm>>
      %dma_wait3A_303 = arith.constant 0 : i32
      %dma_wait3A_304 = tpu.memref_slice %arg13[%dma_wait3A_303] : memref<49152xf32, #tpu.memory_space<vmem>> -> memref<64xf32, #tpu.memory_space<vmem>>
      tpu.wait_dma2 semaphore(%arg17 : memref<!tpu.dma_semaphore, #tpu.memory_space<semaphore_mem>>) src(%dma_wait3A_304 : memref<64xf32, #tpu.memory_space<vmem>>) dst(%dma_wait3A_302 : memref<64xf32, #tpu.memory_space<hbm>>)
      %dma_wait3A_305 = arith.constant 0 : i32
      %dma_wait3A_306 = tpu.memref_slice %arg13[%dma_wait3A_305] : memref<49152xf32, #tpu.memory_space<vmem>> -> memref<64xf32, #tpu.memory_space<vmem>>
      %dma_wait3A_307 = arith.constant 0 : i32
      %dma_wait3A_308 = tpu.memref_slice %arg5[%dma_wait3A_307] : memref<1048576xf32, #tpu.memory_space<hbm>> -> memref<64xf32, #tpu.memory_space<hbm>>
      %dma_wait3A_309 = arith.constant 0 : i32
      %dma_wait3A_310 = tpu.memref_slice %arg5[%dma_wait3A_309] : memref<1048576xf32, #tpu.memory_space<hbm>> -> memref<64xf32, #tpu.memory_space<hbm>>
      %dma_wait3A_311 = arith.constant 0 : i32
      %dma_wait3A_312 = tpu.memref_slice %arg13[%dma_wait3A_311] : memref<49152xf32, #tpu.memory_space<vmem>> -> memref<64xf32, #tpu.memory_space<vmem>>
      tpu.wait_dma2 semaphore(%arg17 : memref<!tpu.dma_semaphore, #tpu.memory_space<semaphore_mem>>) src(%dma_wait3A_312 : memref<64xf32, #tpu.memory_space<vmem>>) dst(%dma_wait3A_310 : memref<64xf32, #tpu.memory_space<hbm>>)
      %dma_wait3A_313 = arith.constant 0 : i32
      %dma_wait3A_314 = tpu.memref_slice %arg13[%dma_wait3A_313] : memref<49152xf32, #tpu.memory_space<vmem>> -> memref<64xf32, #tpu.memory_space<vmem>>
      %dma_wait3A_315 = arith.constant 0 : i32
      %dma_wait3A_316 = tpu.memref_slice %arg5[%dma_wait3A_315] : memref<1048576xf32, #tpu.memory_space<hbm>> -> memref<64xf32, #tpu.memory_space<hbm>>
      %dma_wait3A_317 = arith.constant 0 : i32
      %dma_wait3A_318 = tpu.memref_slice %arg5[%dma_wait3A_317] : memref<1048576xf32, #tpu.memory_space<hbm>> -> memref<64xf32, #tpu.memory_space<hbm>>
      %dma_wait3A_319 = arith.constant 0 : i32
      %dma_wait3A_320 = tpu.memref_slice %arg13[%dma_wait3A_319] : memref<49152xf32, #tpu.memory_space<vmem>> -> memref<64xf32, #tpu.memory_space<vmem>>
      tpu.wait_dma2 semaphore(%arg17 : memref<!tpu.dma_semaphore, #tpu.memory_space<semaphore_mem>>) src(%dma_wait3A_320 : memref<64xf32, #tpu.memory_space<vmem>>) dst(%dma_wait3A_318 : memref<64xf32, #tpu.memory_space<hbm>>)
      %dma_wait3A_321 = arith.constant 0 : i32
      %dma_wait3A_322 = tpu.memref_slice %arg13[%dma_wait3A_321] : memref<49152xf32, #tpu.memory_space<vmem>> -> memref<64xf32, #tpu.memory_space<vmem>>
      %dma_wait3A_323 = arith.constant 0 : i32
      %dma_wait3A_324 = tpu.memref_slice %arg5[%dma_wait3A_323] : memref<1048576xf32, #tpu.memory_space<hbm>> -> memref<64xf32, #tpu.memory_space<hbm>>
      %dma_wait3A_325 = arith.constant 0 : i32
      %dma_wait3A_326 = tpu.memref_slice %arg5[%dma_wait3A_325] : memref<1048576xf32, #tpu.memory_space<hbm>> -> memref<64xf32, #tpu.memory_space<hbm>>
      %dma_wait3A_327 = arith.constant 0 : i32
      %dma_wait3A_328 = tpu.memref_slice %arg13[%dma_wait3A_327] : memref<49152xf32, #tpu.memory_space<vmem>> -> memref<64xf32, #tpu.memory_space<vmem>>
      tpu.wait_dma2 semaphore(%arg17 : memref<!tpu.dma_semaphore, #tpu.memory_space<semaphore_mem>>) src(%dma_wait3A_328 : memref<64xf32, #tpu.memory_space<vmem>>) dst(%dma_wait3A_326 : memref<64xf32, #tpu.memory_space<hbm>>)
      %dma_wait3A_329 = arith.constant 0 : i32
      %dma_wait3A_330 = tpu.memref_slice %arg13[%dma_wait3A_329] : memref<49152xf32, #tpu.memory_space<vmem>> -> memref<64xf32, #tpu.memory_space<vmem>>
      %dma_wait3A_331 = arith.constant 0 : i32
      %dma_wait3A_332 = tpu.memref_slice %arg5[%dma_wait3A_331] : memref<1048576xf32, #tpu.memory_space<hbm>> -> memref<64xf32, #tpu.memory_space<hbm>>
      %dma_wait3A_333 = arith.constant 0 : i32
      %dma_wait3A_334 = tpu.memref_slice %arg5[%dma_wait3A_333] : memref<1048576xf32, #tpu.memory_space<hbm>> -> memref<64xf32, #tpu.memory_space<hbm>>
      %dma_wait3A_335 = arith.constant 0 : i32
      %dma_wait3A_336 = tpu.memref_slice %arg13[%dma_wait3A_335] : memref<49152xf32, #tpu.memory_space<vmem>> -> memref<64xf32, #tpu.memory_space<vmem>>
      tpu.wait_dma2 semaphore(%arg17 : memref<!tpu.dma_semaphore, #tpu.memory_space<semaphore_mem>>) src(%dma_wait3A_336 : memref<64xf32, #tpu.memory_space<vmem>>) dst(%dma_wait3A_334 : memref<64xf32, #tpu.memory_space<hbm>>)
      %dma_wait3A_337 = arith.constant 0 : i32
      %dma_wait3A_338 = tpu.memref_slice %arg13[%dma_wait3A_337] : memref<49152xf32, #tpu.memory_space<vmem>> -> memref<64xf32, #tpu.memory_space<vmem>>
      %dma_wait3A_339 = arith.constant 0 : i32
      %dma_wait3A_340 = tpu.memref_slice %arg5[%dma_wait3A_339] : memref<1048576xf32, #tpu.memory_space<hbm>> -> memref<64xf32, #tpu.memory_space<hbm>>
      %dma_wait3A_341 = arith.constant 0 : i32
      %dma_wait3A_342 = tpu.memref_slice %arg5[%dma_wait3A_341] : memref<1048576xf32, #tpu.memory_space<hbm>> -> memref<64xf32, #tpu.memory_space<hbm>>
      %dma_wait3A_343 = arith.constant 0 : i32
      %dma_wait3A_344 = tpu.memref_slice %arg13[%dma_wait3A_343] : memref<49152xf32, #tpu.memory_space<vmem>> -> memref<64xf32, #tpu.memory_space<vmem>>
      tpu.wait_dma2 semaphore(%arg17 : memref<!tpu.dma_semaphore, #tpu.memory_space<semaphore_mem>>) src(%dma_wait3A_344 : memref<64xf32, #tpu.memory_space<vmem>>) dst(%dma_wait3A_342 : memref<64xf32, #tpu.memory_space<hbm>>)
      %dma_wait3A_345 = arith.constant 0 : i32
      %dma_wait3A_346 = tpu.memref_slice %arg13[%dma_wait3A_345] : memref<49152xf32, #tpu.memory_space<vmem>> -> memref<64xf32, #tpu.memory_space<vmem>>
      %dma_wait3A_347 = arith.constant 0 : i32
      %dma_wait3A_348 = tpu.memref_slice %arg5[%dma_wait3A_347] : memref<1048576xf32, #tpu.memory_space<hbm>> -> memref<64xf32, #tpu.memory_space<hbm>>
      %dma_wait3A_349 = arith.constant 0 : i32
      %dma_wait3A_350 = tpu.memref_slice %arg5[%dma_wait3A_349] : memref<1048576xf32, #tpu.memory_space<hbm>> -> memref<64xf32, #tpu.memory_space<hbm>>
      %dma_wait3A_351 = arith.constant 0 : i32
      %dma_wait3A_352 = tpu.memref_slice %arg13[%dma_wait3A_351] : memref<49152xf32, #tpu.memory_space<vmem>> -> memref<64xf32, #tpu.memory_space<vmem>>
      tpu.wait_dma2 semaphore(%arg17 : memref<!tpu.dma_semaphore, #tpu.memory_space<semaphore_mem>>) src(%dma_wait3A_352 : memref<64xf32, #tpu.memory_space<vmem>>) dst(%dma_wait3A_350 : memref<64xf32, #tpu.memory_space<hbm>>)
      %dma_wait3A_353 = arith.constant 0 : i32
      %dma_wait3A_354 = tpu.memref_slice %arg13[%dma_wait3A_353] : memref<49152xf32, #tpu.memory_space<vmem>> -> memref<64xf32, #tpu.memory_space<vmem>>
      %dma_wait3A_355 = arith.constant 0 : i32
      %dma_wait3A_356 = tpu.memref_slice %arg5[%dma_wait3A_355] : memref<1048576xf32, #tpu.memory_space<hbm>> -> memref<64xf32, #tpu.memory_space<hbm>>
      %dma_wait3A_357 = arith.constant 0 : i32
      %dma_wait3A_358 = tpu.memref_slice %arg5[%dma_wait3A_357] : memref<1048576xf32, #tpu.memory_space<hbm>> -> memref<64xf32, #tpu.memory_space<hbm>>
      %dma_wait3A_359 = arith.constant 0 : i32
      %dma_wait3A_360 = tpu.memref_slice %arg13[%dma_wait3A_359] : memref<49152xf32, #tpu.memory_space<vmem>> -> memref<64xf32, #tpu.memory_space<vmem>>
      tpu.wait_dma2 semaphore(%arg17 : memref<!tpu.dma_semaphore, #tpu.memory_space<semaphore_mem>>) src(%dma_wait3A_360 : memref<64xf32, #tpu.memory_space<vmem>>) dst(%dma_wait3A_358 : memref<64xf32, #tpu.memory_space<hbm>>)
      %dma_wait3A_361 = arith.constant 0 : i32
      %dma_wait3A_362 = tpu.memref_slice %arg13[%dma_wait3A_361] : memref<49152xf32, #tpu.memory_space<vmem>> -> memref<64xf32, #tpu.memory_space<vmem>>
      %dma_wait3A_363 = arith.constant 0 : i32
      %dma_wait3A_364 = tpu.memref_slice %arg5[%dma_wait3A_363] : memref<1048576xf32, #tpu.memory_space<hbm>> -> memref<64xf32, #tpu.memory_space<hbm>>
      %dma_wait3A_365 = arith.constant 0 : i32
      %dma_wait3A_366 = tpu.memref_slice %arg5[%dma_wait3A_365] : memref<1048576xf32, #tpu.memory_space<hbm>> -> memref<64xf32, #tpu.memory_space<hbm>>
      %dma_wait3A_367 = arith.constant 0 : i32
      %dma_wait3A_368 = tpu.memref_slice %arg13[%dma_wait3A_367] : memref<49152xf32, #tpu.memory_space<vmem>> -> memref<64xf32, #tpu.memory_space<vmem>>
      tpu.wait_dma2 semaphore(%arg17 : memref<!tpu.dma_semaphore, #tpu.memory_space<semaphore_mem>>) src(%dma_wait3A_368 : memref<64xf32, #tpu.memory_space<vmem>>) dst(%dma_wait3A_366 : memref<64xf32, #tpu.memory_space<hbm>>)
      %dma_wait3A_369 = arith.constant 0 : i32
      %dma_wait3A_370 = tpu.memref_slice %arg13[%dma_wait3A_369] : memref<49152xf32, #tpu.memory_space<vmem>> -> memref<64xf32, #tpu.memory_space<vmem>>
      %dma_wait3A_371 = arith.constant 0 : i32
      %dma_wait3A_372 = tpu.memref_slice %arg5[%dma_wait3A_371] : memref<1048576xf32, #tpu.memory_space<hbm>> -> memref<64xf32, #tpu.memory_space<hbm>>
      %dma_wait3A_373 = arith.constant 0 : i32
      %dma_wait3A_374 = tpu.memref_slice %arg5[%dma_wait3A_373] : memref<1048576xf32, #tpu.memory_space<hbm>> -> memref<64xf32, #tpu.memory_space<hbm>>
      %dma_wait3A_375 = arith.constant 0 : i32
      %dma_wait3A_376 = tpu.memref_slice %arg13[%dma_wait3A_375] : memref<49152xf32, #tpu.memory_space<vmem>> -> memref<64xf32, #tpu.memory_space<vmem>>
      tpu.wait_dma2 semaphore(%arg17 : memref<!tpu.dma_semaphore, #tpu.memory_space<semaphore_mem>>) src(%dma_wait3A_376 : memref<64xf32, #tpu.memory_space<vmem>>) dst(%dma_wait3A_374 : memref<64xf32, #tpu.memory_space<hbm>>)
      %dma_wait3A_377 = arith.constant 0 : i32
      %dma_wait3A_378 = tpu.memref_slice %arg13[%dma_wait3A_377] : memref<49152xf32, #tpu.memory_space<vmem>> -> memref<64xf32, #tpu.memory_space<vmem>>
      %dma_wait3A_379 = arith.constant 0 : i32
      %dma_wait3A_380 = tpu.memref_slice %arg5[%dma_wait3A_379] : memref<1048576xf32, #tpu.memory_space<hbm>> -> memref<64xf32, #tpu.memory_space<hbm>>
      %dma_wait3A_381 = arith.constant 0 : i32
      %dma_wait3A_382 = tpu.memref_slice %arg5[%dma_wait3A_381] : memref<1048576xf32, #tpu.memory_space<hbm>> -> memref<64xf32, #tpu.memory_space<hbm>>
      %dma_wait3A_383 = arith.constant 0 : i32
      %dma_wait3A_384 = tpu.memref_slice %arg13[%dma_wait3A_383] : memref<49152xf32, #tpu.memory_space<vmem>> -> memref<64xf32, #tpu.memory_space<vmem>>
      tpu.wait_dma2 semaphore(%arg17 : memref<!tpu.dma_semaphore, #tpu.memory_space<semaphore_mem>>) src(%dma_wait3A_384 : memref<64xf32, #tpu.memory_space<vmem>>) dst(%dma_wait3A_382 : memref<64xf32, #tpu.memory_space<hbm>>)
      %dma_wait3A_385 = arith.constant 0 : i32
      %dma_wait3A_386 = tpu.memref_slice %arg13[%dma_wait3A_385] : memref<49152xf32, #tpu.memory_space<vmem>> -> memref<64xf32, #tpu.memory_space<vmem>>
      %dma_wait3A_387 = arith.constant 0 : i32
      %dma_wait3A_388 = tpu.memref_slice %arg5[%dma_wait3A_387] : memref<1048576xf32, #tpu.memory_space<hbm>> -> memref<64xf32, #tpu.memory_space<hbm>>
      %dma_wait3A_389 = arith.constant 0 : i32
      %dma_wait3A_390 = tpu.memref_slice %arg5[%dma_wait3A_389] : memref<1048576xf32, #tpu.memory_space<hbm>> -> memref<64xf32, #tpu.memory_space<hbm>>
      %dma_wait3A_391 = arith.constant 0 : i32
      %dma_wait3A_392 = tpu.memref_slice %arg13[%dma_wait3A_391] : memref<49152xf32, #tpu.memory_space<vmem>> -> memref<64xf32, #tpu.memory_space<vmem>>
      tpu.wait_dma2 semaphore(%arg17 : memref<!tpu.dma_semaphore, #tpu.memory_space<semaphore_mem>>) src(%dma_wait3A_392 : memref<64xf32, #tpu.memory_space<vmem>>) dst(%dma_wait3A_390 : memref<64xf32, #tpu.memory_space<hbm>>)
      %dma_wait3A_393 = arith.constant 0 : i32
      %dma_wait3A_394 = tpu.memref_slice %arg13[%dma_wait3A_393] : memref<49152xf32, #tpu.memory_space<vmem>> -> memref<64xf32, #tpu.memory_space<vmem>>
      %dma_wait3A_395 = arith.constant 0 : i32
      %dma_wait3A_396 = tpu.memref_slice %arg5[%dma_wait3A_395] : memref<1048576xf32, #tpu.memory_space<hbm>> -> memref<64xf32, #tpu.memory_space<hbm>>
      %dma_wait3A_397 = arith.constant 0 : i32
      %dma_wait3A_398 = tpu.memref_slice %arg5[%dma_wait3A_397] : memref<1048576xf32, #tpu.memory_space<hbm>> -> memref<64xf32, #tpu.memory_space<hbm>>
      %dma_wait3A_399 = arith.constant 0 : i32
      %dma_wait3A_400 = tpu.memref_slice %arg13[%dma_wait3A_399] : memref<49152xf32, #tpu.memory_space<vmem>> -> memref<64xf32, #tpu.memory_space<vmem>>
      tpu.wait_dma2 semaphore(%arg17 : memref<!tpu.dma_semaphore, #tpu.memory_space<semaphore_mem>>) src(%dma_wait3A_400 : memref<64xf32, #tpu.memory_space<vmem>>) dst(%dma_wait3A_398 : memref<64xf32, #tpu.memory_space<hbm>>)
      %dma_wait3A_401 = arith.constant 0 : i32
      %dma_wait3A_402 = tpu.memref_slice %arg13[%dma_wait3A_401] : memref<49152xf32, #tpu.memory_space<vmem>> -> memref<64xf32, #tpu.memory_space<vmem>>
      %dma_wait3A_403 = arith.constant 0 : i32
      %dma_wait3A_404 = tpu.memref_slice %arg5[%dma_wait3A_403] : memref<1048576xf32, #tpu.memory_space<hbm>> -> memref<64xf32, #tpu.memory_space<hbm>>
      %dma_wait3A_405 = arith.constant 0 : i32
      %dma_wait3A_406 = tpu.memref_slice %arg5[%dma_wait3A_405] : memref<1048576xf32, #tpu.memory_space<hbm>> -> memref<64xf32, #tpu.memory_space<hbm>>
      %dma_wait3A_407 = arith.constant 0 : i32
      %dma_wait3A_408 = tpu.memref_slice %arg13[%dma_wait3A_407] : memref<49152xf32, #tpu.memory_space<vmem>> -> memref<64xf32, #tpu.memory_space<vmem>>
      tpu.wait_dma2 semaphore(%arg17 : memref<!tpu.dma_semaphore, #tpu.memory_space<semaphore_mem>>) src(%dma_wait3A_408 : memref<64xf32, #tpu.memory_space<vmem>>) dst(%dma_wait3A_406 : memref<64xf32, #tpu.memory_space<hbm>>)
      %dma_wait3A_409 = arith.constant 0 : i32
      %dma_wait3A_410 = tpu.memref_slice %arg13[%dma_wait3A_409] : memref<49152xf32, #tpu.memory_space<vmem>> -> memref<64xf32, #tpu.memory_space<vmem>>
      %dma_wait3A_411 = arith.constant 0 : i32
      %dma_wait3A_412 = tpu.memref_slice %arg5[%dma_wait3A_411] : memref<1048576xf32, #tpu.memory_space<hbm>> -> memref<64xf32, #tpu.memory_space<hbm>>
      %dma_wait3A_413 = arith.constant 0 : i32
      %dma_wait3A_414 = tpu.memref_slice %arg5[%dma_wait3A_413] : memref<1048576xf32, #tpu.memory_space<hbm>> -> memref<64xf32, #tpu.memory_space<hbm>>
      %dma_wait3A_415 = arith.constant 0 : i32
      %dma_wait3A_416 = tpu.memref_slice %arg13[%dma_wait3A_415] : memref<49152xf32, #tpu.memory_space<vmem>> -> memref<64xf32, #tpu.memory_space<vmem>>
      tpu.wait_dma2 semaphore(%arg17 : memref<!tpu.dma_semaphore, #tpu.memory_space<semaphore_mem>>) src(%dma_wait3A_416 : memref<64xf32, #tpu.memory_space<vmem>>) dst(%dma_wait3A_414 : memref<64xf32, #tpu.memory_space<hbm>>)
      %dma_wait3A_417 = arith.constant 0 : i32
      %dma_wait3A_418 = tpu.memref_slice %arg13[%dma_wait3A_417] : memref<49152xf32, #tpu.memory_space<vmem>> -> memref<64xf32, #tpu.memory_space<vmem>>
      %dma_wait3A_419 = arith.constant 0 : i32
      %dma_wait3A_420 = tpu.memref_slice %arg5[%dma_wait3A_419] : memref<1048576xf32, #tpu.memory_space<hbm>> -> memref<64xf32, #tpu.memory_space<hbm>>
      %dma_wait3A_421 = arith.constant 0 : i32
      %dma_wait3A_422 = tpu.memref_slice %arg5[%dma_wait3A_421] : memref<1048576xf32, #tpu.memory_space<hbm>> -> memref<64xf32, #tpu.memory_space<hbm>>
      %dma_wait3A_423 = arith.constant 0 : i32
      %dma_wait3A_424 = tpu.memref_slice %arg13[%dma_wait3A_423] : memref<49152xf32, #tpu.memory_space<vmem>> -> memref<64xf32, #tpu.memory_space<vmem>>
      tpu.wait_dma2 semaphore(%arg17 : memref<!tpu.dma_semaphore, #tpu.memory_space<semaphore_mem>>) src(%dma_wait3A_424 : memref<64xf32, #tpu.memory_space<vmem>>) dst(%dma_wait3A_422 : memref<64xf32, #tpu.memory_space<hbm>>)
    }
    %while3A_96 = arith.constant 1 : i32
    scf.for %while3A_97 = %while3A_94 to %while3A_90 step %while3A_96  : i32 {
      %mul3A_98 = arith.constant 16 : i32
      %mul3A_99 = arith.muli %while3A_97, %mul3A_98 : i32
      %multiple_of3A_100 = tpu.assume_multiple %mul3A_99, 16 : i32
      %get3A_101 = arith.index_cast %multiple_of3A_100 : i32 to index
      %get3A_102 = tpu.vector_load %arg14[%get3A_101] {strides = array<i32>} : memref<768xi32, #tpu.memory_space<vmem>>, vector<16xi32>,
      %mul3A_103 = arith.constant 64 : i32
      %mul3A_104 = vector.broadcast %mul3A_103 : i32 to vector<16xi32>
      %mul3A_105 = arith.muli %get3A_102, %mul3A_104 : vector<16xi32>
      %add3A_106 = arith.constant 0 : i32
      %add3A_107 = arith.addi %mul3A_99, %add3A_106 : i32
      %mul3A_108 = arith.constant 64 : i32
      %mul3A_109 = arith.muli %add3A_107, %mul3A_108 : i32
      %multiple_of3A_110 = tpu.assume_multiple %mul3A_109, 64 : i32
      %slice3A_111 = vector.extract_strided_slice %mul3A_105 {offsets = [0], sizes = [1], strides = [1]} : vector<16xi32> to vector<1xi32>
      %squeeze3A_112 = vector.extract %slice3A_111[0] : i32 from vector<1xi32>
      %multiple_of3A_113 = tpu.assume_multiple %squeeze3A_112, 64 : i32
      %dma_start3A_114 = tpu.memref_slice %arg13[%multiple_of3A_110] : memref<49152xf32, #tpu.memory_space<vmem>> -> memref<64xf32, #tpu.memory_space<vmem>>
      %dma_start3A_115 = tpu.memref_slice %arg5[%multiple_of3A_113] : memref<1048576xf32, #tpu.memory_space<hbm>> -> memref<64xf32, #tpu.memory_space<hbm>>
      %dma_start3A_116 = tpu.memref_slice %arg5[%multiple_of3A_113] : memref<1048576xf32, #tpu.memory_space<hbm>> -> memref<64xf32, #tpu.memory_space<hbm>>
      %dma_start3A_117 = tpu.memref_slice %arg13[%multiple_of3A_110] : memref<49152xf32, #tpu.memory_space<vmem>> -> memref<64xf32, #tpu.memory_space<vmem>>
      tpu.enqueue_dma source(%dma_start3A_117 : memref<64xf32, #tpu.memory_space<vmem>>) target(%dma_start3A_116 : memref<64xf32, #tpu.memory_space<hbm>>) target_semaphore(%arg17 : memref<!tpu.dma_semaphore, #tpu.memory_space<semaphore_mem>>)
      %add3A_118 = arith.constant 1 : i32
      %add3A_119 = arith.addi %mul3A_99, %add3A_118 : i32
      %mul3A_120 = arith.constant 64 : i32
      %mul3A_121 = arith.muli %add3A_119, %mul3A_120 : i32
      %multiple_of3A_122 = tpu.assume_multiple %mul3A_121, 64 : i32
      %slice3A_123 = vector.extract_strided_slice %mul3A_105 {offsets = [1], sizes = [1], strides = [1]} : vector<16xi32> to vector<1xi32>
      %squeeze3A_124 = vector.extract %slice3A_123[0] : i32 from vector<1xi32>
      %multiple_of3A_125 = tpu.assume_multiple %squeeze3A_124, 64 : i32
      %dma_start3A_126 = tpu.memref_slice %arg13[%multiple_of3A_122] : memref<49152xf32, #tpu.memory_space<vmem>> -> memref<64xf32, #tpu.memory_space<vmem>>
      %dma_start3A_127 = tpu.memref_slice %arg5[%multiple_of3A_125] : memref<1048576xf32, #tpu.memory_space<hbm>> -> memref<64xf32, #tpu.memory_space<hbm>>
      %dma_start3A_128 = tpu.memref_slice %arg5[%multiple_of3A_125] : memref<1048576xf32, #tpu.memory_space<hbm>> -> memref<64xf32, #tpu.memory_space<hbm>>
      %dma_start3A_129 = tpu.memref_slice %arg13[%multiple_of3A_122] : memref<49152xf32, #tpu.memory_space<vmem>> -> memref<64xf32, #tpu.memory_space<vmem>>
      tpu.enqueue_dma source(%dma_start3A_129 : memref<64xf32, #tpu.memory_space<vmem>>) target(%dma_start3A_128 : memref<64xf32, #tpu.memory_space<hbm>>) target_semaphore(%arg17 : memref<!tpu.dma_semaphore, #tpu.memory_space<semaphore_mem>>)
      %add3A_130 = arith.constant 2 : i32
      %add3A_131 = arith.addi %mul3A_99, %add3A_130 : i32
      %mul3A_132 = arith.constant 64 : i32
      %mul3A_133 = arith.muli %add3A_131, %mul3A_132 : i32
      %multiple_of3A_134 = tpu.assume_multiple %mul3A_133, 64 : i32
      %slice3A_135 = vector.extract_strided_slice %mul3A_105 {offsets = [2], sizes = [1], strides = [1]} : vector<16xi32> to vector<1xi32>
      %squeeze3A_136 = vector.extract %slice3A_135[0] : i32 from vector<1xi32>
      %multiple_of3A_137 = tpu.assume_multiple %squeeze3A_136, 64 : i32
      %dma_start3A_138 = tpu.memref_slice %arg13[%multiple_of3A_134] : memref<49152xf32, #tpu.memory_space<vmem>> -> memref<64xf32, #tpu.memory_space<vmem>>
      %dma_start3A_139 = tpu.memref_slice %arg5[%multiple_of3A_137] : memref<1048576xf32, #tpu.memory_space<hbm>> -> memref<64xf32, #tpu.memory_space<hbm>>
      %dma_start3A_140 = tpu.memref_slice %arg5[%multiple_of3A_137] : memref<1048576xf32, #tpu.memory_space<hbm>> -> memref<64xf32, #tpu.memory_space<hbm>>
      %dma_start3A_141 = tpu.memref_slice %arg13[%multiple_of3A_134] : memref<49152xf32, #tpu.memory_space<vmem>> -> memref<64xf32, #tpu.memory_space<vmem>>
      tpu.enqueue_dma source(%dma_start3A_141 : memref<64xf32, #tpu.memory_space<vmem>>) target(%dma_start3A_140 : memref<64xf32, #tpu.memory_space<hbm>>) target_semaphore(%arg17 : memref<!tpu.dma_semaphore, #tpu.memory_space<semaphore_mem>>)
      %add3A_142 = arith.constant 3 : i32
      %add3A_143 = arith.addi %mul3A_99, %add3A_142 : i32
      %mul3A_144 = arith.constant 64 : i32
      %mul3A_145 = arith.muli %add3A_143, %mul3A_144 : i32
      %multiple_of3A_146 = tpu.assume_multiple %mul3A_145, 64 : i32
      %slice3A_147 = vector.extract_strided_slice %mul3A_105 {offsets = [3], sizes = [1], strides = [1]} : vector<16xi32> to vector<1xi32>
      %squeeze3A_148 = vector.extract %slice3A_147[0] : i32 from vector<1xi32>
      %multiple_of3A_149 = tpu.assume_multiple %squeeze3A_148, 64 : i32
      %dma_start3A_150 = tpu.memref_slice %arg13[%multiple_of3A_146] : memref<49152xf32, #tpu.memory_space<vmem>> -> memref<64xf32, #tpu.memory_space<vmem>>
      %dma_start3A_151 = tpu.memref_slice %arg5[%multiple_of3A_149] : memref<1048576xf32, #tpu.memory_space<hbm>> -> memref<64xf32, #tpu.memory_space<hbm>>
      %dma_start3A_152 = tpu.memref_slice %arg5[%multiple_of3A_149] : memref<1048576xf32, #tpu.memory_space<hbm>> -> memref<64xf32, #tpu.memory_space<hbm>>
      %dma_start3A_153 = tpu.memref_slice %arg13[%multiple_of3A_146] : memref<49152xf32, #tpu.memory_space<vmem>> -> memref<64xf32, #tpu.memory_space<vmem>>
      tpu.enqueue_dma source(%dma_start3A_153 : memref<64xf32, #tpu.memory_space<vmem>>) target(%dma_start3A_152 : memref<64xf32, #tpu.memory_space<hbm>>) target_semaphore(%arg17 : memref<!tpu.dma_semaphore, #tpu.memory_space<semaphore_mem>>)
      %add3A_154 = arith.constant 4 : i32
      %add3A_155 = arith.addi %mul3A_99, %add3A_154 : i32
      %mul3A_156 = arith.constant 64 : i32
      %mul3A_157 = arith.muli %add3A_155, %mul3A_156 : i32
      %multiple_of3A_158 = tpu.assume_multiple %mul3A_157, 64 : i32
      %slice3A_159 = vector.extract_strided_slice %mul3A_105 {offsets = [4], sizes = [1], strides = [1]} : vector<16xi32> to vector<1xi32>
      %squeeze3A_160 = vector.extract %slice3A_159[0] : i32 from vector<1xi32>
      %multiple_of3A_161 = tpu.assume_multiple %squeeze3A_160, 64 : i32
      %dma_start3A_162 = tpu.memref_slice %arg13[%multiple_of3A_158] : memref<49152xf32, #tpu.memory_space<vmem>> -> memref<64xf32, #tpu.memory_space<vmem>>
      %dma_start3A_163 = tpu.memref_slice %arg5[%multiple_of3A_161] : memref<1048576xf32, #tpu.memory_space<hbm>> -> memref<64xf32, #tpu.memory_space<hbm>>
      %dma_start3A_164 = tpu.memref_slice %arg5[%multiple_of3A_161] : memref<1048576xf32, #tpu.memory_space<hbm>> -> memref<64xf32, #tpu.memory_space<hbm>>
      %dma_start3A_165 = tpu.memref_slice %arg13[%multiple_of3A_158] : memref<49152xf32, #tpu.memory_space<vmem>> -> memref<64xf32, #tpu.memory_space<vmem>>
      tpu.enqueue_dma source(%dma_start3A_165 : memref<64xf32, #tpu.memory_space<vmem>>) target(%dma_start3A_164 : memref<64xf32, #tpu.memory_space<hbm>>) target_semaphore(%arg17 : memref<!tpu.dma_semaphore, #tpu.memory_space<semaphore_mem>>)
      %add3A_166 = arith.constant 5 : i32
      %add3A_167 = arith.addi %mul3A_99, %add3A_166 : i32
      %mul3A_168 = arith.constant 64 : i32
      %mul3A_169 = arith.muli %add3A_167, %mul3A_168 : i32
      %multiple_of3A_170 = tpu.assume_multiple %mul3A_169, 64 : i32
      %slice3A_171 = vector.extract_strided_slice %mul3A_105 {offsets = [5], sizes = [1], strides = [1]} : vector<16xi32> to vector<1xi32>
      %squeeze3A_172 = vector.extract %slice3A_171[0] : i32 from vector<1xi32>
      %multiple_of3A_173 = tpu.assume_multiple %squeeze3A_172, 64 : i32
      %dma_start3A_174 = tpu.memref_slice %arg13[%multiple_of3A_170] : memref<49152xf32, #tpu.memory_space<vmem>> -> memref<64xf32, #tpu.memory_space<vmem>>
      %dma_start3A_175 = tpu.memref_slice %arg5[%multiple_of3A_173] : memref<1048576xf32, #tpu.memory_space<hbm>> -> memref<64xf32, #tpu.memory_space<hbm>>
      %dma_start3A_176 = tpu.memref_slice %arg5[%multiple_of3A_173] : memref<1048576xf32, #tpu.memory_space<hbm>> -> memref<64xf32, #tpu.memory_space<hbm>>
      %dma_start3A_177 = tpu.memref_slice %arg13[%multiple_of3A_170] : memref<49152xf32, #tpu.memory_space<vmem>> -> memref<64xf32, #tpu.memory_space<vmem>>
      tpu.enqueue_dma source(%dma_start3A_177 : memref<64xf32, #tpu.memory_space<vmem>>) target(%dma_start3A_176 : memref<64xf32, #tpu.memory_space<hbm>>) target_semaphore(%arg17 : memref<!tpu.dma_semaphore, #tpu.memory_space<semaphore_mem>>)
      %add3A_178 = arith.constant 6 : i32
      %add3A_179 = arith.addi %mul3A_99, %add3A_178 : i32
      %mul3A_180 = arith.constant 64 : i32
      %mul3A_181 = arith.muli %add3A_179, %mul3A_180 : i32
      %multiple_of3A_182 = tpu.assume_multiple %mul3A_181, 64 : i32
      %slice3A_183 = vector.extract_strided_slice %mul3A_105 {offsets = [6], sizes = [1], strides = [1]} : vector<16xi32> to vector<1xi32>
      %squeeze3A_184 = vector.extract %slice3A_183[0] : i32 from vector<1xi32>
      %multiple_of3A_185 = tpu.assume_multiple %squeeze3A_184, 64 : i32
      %dma_start3A_186 = tpu.memref_slice %arg13[%multiple_of3A_182] : memref<49152xf32, #tpu.memory_space<vmem>> -> memref<64xf32, #tpu.memory_space<vmem>>
      %dma_start3A_187 = tpu.memref_slice %arg5[%multiple_of3A_185] : memref<1048576xf32, #tpu.memory_space<hbm>> -> memref<64xf32, #tpu.memory_space<hbm>>
      %dma_start3A_188 = tpu.memref_slice %arg5[%multiple_of3A_185] : memref<1048576xf32, #tpu.memory_space<hbm>> -> memref<64xf32, #tpu.memory_space<hbm>>
      %dma_start3A_189 = tpu.memref_slice %arg13[%multiple_of3A_182] : memref<49152xf32, #tpu.memory_space<vmem>> -> memref<64xf32, #tpu.memory_space<vmem>>
      tpu.enqueue_dma source(%dma_start3A_189 : memref<64xf32, #tpu.memory_space<vmem>>) target(%dma_start3A_188 : memref<64xf32, #tpu.memory_space<hbm>>) target_semaphore(%arg17 : memref<!tpu.dma_semaphore, #tpu.memory_space<semaphore_mem>>)
      %add3A_190 = arith.constant 7 : i32
      %add3A_191 = arith.addi %mul3A_99, %add3A_190 : i32
      %mul3A_192 = arith.constant 64 : i32
      %mul3A_193 = arith.muli %add3A_191, %mul3A_192 : i32
      %multiple_of3A_194 = tpu.assume_multiple %mul3A_193, 64 : i32
      %slice3A_195 = vector.extract_strided_slice %mul3A_105 {offsets = [7], sizes = [1], strides = [1]} : vector<16xi32> to vector<1xi32>
      %squeeze3A_196 = vector.extract %slice3A_195[0] : i32 from vector<1xi32>
      %multiple_of3A_197 = tpu.assume_multiple %squeeze3A_196, 64 : i32
      %dma_start3A_198 = tpu.memref_slice %arg13[%multiple_of3A_194] : memref<49152xf32, #tpu.memory_space<vmem>> -> memref<64xf32, #tpu.memory_space<vmem>>
      %dma_start3A_199 = tpu.memref_slice %arg5[%multiple_of3A_197] : memref<1048576xf32, #tpu.memory_space<hbm>> -> memref<64xf32, #tpu.memory_space<hbm>>
      %dma_start3A_200 = tpu.memref_slice %arg5[%multiple_of3A_197] : memref<1048576xf32, #tpu.memory_space<hbm>> -> memref<64xf32, #tpu.memory_space<hbm>>
      %dma_start3A_201 = tpu.memref_slice %arg13[%multiple_of3A_194] : memref<49152xf32, #tpu.memory_space<vmem>> -> memref<64xf32, #tpu.memory_space<vmem>>
      tpu.enqueue_dma source(%dma_start3A_201 : memref<64xf32, #tpu.memory_space<vmem>>) target(%dma_start3A_200 : memref<64xf32, #tpu.memory_space<hbm>>) target_semaphore(%arg17 : memref<!tpu.dma_semaphore, #tpu.memory_space<semaphore_mem>>)
      %add3A_202 = arith.constant 8 : i32
      %add3A_203 = arith.addi %mul3A_99, %add3A_202 : i32
      %mul3A_204 = arith.constant 64 : i32
      %mul3A_205 = arith.muli %add3A_203, %mul3A_204 : i32
      %multiple_of3A_206 = tpu.assume_multiple %mul3A_205, 64 : i32
      %slice3A_207 = vector.extract_strided_slice %mul3A_105 {offsets = [8], sizes = [1], strides = [1]} : vector<16xi32> to vector<1xi32>
      %squeeze3A_208 = vector.extract %slice3A_207[0] : i32 from vector<1xi32>
      %multiple_of3A_209 = tpu.assume_multiple %squeeze3A_208, 64 : i32
      %dma_start3A_210 = tpu.memref_slice %arg13[%multiple_of3A_206] : memref<49152xf32, #tpu.memory_space<vmem>> -> memref<64xf32, #tpu.memory_space<vmem>>
      %dma_start3A_211 = tpu.memref_slice %arg5[%multiple_of3A_209] : memref<1048576xf32, #tpu.memory_space<hbm>> -> memref<64xf32, #tpu.memory_space<hbm>>
      %dma_start3A_212 = tpu.memref_slice %arg5[%multiple_of3A_209] : memref<1048576xf32, #tpu.memory_space<hbm>> -> memref<64xf32, #tpu.memory_space<hbm>>
      %dma_start3A_213 = tpu.memref_slice %arg13[%multiple_of3A_206] : memref<49152xf32, #tpu.memory_space<vmem>> -> memref<64xf32, #tpu.memory_space<vmem>>
      tpu.enqueue_dma source(%dma_start3A_213 : memref<64xf32, #tpu.memory_space<vmem>>) target(%dma_start3A_212 : memref<64xf32, #tpu.memory_space<hbm>>) target_semaphore(%arg17 : memref<!tpu.dma_semaphore, #tpu.memory_space<semaphore_mem>>)
      %add3A_214 = arith.constant 9 : i32
      %add3A_215 = arith.addi %mul3A_99, %add3A_214 : i32
      %mul3A_216 = arith.constant 64 : i32
      %mul3A_217 = arith.muli %add3A_215, %mul3A_216 : i32
      %multiple_of3A_218 = tpu.assume_multiple %mul3A_217, 64 : i32
      %slice3A_219 = vector.extract_strided_slice %mul3A_105 {offsets = [9], sizes = [1], strides = [1]} : vector<16xi32> to vector<1xi32>
      %squeeze3A_220 = vector.extract %slice3A_219[0] : i32 from vector<1xi32>
      %multiple_of3A_221 = tpu.assume_multiple %squeeze3A_220, 64 : i32
      %dma_start3A_222 = tpu.memref_slice %arg13[%multiple_of3A_218] : memref<49152xf32, #tpu.memory_space<vmem>> -> memref<64xf32, #tpu.memory_space<vmem>>
      %dma_start3A_223 = tpu.memref_slice %arg5[%multiple_of3A_221] : memref<1048576xf32, #tpu.memory_space<hbm>> -> memref<64xf32, #tpu.memory_space<hbm>>
      %dma_start3A_224 = tpu.memref_slice %arg5[%multiple_of3A_221] : memref<1048576xf32, #tpu.memory_space<hbm>> -> memref<64xf32, #tpu.memory_space<hbm>>
      %dma_start3A_225 = tpu.memref_slice %arg13[%multiple_of3A_218] : memref<49152xf32, #tpu.memory_space<vmem>> -> memref<64xf32, #tpu.memory_space<vmem>>
      tpu.enqueue_dma source(%dma_start3A_225 : memref<64xf32, #tpu.memory_space<vmem>>) target(%dma_start3A_224 : memref<64xf32, #tpu.memory_space<hbm>>) target_semaphore(%arg17 : memref<!tpu.dma_semaphore, #tpu.memory_space<semaphore_mem>>)
      %add3A_226 = arith.constant 10 : i32
      %add3A_227 = arith.addi %mul3A_99, %add3A_226 : i32
      %mul3A_228 = arith.constant 64 : i32
      %mul3A_229 = arith.muli %add3A_227, %mul3A_228 : i32
      %multiple_of3A_230 = tpu.assume_multiple %mul3A_229, 64 : i32
      %slice3A_231 = vector.extract_strided_slice %mul3A_105 {offsets = [10], sizes = [1], strides = [1]} : vector<16xi32> to vector<1xi32>
      %squeeze3A_232 = vector.extract %slice3A_231[0] : i32 from vector<1xi32>
      %multiple_of3A_233 = tpu.assume_multiple %squeeze3A_232, 64 : i32
      %dma_start3A_234 = tpu.memref_slice %arg13[%multiple_of3A_230] : memref<49152xf32, #tpu.memory_space<vmem>> -> memref<64xf32, #tpu.memory_space<vmem>>
      %dma_start3A_235 = tpu.memref_slice %arg5[%multiple_of3A_233] : memref<1048576xf32, #tpu.memory_space<hbm>> -> memref<64xf32, #tpu.memory_space<hbm>>
      %dma_start3A_236 = tpu.memref_slice %arg5[%multiple_of3A_233] : memref<1048576xf32, #tpu.memory_space<hbm>> -> memref<64xf32, #tpu.memory_space<hbm>>
      %dma_start3A_237 = tpu.memref_slice %arg13[%multiple_of3A_230] : memref<49152xf32, #tpu.memory_space<vmem>> -> memref<64xf32, #tpu.memory_space<vmem>>
      tpu.enqueue_dma source(%dma_start3A_237 : memref<64xf32, #tpu.memory_space<vmem>>) target(%dma_start3A_236 : memref<64xf32, #tpu.memory_space<hbm>>) target_semaphore(%arg17 : memref<!tpu.dma_semaphore, #tpu.memory_space<semaphore_mem>>)
      %add3A_238 = arith.constant 11 : i32
      %add3A_239 = arith.addi %mul3A_99, %add3A_238 : i32
      %mul3A_240 = arith.constant 64 : i32
      %mul3A_241 = arith.muli %add3A_239, %mul3A_240 : i32
      %multiple_of3A_242 = tpu.assume_multiple %mul3A_241, 64 : i32
      %slice3A_243 = vector.extract_strided_slice %mul3A_105 {offsets = [11], sizes = [1], strides = [1]} : vector<16xi32> to vector<1xi32>
      %squeeze3A_244 = vector.extract %slice3A_243[0] : i32 from vector<1xi32>
      %multiple_of3A_245 = tpu.assume_multiple %squeeze3A_244, 64 : i32
      %dma_start3A_246 = tpu.memref_slice %arg13[%multiple_of3A_242] : memref<49152xf32, #tpu.memory_space<vmem>> -> memref<64xf32, #tpu.memory_space<vmem>>
      %dma_start3A_247 = tpu.memref_slice %arg5[%multiple_of3A_245] : memref<1048576xf32, #tpu.memory_space<hbm>> -> memref<64xf32, #tpu.memory_space<hbm>>
      %dma_start3A_248 = tpu.memref_slice %arg5[%multiple_of3A_245] : memref<1048576xf32, #tpu.memory_space<hbm>> -> memref<64xf32, #tpu.memory_space<hbm>>
      %dma_start3A_249 = tpu.memref_slice %arg13[%multiple_of3A_242] : memref<49152xf32, #tpu.memory_space<vmem>> -> memref<64xf32, #tpu.memory_space<vmem>>
      tpu.enqueue_dma source(%dma_start3A_249 : memref<64xf32, #tpu.memory_space<vmem>>) target(%dma_start3A_248 : memref<64xf32, #tpu.memory_space<hbm>>) target_semaphore(%arg17 : memref<!tpu.dma_semaphore, #tpu.memory_space<semaphore_mem>>)
      %add3A_250 = arith.constant 12 : i32
      %add3A_251 = arith.addi %mul3A_99, %add3A_250 : i32
      %mul3A_252 = arith.constant 64 : i32
      %mul3A_253 = arith.muli %add3A_251, %mul3A_252 : i32
      %multiple_of3A_254 = tpu.assume_multiple %mul3A_253, 64 : i32
      %slice3A_255 = vector.extract_strided_slice %mul3A_105 {offsets = [12], sizes = [1], strides = [1]} : vector<16xi32> to vector<1xi32>
      %squeeze3A_256 = vector.extract %slice3A_255[0] : i32 from vector<1xi32>
      %multiple_of3A_257 = tpu.assume_multiple %squeeze3A_256, 64 : i32
      %dma_start3A_258 = tpu.memref_slice %arg13[%multiple_of3A_254] : memref<49152xf32, #tpu.memory_space<vmem>> -> memref<64xf32, #tpu.memory_space<vmem>>
      %dma_start3A_259 = tpu.memref_slice %arg5[%multiple_of3A_257] : memref<1048576xf32, #tpu.memory_space<hbm>> -> memref<64xf32, #tpu.memory_space<hbm>>
      %dma_start3A_260 = tpu.memref_slice %arg5[%multiple_of3A_257] : memref<1048576xf32, #tpu.memory_space<hbm>> -> memref<64xf32, #tpu.memory_space<hbm>>
      %dma_start3A_261 = tpu.memref_slice %arg13[%multiple_of3A_254] : memref<49152xf32, #tpu.memory_space<vmem>> -> memref<64xf32, #tpu.memory_space<vmem>>
      tpu.enqueue_dma source(%dma_start3A_261 : memref<64xf32, #tpu.memory_space<vmem>>) target(%dma_start3A_260 : memref<64xf32, #tpu.memory_space<hbm>>) target_semaphore(%arg17 : memref<!tpu.dma_semaphore, #tpu.memory_space<semaphore_mem>>)
      %add3A_262 = arith.constant 13 : i32
      %add3A_263 = arith.addi %mul3A_99, %add3A_262 : i32
      %mul3A_264 = arith.constant 64 : i32
      %mul3A_265 = arith.muli %add3A_263, %mul3A_264 : i32
      %multiple_of3A_266 = tpu.assume_multiple %mul3A_265, 64 : i32
      %slice3A_267 = vector.extract_strided_slice %mul3A_105 {offsets = [13], sizes = [1], strides = [1]} : vector<16xi32> to vector<1xi32>
      %squeeze3A_268 = vector.extract %slice3A_267[0] : i32 from vector<1xi32>
      %multiple_of3A_269 = tpu.assume_multiple %squeeze3A_268, 64 : i32
      %dma_start3A_270 = tpu.memref_slice %arg13[%multiple_of3A_266] : memref<49152xf32, #tpu.memory_space<vmem>> -> memref<64xf32, #tpu.memory_space<vmem>>
      %dma_start3A_271 = tpu.memref_slice %arg5[%multiple_of3A_269] : memref<1048576xf32, #tpu.memory_space<hbm>> -> memref<64xf32, #tpu.memory_space<hbm>>
      %dma_start3A_272 = tpu.memref_slice %arg5[%multiple_of3A_269] : memref<1048576xf32, #tpu.memory_space<hbm>> -> memref<64xf32, #tpu.memory_space<hbm>>
      %dma_start3A_273 = tpu.memref_slice %arg13[%multiple_of3A_266] : memref<49152xf32, #tpu.memory_space<vmem>> -> memref<64xf32, #tpu.memory_space<vmem>>
      tpu.enqueue_dma source(%dma_start3A_273 : memref<64xf32, #tpu.memory_space<vmem>>) target(%dma_start3A_272 : memref<64xf32, #tpu.memory_space<hbm>>) target_semaphore(%arg17 : memref<!tpu.dma_semaphore, #tpu.memory_space<semaphore_mem>>)
      %add3A_274 = arith.constant 14 : i32
      %add3A_275 = arith.addi %mul3A_99, %add3A_274 : i32
      %mul3A_276 = arith.constant 64 : i32
      %mul3A_277 = arith.muli %add3A_275, %mul3A_276 : i32
      %multiple_of3A_278 = tpu.assume_multiple %mul3A_277, 64 : i32
      %slice3A_279 = vector.extract_strided_slice %mul3A_105 {offsets = [14], sizes = [1], strides = [1]} : vector<16xi32> to vector<1xi32>
      %squeeze3A_280 = vector.extract %slice3A_279[0] : i32 from vector<1xi32>
      %multiple_of3A_281 = tpu.assume_multiple %squeeze3A_280, 64 : i32
      %dma_start3A_282 = tpu.memref_slice %arg13[%multiple_of3A_278] : memref<49152xf32, #tpu.memory_space<vmem>> -> memref<64xf32, #tpu.memory_space<vmem>>
      %dma_start3A_283 = tpu.memref_slice %arg5[%multiple_of3A_281] : memref<1048576xf32, #tpu.memory_space<hbm>> -> memref<64xf32, #tpu.memory_space<hbm>>
      %dma_start3A_284 = tpu.memref_slice %arg5[%multiple_of3A_281] : memref<1048576xf32, #tpu.memory_space<hbm>> -> memref<64xf32, #tpu.memory_space<hbm>>
      %dma_start3A_285 = tpu.memref_slice %arg13[%multiple_of3A_278] : memref<49152xf32, #tpu.memory_space<vmem>> -> memref<64xf32, #tpu.memory_space<vmem>>
      tpu.enqueue_dma source(%dma_start3A_285 : memref<64xf32, #tpu.memory_space<vmem>>) target(%dma_start3A_284 : memref<64xf32, #tpu.memory_space<hbm>>) target_semaphore(%arg17 : memref<!tpu.dma_semaphore, #tpu.memory_space<semaphore_mem>>)
      %add3A_286 = arith.constant 15 : i32
      %add3A_287 = arith.addi %mul3A_99, %add3A_286 : i32
      %mul3A_288 = arith.constant 64 : i32
      %mul3A_289 = arith.muli %add3A_287, %mul3A_288 : i32
      %multiple_of3A_290 = tpu.assume_multiple %mul3A_289, 64 : i32
      %slice3A_291 = vector.extract_strided_slice %mul3A_105 {offsets = [15], sizes = [1], strides = [1]} : vector<16xi32> to vector<1xi32>
      %squeeze3A_292 = vector.extract %slice3A_291[0] : i32 from vector<1xi32>
      %multiple_of3A_293 = tpu.assume_multiple %squeeze3A_292, 64 : i32
      %dma_start3A_294 = tpu.memref_slice %arg13[%multiple_of3A_290] : memref<49152xf32, #tpu.memory_space<vmem>> -> memref<64xf32, #tpu.memory_space<vmem>>
      %dma_start3A_295 = tpu.memref_slice %arg5[%multiple_of3A_293] : memref<1048576xf32, #tpu.memory_space<hbm>> -> memref<64xf32, #tpu.memory_space<hbm>>
      %dma_start3A_296 = tpu.memref_slice %arg5[%multiple_of3A_293] : memref<1048576xf32, #tpu.memory_space<hbm>> -> memref<64xf32, #tpu.memory_space<hbm>>
      %dma_start3A_297 = tpu.memref_slice %arg13[%multiple_of3A_290] : memref<49152xf32, #tpu.memory_space<vmem>> -> memref<64xf32, #tpu.memory_space<vmem>>
      tpu.enqueue_dma source(%dma_start3A_297 : memref<64xf32, #tpu.memory_space<vmem>>) target(%dma_start3A_296 : memref<64xf32, #tpu.memory_space<hbm>>) target_semaphore(%arg17 : memref<!tpu.dma_semaphore, #tpu.memory_space<semaphore_mem>>)
      %dma_wait3A = arith.constant 0 : i32
      %dma_wait3A_298 = tpu.memref_slice %arg13[%dma_wait3A] : memref<49152xf32, #tpu.memory_space<vmem>> -> memref<64xf32, #tpu.memory_space<vmem>>
      %dma_wait3A_299 = arith.constant 0 : i32
      %dma_wait3A_300 = tpu.memref_slice %arg5[%dma_wait3A_299] : memref<1048576xf32, #tpu.memory_space<hbm>> -> memref<64xf32, #tpu.memory_space<hbm>>
      %dma_wait3A_301 = arith.constant 0 : i32
      %dma_wait3A_302 = tpu.memref_slice %arg5[%dma_wait3A_301] : memref<1048576xf32, #tpu.memory_space<hbm>> -> memref<64xf32, #tpu.memory_space<hbm>>
      %dma_wait3A_303 = arith.constant 0 : i32
      %dma_wait3A_304 = tpu.memref_slice %arg13[%dma_wait3A_303] : memref<49152xf32, #tpu.memory_space<vmem>> -> memref<64xf32, #tpu.memory_space<vmem>>
      tpu.wait_dma2 semaphore(%arg17 : memref<!tpu.dma_semaphore, #tpu.memory_space<semaphore_mem>>) src(%dma_wait3A_304 : memref<64xf32, #tpu.memory_space<vmem>>) dst(%dma_wait3A_302 : memref<64xf32, #tpu.memory_space<hbm>>)
      %dma_wait3A_305 = arith.constant 0 : i32
      %dma_wait3A_306 = tpu.memref_slice %arg13[%dma_wait3A_305] : memref<49152xf32, #tpu.memory_space<vmem>> -> memref<64xf32, #tpu.memory_space<vmem>>
      %dma_wait3A_307 = arith.constant 0 : i32
      %dma_wait3A_308 = tpu.memref_slice %arg5[%dma_wait3A_307] : memref<1048576xf32, #tpu.memory_space<hbm>> -> memref<64xf32, #tpu.memory_space<hbm>>
      %dma_wait3A_309 = arith.constant 0 : i32
      %dma_wait3A_310 = tpu.memref_slice %arg5[%dma_wait3A_309] : memref<1048576xf32, #tpu.memory_space<hbm>> -> memref<64xf32, #tpu.memory_space<hbm>>
      %dma_wait3A_311 = arith.constant 0 : i32
      %dma_wait3A_312 = tpu.memref_slice %arg13[%dma_wait3A_311] : memref<49152xf32, #tpu.memory_space<vmem>> -> memref<64xf32, #tpu.memory_space<vmem>>
      tpu.wait_dma2 semaphore(%arg17 : memref<!tpu.dma_semaphore, #tpu.memory_space<semaphore_mem>>) src(%dma_wait3A_312 : memref<64xf32, #tpu.memory_space<vmem>>) dst(%dma_wait3A_310 : memref<64xf32, #tpu.memory_space<hbm>>)
      %dma_wait3A_313 = arith.constant 0 : i32
      %dma_wait3A_314 = tpu.memref_slice %arg13[%dma_wait3A_313] : memref<49152xf32, #tpu.memory_space<vmem>> -> memref<64xf32, #tpu.memory_space<vmem>>
      %dma_wait3A_315 = arith.constant 0 : i32
      %dma_wait3A_316 = tpu.memref_slice %arg5[%dma_wait3A_315] : memref<1048576xf32, #tpu.memory_space<hbm>> -> memref<64xf32, #tpu.memory_space<hbm>>
      %dma_wait3A_317 = arith.constant 0 : i32
      %dma_wait3A_318 = tpu.memref_slice %arg5[%dma_wait3A_317] : memref<1048576xf32, #tpu.memory_space<hbm>> -> memref<64xf32, #tpu.memory_space<hbm>>
      %dma_wait3A_319 = arith.constant 0 : i32
      %dma_wait3A_320 = tpu.memref_slice %arg13[%dma_wait3A_319] : memref<49152xf32, #tpu.memory_space<vmem>> -> memref<64xf32, #tpu.memory_space<vmem>>
      tpu.wait_dma2 semaphore(%arg17 : memref<!tpu.dma_semaphore, #tpu.memory_space<semaphore_mem>>) src(%dma_wait3A_320 : memref<64xf32, #tpu.memory_space<vmem>>) dst(%dma_wait3A_318 : memref<64xf32, #tpu.memory_space<hbm>>)
      %dma_wait3A_321 = arith.constant 0 : i32
      %dma_wait3A_322 = tpu.memref_slice %arg13[%dma_wait3A_321] : memref<49152xf32, #tpu.memory_space<vmem>> -> memref<64xf32, #tpu.memory_space<vmem>>
      %dma_wait3A_323 = arith.constant 0 : i32
      %dma_wait3A_324 = tpu.memref_slice %arg5[%dma_wait3A_323] : memref<1048576xf32, #tpu.memory_space<hbm>> -> memref<64xf32, #tpu.memory_space<hbm>>
      %dma_wait3A_325 = arith.constant 0 : i32
      %dma_wait3A_326 = tpu.memref_slice %arg5[%dma_wait3A_325] : memref<1048576xf32, #tpu.memory_space<hbm>> -> memref<64xf32, #tpu.memory_space<hbm>>
      %dma_wait3A_327 = arith.constant 0 : i32
      %dma_wait3A_328 = tpu.memref_slice %arg13[%dma_wait3A_327] : memref<49152xf32, #tpu.memory_space<vmem>> -> memref<64xf32, #tpu.memory_space<vmem>>
      tpu.wait_dma2 semaphore(%arg17 : memref<!tpu.dma_semaphore, #tpu.memory_space<semaphore_mem>>) src(%dma_wait3A_328 : memref<64xf32, #tpu.memory_space<vmem>>) dst(%dma_wait3A_326 : memref<64xf32, #tpu.memory_space<hbm>>)
      %dma_wait3A_329 = arith.constant 0 : i32
      %dma_wait3A_330 = tpu.memref_slice %arg13[%dma_wait3A_329] : memref<49152xf32, #tpu.memory_space<vmem>> -> memref<64xf32, #tpu.memory_space<vmem>>
      %dma_wait3A_331 = arith.constant 0 : i32
      %dma_wait3A_332 = tpu.memref_slice %arg5[%dma_wait3A_331] : memref<1048576xf32, #tpu.memory_space<hbm>> -> memref<64xf32, #tpu.memory_space<hbm>>
      %dma_wait3A_333 = arith.constant 0 : i32
      %dma_wait3A_334 = tpu.memref_slice %arg5[%dma_wait3A_333] : memref<1048576xf32, #tpu.memory_space<hbm>> -> memref<64xf32, #tpu.memory_space<hbm>>
      %dma_wait3A_335 = arith.constant 0 : i32
      %dma_wait3A_336 = tpu.memref_slice %arg13[%dma_wait3A_335] : memref<49152xf32, #tpu.memory_space<vmem>> -> memref<64xf32, #tpu.memory_space<vmem>>
      tpu.wait_dma2 semaphore(%arg17 : memref<!tpu.dma_semaphore, #tpu.memory_space<semaphore_mem>>) src(%dma_wait3A_336 : memref<64xf32, #tpu.memory_space<vmem>>) dst(%dma_wait3A_334 : memref<64xf32, #tpu.memory_space<hbm>>)
      %dma_wait3A_337 = arith.constant 0 : i32
      %dma_wait3A_338 = tpu.memref_slice %arg13[%dma_wait3A_337] : memref<49152xf32, #tpu.memory_space<vmem>> -> memref<64xf32, #tpu.memory_space<vmem>>
      %dma_wait3A_339 = arith.constant 0 : i32
      %dma_wait3A_340 = tpu.memref_slice %arg5[%dma_wait3A_339] : memref<1048576xf32, #tpu.memory_space<hbm>> -> memref<64xf32, #tpu.memory_space<hbm>>
      %dma_wait3A_341 = arith.constant 0 : i32
      %dma_wait3A_342 = tpu.memref_slice %arg5[%dma_wait3A_341] : memref<1048576xf32, #tpu.memory_space<hbm>> -> memref<64xf32, #tpu.memory_space<hbm>>
      %dma_wait3A_343 = arith.constant 0 : i32
      %dma_wait3A_344 = tpu.memref_slice %arg13[%dma_wait3A_343] : memref<49152xf32, #tpu.memory_space<vmem>> -> memref<64xf32, #tpu.memory_space<vmem>>
      tpu.wait_dma2 semaphore(%arg17 : memref<!tpu.dma_semaphore, #tpu.memory_space<semaphore_mem>>) src(%dma_wait3A_344 : memref<64xf32, #tpu.memory_space<vmem>>) dst(%dma_wait3A_342 : memref<64xf32, #tpu.memory_space<hbm>>)
      %dma_wait3A_345 = arith.constant 0 : i32
      %dma_wait3A_346 = tpu.memref_slice %arg13[%dma_wait3A_345] : memref<49152xf32, #tpu.memory_space<vmem>> -> memref<64xf32, #tpu.memory_space<vmem>>
      %dma_wait3A_347 = arith.constant 0 : i32
      %dma_wait3A_348 = tpu.memref_slice %arg5[%dma_wait3A_347] : memref<1048576xf32, #tpu.memory_space<hbm>> -> memref<64xf32, #tpu.memory_space<hbm>>
      %dma_wait3A_349 = arith.constant 0 : i32
      %dma_wait3A_350 = tpu.memref_slice %arg5[%dma_wait3A_349] : memref<1048576xf32, #tpu.memory_space<hbm>> -> memref<64xf32, #tpu.memory_space<hbm>>
      %dma_wait3A_351 = arith.constant 0 : i32
      %dma_wait3A_352 = tpu.memref_slice %arg13[%dma_wait3A_351] : memref<49152xf32, #tpu.memory_space<vmem>> -> memref<64xf32, #tpu.memory_space<vmem>>
      tpu.wait_dma2 semaphore(%arg17 : memref<!tpu.dma_semaphore, #tpu.memory_space<semaphore_mem>>) src(%dma_wait3A_352 : memref<64xf32, #tpu.memory_space<vmem>>) dst(%dma_wait3A_350 : memref<64xf32, #tpu.memory_space<hbm>>)
      %dma_wait3A_353 = arith.constant 0 : i32
      %dma_wait3A_354 = tpu.memref_slice %arg13[%dma_wait3A_353] : memref<49152xf32, #tpu.memory_space<vmem>> -> memref<64xf32, #tpu.memory_space<vmem>>
      %dma_wait3A_355 = arith.constant 0 : i32
      %dma_wait3A_356 = tpu.memref_slice %arg5[%dma_wait3A_355] : memref<1048576xf32, #tpu.memory_space<hbm>> -> memref<64xf32, #tpu.memory_space<hbm>>
      %dma_wait3A_357 = arith.constant 0 : i32
      %dma_wait3A_358 = tpu.memref_slice %arg5[%dma_wait3A_357] : memref<1048576xf32, #tpu.memory_space<hbm>> -> memref<64xf32, #tpu.memory_space<hbm>>
      %dma_wait3A_359 = arith.constant 0 : i32
      %dma_wait3A_360 = tpu.memref_slice %arg13[%dma_wait3A_359] : memref<49152xf32, #tpu.memory_space<vmem>> -> memref<64xf32, #tpu.memory_space<vmem>>
      tpu.wait_dma2 semaphore(%arg17 : memref<!tpu.dma_semaphore, #tpu.memory_space<semaphore_mem>>) src(%dma_wait3A_360 : memref<64xf32, #tpu.memory_space<vmem>>) dst(%dma_wait3A_358 : memref<64xf32, #tpu.memory_space<hbm>>)
      %dma_wait3A_361 = arith.constant 0 : i32
      %dma_wait3A_362 = tpu.memref_slice %arg13[%dma_wait3A_361] : memref<49152xf32, #tpu.memory_space<vmem>> -> memref<64xf32, #tpu.memory_space<vmem>>
      %dma_wait3A_363 = arith.constant 0 : i32
      %dma_wait3A_364 = tpu.memref_slice %arg5[%dma_wait3A_363] : memref<1048576xf32, #tpu.memory_space<hbm>> -> memref<64xf32, #tpu.memory_space<hbm>>
      %dma_wait3A_365 = arith.constant 0 : i32
      %dma_wait3A_366 = tpu.memref_slice %arg5[%dma_wait3A_365] : memref<1048576xf32, #tpu.memory_space<hbm>> -> memref<64xf32, #tpu.memory_space<hbm>>
      %dma_wait3A_367 = arith.constant 0 : i32
      %dma_wait3A_368 = tpu.memref_slice %arg13[%dma_wait3A_367] : memref<49152xf32, #tpu.memory_space<vmem>> -> memref<64xf32, #tpu.memory_space<vmem>>
      tpu.wait_dma2 semaphore(%arg17 : memref<!tpu.dma_semaphore, #tpu.memory_space<semaphore_mem>>) src(%dma_wait3A_368 : memref<64xf32, #tpu.memory_space<vmem>>) dst(%dma_wait3A_366 : memref<64xf32, #tpu.memory_space<hbm>>)
      %dma_wait3A_369 = arith.constant 0 : i32
      %dma_wait3A_370 = tpu.memref_slice %arg13[%dma_wait3A_369] : memref<49152xf32, #tpu.memory_space<vmem>> -> memref<64xf32, #tpu.memory_space<vmem>>
      %dma_wait3A_371 = arith.constant 0 : i32
      %dma_wait3A_372 = tpu.memref_slice %arg5[%dma_wait3A_371] : memref<1048576xf32, #tpu.memory_space<hbm>> -> memref<64xf32, #tpu.memory_space<hbm>>
      %dma_wait3A_373 = arith.constant 0 : i32
      %dma_wait3A_374 = tpu.memref_slice %arg5[%dma_wait3A_373] : memref<1048576xf32, #tpu.memory_space<hbm>> -> memref<64xf32, #tpu.memory_space<hbm>>
      %dma_wait3A_375 = arith.constant 0 : i32
      %dma_wait3A_376 = tpu.memref_slice %arg13[%dma_wait3A_375] : memref<49152xf32, #tpu.memory_space<vmem>> -> memref<64xf32, #tpu.memory_space<vmem>>
      tpu.wait_dma2 semaphore(%arg17 : memref<!tpu.dma_semaphore, #tpu.memory_space<semaphore_mem>>) src(%dma_wait3A_376 : memref<64xf32, #tpu.memory_space<vmem>>) dst(%dma_wait3A_374 : memref<64xf32, #tpu.memory_space<hbm>>)
      %dma_wait3A_377 = arith.constant 0 : i32
      %dma_wait3A_378 = tpu.memref_slice %arg13[%dma_wait3A_377] : memref<49152xf32, #tpu.memory_space<vmem>> -> memref<64xf32, #tpu.memory_space<vmem>>
      %dma_wait3A_379 = arith.constant 0 : i32
      %dma_wait3A_380 = tpu.memref_slice %arg5[%dma_wait3A_379] : memref<1048576xf32, #tpu.memory_space<hbm>> -> memref<64xf32, #tpu.memory_space<hbm>>
      %dma_wait3A_381 = arith.constant 0 : i32
      %dma_wait3A_382 = tpu.memref_slice %arg5[%dma_wait3A_381] : memref<1048576xf32, #tpu.memory_space<hbm>> -> memref<64xf32, #tpu.memory_space<hbm>>
      %dma_wait3A_383 = arith.constant 0 : i32
      %dma_wait3A_384 = tpu.memref_slice %arg13[%dma_wait3A_383] : memref<49152xf32, #tpu.memory_space<vmem>> -> memref<64xf32, #tpu.memory_space<vmem>>
      tpu.wait_dma2 semaphore(%arg17 : memref<!tpu.dma_semaphore, #tpu.memory_space<semaphore_mem>>) src(%dma_wait3A_384 : memref<64xf32, #tpu.memory_space<vmem>>) dst(%dma_wait3A_382 : memref<64xf32, #tpu.memory_space<hbm>>)
      %dma_wait3A_385 = arith.constant 0 : i32
      %dma_wait3A_386 = tpu.memref_slice %arg13[%dma_wait3A_385] : memref<49152xf32, #tpu.memory_space<vmem>> -> memref<64xf32, #tpu.memory_space<vmem>>
      %dma_wait3A_387 = arith.constant 0 : i32
      %dma_wait3A_388 = tpu.memref_slice %arg5[%dma_wait3A_387] : memref<1048576xf32, #tpu.memory_space<hbm>> -> memref<64xf32, #tpu.memory_space<hbm>>
      %dma_wait3A_389 = arith.constant 0 : i32
      %dma_wait3A_390 = tpu.memref_slice %arg5[%dma_wait3A_389] : memref<1048576xf32, #tpu.memory_space<hbm>> -> memref<64xf32, #tpu.memory_space<hbm>>
      %dma_wait3A_391 = arith.constant 0 : i32
      %dma_wait3A_392 = tpu.memref_slice %arg13[%dma_wait3A_391] : memref<49152xf32, #tpu.memory_space<vmem>> -> memref<64xf32, #tpu.memory_space<vmem>>
      tpu.wait_dma2 semaphore(%arg17 : memref<!tpu.dma_semaphore, #tpu.memory_space<semaphore_mem>>) src(%dma_wait3A_392 : memref<64xf32, #tpu.memory_space<vmem>>) dst(%dma_wait3A_390 : memref<64xf32, #tpu.memory_space<hbm>>)
      %dma_wait3A_393 = arith.constant 0 : i32
      %dma_wait3A_394 = tpu.memref_slice %arg13[%dma_wait3A_393] : memref<49152xf32, #tpu.memory_space<vmem>> -> memref<64xf32, #tpu.memory_space<vmem>>
      %dma_wait3A_395 = arith.constant 0 : i32
      %dma_wait3A_396 = tpu.memref_slice %arg5[%dma_wait3A_395] : memref<1048576xf32, #tpu.memory_space<hbm>> -> memref<64xf32, #tpu.memory_space<hbm>>
      %dma_wait3A_397 = arith.constant 0 : i32
      %dma_wait3A_398 = tpu.memref_slice %arg5[%dma_wait3A_397] : memref<1048576xf32, #tpu.memory_space<hbm>> -> memref<64xf32, #tpu.memory_space<hbm>>
      %dma_wait3A_399 = arith.constant 0 : i32
      %dma_wait3A_400 = tpu.memref_slice %arg13[%dma_wait3A_399] : memref<49152xf32, #tpu.memory_space<vmem>> -> memref<64xf32, #tpu.memory_space<vmem>>
      tpu.wait_dma2 semaphore(%arg17 : memref<!tpu.dma_semaphore, #tpu.memory_space<semaphore_mem>>) src(%dma_wait3A_400 : memref<64xf32, #tpu.memory_space<vmem>>) dst(%dma_wait3A_398 : memref<64xf32, #tpu.memory_space<hbm>>)
      %dma_wait3A_401 = arith.constant 0 : i32
      %dma_wait3A_402 = tpu.memref_slice %arg13[%dma_wait3A_401] : memref<49152xf32, #tpu.memory_space<vmem>> -> memref<64xf32, #tpu.memory_space<vmem>>
      %dma_wait3A_403 = arith.constant 0 : i32
      %dma_wait3A_404 = tpu.memref_slice %arg5[%dma_wait3A_403] : memref<1048576xf32, #tpu.memory_space<hbm>> -> memref<64xf32, #tpu.memory_space<hbm>>
      %dma_wait3A_405 = arith.constant 0 : i32
      %dma_wait3A_406 = tpu.memref_slice %arg5[%dma_wait3A_405] : memref<1048576xf32, #tpu.memory_space<hbm>> -> memref<64xf32, #tpu.memory_space<hbm>>
      %dma_wait3A_407 = arith.constant 0 : i32
      %dma_wait3A_408 = tpu.memref_slice %arg13[%dma_wait3A_407] : memref<49152xf32, #tpu.memory_space<vmem>> -> memref<64xf32, #tpu.memory_space<vmem>>
      tpu.wait_dma2 semaphore(%arg17 : memref<!tpu.dma_semaphore, #tpu.memory_space<semaphore_mem>>) src(%dma_wait3A_408 : memref<64xf32, #tpu.memory_space<vmem>>) dst(%dma_wait3A_406 : memref<64xf32, #tpu.memory_space<hbm>>)
      %dma_wait3A_409 = arith.constant 0 : i32
      %dma_wait3A_410 = tpu.memref_slice %arg13[%dma_wait3A_409] : memref<49152xf32, #tpu.memory_space<vmem>> -> memref<64xf32, #tpu.memory_space<vmem>>
      %dma_wait3A_411 = arith.constant 0 : i32
      %dma_wait3A_412 = tpu.memref_slice %arg5[%dma_wait3A_411] : memref<1048576xf32, #tpu.memory_space<hbm>> -> memref<64xf32, #tpu.memory_space<hbm>>
      %dma_wait3A_413 = arith.constant 0 : i32
      %dma_wait3A_414 = tpu.memref_slice %arg5[%dma_wait3A_413] : memref<1048576xf32, #tpu.memory_space<hbm>> -> memref<64xf32, #tpu.memory_space<hbm>>
      %dma_wait3A_415 = arith.constant 0 : i32
      %dma_wait3A_416 = tpu.memref_slice %arg13[%dma_wait3A_415] : memref<49152xf32, #tpu.memory_space<vmem>> -> memref<64xf32, #tpu.memory_space<vmem>>
      tpu.wait_dma2 semaphore(%arg17 : memref<!tpu.dma_semaphore, #tpu.memory_space<semaphore_mem>>) src(%dma_wait3A_416 : memref<64xf32, #tpu.memory_space<vmem>>) dst(%dma_wait3A_414 : memref<64xf32, #tpu.memory_space<hbm>>)
      %dma_wait3A_417 = arith.constant 0 : i32
      %dma_wait3A_418 = tpu.memref_slice %arg13[%dma_wait3A_417] : memref<49152xf32, #tpu.memory_space<vmem>> -> memref<64xf32, #tpu.memory_space<vmem>>
      %dma_wait3A_419 = arith.constant 0 : i32
      %dma_wait3A_420 = tpu.memref_slice %arg5[%dma_wait3A_419] : memref<1048576xf32, #tpu.memory_space<hbm>> -> memref<64xf32, #tpu.memory_space<hbm>>
      %dma_wait3A_421 = arith.constant 0 : i32
      %dma_wait3A_422 = tpu.memref_slice %arg5[%dma_wait3A_421] : memref<1048576xf32, #tpu.memory_space<hbm>> -> memref<64xf32, #tpu.memory_space<hbm>>
      %dma_wait3A_423 = arith.constant 0 : i32
      %dma_wait3A_424 = tpu.memref_slice %arg13[%dma_wait3A_423] : memref<49152xf32, #tpu.memory_space<vmem>> -> memref<64xf32, #tpu.memory_space<vmem>>
      tpu.wait_dma2 semaphore(%arg17 : memref<!tpu.dma_semaphore, #tpu.memory_space<semaphore_mem>>) src(%dma_wait3A_424 : memref<64xf32, #tpu.memory_space<vmem>>) dst(%dma_wait3A_422 : memref<64xf32, #tpu.memory_space<hbm>>)
    }
    return
  }
}

module attributes {stable_mosaic.version = 14 : i64} {
  func.func @_mlp_body(%arg0: i32, %arg1: memref<10x2048xf32, #tpu.memory_space<vmem>>, %arg2: memref<10x2048xf32, #tpu.memory_space<vmem>>, %arg3: memref<2048x64xf32, #tpu.memory_space<vmem>>, %arg4: memref<2048x64xf32, #tpu.memory_space<vmem>>, %arg5: memref<10x128xf32, #tpu.memory_space<vmem>>, %arg6: memref<1x128xf32, #tpu.memory_space<vmem>>, %arg7: memref<128x64xf32, #tpu.memory_space<vmem>>, %arg8: memref<1x64xf32, #tpu.memory_space<vmem>>, %arg9: memref<10x128xf32, #tpu.memory_space<vmem>>, %arg10: memref<1x128xf32, #tpu.memory_space<vmem>>, %arg11: memref<128x64xf32, #tpu.memory_space<vmem>>, %arg12: memref<1x64xf32, #tpu.memory_space<vmem>>, %arg13: memref<64x128xf32, #tpu.memory_space<vmem>>, %arg14: memref<64x128xf32, #tpu.memory_space<vmem>>, %arg15: memref<1x128xf32, #tpu.memory_space<vmem>>, %arg16: memref<128x1xf32, #tpu.memory_space<vmem>>, %arg17: memref<1x1xf32, #tpu.memory_space<vmem>>, %arg18: memref<2048x1xf32, #tpu.memory_space<vmem>>) attributes {dimension_semantics = [#tpu.dimension_semantics<arbitrary>], iteration_bounds = array<i64: 8>, scalar_prefetch = 0 : i64, scratch_operands = 0 : i64, tpu.core_type = #tpu.core_type<tc>, window_params = [{transform_indices = @transform_0, window_bounds = array<i64: 10, 2048>}, {transform_indices = @transform_1, window_bounds = array<i64: 10, 2048>}, {transform_indices = @transform_2, window_bounds = array<i64: 2048, 64>}, {transform_indices = @transform_3, window_bounds = array<i64: 2048, 64>}, {pipeline_mode = #tpu.pipeline_mode<synchronous>, transform_indices = @transform_4, window_bounds = array<i64: 10, 128>}, {pipeline_mode = #tpu.pipeline_mode<synchronous>, transform_indices = @transform_5, window_bounds = array<i64: 1, 128>}, {pipeline_mode = #tpu.pipeline_mode<synchronous>, transform_indices = @transform_6, window_bounds = array<i64: 128, 64>}, {pipeline_mode = #tpu.pipeline_mode<synchronous>, transform_indices = @transform_7, window_bounds = array<i64: 1, 64>}, {pipeline_mode = #tpu.pipeline_mode<synchronous>, transform_indices = @transform_8, window_bounds = array<i64: 10, 128>}, {pipeline_mode = #tpu.pipeline_mode<synchronous>, transform_indices = @transform_9, window_bounds = array<i64: 1, 128>}, {pipeline_mode = #tpu.pipeline_mode<synchronous>, transform_indices = @transform_10, window_bounds = array<i64: 128, 64>}, {pipeline_mode = #tpu.pipeline_mode<synchronous>, transform_indices = @transform_11, window_bounds = array<i64: 1, 64>}, {pipeline_mode = #tpu.pipeline_mode<synchronous>, transform_indices = @transform_12, window_bounds = array<i64: 64, 128>}, {pipeline_mode = #tpu.pipeline_mode<synchronous>, transform_indices = @transform_13, window_bounds = array<i64: 64, 128>}, {pipeline_mode = #tpu.pipeline_mode<synchronous>, transform_indices = @transform_14, window_bounds = array<i64: 1, 128>}, {pipeline_mode = #tpu.pipeline_mode<synchronous>, transform_indices = @transform_15, window_bounds = array<i64: 128, 1>}, {pipeline_mode = #tpu.pipeline_mode<synchronous>, transform_indices = @transform_16, window_bounds = array<i64: 1, 1>}, {transform_indices = @transform_17, window_bounds = array<i64: 2048, 1>}]} {
    %get3A = arith.constant 0 : index
    %get3A_0 = arith.constant 0 : index
    %get3A_1 = vector.load %arg1[%get3A, %get3A_0] : memref<10x2048xf32, #tpu.memory_space<vmem>>, vector<10x2048xf32>
    %get3A_2 = arith.constant 0 : index
    %get3A_3 = arith.constant 0 : index
    %get3A_4 = vector.load %arg5[%get3A_2, %get3A_3] : memref<10x128xf32, #tpu.memory_space<vmem>>, vector<10x128xf32>
    %dot_general3A = arith.constant dense<0.000000e+00> : vector<2048x128xf32>
    %dot_general3A_5 = tpu.matmul %get3A_1, %get3A_4, %dot_general3A {dimension_numbers = #tpu.dot_dimension_numbers<[0], [0], [1], [1], [0, 1, 1, 1], [], []>, transpose_lhs_hint = false} : vector<10x2048xf32>, vector<10x128xf32>, vector<2048x128xf32> -> vector<2048x128xf32>
    %get3A_6 = arith.constant 0 : index
    %get3A_7 = arith.constant 0 : index
    %get3A_8 = vector.load %arg6[%get3A_6, %get3A_7] : memref<1x128xf32, #tpu.memory_space<vmem>>, vector<1x128xf32>
    %add3A = vector.broadcast %get3A_8 : vector<1x128xf32> to vector<2048x128xf32>
    %add3A_9 = arith.addf %dot_general3A_5, %add3A : vector<2048x128xf32>
    %max3A = arith.constant 0.000000e+00 : f32
    %max3A_10 = vector.broadcast %max3A : f32 to vector<2048x128xf32>
    %max3A_11 = arith.maximumf %add3A_9, %max3A_10 : vector<2048x128xf32>
    %get3A_12 = arith.constant 0 : index
    %get3A_13 = arith.constant 0 : index
    %get3A_14 = vector.load %arg7[%get3A_12, %get3A_13] : memref<128x64xf32, #tpu.memory_space<vmem>>, vector<128x64xf32>
    %dot_general3A_15 = arith.constant dense<0.000000e+00> : vector<2048x64xf32>
    %dot_general3A_16 = tpu.matmul %max3A_11, %get3A_14, %dot_general3A_15 {dimension_numbers = #tpu.dot_dimension_numbers<[1], [0], [0], [1], [0, 0, 1, 1], [], []>, transpose_lhs_hint = false} : vector<2048x128xf32>, vector<128x64xf32>, vector<2048x64xf32> -> vector<2048x64xf32>
    %get3A_17 = arith.constant 0 : index
    %get3A_18 = arith.constant 0 : index
    %get3A_19 = vector.load %arg8[%get3A_17, %get3A_18] : memref<1x64xf32, #tpu.memory_space<vmem>>, vector<1x64xf32>
    %add3A_20 = vector.broadcast %get3A_19 : vector<1x64xf32> to vector<2048x64xf32>
    %add3A_21 = arith.addf %dot_general3A_16, %add3A_20 : vector<2048x64xf32>
    %max3A_22 = arith.constant 0.000000e+00 : f32
    %max3A_23 = vector.broadcast %max3A_22 : f32 to vector<2048x64xf32>
    %max3A_24 = arith.maximumf %add3A_21, %max3A_23 : vector<2048x64xf32>
    %get3A_25 = arith.constant 0 : index
    %get3A_26 = arith.constant 0 : index
    %get3A_27 = vector.load %arg2[%get3A_25, %get3A_26] : memref<10x2048xf32, #tpu.memory_space<vmem>>, vector<10x2048xf32>
    %get3A_28 = arith.constant 0 : index
    %get3A_29 = arith.constant 0 : index
    %get3A_30 = vector.load %arg9[%get3A_28, %get3A_29] : memref<10x128xf32, #tpu.memory_space<vmem>>, vector<10x128xf32>
    %dot_general3A_31 = arith.constant dense<0.000000e+00> : vector<2048x128xf32>
    %dot_general3A_32 = tpu.matmul %get3A_27, %get3A_30, %dot_general3A_31 {dimension_numbers = #tpu.dot_dimension_numbers<[0], [0], [1], [1], [0, 1, 1, 1], [], []>, transpose_lhs_hint = false} : vector<10x2048xf32>, vector<10x128xf32>, vector<2048x128xf32> -> vector<2048x128xf32>
    %get3A_33 = arith.constant 0 : index
    %get3A_34 = arith.constant 0 : index
    %get3A_35 = vector.load %arg10[%get3A_33, %get3A_34] : memref<1x128xf32, #tpu.memory_space<vmem>>, vector<1x128xf32>
    %add3A_36 = vector.broadcast %get3A_35 : vector<1x128xf32> to vector<2048x128xf32>
    %add3A_37 = arith.addf %dot_general3A_32, %add3A_36 : vector<2048x128xf32>
    %max3A_38 = arith.constant 0.000000e+00 : f32
    %max3A_39 = vector.broadcast %max3A_38 : f32 to vector<2048x128xf32>
    %max3A_40 = arith.maximumf %add3A_37, %max3A_39 : vector<2048x128xf32>
    %get3A_41 = arith.constant 0 : index
    %get3A_42 = arith.constant 0 : index
    %get3A_43 = vector.load %arg11[%get3A_41, %get3A_42] : memref<128x64xf32, #tpu.memory_space<vmem>>, vector<128x64xf32>
    %dot_general3A_44 = arith.constant dense<0.000000e+00> : vector<2048x64xf32>
    %dot_general3A_45 = tpu.matmul %max3A_40, %get3A_43, %dot_general3A_44 {dimension_numbers = #tpu.dot_dimension_numbers<[1], [0], [0], [1], [0, 0, 1, 1], [], []>, transpose_lhs_hint = false} : vector<2048x128xf32>, vector<128x64xf32>, vector<2048x64xf32> -> vector<2048x64xf32>
    %get3A_46 = arith.constant 0 : index
    %get3A_47 = arith.constant 0 : index
    %get3A_48 = vector.load %arg12[%get3A_46, %get3A_47] : memref<1x64xf32, #tpu.memory_space<vmem>>, vector<1x64xf32>
    %add3A_49 = vector.broadcast %get3A_48 : vector<1x64xf32> to vector<2048x64xf32>
    %add3A_50 = arith.addf %dot_general3A_45, %add3A_49 : vector<2048x64xf32>
    %max3A_51 = arith.constant 0.000000e+00 : f32
    %max3A_52 = vector.broadcast %max3A_51 : f32 to vector<2048x64xf32>
    %max3A_53 = arith.maximumf %add3A_50, %max3A_52 : vector<2048x64xf32>
    %get3A_54 = arith.constant 0 : index
    %get3A_55 = arith.constant 0 : index
    %get3A_56 = vector.load %arg3[%get3A_54, %get3A_55] : memref<2048x64xf32, #tpu.memory_space<vmem>>, vector<2048x64xf32>
    %add3A_57 = arith.addf %get3A_56, %max3A_53 : vector<2048x64xf32>
    %get3A_58 = arith.constant 0 : index
    %get3A_59 = arith.constant 0 : index
    %get3A_60 = vector.load %arg4[%get3A_58, %get3A_59] : memref<2048x64xf32, #tpu.memory_space<vmem>>, vector<2048x64xf32>
    %add3A_61 = arith.addf %get3A_60, %max3A_24 : vector<2048x64xf32>
    %get3A_62 = arith.constant 0 : index
    %get3A_63 = arith.constant 0 : index
    %get3A_64 = vector.load %arg13[%get3A_62, %get3A_63] : memref<64x128xf32, #tpu.memory_space<vmem>>, vector<64x128xf32>
    %dot_general3A_65 = arith.constant dense<0.000000e+00> : vector<2048x128xf32>
    %dot_general3A_66 = tpu.matmul %add3A_57, %get3A_64, %dot_general3A_65 {dimension_numbers = #tpu.dot_dimension_numbers<[1], [0], [0], [1], [0, 0, 1, 1], [], []>, transpose_lhs_hint = false} : vector<2048x64xf32>, vector<64x128xf32>, vector<2048x128xf32> -> vector<2048x128xf32>
    %get3A_67 = arith.constant 0 : index
    %get3A_68 = arith.constant 0 : index
    %get3A_69 = vector.load %arg14[%get3A_67, %get3A_68] : memref<64x128xf32, #tpu.memory_space<vmem>>, vector<64x128xf32>
    %dot_general3A_70 = arith.constant dense<0.000000e+00> : vector<2048x128xf32>
    %dot_general3A_71 = tpu.matmul %add3A_61, %get3A_69, %dot_general3A_70 {dimension_numbers = #tpu.dot_dimension_numbers<[1], [0], [0], [1], [0, 0, 1, 1], [], []>, transpose_lhs_hint = false} : vector<2048x64xf32>, vector<64x128xf32>, vector<2048x128xf32> -> vector<2048x128xf32>
    %add3A_72 = arith.addf %dot_general3A_66, %dot_general3A_71 : vector<2048x128xf32>
    %get3A_73 = arith.constant 0 : index
    %get3A_74 = arith.constant 0 : index
    %get3A_75 = vector.load %arg15[%get3A_73, %get3A_74] : memref<1x128xf32, #tpu.memory_space<vmem>>, vector<1x128xf32>
    %add3A_76 = vector.broadcast %get3A_75 : vector<1x128xf32> to vector<2048x128xf32>
    %add3A_77 = arith.addf %add3A_72, %add3A_76 : vector<2048x128xf32>
    %max3A_78 = arith.constant 0.000000e+00 : f32
    %max3A_79 = vector.broadcast %max3A_78 : f32 to vector<2048x128xf32>
    %max3A_80 = arith.maximumf %add3A_77, %max3A_79 : vector<2048x128xf32>
    %get3A_81 = arith.constant 0 : index
    %get3A_82 = arith.constant 0 : index
    %get3A_83 = vector.load %arg16[%get3A_81, %get3A_82] : memref<128x1xf32, #tpu.memory_space<vmem>>, vector<128x1xf32>
    %dot_general3A_84 = arith.constant dense<0.000000e+00> : vector<2048x1xf32>
    %dot_general3A_85 = tpu.matmul %max3A_80, %get3A_83, %dot_general3A_84 {dimension_numbers = #tpu.dot_dimension_numbers<[1], [0], [0], [1], [0, 0, 1, 1], [], []>, transpose_lhs_hint = false} : vector<2048x128xf32>, vector<128x1xf32>, vector<2048x1xf32> -> vector<2048x1xf32>
    %get3A_86 = arith.constant 0 : index
    %get3A_87 = arith.constant 0 : index
    %get3A_88 = vector.load %arg17[%get3A_86, %get3A_87] : memref<1x1xf32, #tpu.memory_space<vmem>>, vector<1x1xf32>
    %add3A_89 = vector.broadcast %get3A_88 : vector<1x1xf32> to vector<2048x1xf32>
    %add3A_90 = arith.addf %dot_general3A_85, %add3A_89 : vector<2048x1xf32>
    %swap3A = arith.constant 0 : index
    %swap3A_91 = arith.constant 0 : index
    %swap3A_92 = vector.load %arg18[%swap3A, %swap3A_91] : memref<2048x1xf32, #tpu.memory_space<vmem>>, vector<2048x1xf32>
    tpu.vector_store %arg18[%swap3A, %swap3A_91], %add3A_90 {strides = array<i32>} : memref<2048x1xf32, #tpu.memory_space<vmem>>, vector<2048x1xf32>,
    return
  }
  func.func @transform_0(%arg0: i32) -> (i32, i32) {
    %c0_i32 = arith.constant 0 : i32
    %c0_i32_0 = arith.constant 0 : i32
    return %c0_i32, %arg0 : i32, i32
  }
  func.func @transform_1(%arg0: i32) -> (i32, i32) {
    %c0_i32 = arith.constant 0 : i32
    %c0_i32_0 = arith.constant 0 : i32
    return %c0_i32, %arg0 : i32, i32
  }
  func.func @transform_2(%arg0: i32) -> (i32, i32) {
    %c0_i32 = arith.constant 0 : i32
    %c0_i32_0 = arith.constant 0 : i32
    return %arg0, %c0_i32 : i32, i32
  }
  func.func @transform_3(%arg0: i32) -> (i32, i32) {
    %c0_i32 = arith.constant 0 : i32
    %c0_i32_0 = arith.constant 0 : i32
    return %arg0, %c0_i32 : i32, i32
  }
  func.func @transform_4(%arg0: i32) -> (i32, i32) {
    %c0_i32 = arith.constant 0 : i32
    %c0_i32_0 = arith.constant 0 : i32
    %c0_i32_1 = arith.constant 0 : i32
    return %c0_i32, %c0_i32_0 : i32, i32
  }
  func.func @transform_5(%arg0: i32) -> (i32, i32) {
    %c0_i32 = arith.constant 0 : i32
    %c0_i32_0 = arith.constant 0 : i32
    %c0_i32_1 = arith.constant 0 : i32
    return %c0_i32, %c0_i32_0 : i32, i32
  }
  func.func @transform_6(%arg0: i32) -> (i32, i32) {
    %c0_i32 = arith.constant 0 : i32
    %c0_i32_0 = arith.constant 0 : i32
    %c0_i32_1 = arith.constant 0 : i32
    return %c0_i32, %c0_i32_0 : i32, i32
  }
  func.func @transform_7(%arg0: i32) -> (i32, i32) {
    %c0_i32 = arith.constant 0 : i32
    %c0_i32_0 = arith.constant 0 : i32
    %c0_i32_1 = arith.constant 0 : i32
    return %c0_i32, %c0_i32_0 : i32, i32
  }
  func.func @transform_8(%arg0: i32) -> (i32, i32) {
    %c0_i32 = arith.constant 0 : i32
    %c0_i32_0 = arith.constant 0 : i32
    %c0_i32_1 = arith.constant 0 : i32
    return %c0_i32, %c0_i32_0 : i32, i32
  }
  func.func @transform_9(%arg0: i32) -> (i32, i32) {
    %c0_i32 = arith.constant 0 : i32
    %c0_i32_0 = arith.constant 0 : i32
    %c0_i32_1 = arith.constant 0 : i32
    return %c0_i32, %c0_i32_0 : i32, i32
  }
  func.func @transform_10(%arg0: i32) -> (i32, i32) {
    %c0_i32 = arith.constant 0 : i32
    %c0_i32_0 = arith.constant 0 : i32
    %c0_i32_1 = arith.constant 0 : i32
    return %c0_i32, %c0_i32_0 : i32, i32
  }
  func.func @transform_11(%arg0: i32) -> (i32, i32) {
    %c0_i32 = arith.constant 0 : i32
    %c0_i32_0 = arith.constant 0 : i32
    %c0_i32_1 = arith.constant 0 : i32
    return %c0_i32, %c0_i32_0 : i32, i32
  }
  func.func @transform_12(%arg0: i32) -> (i32, i32) {
    %c0_i32 = arith.constant 0 : i32
    %c0_i32_0 = arith.constant 0 : i32
    %c0_i32_1 = arith.constant 0 : i32
    return %c0_i32, %c0_i32_0 : i32, i32
  }
  func.func @transform_13(%arg0: i32) -> (i32, i32) {
    %c0_i32 = arith.constant 0 : i32
    %c0_i32_0 = arith.constant 0 : i32
    %c0_i32_1 = arith.constant 0 : i32
    return %c0_i32, %c0_i32_0 : i32, i32
  }
  func.func @transform_14(%arg0: i32) -> (i32, i32) {
    %c0_i32 = arith.constant 0 : i32
    %c0_i32_0 = arith.constant 0 : i32
    %c0_i32_1 = arith.constant 0 : i32
    return %c0_i32, %c0_i32_0 : i32, i32
  }
  func.func @transform_15(%arg0: i32) -> (i32, i32) {
    %c0_i32 = arith.constant 0 : i32
    %c0_i32_0 = arith.constant 0 : i32
    %c0_i32_1 = arith.constant 0 : i32
    return %c0_i32, %c0_i32_0 : i32, i32
  }
  func.func @transform_16(%arg0: i32) -> (i32, i32) {
    %c0_i32 = arith.constant 0 : i32
    %c0_i32_0 = arith.constant 0 : i32
    %c0_i32_1 = arith.constant 0 : i32
    return %c0_i32, %c0_i32_0 : i32, i32
  }
  func.func @transform_17(%arg0: i32) -> (i32, i32) {
    %c0_i32 = arith.constant 0 : i32
    %c0_i32_0 = arith.constant 0 : i32
    return %arg0, %c0_i32 : i32, i32
  }
}

</mosaic_0001>

<sc_bundles>
// kernel: kernel.5.cloned.1.call-start
scs
__scs_entry_jumppad:
0x0: {  	(pc) =	sbr.rel $0x88, $3  }
0x1: {  	(tag) =	ssettag $0x0;
	lr =	simm.s32 $0x1  }
0x2: {  	[smem:$0x3F8F] =	sst lr;
	_ =	strace $0xD0000000  }
0x3: {  	_ = 	snop  }
0x4: {  	_ = 	snop  }
0x5: {  	_ = 	snop  }
0x6: {  	_ = 	snop  }
0x7: {  	_ = 	snop  }
__scs_overlays_trampoline_lowered:
0x8: {  	[smem:$0x3F9E] =	sst s0  }
0x9: {  	[smem:$0x3F9F] =	sst s1  }
0xa: {  	[smem:$0x3FA0] =	sst s2  }
0xb: {  	[smem:$0x3FA1] =	sst s3  }
0xc: {  	[smem:$0x3FA2] =	sst s4  }
0xd: {  	[smem:$0x3FA3] =	sst s5  }
0xe: {  	[smem:$0x3FA4] =	sst s6  }
0xf: {  	[smem:$0x3FA5] =	sst s7  }
0x10: {  	[smem:$0x3FA6] =	sst s8  }
0x11: {  	[smem:$0x3FA7] =	sst s9;
	s0 =	simm.s32 @!p0 $0x0  }
0x12: {  	s1 =	sld [smem:$0x3F8D];
	s0 =	simm.s32 @p0 $0x1  }
0x13: {  	[smem:$0x3FA8] =	sst s0;
	s0 =	simm.s32 @!p1 $0x0  }
0x14: {  	s2 =	sld [smem:$0x3F8C];
	s0 =	simm.s32 @p1 $0x1  }
0x15: {  	[smem:$0x3FA9] =	sst s0;
	s0 =	simm.s32 @!p2 $0x0  }
0x16: {  	s3 =	sld [smem:$0x3FDB];
	s0 =	simm.s32 @p2 $0x1  }
0x17: {  	s4 =	simm.s32 $0x1BF5;
	[smem:$0x3FAB] =	sst s0  }
0x18: {  	s0 =	sld [smem:$0x3F8E];
	_ =	swait.ge [sflag:s4], $0x0  }
0x19: {  	s7 =	sld [smem:$0x3F8F]  }
0x1a: {  	s8 =	sadd.s32 $0xFFFFE003, lr  }
0x1b: {  	s9 =	sadd.s32 $0xFFFFFEF7, lr;
	s5 =	simm.s32 $0xFFFFFFFF;
	p2 =	slt.u32 s8, $0xFFFFF086  }
0x1c: {  	p1 =	slt.u32 s9, $0xF7A;
	s5 =	simm.s32 @!p2 $0x0  }
0x1d: {  	s5 =	simm.s32 @p1 $0x1;
	p0 =	seq.s32 s7, s2  }
0x1e: {  	s7 =	smul.u32 @!p0 $0xF7A, s2;
	p2 =	seq.s32 @!p0 s5, $0x0  }
0x1f: {  	s9 =	smul.u32 $0xF7A, s1;
	s8 =	simm.s32 @!p0 $0x1BF5;
	p2 =	por !p2, p0  }
0x20: {  	[sflag:s8] =	ssyncset.s32 @!p0 $0xFFFFF086;
	s6 =	sadd.s32 @!p0 s3, s7;
	s7 =	simm.s32 @!p0 $0x108  }
0x21: {  	s3 =	sadd.s32 s3, s9;
	s6 =	sadd.s32 @!p0 $0x88, s6;
	s7 =	simm.s32 @p2 $0x1082  }
0x22: {  	[simem:s7], [sflag:s8] =	dma.local @!p0 [hbm:s6], $0xF7A  }
0x23: {  	s9 =	sor.u32 $0xD0000000, s2;
	s6 =	simm.s32 $0x108;
	_ =	swait.ge @!p0 [sflag:s8], $0x0  }
0x24: {  	s3 =	sadd.s32 $0x88, s3;
	s6 =	simm.s32 @!p1 $0x1082;
	[sflag:s4] =	ssyncset.s32 $0xFFFFF086  }
0x25: {  	[simem:s6], [sflag:s4] =	dma.local [hbm:s3], $0xF7A  }
0x26: {  	[smem:$0x3F8F] =	sst s1;
	(tag) =	ssettag s2;
	_ =	strace s9  }
0x27: {  	s1 =	sld [smem:$0x3F9F]  }
0x28: {  	s2 =	sld [smem:$0x3FA0]  }
0x29: {  	s4 =	sld [smem:$0x3FA2]  }
0x2a: {  	p0 =	seq.s32 s5, $0x0;
	s5 =	sld [smem:$0x3FA3]  }
0x2b: {  	s6 =	sld [smem:$0x3FA4]  }
0x2c: {  	s7 =	sld [smem:$0x3FA5]  }
0x2d: {  	s3 =	simm.s32 $0x108;
	s8 =	sld [smem:$0x3FA6]  }
0x2e: {  	s3 =	simm.s32 @!p0 $0x1082;
	s9 =	sld [smem:$0x3FA7]  }
0x2f: {  	lr =	sadd.s32 s0, s3;
	s0 =	sld [smem:$0x3F9E]  }
0x30: {  	s3 =	sld [smem:$0x3FA1]  }
0x31: {  	[smem:$0x3FAA] =	sst s10  }
0x32: {  	s10 =	sld [smem:$0x3FA8];
	_ =	sdelay $0x3  }
0x33: {  	p0 =	seq.s32 s10, $0x1;
	s10 =	sld [smem:$0x3FAA];
	_ =	sdelay $0x3  }
0x34: {  	[smem:$0x3FAA] =	sst s10  }
0x35: {  	s10 =	sld [smem:$0x3FA9];
	_ =	sdelay $0x3  }
0x36: {  	p1 =	seq.s32 s10, $0x1;
	s10 =	sld [smem:$0x3FAA];
	_ =	sdelay $0x3  }
0x37: {  	[smem:$0x3FAA] =	sst s10  }
0x38: {  	s10 =	sld [smem:$0x3FAB]  }
0x39: {  	_ = 	snop;
	(pc) =	sbr.ind lr, $3  }
0x3a: {  	_ = 	snop  }
0x3b: {  	_ = 	snop  }
0x3c: {  	p2 =	seq.s32 s10, $0x1;
	s10 =	sld [smem:$0x3FAA]  }
0x3d: {  	_ =	shalt  }
0x3e: {  	_ =	shalt  }
0x3f: {  	_ =	shalt  }
0x40: {  	_ =	shalt  }
0x41: {  	_ =	shalt  }
0x42: {  	_ =	shalt  }
0x43: {  	_ =	shalt  }
0x44: {  	_ =	shalt  }
0x45: {  	_ =	shalt  }
0x46: {  	_ =	shalt  }
0x47: {  	_ =	shalt  }
0x48: {  	_ =	shalt  }
0x49: {  	_ =	shalt  }
0x4a: {  	_ =	shalt  }
0x4b: {  	_ =	shalt  }
0x4c: {  	_ =	shalt  }
0x4d: {  	_ =	shalt  }
0x4e: {  	_ =	shalt  }
0x4f: {  	_ =	shalt  }
0x50: {  	_ =	shalt  }
0x51: {  	_ =	shalt  }
0x52: {  	_ =	shalt  }
0x53: {  	_ =	shalt  }
0x54: {  	_ =	shalt  }
0x55: {  	_ =	shalt  }
0x56: {  	_ =	shalt  }
0x57: {  	_ =	shalt  }
0x58: {  	_ =	shalt  }
0x59: {  	_ =	shalt  }
0x5a: {  	_ =	shalt  }
0x5b: {  	_ =	shalt  }
0x5c: {  	_ =	shalt  }
0x5d: {  	_ =	shalt  }
0x5e: {  	_ =	shalt  }
0x5f: {  	_ =	shalt  }
0x60: {  	_ =	shalt  }
0x61: {  	_ =	shalt  }
0x62: {  	_ =	shalt  }
0x63: {  	_ =	shalt  }
0x64: {  	_ =	shalt  }
0x65: {  	_ =	shalt  }
0x66: {  	_ =	shalt  }
0x67: {  	_ =	shalt  }
0x68: {  	_ =	shalt  }
0x69: {  	_ =	shalt  }
0x6a: {  	_ =	shalt  }
0x6b: {  	_ =	shalt  }
0x6c: {  	_ =	shalt  }
0x6d: {  	_ =	shalt  }
0x6e: {  	_ =	shalt  }
0x6f: {  	_ =	shalt  }
0x70: {  	_ =	shalt  }
0x71: {  	_ =	shalt  }
0x72: {  	_ =	shalt  }
0x73: {  	_ =	shalt  }
0x74: {  	_ =	shalt  }
0x75: {  	_ =	shalt  }
0x76: {  	_ =	shalt  }
0x77: {  	_ =	shalt  }
0x78: {  	_ =	shalt  }
0x79: {  	_ =	shalt  }
0x7a: {  	_ =	shalt  }
0x7b: {  	_ =	shalt  }
0x7c: {  	_ =	shalt  }
0x7d: {  	_ =	shalt  }
0x7e: {  	_ =	shalt  }
0x7f: {  	_ =	shalt  }
0x80: {  	_ =	shalt  }
0x81: {  	_ =	shalt  }
0x82: {  	_ =	shalt  }
0x83: {  	_ =	shalt  }
0x84: {  	_ =	shalt  }
0x85: {  	_ =	shalt  }
0x86: {  	_ =	shalt  }
0x87: {  	_ =	shalt  }
.Lfunc_end0:
.L_simem_size_0:
called_computation_lowered:
.L_overlay_start_0:
0x88: {  	s2 =	sld [smem:$0x3FD9]  }
0x89: {  	s3 =	sld [smem:$0x3FFE];
	_ =	sdelay $0x1  }
0x8a: {  	s1 =	srdreg.scid  }
0x8b: {  	s0 =	sand.u32 $0x1, s1  }
0x8c: {  	s17 =	sshll.u32 s0, $0xA;
	s2 =	sadd.s32 s3, s2  }
0x8d: {  	s2 =	sadd.s32 s2, s17  }
0x8e: {  	[smem:$0x3FB6] =	sst s2  }
0x8f: {  	_ = 	snop  }
0x90: {  	s2 =	sld [smem:$0x3FC9]  }
0x91: {  	s18 =	sld [smem:$0x3FC5]  }
0x92: {  	s4 =	sld [smem:$0x3FD0];
	(tm) =	ssettm $0x1  }
0x93: {  	s5 =	sld [smem:$0x3FFB];
	_ =	sdelay $0x3  }
0x94: {  	_ =	strace s5  }
0x95: {  	s5 =	sld [smem:$0x3FFC];
	_ =	sdelay $0x3  }
0x96: {  	_ =	strace s5  }
0x97: {  	s5 =	sld [smem:$0x3FFD];
	_ =	sdelay $0x3  }
0x98: {  	_ =	strace s5  }
0x99: {  	_ =	strace $0x8FFFFFFF  }
0x9a: {  	s19 =	sld [smem:$0x3FDB];
	_ =	sdelay $0x1  }
0x9b: {  	s6 =	simm.s32 $_scs_section_size  }
0x9c: {  	s7 =	simm.s32 $_size__tile_overlayer_lowered;
	s8 =	simm.s32 $_tile_overlayer_lowered  }
0x9d: {  	s22 =	simm.s32 $0x1BFF;
	s21 =	sshll.u32 s8, $0x1;
	s5 =	sadd.s32 s6, s19  }
0x9e: {  	s9 =	simm.s32 $0x0;
	s20 =	sshll.u32 s7, $0x1;
	s7 =	sadd.s32 s21, s5  }
0x9f: {  	[timem:s9], [sflag:s22] =	dma.local [hbm:s7], s20  }
0xa0: {  	_ =	swait.ge [sflag:s22], s20  }
0xa1: {  	s6 =	ssub.s32 $0x0, s20;
	[sflag:s22] =	ssyncset.done $0x0  }
0xa2: {  	[sflag:s22] =	ssyncadd.s32 s6;
	_ =	sdelay $0x1  }
0xa3: {  	s23 =	simm.s32 $0x1B8B  }
0xa4: {  	_ =	swait.ge [sflag:s23], $0x1  }
0xa5: {  	[sflag:s23] =	ssyncset.done $0x0  }
0xa6: {  	s25 =	simm.s32 $0x1B8E;
	s24 =	sld [smem:$0x3FFE];
	[sflag:s23] =	ssyncadd.s32 $0xFFFFFFFF  }
0xa7: {  	s26 =	simm.s32 $execute0_lowered;
	[smem:$0x3FD2] =	sst s25  }
0xa8: {  	s7 =	sshll.u32 s26, $0x1;
	_ =	strace $0x80000046;
	[dreg:$0x1] =	wrdreg $0xFFFFFFFF  }
0xa9: {  	s28 =	simm.s32 $_size_execute0_lowered;
	s5 =	sadd.s32 s5, s7;
	[dreg:$0x0] =	wrdreg $0x0  }
0xaa: {  	s7 =	sshll.u32 s28, $0x1;
	[dreg:$0x2] =	wrdreg s5  }
0xab: {  	[dreg:$0x3] =	wrdreg s7  }
0xac: {  	[dreg:$0x4] =	wrdreg $0xC0  }
0xad: {  	_ =	task [dreg:s9], $0x5FFFF  }
0xae: {  	[dreg:$0x1] =	wrdreg $0xFFFFFFFF  }
0xaf: {  	[dreg:$0x0] =	wrdreg $0x60  }
0xb0: {  	[dreg:$0x2] =	wrdreg s2  }
0xb1: {  	[dreg:$0x3] =	wrdreg s18  }
0xb2: {  	[dreg:$0x4] =	wrdreg s4  }
0xb3: {  	[dreg:$0x5] =	wrdreg s24  }
0xb4: {  	[dreg:$0x6] =	wrdreg $0x9  }
0xb5: {  	_ =	task.clear_ibuf [dreg:s9], $0x7FFFF;
	_ =	strace $0x90000046  }
0xb6: {  	s29 =	simm.s32 $0x9;
	_ =	strace $0x80000048  }
0xb7: {  	_ =	swait.ge [sflag:s29], $0x1  }
0xb8: {  	[sflag:s29] =	ssyncadd.s32 $0xFFFFFFFF  }
0xb9: {  	_ =	strace $0x90000048  }
0xba: {  	_ =	sfence  }
0xbb: {  	s30 =	sld [smem:$0x0];
	_ =	sdelay $0x2  }
0xbc: {  	s31 =	sshll.u32 s1, $0xD;
	s1 =	sshrl.u32 s1, $0x2  }
0xbd: {  	s3 =	sand.u32 $0x4000, s31;
	s1 =	sadd.s32 s1, s30  }
0xbe: {  	s0 =	sor.u32 s3, s0;
	s1 =	sshll.u32 s1, $0x11  }
0xbf: {  	s0 =	sor.u32 s1, s0  }
0xc0: {  	s0 =	sadd.s32 $0x8F2B, s0  }
0xc1: {  	[sflag:s0] =	ssyncadd.remote.s32 $0x1  }
0xc2: {  	_ =	sfence.sel $0xFFFF  }
0xc3: {  	[dreg:$0x0] =	wrdreg $0xFFFFFFFF;
	(pc) =	sbr.abs _section_cstart, $3  }
0xc4: {  	[dreg:$0x1] =	wrdreg $0xFFFFFFFF  }
0xc5: {  	_ =	task.clear_ibuf [dreg:s9], $0x2FFFF;
	_ =	strace $0x9FFFFFFF  }
0xc6: {  	(tm) =	ssettm $0x7FFFFFFF  }
0xc7: {  	_ =	shalt  }
tec
execute0_lowered:
.L_overlay_start_1:
0x0: {  	(tag) =	ssettag $0x1  }
0x1: {  	v0 =	vimm.s32 $0x1380;
	vm14 =	vcmask $0x300  }
0x2: {  	vm13 =	vcmask $0x704;
	vm12 =	vcmask $0xB08;
	vm11 =	vcmask $0xF0C  }
0x3: {  	vm10 =	vcmask $0x1310;
	vm9 =	vcmask $0x1714;
	vm8 =	vcmask $0x1B18  }
0x4: {  	vm7 =	vcmask $0x1F1C;
	vm6 =	vcmask $0x2320;
	vm5 =	vcmask $0x2724  }
0x5: {  	vm4 =	vcmask $0x2B28;
	vm3 =	vcmask $0x2F2C;
	vm2 =	vcmask $0x3330  }
0x6: {  	vm1 =	vcmask $0x3734;
	vm0 =	vcmask $0x3B38;
	v4 =	vimm.s32 $0x3380  }
0x7: {  	v5 =	vimm.s32 $0x5380;
	v6 =	vimm.s32 $0x7380;
	v0 =	vsel vm14, $0x0, v0  }
0x8: {  	v4 =	vsel vm14, $0x2000, v4;
	v5 =	vsel vm14, $0x4000, v5;
	v6 =	vsel vm14, $0x6000, v6  }
0x9: {  	v0 =	vsel vm13, $0x80, v0;
	v4 =	vsel vm13, $0x2080, v4;
	v5 =	vsel vm13, $0x4080, v5  }
0xa: {  	v6 =	vsel vm13, $0x6080, v6;
	v0 =	vsel vm12, $0x100, v0;
	v4 =	vsel vm12, $0x2100, v4  }
0xb: {  	v5 =	vsel vm12, $0x4100, v5;
	v6 =	vsel vm12, $0x6100, v6;
	v0 =	vsel vm11, $0x180, v0  }
0xc: {  	v4 =	vsel vm11, $0x2180, v4;
	v5 =	vsel vm11, $0x4180, v5;
	v6 =	vsel vm11, $0x6180, v6  }
0xd: {  	v0 =	vsel vm10, $0x200, v0;
	v4 =	vsel vm10, $0x2200, v4;
	v5 =	vsel vm10, $0x4200, v5  }
0xe: {  	v6 =	vsel vm10, $0x6200, v6;
	v0 =	vsel vm9, $0x280, v0;
	v4 =	vsel vm9, $0x2280, v4  }
0xf: {  	v5 =	vsel vm9, $0x4280, v5;
	v6 =	vsel vm9, $0x6280, v6;
	v0 =	vsel vm8, $0x300, v0  }
0x10: {  	s0 =	srdreg.scid;
	v4 =	vsel vm8, $0x2300, v4;
	v5 =	vsel vm8, $0x4300, v5;
	v6 =	vsel vm8, $0x6300, v6  }
0x11: {  	s4 =	stileid.u32;
	s3 =	rddreg [dreg:$0x1];
	v0 =	vsel vm7, $0x380, v0;
	v4 =	vsel vm7, $0x2380, v4;
	v5 =	vsel vm7, $0x4380, v5  }
0x12: {  	s2 =	rddreg [dreg:$0x3];
	s6 =	simm.s32 $0x0;
	s7 =	simm.s32 $0x7B;
	v6 =	vsel vm7, $0x6380, v6;
	v0 =	vsel vm6, $0x1000, v0;
	v4 =	vsel vm6, $0x3000, v4  }
0x13: {  	s11 =	simm.s32 $0x4;
	s12 =	simm.s32 $0x4000;
	s13 =	simm.s32 $0x4300;
	v5 =	vsel vm6, $0x5000, v5;
	v6 =	vsel vm6, $0x7000, v6;
	v0 =	vsel vm5, $0x1080, v0  }
0x14: {  	s14 =	simm.s32 $0x4600;
	s0 =	sand.u32 $0x1, s0;
	s1 =	sshll.u32 s4, $0x1;
	v4 =	vsel vm5, $0x3080, v4;
	v5 =	vsel vm5, $0x5080, v5;
	v6 =	vsel vm5, $0x7080, v6  }
0x15: {  	s15 =	simm.s32 $0x5580;
	s19 =	simm.s32 $0x9580;
	s1 =	sor.u32 s0, s1;
	v0 =	vsel vm4, $0x1100, v0;
	v4 =	vsel vm4, $0x3100, v4;
	v5 =	vsel vm4, $0x5100, v5  }
0x16: {  	s20 =	simm.s32 $0xA580;
	s21 =	simm.s32 $0xB580;
	s22 =	simm.s32 $0xC580;
	v6 =	vsel vm4, $0x7100, v6;
	v1 =	vsel vm3, $0x1180, v0;
	v0 =	vmov s1  }
0x17: {  	s23 =	simm.s32 $0x1;
	s24 =	simm.s32 $0x1B580;
	s25 =	simm.s32 $0xD580;
	v4 =	vsel vm3, $0x3180, v4;
	v5 =	vsel vm3, $0x5180, v5;
	v6 =	vsel vm3, $0x7180, v6  }
0x18: {  	s26 =	simm.s32 $0x3;
	s28 =	simm.s32 $0x2;
	s29 =	simm.s32 $0x0;
	v2 =	vsel vm2, $0x1200, v1;
	v1 =	vimm.s32 $0x0;
	v4 =	vsel vm2, $0x3200, v4  }
.Ltmp0:
0x19: {  	[smem:$0x7FF] =	sst s6;
	s2 =	sadd.s32 $0x2000, s2;
	v3 =	vsel vm1, $0x1280, v2;
	v2 =	vlaneseq.u32;
	v7 =	vsel vm1, $0x3280, v4;
	(pc) =	sbr.rel .LBB2_1-.Ltmp0, $4  }
0x1a: {  	p0 =	seq.s32 s4, $0x0;
	_ =	strace $0x80000047;
	s0 =	ssub.s32 $0x2, s0;
	v4 =	vsel vm2, $0x5200, v5;
	v5 =	vsel vm2, $0x7200, v6;
	v3 =	vsel vm0, $0x1300, v3  }
0x1b: {  	[dreg:$0x5] =	wrdreg s2;
	s7 =	simm.s32 @!p0 $0x7A;
	s30 =	sshrl.u32 s0, $0x1;
	v6 =	vsel vm1, $0x5280, v4;
	v8 =	vsel vm1, $0x7280, v5;
	v4 =	vmul.u32 $0x80, v2  }
0x1c: {  	s31 =	sshll.u32 s1, $0x8;
	s9 =	sshll.u32 s1, $0xB;
	s0 =	ssub.s32 s0, s30;
	v5 =	vsel vm0, $0x3300, v7;
	v6 =	vsel vm0, $0x5300, v6;
	v7 =	vsel vm0, $0x7300, v8  }
0x1d: {  	p0 =	sne.s32 s1, $0x2;
	s8 =	sadd.s32 s3, s31;
	s10 =	smax.u32 s0, $0x1;
	v8 =	vor.u32 $0x800, v4;
	v9 =	vor.u32 $0x1000, v4;
	v10 =	vor.u32 $0x1800, v4  }
.LBB2_44:
0x1e: {  	[sflag:s26] =	ssyncadd.s32 $0xFFFFFFC0  }
.LBB2_45:
0x1f: {  	s29 =	sadd.s32 $0x1, s29  }
0x20: {  	p1 =	sne.s32 s29, s10  }
.Ltmp1:
0x21: {  	_ = 	snop;
	(pc) =	sbr.rel @!p1 .LBB2_46-.Ltmp1, $1  }
0x22: {  	_ =	sdelay $0x3  }
.LBB2_1:
0x23: {  	s0 =	rddreg [dreg:$0x0];
	p2 =	por $0x0, $0x0  }
0x24: {  	[tilespmem:s6], [sflag:$0x4] =	stream.linear.gather [hbm4b:s0+s6], $0x4000, $0x38;
	[tilespmem:$0x1B880] =	vst v63  }
.Ltmp2:
0x25: {  	_ = 	snop;
	(pc) =	sbr.rel @p2 .LBB2_2-.Ltmp2, $4  }
0x26: {  	_ =	swait.ge [sflag:s11], $0x4000  }
0x27: {  	[sflag:s11] =	ssyncset.done $0x0  }
0x28: {  	[sflag:s11] =	ssyncadd.s32 $0xFFFFC000  }
0x29: {  	p1 =	por $0x0, $0x0;
	s0 =	simm.s32 $0x10;
	v11 =	vld [tilespmem:s6+$0x0]  }
0x2a: {  	_ =	sdelay $0x3  }
0x2b: {  	v12 =	vshrl.u32 v11, $0x8  }
0x2c: {  	v12 =	vand.u32 $0x1F, v12  }
0x2d: {  	vm0 =	veq.s32 v12, v0  }
0x2e: {  	v12 =	vsel vm0, $0x1, v1  }
0x2f: {  	(xrf0) =	vadd.scan.msk.s32 $0xffff, v12;
	_ =	sdelay $0x2  }
0x30: {  	v63 =	vmov s6  }
0x31: {  	v12 =	vadd.s32 $0xFFFFFFFF, v63  }
0x32: {  	v12 =	vbroadcast v12, $0x0  }
0x33: {  	v13, _, _ =	vpop (xrf0)  }
0x34: {  	v12 =	vadd.s32 v13, v12;
	(v2sf) =	vpush v13, $0xF  }
0x35: {  	vm1 =	vlt.s32 v12, $0x2FF  }
0x36: {  	v12 =	vnsel vm1, $0x2FF, v12;
	_ =	sdelay $0x1  }
0x37: {  	p2 =	por $0x0, $0x0  }
.Ltmp3:
0x38: {  	_ = 	snop;
	(pc) =	sbr.rel @p2 .LBB2_4-.Ltmp3, $4  }
0x39: {  	_ = 	snop  }
0x3a: {  	[tilespmem:v12+s12+$0x0] =	vst.idx.msk vm0, v11;
	v11 =	vor.u32 s6, v2  }
0x3b: {  	s4 =	simm.s32 $0x20;
	[tilespmem:v12+s13+$0x0] =	vst.idx.msk vm0, v11  }
0x3c: {  	p1 =	por $0x1, $0x1;
	s2 =	simm.s32 $0x0;
	s5 =	simm.s32 $0x10;
	v11 =	vld [tilespmem:s0+$0x0]  }
.LBB2_5:
0x3d: {  	p2 =	seq.s32 s4, $0x3FF0;
	_ =	sdelay $0x3  }
0x3e: {  	v12 =	vshrl.u32 v11, $0x8  }
0x3f: {  	v12 =	vand.u32 $0x1F, v12;
	s16 =	spop (v2sf)  }
0x40: {  	vm0 =	veq.s32 v12, v0;
	s2 =	sadd.s32 s2, s16  }
0x41: {  	v12 =	vsel vm0, $0x1, v1;
	p3 =	slt.s32 s2, $0x2FF  }
0x42: {  	(xrf0) =	vadd.scan.msk.s32 $0xffff, v12;
	s2 =	simm.s32 @!p3 $0x2FF  }
0x43: {  	v12 =	vmov s2  }
0x44: {  	v12 =	vadd.s32 $0xFFFFFFFF, v12  }
0x45: {  	v12 =	vbroadcast v12, $0x0;
	_ =	sdelay $0x2  }
0x46: {  	v13, _, _ =	vpop (xrf0)  }
0x47: {  	v12 =	vadd.s32 v13, v12;
	(v2sf) =	vpush v13, $0xF  }
0x48: {  	vm1 =	vlt.s32 v12, $0x2FF  }
0x49: {  	v12 =	vnsel vm1, $0x2FF, v12;
	_ =	sdelay $0x2  }
.Ltmp4:
0x4a: {  	(pc) =	sbr.rel @!p2 .LBB2_5-.Ltmp4, $4  }
0x4b: {  	_ = 	snop  }
0x4c: {  	[tilespmem:v12+s12+$0x0] =	vst.idx.msk vm0, v11;
	v11 =	vor.u32 s0, v2;
	s0 =	smov.u32 s4  }
0x4d: {  	s5 =	sadd.s32 $0x10, s5;
	[tilespmem:v12+s13+$0x0] =	vst.idx.msk vm0, v11  }
0x4e: {  	s4 =	sadd.s32 $0x10, s4;
	v11 =	vld [tilespmem:s5+$0x0]  }
.LBB2_6:
0x4f: {  	_ =	sdelay $0x3  }
0x50: {  	v12 =	vshrl.u32 v11, $0x8  }
0x51: {  	v12 =	vand.u32 $0x1F, v12  }
0x52: {  	vm0 =	veq.s32 v12, v0  }
0x53: {  	v12 =	vsel vm0, $0x1, v1  }
0x54: {  	(xrf0) =	vadd.scan.msk.s32 $0xffff, v12;
	_ =	sdelay $0x5  }
0x55: {  	v12, _, _ =	vpop (xrf0)  }
0x56: {  	s4 =	spop @p1 (v2sf);
	(v2sf) =	vpush v12, $0xF  }
0x57: {  	s2 =	sadd.s32 @p1 s2, s4  }
0x58: {  	p2 =	slt.s32 @p1 s2, $0x2FF  }
0x59: {  	p2 =	por !p2, !p1  }
0x5a: {  	s4 =	simm.s32 $0x0;
	s2 =	simm.s32 @p2 $0x2FF  }
0x5b: {  	s4 =	smov.u32 @p1 s2  }
0x5c: {  	v13 =	vmov s4  }
0x5d: {  	v13 =	vadd.s32 $0xFFFFFFFF, v13  }
0x5e: {  	v13 =	vbroadcast v13, $0x0;
	_ =	sdelay $0x1  }
0x5f: {  	v12 =	vadd.s32 v12, v13  }
0x60: {  	vm1 =	vlt.s32 v12, $0x2FF  }
0x61: {  	v12 =	vnsel vm1, $0x2FF, v12;
	_ =	sdelay $0x2  }
0x62: {  	s31 =	spop (v2sf)  }
0x63: {  	s2 =	sadd.s32 s4, s31  }
0x64: {  	[tilespmem:v12+s12+$0x0] =	vst.idx.msk vm0, v11;
	v11 =	vor.u32 s0, v2;
	p1 =	slt.s32 s2, $0x2FF;
	s0 =	smov.u32 s2  }
0x65: {  	s5 =	simm.s32 $0x0;
	[tilespmem:v12+s13+$0x0] =	vst.idx.msk vm0, v11;
	s4 =	simm.s32 $0x4;
	s0 =	simm.s32 @!p1 $0x2FF  }
.LBB2_7:
0x66: {  	p1 =	seq.s32 s4, $0x1EC  }
0x67: {  	[smem:s5] =	sst s6;
	s5 =	smov.u32 s4;
	s4 =	sadd.s32 $0x4, s4  }
.Ltmp5:
0x68: {  	(pc) =	sbr.rel @!p1 .LBB2_7-.Ltmp5, $2  }
0x69: {  	_ =	sdelay $0x2  }
0x6a: {  	s5 =	sshra.s32 s5, $0x2  }
0x6b: {  	p1 =	slt.s32 s2, $0x1  }
.Ltmp6:
0x6c: {  	_ = 	snop;
	(pc) =	sbr.rel @p1 .LBB2_12-.Ltmp6, $2  }
0x6d: {  	_ =	sdelay $0x2  }
0x6e: {  	[smem:s5] =	sst s6  }
0x6f: {  	s2 =	simm.s32 $0x0  }
0x70: {  	v11 =	vmov s2;
	_ =	sdelay $0x4  }
0x71: {  	v12 =	vld.idx.msk [tilespmem:v11+s12+$0x0], $0xffff;
	_ =	sdelay $0x4  }
0x72: {  	(v2sf) =	vpush v12, $0x0;
	_ =	sdelay $0x9  }
0x73: {  	v11 =	vld.idx.msk [tilespmem:v11+s13+$0x0], $0xffff;
	_ =	sdelay $0x4  }
0x74: {  	s4 =	spop (v2sf);
	(v2sf) =	vpush v11, $0x0  }
0x75: {  	s31 =	sshrl.u32 s4, $0x8  }
0x76: {  	s2 =	ssub.s32 s31, s1  }
0x77: {  	s5 =	sshrl.u32 s2, $0x5  }
0x78: {  	s16 =	sld [smem:s5+$0x0];
	_ =	sdelay $0x2  }
0x79: {  	p1 =	slt.s32 s16, $0x1F  }
0x7a: {  	s16 =	simm.s32 @!p1 $0x1F;
	p1 =	sne.s32 s0, $0x1  }
.Ltmp7:
0x7b: {  	_ = 	snop;
	(pc) =	sbr.rel @!p1 .LBB2_11-.Ltmp7, $4  }
0x7c: {  	_ = 	snop  }
0x7d: {  	s2 =	sand.u32 $0xFFFFFFE0, s2  }
0x7e: {  	s30 =	sadd.s32 s16, s2;
	s16 =	sadd.s32 $0x1, s16  }
0x7f: {  	s2 =	simm.s32 $0x1;
	v11 =	vmov s30;
	[smem:s5] =	sst s16  }
.LBB2_10:
0x80: {  	v12 =	vmov s2;
	s2 =	sadd.s32 $0x1, s2;
	s4 =	sshll.u32 s4, $0xE  }
0x81: {  	p1 =	sne.s32 s0, s2;
	s4 =	sand.u32 $0x3FC000, s4;
	s5 =	spop (v2sf)  }
0x82: {  	s4 =	sor.u32 s5, s4  }
0x83: {  	v13 =	vmov s4  }
0x84: {  	[tilespmem:v11+s14+$0x0] =	vst.idx.msk $0x1, v13  }
0x85: {  	v11 =	vld.idx.msk [tilespmem:v12+s12+$0x0], $0xffff;
	_ =	sdelay $0x5  }
0x86: {  	(v2sf) =	vpush v11, $0x0;
	_ =	sdelay $0x5  }
0x87: {  	v11 =	vld.idx.msk [tilespmem:v12+s13+$0x0], $0xffff;
	_ =	sdelay $0x5  }
0x88: {  	(v2sf) =	vpush v11, $0x0;
	_ =	sdelay $0x2  }
0x89: {  	s4 =	spop (v2sf)  }
0x8a: {  	s5 =	sshrl.u32 s4, $0x8  }
0x8b: {  	s5 =	ssub.s32 s5, s1  }
0x8c: {  	s16 =	sshrl.u32 s5, $0x5  }
0x8d: {  	s30 =	sld [smem:s16+$0x0];
	_ =	sdelay $0x1  }
.Ltmp8:
0x8e: {  	(pc) =	sbr.rel @p1 .LBB2_10-.Ltmp8, $4  }
0x8f: {  	p2 =	slt.s32 s30, $0x1F  }
0x90: {  	s5 =	sand.u32 $0xFFFFFFE0, s5;
	s30 =	simm.s32 @!p2 $0x1F  }
0x91: {  	s5 =	sadd.s32 s30, s5;
	s30 =	sadd.s32 $0x1, s30  }
0x92: {  	v11 =	vmov s5;
	[smem:s16] =	sst s30  }
.LBB2_11:
0x93: {  	s0 =	sshll.u32 s4, $0xE  }
0x94: {  	s0 =	sand.u32 $0x3FC000, s0;
	s2 =	spop (v2sf)  }
0x95: {  	s0 =	sor.u32 s2, s0  }
0x96: {  	v12 =	vmov s0  }
0x97: {  	[tilespmem:v11+s14+$0x0] =	vst.idx.msk $0x1, v12  }
.LBB2_12:
0x98: {  	s30 =	simm.s32 $0x0  }
0x99: {  	[tilespmem:s15], [sflag:$0x1] =	stream.linear.gather [hbm4b:s8+s30], $0x800, $0x38;
	[tilespmem:$0x1B880] =	vst v63  }
0x9a: {  	s0 =	sadd.s32 $0xF4280, s8;
	s2 =	simm.s32 $0x6580  }
0x9b: {  	[tilespmem:s2], [sflag:$0x1] =	stream.linear.gather [hbm4b:s0+s30], $0x800, $0x38;
	[tilespmem:$0x1B880] =	vst v63  }
0x9c: {  	s17 =	sadd.s32 $0x1E8500, s8;
	s18 =	simm.s32 $0x7580  }
0x9d: {  	[tilespmem:s18], [sflag:$0x1] =	stream.linear.gather [hbm4b:s17+s30], $0x800, $0x38;
	[tilespmem:$0x1B880] =	vst v63  }
0x9e: {  	s4 =	simm.s32 $0x8580;
	s2 =	sadd.s32 $0x2DC780, s8  }
0x9f: {  	[tilespmem:s4], [sflag:$0x1] =	stream.linear.gather [hbm4b:s2+s30], $0x800, $0x38;
	[tilespmem:$0x1B880] =	vst v63  }
0xa0: {  	s5 =	sadd.s32 $0x3D0A00, s8  }
0xa1: {  	[tilespmem:s19], [sflag:$0x1] =	stream.linear.gather [hbm4b:s5+s30], $0x800, $0x38;
	[tilespmem:$0x1B880] =	vst v63  }
0xa2: {  	s16 =	sadd.s32 $0x4C4C80, s8  }
0xa3: {  	[tilespmem:s20], [sflag:$0x1] =	stream.linear.gather [hbm4b:s16+s30], $0x800, $0x38;
	[tilespmem:$0x1B880] =	vst v63  }
.Ltmp9:
0xa4: {  	_ = 	snop;
	(pc) =	sbr.rel .LBB2_13-.Ltmp9, $4  }
0xa5: {  	s17 =	sadd.s32 $0x5B8F00, s8  }
0xa6: {  	[tilespmem:s21], [sflag:$0x1] =	stream.linear.gather [hbm4b:s17+s30], $0x800, $0x38;
	[tilespmem:$0x1B880] =	vst v63  }
0xa7: {  	s31 =	simm.s32 $0x0;
	s18 =	sadd.s32 $0x6AD180, s8;
	s5 =	simm.s32 $0x0  }
0xa8: {  	[tilespmem:s22], [sflag:$0x1] =	stream.linear.gather [hbm4b:s18+s30], $0x800, $0x38;
	[tilespmem:$0x1B880] =	vst v63  }
.LBB2_23:
0xa9: {  	s0 =	smov.u32 s30  }
.LBB2_27:
0xaa: {  	_ =	sdelay $0x3  }
0xab: {  	[tilespmem:v12+s24+$0x0] =	vst.idx.msk @p1 $0x1, v13  }
0xac: {  	v11 =	vld.idx.msk [tilespmem:v11+s14+$0x0], $0xffff;
	_ =	sdelay $0x4  }
0xad: {  	(v2sf) =	vpush v11, $0x0;
	_ =	sdelay $0xe  }
0xae: {  	s2 =	spop (v2sf)  }
0xaf: {  	s4 =	sshrl.u32 s2, $0xE  }
0xb0: {  	s4 =	sadd.s32 $0x100, s4  }
0xb1: {  	v11 =	vmov s4  }
0xb2: {  	v60 =	vshll.u32 v11, $0x3  }
0xb3: {  	v11 =	vand.u32 $0x7F, v11;
	v12 =	vand.u32 $0x3FFC00, v60  }
0xb4: {  	v11 =	vor.u32 v11, v12  }
0xb5: {  	v12 =	vadd.s32 v3, v11;
	_ =	sdelay $0x3  }
0xb6: {  	s0 =	sadd.s32 @p1 $0x1, s0  }
0xb7: {  	s30 =	smov.u32 @p1 s0;
	v12 =	vld.idx.msk [tilespmem:v12+s15+$0x0], $0xffff  }
0xb8: {  	p1 =	slt.s32 s30, $0x2FF;
	s0 =	smov.u32 s30;
	v61 =	vadd.s32 v5, v11  }
0xb9: {  	s0 =	simm.s32 @!p1 $0x2FF  }
0xba: {  	s17 =	sshll.u32 s0, $0x8  }
0xbb: {  	s4 =	sshra.s32 s17, $0x2  }
0xbc: {  	[tilespmem:s4+$0xF580] =	vst v12  }
0xbd: {  	v12 =	vld.idx.msk [tilespmem:v61+s15+$0x0], $0xffff  }
0xbe: {  	v62 =	vadd.s32 v6, v11;
	_ =	sdelay $0x3  }
0xbf: {  	[tilespmem:s4+$0xF590] =	vst v12  }
0xc0: {  	v12 =	vld.idx.msk [tilespmem:v62+s15+$0x0], $0xffff  }
0xc1: {  	v11 =	vadd.s32 v7, v11;
	_ =	sdelay $0x3  }
0xc2: {  	[tilespmem:s4+$0xF5A0] =	vst v12  }
0xc3: {  	v11 =	vld.idx.msk [tilespmem:v11+s15+$0x0], $0xffff  }
0xc4: {  	v63 =	vmov s0;
	_ =	sdelay $0x2  }
0xc5: {  	s18 =	sand.u32 $0x3FFF, s2  }
0xc6: {  	[tilespmem:s4+$0xF5B0] =	vst v11;
	v11 =	vmov s18  }
0xc7: {  	s30 =	sadd.s32 $0x1, s30;
	[tilespmem:v63+s24+$0x0] =	vst.idx.msk $0x1, v11  }
.LBB2_28:
0xc8: {  	p1 =	sne.s32 s5, s7  }
.Ltmp10:
0xc9: {  	_ = 	snop;
	(pc) =	sbr.rel @!p1 .LBB2_29-.Ltmp10, $2  }
0xca: {  	_ =	sdelay $0x2  }
0xcb: {  	s31 =	sadd.s32 $0x20, s31  }
.LBB2_13:
0xcc: {  	s0 =	smov.u32 s5;
	s5 =	sadd.s32 $0x1, s5  }
0xcd: {  	s2 =	sand.u32 $0x1, s0;
	p1 =	sge.u32 s5, s7  }
0xce: {  	p2 =	sne.s32 @!p1 s2, $0x0  }
0xcf: {  	p2 =	por p2, p1  }
0xd0: {  	s4 =	sshll.u32 @!p2 s5, $0x10  }
0xd1: {  	s4 =	sor.u32 @!p2 s9, s4  }
0xd2: {  	s4 =	sshrl.u32 @!p2 s4, $0x3  }
0xd3: {  	s16 =	simm.s32 @!p2 $0x0;
	s17 =	simm.s32 @!p2 $0x5D80;
	s4 =	sadd.s32 @!p2 s3, s4  }
0xd4: {  	[tilespmem:s17], [sflag:$0x2] =	stream.linear.gather @!p2 [hbm4b:s4+s16], $0x800, $0x38;
	[tilespmem:$0x1B880] =	vst v63  }
0xd5: {  	s18 =	simm.s32 @!p2 $0x6D80;
	s17 =	sadd.s32 @!p2 $0xF4280, s4  }
0xd6: {  	[tilespmem:s18], [sflag:$0x2] =	stream.linear.gather @!p2 [hbm4b:s17+s16], $0x800, $0x38;
	[tilespmem:$0x1B880] =	vst v63  }
0xd7: {  	s17 =	sadd.s32 @!p2 $0x1E8500, s4;
	s18 =	simm.s32 @!p2 $0x7D80  }
0xd8: {  	[tilespmem:s18], [sflag:$0x2] =	stream.linear.gather @!p2 [hbm4b:s17+s16], $0x800, $0x38;
	[tilespmem:$0x1B880] =	vst v63  }
0xd9: {  	s17 =	sadd.s32 @!p2 $0x2DC780, s4;
	s18 =	simm.s32 @!p2 $0x8D80  }
0xda: {  	[tilespmem:s18], [sflag:$0x2] =	stream.linear.gather @!p2 [hbm4b:s17+s16], $0x800, $0x38;
	[tilespmem:$0x1B880] =	vst v63  }
0xdb: {  	s17 =	sadd.s32 @!p2 $0x3D0A00, s4;
	s18 =	simm.s32 @!p2 $0x9D80  }
0xdc: {  	[tilespmem:s18], [sflag:$0x2] =	stream.linear.gather @!p2 [hbm4b:s17+s16], $0x800, $0x38;
	[tilespmem:$0x1B880] =	vst v63  }
0xdd: {  	s17 =	sadd.s32 @!p2 $0x4C4C80, s4;
	s18 =	simm.s32 @!p2 $0xAD80  }
0xde: {  	[tilespmem:s18], [sflag:$0x2] =	stream.linear.gather @!p2 [hbm4b:s17+s16], $0x800, $0x38;
	[tilespmem:$0x1B880] =	vst v63  }
0xdf: {  	p6 =	seq.s32 s2, $0x1;
	s17 =	sadd.s32 @!p2 $0x5B8F00, s4;
	s18 =	simm.s32 @!p2 $0xBD80  }
0xe0: {  	[tilespmem:s18], [sflag:$0x2] =	stream.linear.gather @!p2 [hbm4b:s17+s16], $0x800, $0x38;
	[tilespmem:$0x1B880] =	vst v63  }
0xe1: {  	p1 =	por !p6, p1;
	s4 =	sadd.s32 @!p2 $0x6AD180, s4;
	s17 =	simm.s32 @!p2 $0xCD80  }
0xe2: {  	[tilespmem:s17], [sflag:$0x2] =	stream.linear.gather @!p2 [hbm4b:s4+s16], $0x800, $0x38;
	[tilespmem:$0x1B880] =	vst v63  }
0xe3: {  	s4 =	sshll.u32 @!p1 s5, $0x10  }
0xe4: {  	s4 =	sor.u32 @!p1 s9, s4  }
0xe5: {  	s4 =	sshrl.u32 @!p1 s4, $0x3  }
0xe6: {  	s16 =	simm.s32 @!p1 $0x0;
	s17 =	simm.s32 @!p1 $0x5580;
	s4 =	sadd.s32 @!p1 s3, s4  }
0xe7: {  	[tilespmem:s17], [sflag:$0x1] =	stream.linear.gather @!p1 [hbm4b:s4+s16], $0x800, $0x38;
	[tilespmem:$0x1B880] =	vst v63  }
0xe8: {  	s18 =	simm.s32 @!p1 $0x6580;
	s17 =	sadd.s32 @!p1 $0xF4280, s4  }
0xe9: {  	[tilespmem:s18], [sflag:$0x1] =	stream.linear.gather @!p1 [hbm4b:s17+s16], $0x800, $0x38;
	[tilespmem:$0x1B880] =	vst v63  }
0xea: {  	s17 =	sadd.s32 @!p1 $0x1E8500, s4;
	s18 =	simm.s32 @!p1 $0x7580  }
0xeb: {  	[tilespmem:s18], [sflag:$0x1] =	stream.linear.gather @!p1 [hbm4b:s17+s16], $0x800, $0x38;
	[tilespmem:$0x1B880] =	vst v63  }
0xec: {  	s17 =	sadd.s32 @!p1 $0x2DC780, s4;
	s18 =	simm.s32 @!p1 $0x8580  }
0xed: {  	[tilespmem:s18], [sflag:$0x1] =	stream.linear.gather @!p1 [hbm4b:s17+s16], $0x800, $0x38;
	[tilespmem:$0x1B880] =	vst v63  }
0xee: {  	s17 =	sadd.s32 @!p1 $0x3D0A00, s4;
	s18 =	simm.s32 @!p1 $0x9580  }
0xef: {  	[tilespmem:s18], [sflag:$0x1] =	stream.linear.gather @!p1 [hbm4b:s17+s16], $0x800, $0x38;
	[tilespmem:$0x1B880] =	vst v63  }
0xf0: {  	s17 =	sadd.s32 @!p1 $0x4C4C80, s4;
	s18 =	simm.s32 @!p1 $0xA580  }
0xf1: {  	[tilespmem:s18], [sflag:$0x1] =	stream.linear.gather @!p1 [hbm4b:s17+s16], $0x800, $0x38;
	[tilespmem:$0x1B880] =	vst v63  }
0xf2: {  	s17 =	sadd.s32 @!p1 $0x5B8F00, s4;
	s18 =	simm.s32 @!p1 $0xB580  }
0xf3: {  	[tilespmem:s18], [sflag:$0x1] =	stream.linear.gather @!p1 [hbm4b:s17+s16], $0x800, $0x38;
	[tilespmem:$0x1B880] =	vst v63  }
0xf4: {  	s4 =	sadd.s32 @!p1 $0x6AD180, s4;
	s17 =	simm.s32 @!p1 $0xC580  }
0xf5: {  	[tilespmem:s17], [sflag:$0x1] =	stream.linear.gather @!p1 [hbm4b:s4+s16], $0x800, $0x38;
	[tilespmem:$0x1B880] =	vst v63  }
0xf6: {  	p1 =	sne.s32 s2, $0x0  }
.Ltmp11:
0xf7: {  	_ = 	snop;
	(pc) =	sbr.rel @p1 .LBB2_21-.Ltmp11, $1  }
0xf8: {  	_ =	sdelay $0x3  }
0xf9: {  	_ =	swait.ge [sflag:s23], $0x4000  }
0xfa: {  	[sflag:s23] =	ssyncset.done $0x0  }
0xfb: {  	[sflag:s23] =	ssyncadd.s32 $0xFFFFC000  }
0xfc: {  	s0 =	sld [smem:s0+$0x0];
	_ =	sdelay $0x2  }
0xfd: {  	p1 =	slt.s32 s0, $0x1  }
.Ltmp12:
0xfe: {  	_ = 	snop;
	(pc) =	sbr.rel @p1 .LBB2_28-.Ltmp12, $1  }
0xff: {  	_ =	sdelay $0x3  }
0x100: {  	p2 =	seq.s32 s0, $0x1  }
.Ltmp13:
0x101: {  	_ = 	snop;
	(pc) =	sbr.rel @p2 .LBB2_16-.Ltmp13, $2  }
0x102: {  	_ =	sdelay $0x2  }
0x103: {  	s0 =	sadd.s32 $0xFFFFFFFF, s0;
	v11 =	vmov s31;
	p1 =	por $0x0, $0x0  }
0x104: {  	_ =	sdelay $0x3  }
0x105: {  	v11 =	vld.idx.msk [tilespmem:v11+s14+$0x0], $0xffff;
	_ =	sdelay $0x4  }
0x106: {  	(v2sf) =	vpush v11, $0x0;
	_ =	sdelay $0xe  }
0x107: {  	s2 =	spop (v2sf)  }
0x108: {  	s4 =	sshrl.u32 s2, $0xE  }
0x109: {  	v11 =	vmov s4  }
0x10a: {  	v12 =	vshll.u32 v11, $0x3  }
0x10b: {  	v11 =	vand.u32 $0x7F, v11;
	v12 =	vand.u32 $0x1FFC00, v12  }
0x10c: {  	v11 =	vor.u32 v11, v12  }
0x10d: {  	v12 =	vadd.s32 v3, v11;
	_ =	sdelay $0x4  }
0x10e: {  	v12 =	vld.idx.msk [tilespmem:v12+s15+$0x0], $0xffff  }
0x10f: {  	p1 =	slt.s32 s30, $0x2FF;
	s4 =	smov.u32 s30;
	v13 =	vadd.s32 v5, v11  }
0x110: {  	s4 =	simm.s32 @!p1 $0x2FF  }
0x111: {  	s16 =	sshll.u32 s4, $0x8  }
0x112: {  	s16 =	sshra.s32 s16, $0x2  }
0x113: {  	[tilespmem:s16+$0xF580] =	vst v12  }
0x114: {  	v12 =	vld.idx.msk [tilespmem:v13+s15+$0x0], $0xffff  }
0x115: {  	v13 =	vadd.s32 v6, v11;
	_ =	sdelay $0x3  }
0x116: {  	[tilespmem:s16+$0xF590] =	vst v12  }
0x117: {  	v12 =	vld.idx.msk [tilespmem:v13+s15+$0x0], $0xffff  }
0x118: {  	v11 =	vadd.s32 v7, v11;
	_ =	sdelay $0x3  }
0x119: {  	[tilespmem:s16+$0xF5A0] =	vst v12  }
0x11a: {  	p2 =	seq.s32 s0, $0x1;
	v13 =	vld.idx.msk [tilespmem:v11+s15+$0x0], $0xffff  }
.Ltmp14:
0x11b: {  	s17 =	sand.u32 $0x3FFF, s2;
	s2 =	sadd.s32 $0x1, s31;
	v12 =	vmov s4;
	(pc) =	sbr.rel @p2 .LBB2_18-.Ltmp14, $2  }
0x11c: {  	v11 =	vmov s2;
	_ =	sdelay $0x2  }
0x11d: {  	p1 =	por $0x1, $0x1;
	s4 =	sadd.s32 $0xFFFFFFFF, s0;
	s0 =	smov.u32 s30;
	[tilespmem:s16+$0xF5B0] =	vst v13;
	v13 =	vmov s17  }
.LBB2_19:
0x11e: {  	p2 =	seq.s32 s4, $0x1;
	s4 =	sadd.s32 $0xFFFFFFFF, s4;
	[tilespmem:v12+s24+$0x0] =	vst.idx.msk $0x1, v13;
	s0 =	sadd.s32 $0x1, s0  }
0x11f: {  	v11 =	vld.idx.msk [tilespmem:v11+s14+$0x0], $0xffff;
	_ =	sdelay $0x5  }
0x120: {  	(v2sf) =	vpush v11, $0x0;
	_ =	sdelay $0xe  }
0x121: {  	s17 =	spop (v2sf)  }
0x122: {  	s16 =	sand.u32 $0x3FFF, s17;
	s17 =	sshrl.u32 s17, $0xE  }
0x123: {  	v11 =	vmov s17  }
0x124: {  	v12 =	vshll.u32 v11, $0x3  }
0x125: {  	v11 =	vand.u32 $0x7F, v11;
	v12 =	vand.u32 $0x1FFC00, v12  }
0x126: {  	v11 =	vor.u32 v11, v12  }
0x127: {  	v12 =	vadd.s32 v3, v11;
	_ =	sdelay $0x4  }
0x128: {  	v12 =	vld.idx.msk [tilespmem:v12+s15+$0x0], $0xffff;
	_ =	sdelay $0x1  }
0x129: {  	p3 =	slt.s32 s0, $0x2FF;
	s17 =	smov.u32 s0;
	v13 =	vadd.s32 v5, v11  }
0x12a: {  	s17 =	simm.s32 @!p3 $0x2FF  }
0x12b: {  	s18 =	sshll.u32 s17, $0x8  }
0x12c: {  	s18 =	sshra.s32 s18, $0x2  }
0x12d: {  	[tilespmem:s18+$0xF580] =	vst v12  }
0x12e: {  	v12 =	vld.idx.msk [tilespmem:v13+s15+$0x0], $0xffff;
	_ =	sdelay $0x1  }
0x12f: {  	v13 =	vadd.s32 v6, v11;
	_ =	sdelay $0x3  }
0x130: {  	[tilespmem:s18+$0xF590] =	vst v12  }
0x131: {  	v12 =	vld.idx.msk [tilespmem:v13+s15+$0x0], $0xffff;
	_ =	sdelay $0x1  }
0x132: {  	v11 =	vadd.s32 v7, v11;
	_ =	sdelay $0x3  }
0x133: {  	[tilespmem:s18+$0xF5A0] =	vst v12  }
0x134: {  	v13 =	vld.idx.msk [tilespmem:v11+s15+$0x0], $0xffff;
	_ =	sdelay $0x1  }
.Ltmp15:
0x135: {  	s2 =	sadd.s32 $0x1, s2;
	v12 =	vmov s17;
	(pc) =	sbr.rel @!p2 .LBB2_19-.Ltmp15, $2  }
0x136: {  	v11 =	vmov s2;
	_ =	sdelay $0x2  }
0x137: {  	[tilespmem:s18+$0xF5B0] =	vst v13;
	v13 =	vmov s16  }
.LBB2_20:
0x138: {  	_ =	sdelay $0x3  }
0x139: {  	[tilespmem:v12+s24+$0x0] =	vst.idx.msk @p1 $0x1, v13  }
0x13a: {  	v11 =	vld.idx.msk [tilespmem:v11+s14+$0x0], $0xffff;
	_ =	sdelay $0x4  }
0x13b: {  	(v2sf) =	vpush v11, $0x0;
	_ =	sdelay $0xe  }
0x13c: {  	s2 =	spop (v2sf)  }
0x13d: {  	s4 =	sshrl.u32 s2, $0xE  }
0x13e: {  	v11 =	vmov s4  }
0x13f: {  	v60 =	vshll.u32 v11, $0x3  }
0x140: {  	v11 =	vand.u32 $0x7F, v11;
	v12 =	vand.u32 $0x1FFC00, v60  }
0x141: {  	v11 =	vor.u32 v11, v12  }
0x142: {  	v12 =	vadd.s32 v3, v11;
	_ =	sdelay $0x3  }
0x143: {  	s0 =	sadd.s32 @p1 $0x1, s0  }
0x144: {  	s30 =	smov.u32 @p1 s0;
	v12 =	vld.idx.msk [tilespmem:v12+s15+$0x0], $0xffff  }
0x145: {  	p1 =	slt.s32 s30, $0x2FF;
	s0 =	smov.u32 s30;
	v61 =	vadd.s32 v5, v11  }
0x146: {  	s0 =	simm.s32 @!p1 $0x2FF  }
0x147: {  	s17 =	sshll.u32 s0, $0x8  }
0x148: {  	s4 =	sshra.s32 s17, $0x2  }
0x149: {  	[tilespmem:s4+$0xF580] =	vst v12  }
0x14a: {  	v12 =	vld.idx.msk [tilespmem:v61+s15+$0x0], $0xffff  }
0x14b: {  	v62 =	vadd.s32 v6, v11;
	_ =	sdelay $0x3  }
0x14c: {  	[tilespmem:s4+$0xF590] =	vst v12  }
0x14d: {  	v12 =	vld.idx.msk [tilespmem:v62+s15+$0x0], $0xffff  }
0x14e: {  	v11 =	vadd.s32 v7, v11;
	_ =	sdelay $0x3  }
0x14f: {  	[tilespmem:s4+$0xF5A0] =	vst v12  }
0x150: {  	v11 =	vld.idx.msk [tilespmem:v11+s15+$0x0], $0xffff  }
0x151: {  	v63 =	vmov s0  }
.Ltmp16:
0x152: {  	_ = 	snop;
	(pc) =	sbr.rel .LBB2_28-.Ltmp16, $4  }
0x153: {  	_ = 	snop  }
0x154: {  	s18 =	sand.u32 $0x3FFF, s2  }
0x155: {  	[tilespmem:s4+$0xF5B0] =	vst v11;
	v11 =	vmov s18  }
0x156: {  	s30 =	sadd.s32 $0x1, s30;
	[tilespmem:v63+s24+$0x0] =	vst.idx.msk $0x1, v11  }
.LBB2_21:
0x157: {  	_ =	swait.ge [sflag:s28], $0x4000  }
0x158: {  	[sflag:s28] =	ssyncset.done $0x0  }
0x159: {  	[sflag:s28] =	ssyncadd.s32 $0xFFFFC000  }
0x15a: {  	s0 =	sld [smem:s0+$0x0];
	_ =	sdelay $0x2  }
0x15b: {  	p1 =	slt.s32 s0, $0x1  }
.Ltmp17:
0x15c: {  	_ = 	snop;
	(pc) =	sbr.rel @p1 .LBB2_28-.Ltmp17, $1  }
0x15d: {  	_ =	sdelay $0x3  }
0x15e: {  	p2 =	sne.s32 s0, $0x1  }
.Ltmp18:
0x15f: {  	_ = 	snop;
	(pc) =	sbr.rel @!p2 .LBB2_23-.Ltmp18, $2  }
0x160: {  	_ =	sdelay $0x2  }
0x161: {  	s0 =	sadd.s32 $0xFFFFFFFF, s0;
	v11 =	vmov s31;
	p1 =	por $0x0, $0x0  }
0x162: {  	_ =	sdelay $0x3  }
0x163: {  	v11 =	vld.idx.msk [tilespmem:v11+s14+$0x0], $0xffff;
	_ =	sdelay $0x4  }
0x164: {  	(v2sf) =	vpush v11, $0x0;
	_ =	sdelay $0xe  }
0x165: {  	s2 =	spop (v2sf)  }
0x166: {  	s4 =	sshrl.u32 s2, $0xE  }
0x167: {  	s4 =	sadd.s32 $0x100, s4  }
0x168: {  	v11 =	vmov s4  }
0x169: {  	v12 =	vshll.u32 v11, $0x3  }
0x16a: {  	v11 =	vand.u32 $0x7F, v11;
	v12 =	vand.u32 $0x3FFC00, v12  }
0x16b: {  	v11 =	vor.u32 v11, v12  }
0x16c: {  	v12 =	vadd.s32 v3, v11;
	_ =	sdelay $0x4  }
0x16d: {  	v12 =	vld.idx.msk [tilespmem:v12+s15+$0x0], $0xffff  }
0x16e: {  	p1 =	slt.s32 s30, $0x2FF;
	s4 =	smov.u32 s30;
	v13 =	vadd.s32 v5, v11  }
0x16f: {  	s4 =	simm.s32 @!p1 $0x2FF  }
0x170: {  	s16 =	sshll.u32 s4, $0x8  }
0x171: {  	s16 =	sshra.s32 s16, $0x2  }
0x172: {  	[tilespmem:s16+$0xF580] =	vst v12  }
0x173: {  	v12 =	vld.idx.msk [tilespmem:v13+s15+$0x0], $0xffff  }
0x174: {  	v13 =	vadd.s32 v6, v11;
	_ =	sdelay $0x3  }
0x175: {  	[tilespmem:s16+$0xF590] =	vst v12  }
0x176: {  	v12 =	vld.idx.msk [tilespmem:v13+s15+$0x0], $0xffff  }
0x177: {  	v11 =	vadd.s32 v7, v11;
	_ =	sdelay $0x3  }
0x178: {  	[tilespmem:s16+$0xF5A0] =	vst v12  }
0x179: {  	p2 =	sne.s32 s0, $0x1;
	v13 =	vld.idx.msk [tilespmem:v11+s15+$0x0], $0xffff  }
.Ltmp19:
0x17a: {  	s17 =	sand.u32 $0x3FFF, s2;
	s2 =	sadd.s32 $0x1, s31;
	v12 =	vmov s4;
	(pc) =	sbr.rel @!p2 .LBB2_25-.Ltmp19, $2  }
0x17b: {  	v11 =	vmov s2;
	_ =	sdelay $0x2  }
0x17c: {  	p1 =	por $0x1, $0x1;
	s4 =	sadd.s32 $0xFFFFFFFF, s0;
	s0 =	smov.u32 s30;
	[tilespmem:s16+$0xF5B0] =	vst v13;
	v13 =	vmov s17  }
.LBB2_26:
0x17d: {  	p2 =	sne.s32 s4, $0x1;
	s4 =	sadd.s32 $0xFFFFFFFF, s4;
	[tilespmem:v12+s24+$0x0] =	vst.idx.msk $0x1, v13;
	s0 =	sadd.s32 $0x1, s0  }
0x17e: {  	v11 =	vld.idx.msk [tilespmem:v11+s14+$0x0], $0xffff;
	_ =	sdelay $0x5  }
0x17f: {  	(v2sf) =	vpush v11, $0x0;
	_ =	sdelay $0xe  }
0x180: {  	s17 =	spop (v2sf)  }
0x181: {  	s16 =	sand.u32 $0x3FFF, s17;
	s17 =	sshrl.u32 s17, $0xE  }
0x182: {  	s17 =	sadd.s32 $0x100, s17  }
0x183: {  	v11 =	vmov s17  }
0x184: {  	v12 =	vshll.u32 v11, $0x3  }
0x185: {  	v11 =	vand.u32 $0x7F, v11;
	v12 =	vand.u32 $0x3FFC00, v12  }
0x186: {  	v11 =	vor.u32 v11, v12  }
0x187: {  	v12 =	vadd.s32 v3, v11;
	_ =	sdelay $0x4  }
0x188: {  	v12 =	vld.idx.msk [tilespmem:v12+s15+$0x0], $0xffff;
	_ =	sdelay $0x1  }
0x189: {  	p3 =	slt.s32 s0, $0x2FF;
	s17 =	smov.u32 s0;
	v13 =	vadd.s32 v5, v11  }
0x18a: {  	s17 =	simm.s32 @!p3 $0x2FF  }
0x18b: {  	s18 =	sshll.u32 s17, $0x8  }
0x18c: {  	s18 =	sshra.s32 s18, $0x2  }
0x18d: {  	[tilespmem:s18+$0xF580] =	vst v12  }
0x18e: {  	v12 =	vld.idx.msk [tilespmem:v13+s15+$0x0], $0xffff;
	_ =	sdelay $0x1  }
0x18f: {  	v13 =	vadd.s32 v6, v11;
	_ =	sdelay $0x3  }
0x190: {  	[tilespmem:s18+$0xF590] =	vst v12  }
0x191: {  	v12 =	vld.idx.msk [tilespmem:v13+s15+$0x0], $0xffff;
	_ =	sdelay $0x1  }
0x192: {  	v11 =	vadd.s32 v7, v11;
	_ =	sdelay $0x3  }
0x193: {  	[tilespmem:s18+$0xF5A0] =	vst v12  }
0x194: {  	v13 =	vld.idx.msk [tilespmem:v11+s15+$0x0], $0xffff;
	_ =	sdelay $0x1  }
.Ltmp20:
0x195: {  	s2 =	sadd.s32 $0x1, s2;
	v12 =	vmov s17;
	(pc) =	sbr.rel @p2 .LBB2_26-.Ltmp20, $2  }
0x196: {  	v11 =	vmov s2;
	_ =	sdelay $0x2  }
0x197: {  	[tilespmem:s18+$0xF5B0] =	vst v13;
	v13 =	vmov s16  }
.Ltmp21:
0x198: {  	_ = 	snop;
	(pc) =	sbr.rel .LBB2_27-.Ltmp21, $1  }
0x199: {  	_ =	sdelay $0x3  }
.LBB2_16:
.Ltmp22:
0x19a: {  	(pc) =	sbr.rel .LBB2_20-.Ltmp22, $2  }
0x19b: {  	_ =	sdelay $0x2  }
0x19c: {  	s0 =	smov.u32 s30  }
.LBB2_18:
.Ltmp23:
0x19d: {  	(pc) =	sbr.rel .LBB2_20-.Ltmp23, $2  }
0x19e: {  	_ =	sdelay $0x2  }
0x19f: {  	s0 =	smov.u32 s30  }
.LBB2_25:
.Ltmp24:
0x1a0: {  	(pc) =	sbr.rel .LBB2_27-.Ltmp24, $2  }
0x1a1: {  	_ =	sdelay $0x2  }
0x1a2: {  	s0 =	smov.u32 s30  }
.LBB2_29:
0x1a3: {  	s2 =	simm.s32 @!p0 $0x0;
	s0 =	simm.s32 @!p0 $0xD580;
	s4 =	rddreg [dreg:$0x2]  }
0x1a4: {  	[tilespmem:s0], [sflag:$0x1] =	stream.linear.gather @!p0 [hbm4b:s4+s2], $0x2000, $0x38;
	[tilespmem:$0x1B880] =	vst v63  }
0x1a5: {  	s0 =	simm.s32 @!p0 $0x1  }
0x1a6: {  	_ =	swait.ge @!p0 [sflag:s0], $0x2000  }
0x1a7: {  	[sflag:s0] =	ssyncset.done @!p0 $0x0  }
0x1a8: {  	[sflag:s0] =	ssyncadd.s32 @!p0 $0xFFFFE000  }
0x1a9: {  	s31 =	sld @!p0 [smem:$0x7A];
	_ =	sdelay $0x2  }
0x1aa: {  	p1 =	slt.s32 @!p0 s31, $0x1  }
0x1ab: {  	p1 =	por p0, p1  }
.Ltmp25:
0x1ac: {  	_ = 	snop;
	(pc) =	sbr.rel @p1 .LBB2_30-.Ltmp25, $1  }
0x1ad: {  	_ =	sdelay $0x3  }
0x1ae: {  	p2 =	sne.s32 s31, $0x1  }
.Ltmp26:
0x1af: {  	_ = 	snop;
	(pc) =	sbr.rel @!p2 .LBB2_32-.Ltmp26, $3  }
0x1b0: {  	_ =	sdelay $0x1  }
0x1b1: {  	s4 =	simm.s32 $0xF40  }
0x1b2: {  	s0 =	simm.s32 $0x1;
	p1 =	por $0x0, $0x0;
	v11 =	vmov s4  }
0x1b3: {  	_ =	sdelay $0x3  }
0x1b4: {  	v11 =	vld.idx.msk [tilespmem:v11+s14+$0x0], $0xffff;
	_ =	sdelay $0x4  }
0x1b5: {  	(v2sf) =	vpush v11, $0x0;
	_ =	sdelay $0xe  }
0x1b6: {  	s2 =	spop (v2sf)  }
0x1b7: {  	s4 =	sshrl.u32 s2, $0xE  }
0x1b8: {  	v11 =	vadd.s32 s4, v4;
	_ =	sdelay $0x4  }
0x1b9: {  	s16 =	sadd.s32 $0x0, s30;
	v11 =	vld.idx.msk [tilespmem:v11+s25+$0x0], $0xffff  }
0x1ba: {  	p1 =	slt.s32 s16, $0x2FF;
	v12 =	vadd.s32 s4, v8  }
0x1bb: {  	s16 =	simm.s32 @!p1 $0x2FF  }
0x1bc: {  	s5 =	sshll.u32 s16, $0x8  }
0x1bd: {  	s17 =	sshra.s32 s5, $0x2  }
0x1be: {  	[tilespmem:s17+$0xF580] =	vst v11  }
0x1bf: {  	v11 =	vld.idx.msk [tilespmem:v12+s25+$0x0], $0xffff  }
0x1c0: {  	v12 =	vadd.s32 s4, v9;
	_ =	sdelay $0x3  }
0x1c1: {  	[tilespmem:s17+$0xF590] =	vst v11  }
0x1c2: {  	v11 =	vld.idx.msk [tilespmem:v12+s25+$0x0], $0xffff  }
0x1c3: {  	v12 =	vadd.s32 s4, v10;
	_ =	sdelay $0x3  }
0x1c4: {  	[tilespmem:s17+$0xF5A0] =	vst v11  }
0x1c5: {  	p2 =	sne.s32 s31, $0x2;
	v13 =	vld.idx.msk [tilespmem:v12+s25+$0x0], $0xffff  }
.Ltmp27:
0x1c6: {  	s18 =	simm.s32 $0xF41;
	v12 =	vmov s16;
	(pc) =	sbr.rel @!p2 .LBB2_34-.Ltmp27, $3  }
0x1c7: {  	v11 =	vmov s18;
	_ =	sdelay $0x1  }
0x1c8: {  	s2 =	sand.u32 $0x3FFF, s2  }
0x1c9: {  	p1 =	por $0x1, $0x1;
	s5 =	simm.s32 $0x2;
	[tilespmem:s17+$0xF5B0] =	vst v13;
	v13 =	vmov s2  }
.LBB2_35:
0x1ca: {  	[tilespmem:v12+s24+$0x0] =	vst.idx.msk $0x1, v13;
	s2 =	smov.u32 s5;
	s5 =	sadd.s32 $0x1, s5  }
0x1cb: {  	p2 =	sne.s32 s31, s5;
	v11 =	vld.idx.msk [tilespmem:v11+s14+$0x0], $0xffff;
	_ =	sdelay $0x5  }
0x1cc: {  	(v2sf) =	vpush v11, $0x0;
	_ =	sdelay $0xe  }
0x1cd: {  	s4 =	spop (v2sf)  }
0x1ce: {  	s16 =	sand.u32 $0x3FFF, s4;
	s4 =	sshrl.u32 s4, $0xE  }
0x1cf: {  	v11 =	vadd.s32 s4, v4;
	_ =	sdelay $0x4  }
0x1d0: {  	v11 =	vld.idx.msk [tilespmem:v11+s25+$0x0], $0xffff  }
0x1d1: {  	s17 =	sadd.s32 s0, s30;
	s0 =	smov.u32 s2  }
0x1d2: {  	p3 =	slt.s32 s17, $0x2FF;
	v12 =	vadd.s32 s4, v8  }
0x1d3: {  	s17 =	simm.s32 @!p3 $0x2FF  }
0x1d4: {  	s2 =	sshll.u32 s17, $0x8  }
0x1d5: {  	s2 =	sshra.s32 s2, $0x2  }
0x1d6: {  	[tilespmem:s2+$0xF580] =	vst v11  }
0x1d7: {  	v11 =	vld.idx.msk [tilespmem:v12+s25+$0x0], $0xffff;
	_ =	sdelay $0x1  }
0x1d8: {  	v12 =	vadd.s32 s4, v9;
	_ =	sdelay $0x3  }
0x1d9: {  	[tilespmem:s2+$0xF590] =	vst v11  }
0x1da: {  	v11 =	vld.idx.msk [tilespmem:v12+s25+$0x0], $0xffff;
	_ =	sdelay $0x1  }
0x1db: {  	v12 =	vadd.s32 s4, v10;
	_ =	sdelay $0x3  }
0x1dc: {  	[tilespmem:s2+$0xF5A0] =	vst v11  }
0x1dd: {  	v13 =	vld.idx.msk [tilespmem:v12+s25+$0x0], $0xffff;
	_ =	sdelay $0x1  }
.Ltmp28:
0x1de: {  	s4 =	sadd.s32 $0xF40, s0;
	v12 =	vmov s17;
	(pc) =	sbr.rel @p2 .LBB2_35-.Ltmp28, $2  }
0x1df: {  	v11 =	vmov s4;
	_ =	sdelay $0x2  }
0x1e0: {  	[tilespmem:s2+$0xF5B0] =	vst v13;
	v13 =	vmov s16  }
0x1e1: {  	s2 =	smov.u32 s0  }
.LBB2_37:
0x1e2: {  	_ =	sdelay $0x3  }
0x1e3: {  	[tilespmem:v12+s24+$0x0] =	vst.idx.msk @p1 $0x1, v13  }
0x1e4: {  	v11 =	vld.idx.msk [tilespmem:v11+s14+$0x0], $0xffff;
	_ =	sdelay $0x4  }
0x1e5: {  	(v2sf) =	vpush v11, $0x0;
	_ =	sdelay $0xe  }
0x1e6: {  	s0 =	spop (v2sf)  }
0x1e7: {  	s4 =	sshrl.u32 s0, $0xE  }
0x1e8: {  	v11 =	vadd.s32 s4, v4;
	_ =	sdelay $0x4  }
0x1e9: {  	s2 =	sadd.s32 s2, s30;
	v11 =	vld.idx.msk [tilespmem:v11+s25+$0x0], $0xffff  }
0x1ea: {  	p1 =	slt.s32 s2, $0x2FF;
	v60 =	vadd.s32 s4, v8  }
0x1eb: {  	s2 =	simm.s32 @!p1 $0x2FF  }
0x1ec: {  	s16 =	sshll.u32 s2, $0x8  }
0x1ed: {  	s16 =	sshra.s32 s16, $0x2  }
0x1ee: {  	[tilespmem:s16+$0xF580] =	vst v11  }
0x1ef: {  	v11 =	vld.idx.msk [tilespmem:v60+s25+$0x0], $0xffff  }
0x1f0: {  	v61 =	vadd.s32 s4, v9;
	_ =	sdelay $0x3  }
0x1f1: {  	[tilespmem:s16+$0xF590] =	vst v11  }
0x1f2: {  	v11 =	vld.idx.msk [tilespmem:v61+s25+$0x0], $0xffff  }
0x1f3: {  	v62 =	vadd.s32 s4, v10;
	_ =	sdelay $0x3  }
0x1f4: {  	[tilespmem:s16+$0xF5A0] =	vst v11  }
0x1f5: {  	v11 =	vld.idx.msk [tilespmem:v62+s25+$0x0], $0xffff  }
0x1f6: {  	v63 =	vmov s2  }
.Ltmp29:
0x1f7: {  	_ = 	snop;
	(pc) =	sbr.rel .LBB2_38-.Ltmp29, $4  }
0x1f8: {  	_ = 	snop  }
0x1f9: {  	s0 =	sand.u32 $0x3FFF, s0  }
0x1fa: {  	[tilespmem:s16+$0xF5B0] =	vst v11;
	v11 =	vmov s0  }
0x1fb: {  	s30 =	sadd.s32 s5, s30;
	[tilespmem:v63+s24+$0x0] =	vst.idx.msk $0x1, v11  }
.LBB2_30:
0x1fc: {  	s30 =	smov.u32 @p0 s30  }
.LBB2_38:
0x1fd: {  	s0 =	sadd.s32 $0xF, s30  }
0x1fe: {  	s0 =	sand.u32 $0xFFFFFFF0, s0  }
0x1ff: {  	p1 =	slt.s32 s0, $0x300  }
0x200: {  	s0 =	simm.s32 @!p1 $0x300  }
0x201: {  	p1 =	sge.s32 s30, s0  }
.Ltmp30:
0x202: {  	_ = 	snop;
	(pc) =	sbr.rel @p1 .LBB2_41-.Ltmp30, $1  }
0x203: {  	_ =	sdelay $0x3  }
0x204: {  	v12 =	vld [tilespmem:$0xF580];
	_ =	sdelay $0x1  }
0x205: {  	s2 =	sshll.u32 s30, $0x8  }
0x206: {  	s2 =	sshra.s32 s2, $0x2  }
0x207: {  	s2 =	sadd.s32 $0xF5A0, s2  }
0x208: {  	v11 =	vld.msk [tilespmem:$0x1B580 ss:$0x0], $0xffff;
	[tilespmem:s2+$0xFFFFFFE0] =	vst v12  }
0x209: {  	v12 =	vld [tilespmem:$0xF590];
	_ =	sdelay $0x4  }
0x20a: {  	[tilespmem:s2+$0xFFFFFFF0] =	vst v12  }
0x20b: {  	v12 =	vld [tilespmem:$0xF5A0];
	_ =	sdelay $0x4  }
0x20c: {  	[tilespmem:s2+$0x0] =	vst v12  }
0x20d: {  	s4 =	sadd.s32 $0x1, s30;
	v12 =	vld [tilespmem:$0xF5B0]  }
0x20e: {  	v13 =	vmov s30;
	p1 =	sne.s32 s0, s4  }
.Ltmp31:
0x20f: {  	_ = 	snop;
	(pc) =	sbr.rel @!p1 .LBB2_41-.Ltmp31, $3  }
0x210: {  	_ =	sdelay $0x1  }
0x211: {  	[tilespmem:s2+$0x10] =	vst v12  }
0x212: {  	[tilespmem:v13+s24+$0x0] =	vst.idx.msk $0x1, v11  }
.LBB2_40:
0x213: {  	v12 =	vld [tilespmem:$0xF580];
	s5 =	smov.u32 s4  }
0x214: {  	s4 =	sadd.s32 $0x1, s4  }
0x215: {  	p1 =	sne.s32 s0, s4;
	_ =	sdelay $0x1  }
0x216: {  	s2 =	sadd.s32 $0x40, s2  }
0x217: {  	[tilespmem:s2+$0xFFFFFFE0] =	vst v12  }
0x218: {  	v12 =	vld [tilespmem:$0xF590];
	_ =	sdelay $0x4  }
0x219: {  	[tilespmem:s2+$0xFFFFFFF0] =	vst v12  }
0x21a: {  	v12 =	vld [tilespmem:$0xF5A0];
	_ =	sdelay $0x4  }
0x21b: {  	[tilespmem:s2+$0x0] =	vst v12  }
0x21c: {  	v12 =	vld [tilespmem:$0xF5B0]  }
0x21d: {  	v13 =	vmov s5  }
.Ltmp32:
0x21e: {  	(pc) =	sbr.rel @p1 .LBB2_40-.Ltmp32, $3  }
0x21f: {  	_ =	sdelay $0x1  }
0x220: {  	[tilespmem:s2+$0x10] =	vst v12  }
0x221: {  	[tilespmem:v13+s24+$0x0] =	vst.idx.msk $0x1, v11  }
.LBB2_41:
0x222: {  	s0 =	sshra.s32 s0, $0x4  }
0x223: {  	p1 =	slt.s32 s0, $0x1  }
.Ltmp33:
0x224: {  	_ = 	snop;
	(pc) =	sbr.rel @p1 .LBB2_45-.Ltmp33, $1  }
0x225: {  	_ =	sdelay $0x3  }
0x226: {  	s5 =	simm.s32 $0x1B580  }
0x227: {  	v11 =	vld [tilespmem:s5+$0x0];
	_ =	sdelay $0x4  }
0x228: {  	v11 =	vshll.u32 v11, $0x6  }
0x229: {  	s2 =	rddreg [dreg:$0x5];
	v11 =	vshrl.u32 v11, $0x3  }
0x22a: {  	v11 =	vadd.s32 s2, v11  }
0x22b: {  	(v2sf) =	vpush v11, $0x0;
	_ =	sdelay $0x1  }
0x22c: {  	(v2sf) =	vpush v11, $0x1;
	_ =	sdelay $0x1  }
0x22d: {  	(v2sf) =	vpush v11, $0x2;
	_ =	sdelay $0x1  }
0x22e: {  	(v2sf) =	vpush v11, $0x3;
	_ =	sdelay $0x1  }
0x22f: {  	(v2sf) =	vpush v11, $0x4;
	_ =	sdelay $0x1  }
0x230: {  	(v2sf) =	vpush v11, $0x5;
	_ =	sdelay $0x1  }
0x231: {  	(v2sf) =	vpush v11, $0x6;
	_ =	sdelay $0x1  }
0x232: {  	(v2sf) =	vpush v11, $0x7  }
0x233: {  	s16 =	simm.s32 $0xF580;
	s4 =	spop (v2sf)  }
0x234: {  	(v2sf) =	vpush v11, $0x8;
	[hbm4b:s4+s6] =	stream.linear.scatter [tilespmem:s16], [sflag:$0x3], $0x40, $0x38;
	[tilespmem:$0x1B880] =	vst v63  }
0x235: {  	s17 =	simm.s32 $0xF5C0;
	s18 =	spop (v2sf)  }
0x236: {  	(v2sf) =	vpush v11, $0x9;
	[hbm4b:s18+s6] =	stream.linear.scatter [tilespmem:s17], [sflag:$0x3], $0x40, $0x38;
	[tilespmem:$0x1B880] =	vst v63  }
0x237: {  	s4 =	simm.s32 $0xF600;
	s16 =	spop (v2sf)  }
0x238: {  	(v2sf) =	vpush v11, $0xA;
	[hbm4b:s16+s6] =	stream.linear.scatter [tilespmem:s4], [sflag:$0x3], $0x40, $0x38;
	[tilespmem:$0x1B880] =	vst v63  }
0x239: {  	s17 =	simm.s32 $0xF640;
	s18 =	spop (v2sf)  }
0x23a: {  	(v2sf) =	vpush v11, $0xB;
	[hbm4b:s18+s6] =	stream.linear.scatter [tilespmem:s17], [sflag:$0x3], $0x40, $0x38;
	[tilespmem:$0x1B880] =	vst v63  }
0x23b: {  	s4 =	simm.s32 $0xF680;
	s16 =	spop (v2sf)  }
0x23c: {  	(v2sf) =	vpush v11, $0xC;
	[hbm4b:s16+s6] =	stream.linear.scatter [tilespmem:s4], [sflag:$0x3], $0x40, $0x38;
	[tilespmem:$0x1B880] =	vst v63  }
0x23d: {  	s17 =	simm.s32 $0xF6C0;
	s18 =	spop (v2sf)  }
0x23e: {  	(v2sf) =	vpush v11, $0xD;
	[hbm4b:s18+s6] =	stream.linear.scatter [tilespmem:s17], [sflag:$0x3], $0x40, $0x38;
	[tilespmem:$0x1B880] =	vst v63  }
0x23f: {  	s4 =	simm.s32 $0xF700;
	s16 =	spop (v2sf)  }
0x240: {  	(v2sf) =	vpush v11, $0xE;
	[hbm4b:s16+s6] =	stream.linear.scatter [tilespmem:s4], [sflag:$0x3], $0x40, $0x38;
	[tilespmem:$0x1B880] =	vst v63  }
0x241: {  	s17 =	simm.s32 $0xF740;
	s18 =	spop (v2sf)  }
0x242: {  	(v2sf) =	vpush v11, $0xF;
	[hbm4b:s18+s6] =	stream.linear.scatter [tilespmem:s17], [sflag:$0x3], $0x40, $0x38;
	[tilespmem:$0x1B880] =	vst v63  }
0x243: {  	s4 =	simm.s32 $0xF780;
	s16 =	spop (v2sf)  }
0x244: {  	[hbm4b:s16+s6] =	stream.linear.scatter [tilespmem:s4], [sflag:$0x3], $0x40, $0x38;
	[tilespmem:$0x1B880] =	vst v63  }
0x245: {  	s17 =	simm.s32 $0xF7C0;
	s18 =	spop (v2sf)  }
0x246: {  	[hbm4b:s18+s6] =	stream.linear.scatter [tilespmem:s17], [sflag:$0x3], $0x40, $0x38;
	[tilespmem:$0x1B880] =	vst v63  }
0x247: {  	s4 =	simm.s32 $0xF800;
	s16 =	spop (v2sf)  }
0x248: {  	[hbm4b:s16+s6] =	stream.linear.scatter [tilespmem:s4], [sflag:$0x3], $0x40, $0x38;
	[tilespmem:$0x1B880] =	vst v63  }
0x249: {  	s17 =	simm.s32 $0xF840;
	s18 =	spop (v2sf)  }
0x24a: {  	[hbm4b:s18+s6] =	stream.linear.scatter [tilespmem:s17], [sflag:$0x3], $0x40, $0x38;
	[tilespmem:$0x1B880] =	vst v63  }
0x24b: {  	s4 =	simm.s32 $0xF880;
	s16 =	spop (v2sf)  }
0x24c: {  	[hbm4b:s16+s6] =	stream.linear.scatter [tilespmem:s4], [sflag:$0x3], $0x40, $0x38;
	[tilespmem:$0x1B880] =	vst v63  }
0x24d: {  	s17 =	simm.s32 $0xF8C0;
	s18 =	spop (v2sf)  }
0x24e: {  	[hbm4b:s18+s6] =	stream.linear.scatter [tilespmem:s17], [sflag:$0x3], $0x40, $0x38;
	[tilespmem:$0x1B880] =	vst v63  }
0x24f: {  	s16 =	simm.s32 $0xF900;
	s17 =	spop (v2sf)  }
0x250: {  	[hbm4b:s17+s6] =	stream.linear.scatter [tilespmem:s16], [sflag:$0x3], $0x40, $0x38;
	[tilespmem:$0x1B880] =	vst v63  }
0x251: {  	s30 =	simm.s32 $0xF940;
	s18 =	spop (v2sf)  }
0x252: {  	[hbm4b:s18+s6] =	stream.linear.scatter [tilespmem:s30], [sflag:$0x3], $0x40, $0x38;
	[tilespmem:$0x1B880] =	vst v63  }
0x253: {  	_ =	swait.ge [sflag:s26], $0x40  }
0x254: {  	[sflag:s26] =	ssyncset.done $0x0  }
0x255: {  	[sflag:s26] =	ssyncadd.s32 $0xFFFFFFC0  }
0x256: {  	_ =	swait.ge [sflag:s26], $0x40  }
0x257: {  	[sflag:s26] =	ssyncset.done $0x0  }
0x258: {  	[sflag:s26] =	ssyncadd.s32 $0xFFFFFFC0  }
0x259: {  	_ =	swait.ge [sflag:s26], $0x40  }
0x25a: {  	[sflag:s26] =	ssyncset.done $0x0  }
0x25b: {  	[sflag:s26] =	ssyncadd.s32 $0xFFFFFFC0  }
0x25c: {  	_ =	swait.ge [sflag:s26], $0x40  }
0x25d: {  	[sflag:s26] =	ssyncset.done $0x0  }
0x25e: {  	[sflag:s26] =	ssyncadd.s32 $0xFFFFFFC0  }
0x25f: {  	_ =	swait.ge [sflag:s26], $0x40  }
0x260: {  	[sflag:s26] =	ssyncset.done $0x0  }
0x261: {  	[sflag:s26] =	ssyncadd.s32 $0xFFFFFFC0  }
0x262: {  	_ =	swait.ge [sflag:s26], $0x40  }
0x263: {  	[sflag:s26] =	ssyncset.done $0x0  }
0x264: {  	[sflag:s26] =	ssyncadd.s32 $0xFFFFFFC0  }
0x265: {  	_ =	swait.ge [sflag:s26], $0x40  }
0x266: {  	[sflag:s26] =	ssyncset.done $0x0  }
0x267: {  	[sflag:s26] =	ssyncadd.s32 $0xFFFFFFC0  }
0x268: {  	_ =	swait.ge [sflag:s26], $0x40  }
0x269: {  	[sflag:s26] =	ssyncset.done $0x0  }
0x26a: {  	[sflag:s26] =	ssyncadd.s32 $0xFFFFFFC0  }
0x26b: {  	_ =	swait.ge [sflag:s26], $0x40  }
0x26c: {  	[sflag:s26] =	ssyncset.done $0x0  }
0x26d: {  	[sflag:s26] =	ssyncadd.s32 $0xFFFFFFC0  }
0x26e: {  	_ =	swait.ge [sflag:s26], $0x40  }
0x26f: {  	[sflag:s26] =	ssyncset.done $0x0  }
0x270: {  	[sflag:s26] =	ssyncadd.s32 $0xFFFFFFC0  }
0x271: {  	_ =	swait.ge [sflag:s26], $0x40  }
0x272: {  	[sflag:s26] =	ssyncset.done $0x0  }
0x273: {  	[sflag:s26] =	ssyncadd.s32 $0xFFFFFFC0  }
0x274: {  	_ =	swait.ge [sflag:s26], $0x40  }
0x275: {  	[sflag:s26] =	ssyncset.done $0x0  }
0x276: {  	[sflag:s26] =	ssyncadd.s32 $0xFFFFFFC0  }
0x277: {  	_ =	swait.ge [sflag:s26], $0x40  }
0x278: {  	[sflag:s26] =	ssyncset.done $0x0  }
0x279: {  	[sflag:s26] =	ssyncadd.s32 $0xFFFFFFC0  }
0x27a: {  	_ =	swait.ge [sflag:s26], $0x40  }
0x27b: {  	[sflag:s26] =	ssyncset.done $0x0  }
0x27c: {  	p1 =	sne.s32 s0, $0x1;
	[sflag:s26] =	ssyncadd.s32 $0xFFFFFFC0  }
.Ltmp34:
0x27d: {  	_ =	swait.ge [sflag:s26], $0x40;
	(pc) =	sbr.rel @!p1 .LBB2_44-.Ltmp34, $4  }
0x27e: {  	[sflag:s26] =	ssyncset.done $0x0  }
0x27f: {  	[sflag:s26] =	ssyncadd.s32 $0xFFFFFFC0  }
0x280: {  	_ =	swait.ge [sflag:s26], $0x40  }
0x281: {  	s31 =	sadd.s32 $0xFFFFFFFF, s0;
	[sflag:s26] =	ssyncset.done $0x0  }
.LBB2_43:
0x282: {  	[sflag:s26] =	ssyncadd.s32 $0xFFFFFFC0;
	s5 =	sadd.s32 $0x10, s5  }
0x283: {  	v11 =	vld [tilespmem:s5+$0x0];
	_ =	sdelay $0x4  }
0x284: {  	v11 =	vshll.u32 v11, $0x6  }
0x285: {  	s0 =	rddreg [dreg:$0x5];
	v11 =	vshrl.u32 v11, $0x3  }
0x286: {  	v11 =	vadd.s32 s0, v11  }
0x287: {  	(v2sf) =	vpush v11, $0x0;
	_ =	sdelay $0x1  }
0x288: {  	(v2sf) =	vpush v11, $0x1;
	_ =	sdelay $0x1  }
0x289: {  	(v2sf) =	vpush v11, $0x2;
	_ =	sdelay $0x1  }
0x28a: {  	(v2sf) =	vpush v11, $0x3;
	_ =	sdelay $0x1  }
0x28b: {  	(v2sf) =	vpush v11, $0x4;
	_ =	sdelay $0x1  }
0x28c: {  	(v2sf) =	vpush v11, $0x5;
	_ =	sdelay $0x1  }
0x28d: {  	(v2sf) =	vpush v11, $0x6;
	_ =	sdelay $0x1  }
0x28e: {  	s30 =	sadd.s32 $0x400, s30;
	(v2sf) =	vpush v11, $0x7  }
0x28f: {  	s18 =	sadd.s32 $0xFFFFFC40, s30;
	s2 =	spop (v2sf)  }
0x290: {  	(v2sf) =	vpush v11, $0x8;
	[hbm4b:s2+s6] =	stream.linear.scatter [tilespmem:s18], [sflag:$0x3], $0x40, $0x38;
	[tilespmem:$0x1B880] =	vst v63  }
0x291: {  	s4 =	sadd.s32 $0xFFFFFC80, s30;
	s16 =	spop (v2sf)  }
0x292: {  	(v2sf) =	vpush v11, $0x9;
	[hbm4b:s16+s6] =	stream.linear.scatter [tilespmem:s4], [sflag:$0x3], $0x40, $0x38;
	[tilespmem:$0x1B880] =	vst v63  }
0x293: {  	s17 =	sadd.s32 $0xFFFFFCC0, s30;
	s18 =	spop (v2sf)  }
0x294: {  	(v2sf) =	vpush v11, $0xA;
	[hbm4b:s18+s6] =	stream.linear.scatter [tilespmem:s17], [sflag:$0x3], $0x40, $0x38;
	[tilespmem:$0x1B880] =	vst v63  }
0x295: {  	s4 =	sadd.s32 $0xFFFFFD00, s30;
	s16 =	spop (v2sf)  }
0x296: {  	(v2sf) =	vpush v11, $0xB;
	[hbm4b:s16+s6] =	stream.linear.scatter [tilespmem:s4], [sflag:$0x3], $0x40, $0x38;
	[tilespmem:$0x1B880] =	vst v63  }
0x297: {  	s17 =	sadd.s32 $0xFFFFFD40, s30;
	s18 =	spop (v2sf)  }
0x298: {  	(v2sf) =	vpush v11, $0xC;
	[hbm4b:s18+s6] =	stream.linear.scatter [tilespmem:s17], [sflag:$0x3], $0x40, $0x38;
	[tilespmem:$0x1B880] =	vst v63  }
0x299: {  	s4 =	sadd.s32 $0xFFFFFD80, s30;
	s16 =	spop (v2sf)  }
0x29a: {  	(v2sf) =	vpush v11, $0xD;
	[hbm4b:s16+s6] =	stream.linear.scatter [tilespmem:s4], [sflag:$0x3], $0x40, $0x38;
	[tilespmem:$0x1B880] =	vst v63  }
0x29b: {  	s17 =	sadd.s32 $0xFFFFFDC0, s30;
	s18 =	spop (v2sf)  }
0x29c: {  	(v2sf) =	vpush v11, $0xE;
	[hbm4b:s18+s6] =	stream.linear.scatter [tilespmem:s17], [sflag:$0x3], $0x40, $0x38;
	[tilespmem:$0x1B880] =	vst v63  }
0x29d: {  	s4 =	sadd.s32 $0xFFFFFE00, s30;
	s16 =	spop (v2sf)  }
0x29e: {  	(v2sf) =	vpush v11, $0xF;
	[hbm4b:s16+s6] =	stream.linear.scatter [tilespmem:s4], [sflag:$0x3], $0x40, $0x38;
	[tilespmem:$0x1B880] =	vst v63  }
0x29f: {  	s17 =	sadd.s32 $0xFFFFFE40, s30;
	s18 =	spop (v2sf)  }
0x2a0: {  	[hbm4b:s18+s6] =	stream.linear.scatter [tilespmem:s17], [sflag:$0x3], $0x40, $0x38;
	[tilespmem:$0x1B880] =	vst v63  }
0x2a1: {  	s4 =	sadd.s32 $0xFFFFFE80, s30;
	s16 =	spop (v2sf)  }
0x2a2: {  	[hbm4b:s16+s6] =	stream.linear.scatter [tilespmem:s4], [sflag:$0x3], $0x40, $0x38;
	[tilespmem:$0x1B880] =	vst v63  }
0x2a3: {  	s17 =	sadd.s32 $0xFFFFFEC0, s30;
	s18 =	spop (v2sf)  }
0x2a4: {  	[hbm4b:s18+s6] =	stream.linear.scatter [tilespmem:s17], [sflag:$0x3], $0x40, $0x38;
	[tilespmem:$0x1B880] =	vst v63  }
0x2a5: {  	s4 =	sadd.s32 $0xFFFFFF00, s30;
	s16 =	spop (v2sf)  }
0x2a6: {  	[hbm4b:s16+s6] =	stream.linear.scatter [tilespmem:s4], [sflag:$0x3], $0x40, $0x38;
	[tilespmem:$0x1B880] =	vst v63  }
0x2a7: {  	s17 =	sadd.s32 $0xFFFFFF40, s30;
	s18 =	spop (v2sf)  }
0x2a8: {  	[hbm4b:s18+s6] =	stream.linear.scatter [tilespmem:s17], [sflag:$0x3], $0x40, $0x38;
	[tilespmem:$0x1B880] =	vst v63  }
0x2a9: {  	s2 =	sadd.s32 $0xFFFFFF80, s30;
	s4 =	spop (v2sf)  }
0x2aa: {  	[hbm4b:s4+s6] =	stream.linear.scatter [tilespmem:s2], [sflag:$0x3], $0x40, $0x38;
	[tilespmem:$0x1B880] =	vst v63  }
0x2ab: {  	s16 =	sadd.s32 $0xFFFFFFC0, s30;
	s17 =	spop (v2sf)  }
0x2ac: {  	[hbm4b:s17+s6] =	stream.linear.scatter [tilespmem:s16], [sflag:$0x3], $0x40, $0x38;
	[tilespmem:$0x1B880] =	vst v63  }
0x2ad: {  	s18 =	spop (v2sf)  }
0x2ae: {  	[hbm4b:s18+s6] =	stream.linear.scatter [tilespmem:s30], [sflag:$0x3], $0x40, $0x38;
	[tilespmem:$0x1B880] =	vst v63  }
0x2af: {  	_ =	swait.ge [sflag:s26], $0x40  }
0x2b0: {  	[sflag:s26] =	ssyncset.done $0x0  }
0x2b1: {  	[sflag:s26] =	ssyncadd.s32 $0xFFFFFFC0  }
0x2b2: {  	_ =	swait.ge [sflag:s26], $0x40  }
0x2b3: {  	[sflag:s26] =	ssyncset.done $0x0  }
0x2b4: {  	[sflag:s26] =	ssyncadd.s32 $0xFFFFFFC0  }
0x2b5: {  	_ =	swait.ge [sflag:s26], $0x40  }
0x2b6: {  	[sflag:s26] =	ssyncset.done $0x0  }
0x2b7: {  	[sflag:s26] =	ssyncadd.s32 $0xFFFFFFC0  }
0x2b8: {  	_ =	swait.ge [sflag:s26], $0x40  }
0x2b9: {  	[sflag:s26] =	ssyncset.done $0x0  }
0x2ba: {  	[sflag:s26] =	ssyncadd.s32 $0xFFFFFFC0  }
0x2bb: {  	_ =	swait.ge [sflag:s26], $0x40  }
0x2bc: {  	[sflag:s26] =	ssyncset.done $0x0  }
0x2bd: {  	[sflag:s26] =	ssyncadd.s32 $0xFFFFFFC0  }
0x2be: {  	_ =	swait.ge [sflag:s26], $0x40  }
0x2bf: {  	[sflag:s26] =	ssyncset.done $0x0  }
0x2c0: {  	[sflag:s26] =	ssyncadd.s32 $0xFFFFFFC0  }
0x2c1: {  	_ =	swait.ge [sflag:s26], $0x40  }
0x2c2: {  	[sflag:s26] =	ssyncset.done $0x0  }
0x2c3: {  	[sflag:s26] =	ssyncadd.s32 $0xFFFFFFC0  }
0x2c4: {  	_ =	swait.ge [sflag:s26], $0x40  }
0x2c5: {  	[sflag:s26] =	ssyncset.done $0x0  }
0x2c6: {  	[sflag:s26] =	ssyncadd.s32 $0xFFFFFFC0  }
0x2c7: {  	_ =	swait.ge [sflag:s26], $0x40  }
0x2c8: {  	[sflag:s26] =	ssyncset.done $0x0  }
0x2c9: {  	[sflag:s26] =	ssyncadd.s32 $0xFFFFFFC0  }
0x2ca: {  	_ =	swait.ge [sflag:s26], $0x40  }
0x2cb: {  	[sflag:s26] =	ssyncset.done $0x0  }
0x2cc: {  	[sflag:s26] =	ssyncadd.s32 $0xFFFFFFC0  }
0x2cd: {  	_ =	swait.ge [sflag:s26], $0x40  }
0x2ce: {  	[sflag:s26] =	ssyncset.done $0x0  }
0x2cf: {  	[sflag:s26] =	ssyncadd.s32 $0xFFFFFFC0  }
0x2d0: {  	_ =	swait.ge [sflag:s26], $0x40  }
0x2d1: {  	[sflag:s26] =	ssyncset.done $0x0  }
0x2d2: {  	[sflag:s26] =	ssyncadd.s32 $0xFFFFFFC0  }
0x2d3: {  	_ =	swait.ge [sflag:s26], $0x40  }
0x2d4: {  	[sflag:s26] =	ssyncset.done $0x0  }
0x2d5: {  	[sflag:s26] =	ssyncadd.s32 $0xFFFFFFC0  }
0x2d6: {  	_ =	swait.ge [sflag:s26], $0x40  }
0x2d7: {  	[sflag:s26] =	ssyncset.done $0x0  }
0x2d8: {  	p1 =	sne.s32 s31, $0x1;
	[sflag:s26] =	ssyncadd.s32 $0xFFFFFFC0  }
.Ltmp35:
0x2d9: {  	_ =	swait.ge [sflag:s26], $0x40;
	(pc) =	sbr.rel @p1 .LBB2_43-.Ltmp35, $4  }
0x2da: {  	[sflag:s26] =	ssyncset.done $0x0  }
0x2db: {  	[sflag:s26] =	ssyncadd.s32 $0xFFFFFFC0  }
0x2dc: {  	_ =	swait.ge [sflag:s26], $0x40  }
0x2dd: {  	s31 =	sadd.s32 $0xFFFFFFFF, s31;
	[sflag:s26] =	ssyncset.done $0x0  }
.Ltmp36:
0x2de: {  	_ = 	snop;
	(pc) =	sbr.rel .LBB2_44-.Ltmp36, $1  }
0x2df: {  	_ =	sdelay $0x3  }
.LBB2_2:
.Ltmp37:
0x2e0: {  	(pc) =	sbr.rel .LBB2_6-.Ltmp37, $2  }
0x2e1: {  	_ =	sdelay $0x2  }
0x2e2: {  	s2 =	simm.s32 $0x0;
	s0 =	simm.s32 $0x0  }
.LBB2_4:
.Ltmp38:
0x2e3: {  	(pc) =	sbr.rel .LBB2_6-.Ltmp38, $2  }
0x2e4: {  	_ =	sdelay $0x2  }
0x2e5: {  	s2 =	simm.s32 $0x0  }
.LBB2_32:
.Ltmp39:
0x2e6: {  	(pc) =	sbr.rel .LBB2_37-.Ltmp39, $2  }
0x2e7: {  	_ =	sdelay $0x2  }
0x2e8: {  	s5 =	simm.s32 $0x1  }
.LBB2_34:
.Ltmp40:
0x2e9: {  	(pc) =	sbr.rel .LBB2_37-.Ltmp40, $2  }
0x2ea: {  	_ =	sdelay $0x2  }
0x2eb: {  	s2 =	simm.s32 $0x1  }
.LBB2_46:
0x2ec: {  	_ =	sfence.sel $0x180000  }
0x2ed: {  	[bflag:$0x0] =	sbarrier.arrive $0xFFFF  }
0x2ee: {  	_ =	strace $0x90000047  }
0x2ef: {  	s0 =	stileid.u32;
	[bflag:$0x2] =	sbarrier.arrive $0xFFFF  }
0x2f0: {  	p0 =	sne.s32 s0, $0x0;
	s0 =	rddreg [dreg:$0x4]  }
0x2f1: {  	s0 =	sadd.s32 @!p0 $0x100000, s0  }
0x2f2: {  	[sflag:s0] =	ssyncadd.tile.s32 @!p0 $0x1;
	_ =	shalt  }
.Lfunc_end2:
_tile_overlayer_lowered:
.L_overlay_start_2:
0x2f3: {  	(tag) =	ssettag $0x2  }
0x2f4: {  	s0 =	rddreg [dreg:$0x0];
	s2 =	stileid.u32  }
0x2f5: {  	s1 =	rddreg [dreg:$0x1];
	p0 =	sne.s32 s2, $0x0  }
0x2f6: {  	s3 =	rddreg [dreg:$0x2];
	[bflag:$0x3] =	sbarrier.arrive $0xFFFF;
	s2 =	simm.s32 @!p0 $0x1C04  }
0x2f7: {  	[timem:s3], [sflag:s2] =	dma.local @!p0 [hbm:s0], s1  }
0x2f8: {  	s0 =	simm.s32 @!p0 $0x4  }
0x2f9: {  	_ =	swait.ge @!p0 [sflag:s0], s1  }
0x2fa: {  	s1 =	ssub.s32 @!p0 $0x0, s1;
	[sflag:s0] =	ssyncset.done @!p0 $0x0  }
0x2fb: {  	[sflag:s0] =	ssyncadd.s32 @!p0 s1  }
0x2fc: {  	[bflag:$0x3] =	sbarrier.arrive $0xFFFF  }
0x2fd: {  	_ =	shalt  }

// kernel: kernel.8.cloned.1.call-start
scs
__scs_entry_jumppad:
0x0: {  	(pc) =	sbr.rel $0x88, $3  }
0x1: {  	(tag) =	ssettag $0x0;
	lr =	simm.s32 $0x1  }
0x2: {  	[smem:$0x3F8F] =	sst lr;
	_ =	strace $0xD0000000  }
0x3: {  	_ = 	snop  }
0x4: {  	_ = 	snop  }
0x5: {  	_ = 	snop  }
0x6: {  	_ = 	snop  }
0x7: {  	_ = 	snop  }
__scs_overlays_trampoline_lowered:
0x8: {  	[smem:$0x3F9E] =	sst s0  }
0x9: {  	[smem:$0x3F9F] =	sst s1  }
0xa: {  	[smem:$0x3FA0] =	sst s2  }
0xb: {  	[smem:$0x3FA1] =	sst s3  }
0xc: {  	[smem:$0x3FA2] =	sst s4  }
0xd: {  	[smem:$0x3FA3] =	sst s5  }
0xe: {  	[smem:$0x3FA4] =	sst s6  }
0xf: {  	[smem:$0x3FA5] =	sst s7  }
0x10: {  	[smem:$0x3FA6] =	sst s8  }
0x11: {  	[smem:$0x3FA7] =	sst s9;
	s0 =	simm.s32 @!p0 $0x0  }
0x12: {  	s1 =	sld [smem:$0x3F8D];
	s0 =	simm.s32 @p0 $0x1  }
0x13: {  	[smem:$0x3FA8] =	sst s0;
	s0 =	simm.s32 @!p1 $0x0  }
0x14: {  	s2 =	sld [smem:$0x3F8C];
	s0 =	simm.s32 @p1 $0x1  }
0x15: {  	[smem:$0x3FA9] =	sst s0;
	s0 =	simm.s32 @!p2 $0x0  }
0x16: {  	s3 =	sld [smem:$0x3FDB];
	s0 =	simm.s32 @p2 $0x1  }
0x17: {  	s4 =	simm.s32 $0x1BF5;
	[smem:$0x3FAB] =	sst s0  }
0x18: {  	s0 =	sld [smem:$0x3F8E];
	_ =	swait.ge [sflag:s4], $0x0  }
0x19: {  	s7 =	sld [smem:$0x3F8F]  }
0x1a: {  	s8 =	sadd.s32 $0xFFFFE003, lr  }
0x1b: {  	s9 =	sadd.s32 $0xFFFFFEF7, lr;
	s5 =	simm.s32 $0xFFFFFFFF;
	p2 =	slt.u32 s8, $0xFFFFF086  }
0x1c: {  	p1 =	slt.u32 s9, $0xF7A;
	s5 =	simm.s32 @!p2 $0x0  }
0x1d: {  	s5 =	simm.s32 @p1 $0x1;
	p0 =	seq.s32 s7, s2  }
0x1e: {  	s7 =	smul.u32 @!p0 $0xF7A, s2;
	p2 =	seq.s32 @!p0 s5, $0x0  }
0x1f: {  	s9 =	smul.u32 $0xF7A, s1;
	s8 =	simm.s32 @!p0 $0x1BF5;
	p2 =	por !p2, p0  }
0x20: {  	[sflag:s8] =	ssyncset.s32 @!p0 $0xFFFFF086;
	s6 =	sadd.s32 @!p0 s3, s7;
	s7 =	simm.s32 @!p0 $0x108  }
0x21: {  	s3 =	sadd.s32 s3, s9;
	s6 =	sadd.s32 @!p0 $0x88, s6;
	s7 =	simm.s32 @p2 $0x1082  }
0x22: {  	[simem:s7], [sflag:s8] =	dma.local @!p0 [hbm:s6], $0xF7A  }
0x23: {  	s9 =	sor.u32 $0xD0000000, s2;
	s6 =	simm.s32 $0x108;
	_ =	swait.ge @!p0 [sflag:s8], $0x0  }
0x24: {  	s3 =	sadd.s32 $0x88, s3;
	s6 =	simm.s32 @!p1 $0x1082;
	[sflag:s4] =	ssyncset.s32 $0xFFFFF086  }
0x25: {  	[simem:s6], [sflag:s4] =	dma.local [hbm:s3], $0xF7A  }
0x26: {  	[smem:$0x3F8F] =	sst s1;
	(tag) =	ssettag s2;
	_ =	strace s9  }
0x27: {  	s1 =	sld [smem:$0x3F9F]  }
0x28: {  	s2 =	sld [smem:$0x3FA0]  }
0x29: {  	s4 =	sld [smem:$0x3FA2]  }
0x2a: {  	p0 =	seq.s32 s5, $0x0;
	s5 =	sld [smem:$0x3FA3]  }
0x2b: {  	s6 =	sld [smem:$0x3FA4]  }
0x2c: {  	s7 =	sld [smem:$0x3FA5]  }
0x2d: {  	s3 =	simm.s32 $0x108;
	s8 =	sld [smem:$0x3FA6]  }
0x2e: {  	s3 =	simm.s32 @!p0 $0x1082;
	s9 =	sld [smem:$0x3FA7]  }
0x2f: {  	lr =	sadd.s32 s0, s3;
	s0 =	sld [smem:$0x3F9E]  }
0x30: {  	s3 =	sld [smem:$0x3FA1]  }
0x31: {  	[smem:$0x3FAA] =	sst s10  }
0x32: {  	s10 =	sld [smem:$0x3FA8];
	_ =	sdelay $0x3  }
0x33: {  	p0 =	seq.s32 s10, $0x1;
	s10 =	sld [smem:$0x3FAA];
	_ =	sdelay $0x3  }
0x34: {  	[smem:$0x3FAA] =	sst s10  }
0x35: {  	s10 =	sld [smem:$0x3FA9];
	_ =	sdelay $0x3  }
0x36: {  	p1 =	seq.s32 s10, $0x1;
	s10 =	sld [smem:$0x3FAA];
	_ =	sdelay $0x3  }
0x37: {  	[smem:$0x3FAA] =	sst s10  }
0x38: {  	s10 =	sld [smem:$0x3FAB]  }
0x39: {  	_ = 	snop;
	(pc) =	sbr.ind lr, $3  }
0x3a: {  	_ = 	snop  }
0x3b: {  	_ = 	snop  }
0x3c: {  	p2 =	seq.s32 s10, $0x1;
	s10 =	sld [smem:$0x3FAA]  }
0x3d: {  	_ =	shalt  }
0x3e: {  	_ =	shalt  }
0x3f: {  	_ =	shalt  }
0x40: {  	_ =	shalt  }
0x41: {  	_ =	shalt  }
0x42: {  	_ =	shalt  }
0x43: {  	_ =	shalt  }
0x44: {  	_ =	shalt  }
0x45: {  	_ =	shalt  }
0x46: {  	_ =	shalt  }
0x47: {  	_ =	shalt  }
0x48: {  	_ =	shalt  }
0x49: {  	_ =	shalt  }
0x4a: {  	_ =	shalt  }
0x4b: {  	_ =	shalt  }
0x4c: {  	_ =	shalt  }
0x4d: {  	_ =	shalt  }
0x4e: {  	_ =	shalt  }
0x4f: {  	_ =	shalt  }
0x50: {  	_ =	shalt  }
0x51: {  	_ =	shalt  }
0x52: {  	_ =	shalt  }
0x53: {  	_ =	shalt  }
0x54: {  	_ =	shalt  }
0x55: {  	_ =	shalt  }
0x56: {  	_ =	shalt  }
0x57: {  	_ =	shalt  }
0x58: {  	_ =	shalt  }
0x59: {  	_ =	shalt  }
0x5a: {  	_ =	shalt  }
0x5b: {  	_ =	shalt  }
0x5c: {  	_ =	shalt  }
0x5d: {  	_ =	shalt  }
0x5e: {  	_ =	shalt  }
0x5f: {  	_ =	shalt  }
0x60: {  	_ =	shalt  }
0x61: {  	_ =	shalt  }
0x62: {  	_ =	shalt  }
0x63: {  	_ =	shalt  }
0x64: {  	_ =	shalt  }
0x65: {  	_ =	shalt  }
0x66: {  	_ =	shalt  }
0x67: {  	_ =	shalt  }
0x68: {  	_ =	shalt  }
0x69: {  	_ =	shalt  }
0x6a: {  	_ =	shalt  }
0x6b: {  	_ =	shalt  }
0x6c: {  	_ =	shalt  }
0x6d: {  	_ =	shalt  }
0x6e: {  	_ =	shalt  }
0x6f: {  	_ =	shalt  }
0x70: {  	_ =	shalt  }
0x71: {  	_ =	shalt  }
0x72: {  	_ =	shalt  }
0x73: {  	_ =	shalt  }
0x74: {  	_ =	shalt  }
0x75: {  	_ =	shalt  }
0x76: {  	_ =	shalt  }
0x77: {  	_ =	shalt  }
0x78: {  	_ =	shalt  }
0x79: {  	_ =	shalt  }
0x7a: {  	_ =	shalt  }
0x7b: {  	_ =	shalt  }
0x7c: {  	_ =	shalt  }
0x7d: {  	_ =	shalt  }
0x7e: {  	_ =	shalt  }
0x7f: {  	_ =	shalt  }
0x80: {  	_ =	shalt  }
0x81: {  	_ =	shalt  }
0x82: {  	_ =	shalt  }
0x83: {  	_ =	shalt  }
0x84: {  	_ =	shalt  }
0x85: {  	_ =	shalt  }
0x86: {  	_ =	shalt  }
0x87: {  	_ =	shalt  }
.Lfunc_end0:
.L_simem_size_0:
called_computation.1_lowered:
.L_overlay_start_0:
0x88: {  	s2 =	sld [smem:$0x3FD9]  }
0x89: {  	s3 =	sld [smem:$0x3FFE];
	_ =	sdelay $0x1  }
0x8a: {  	s1 =	srdreg.scid  }
0x8b: {  	s0 =	sand.u32 $0x1, s1  }
0x8c: {  	s17 =	sshll.u32 s0, $0xA;
	s2 =	sadd.s32 s3, s2  }
0x8d: {  	s2 =	sadd.s32 s2, s17  }
0x8e: {  	[smem:$0x3FB6] =	sst s2  }
0x8f: {  	_ = 	snop  }
0x90: {  	s18 =	sld [smem:$0x3FC8];
	(tm) =	ssettm $0x1  }
0x91: {  	s19 =	sld [smem:$0x3FFB];
	_ =	sdelay $0x3  }
0x92: {  	_ =	strace s19  }
0x93: {  	s2 =	sld [smem:$0x3FFC];
	_ =	sdelay $0x3  }
0x94: {  	_ =	strace s2  }
0x95: {  	s2 =	sld [smem:$0x3FFD];
	_ =	sdelay $0x3  }
0x96: {  	_ =	strace s2  }
0x97: {  	_ =	strace $0x8FFFFFFF  }
0x98: {  	s20 =	sld [smem:$0x3FDB];
	_ =	sdelay $0x1  }
0x99: {  	s4 =	simm.s32 $_scs_section_size  }
0x9a: {  	s5 =	simm.s32 $_size__tile_overlayer_lowered;
	s6 =	simm.s32 $_tile_overlayer_lowered  }
0x9b: {  	s7 =	simm.s32 $0x1BFF;
	s21 =	sshll.u32 s6, $0x1;
	s4 =	sadd.s32 s4, s20  }
0x9c: {  	s22 =	simm.s32 $0x0;
	s5 =	sshll.u32 s5, $0x1;
	s6 =	sadd.s32 s21, s4  }
0x9d: {  	[timem:s22], [sflag:s7] =	dma.local [hbm:s6], s5  }
0x9e: {  	_ =	swait.ge [sflag:s7], s5  }
0x9f: {  	s5 =	ssub.s32 $0x0, s5;
	[sflag:s7] =	ssyncset.done $0x0  }
0xa0: {  	[sflag:s7] =	ssyncadd.s32 s5;
	_ =	sdelay $0x1  }
0xa1: {  	s23 =	simm.s32 $0x1B8B  }
0xa2: {  	_ =	swait.ge [sflag:s23], $0x1  }
0xa3: {  	[sflag:s23] =	ssyncset.done $0x0  }
0xa4: {  	[sflag:s23] =	ssyncadd.s32 $0xFFFFFFFF  }
0xa5: {  	s5 =	sld [smem:$0x0]  }
0xa6: {  	s6 =	sand.u32 $0xFFFFFFFE, s1  }
0xa7: {  	p0 =	sne.s32 s1, s6  }
0xa8: {  	s6 =	sshll.u32 @p0 s6, $0xE  }
0xa9: {  	s6 =	sadd.s32 @p0 $0x11B8D, s6;
	s7 =	sshll.u32 @p0 s5, $0x11  }
0xaa: {  	s6 =	sor.u32 @p0 s7, s6  }
0xab: {  	[sflag:s6] =	ssyncadd.remote.s32 @p0 $0x1;
	_ =	sdelay $0x1  }
0xac: {  	s6 =	simm.s32 @p0 $0x1B8D  }
0xad: {  	_ =	swait.eq @p0 [sflag:s6], $0x1  }
0xae: {  	[sflag:s6] =	ssyncadd.s32 @p0 $0xFFFFFFFF  }
0xaf: {  	s7 =	sshll.u32 @!p0 s1, $0xE  }
0xb0: {  	s7 =	sor.u32 @!p0 $0x4000, s7;
	s6 =	simm.s32 @!p0 $0x1B8D  }
0xb1: {  	s5 =	sshll.u32 @!p0 s5, $0x11;
	s7 =	sadd.s32 @!p0 $0x11B8D, s7;
	_ =	swait.eq @!p0 [sflag:s6], $0x1  }
0xb2: {  	s5 =	sor.u32 @!p0 s5, s7;
	[sflag:s6] =	ssyncadd.s32 @!p0 $0xFFFFFFFF  }
0xb3: {  	s25 =	simm.s32 $0x1B8E;
	s24 =	sld [smem:$0x3FFE];
	[sflag:s5] =	ssyncadd.remote.s32 @!p0 $0x1  }
0xb4: {  	s26 =	simm.s32 $execute0_lowered;
	[smem:$0x3FD2] =	sst s25  }
0xb5: {  	s6 =	sshll.u32 s26, $0x1;
	_ =	strace $0x80000049;
	[dreg:$0x1] =	wrdreg $0xFFFFFFFF  }
0xb6: {  	s28 =	simm.s32 $_size_execute0_lowered;
	s4 =	sadd.s32 s4, s6;
	[dreg:$0x0] =	wrdreg $0x0  }
0xb7: {  	s6 =	sshll.u32 s28, $0x1;
	[dreg:$0x2] =	wrdreg s4  }
0xb8: {  	[dreg:$0x3] =	wrdreg s6  }
0xb9: {  	[dreg:$0x4] =	wrdreg $0xC0  }
0xba: {  	_ =	task [dreg:s22], $0x5FFFF  }
0xbb: {  	[dreg:$0x1] =	wrdreg $0xFFFFFFFF  }
0xbc: {  	[dreg:$0x0] =	wrdreg $0x60  }
0xbd: {  	[dreg:$0x2] =	wrdreg s18  }
0xbe: {  	[dreg:$0x3] =	wrdreg s24  }
0xbf: {  	[dreg:$0x4] =	wrdreg $0xA  }
0xc0: {  	_ =	task.clear_ibuf [dreg:s22], $0x5FFFF;
	_ =	strace $0x90000049  }
0xc1: {  	s29 =	simm.s32 $0xA;
	_ =	strace $0x8000004B  }
0xc2: {  	_ =	swait.ge [sflag:s29], $0x1  }
0xc3: {  	[sflag:s29] =	ssyncadd.s32 $0xFFFFFFFF  }
0xc4: {  	_ =	strace $0x9000004B  }
0xc5: {  	_ =	sfence  }
0xc6: {  	s30 =	sld [smem:$0x0];
	_ =	sdelay $0x2  }
0xc7: {  	s31 =	sshll.u32 s1, $0xD;
	s1 =	sshrl.u32 s1, $0x2  }
0xc8: {  	s4 =	sand.u32 $0x4000, s31;
	s1 =	sadd.s32 s1, s30  }
0xc9: {  	s0 =	sor.u32 s4, s0;
	s1 =	sshll.u32 s1, $0x11  }
0xca: {  	s0 =	sor.u32 s1, s0  }
0xcb: {  	s0 =	sadd.s32 $0x8F2B, s0  }
0xcc: {  	[sflag:s0] =	ssyncadd.remote.s32 $0x1  }
0xcd: {  	_ =	sfence.sel $0xFFFF  }
0xce: {  	[dreg:$0x0] =	wrdreg $0xFFFFFFFF;
	(pc) =	sbr.abs _section_cstart, $3  }
0xcf: {  	[dreg:$0x1] =	wrdreg $0xFFFFFFFF  }
0xd0: {  	_ =	task.clear_ibuf [dreg:s22], $0x2FFFF;
	_ =	strace $0x9FFFFFFF  }
0xd1: {  	(tm) =	ssettm $0x7FFFFFFF  }
tec
execute0_lowered:
.L_overlay_start_1:
0x0: {  	(tag) =	ssettag $0x1  }
0x1: {  	s4 =	rddreg [dreg:$0x0]  }
0x2: {  	s5 =	rddreg [dreg:$0x1]  }
0x3: {  	s0 =	rddreg [dreg:$0x2];
	s2 =	simm.s32 $0x0  }
0x4: {  	s15 =	simm.s32 $0x280;
	[smem:$0x7FF] =	sst s2  }
0x5: {  	s16 =	simm.s32 $0x300;
	_ =	strace $0x8000004A;
	[dreg:$0x3] =	wrdreg s15  }
0x6: {  	s17 =	simm.s32 $0x380;
	[dreg:$0x4] =	wrdreg s16  }
0x7: {  	s18 =	simm.s32 $0x400;
	[dreg:$0x5] =	wrdreg s17  }
0x8: {  	s20 =	simm.s32 $0x480;
	[dreg:$0x6] =	wrdreg s18  }
0x9: {  	s21 =	simm.s32 $0x500;
	[dreg:$0x7] =	wrdreg s20  }
0xa: {  	s22 =	simm.s32 $0x580;
	[dreg:$0x8] =	wrdreg s21  }
0xb: {  	s1 =	stileid.u32;
	s23 =	simm.s32 $0x600;
	[dreg:$0x9] =	wrdreg s22  }
0xc: {  	s7 =	srdreg.scid;
	s24 =	simm.s32 $0x680;
	[dreg:$0xa] =	wrdreg s23  }
0xd: {  	s25 =	simm.s32 $0x700;
	s26 =	simm.s32 $0x780;
	[dreg:$0xb] =	wrdreg s24  }
0xe: {  	s28 =	simm.s32 $0x800;
	s29 =	simm.s32 $0x880;
	[dreg:$0xc] =	wrdreg s25  }
0xf: {  	s30 =	simm.s32 $0x900;
	s31 =	simm.s32 $0x980;
	[dreg:$0xd] =	wrdreg s26  }
0x10: {  	s3 =	sadd.s32 $0x22000, s5;
	s6 =	sshll.u32 s1, $0xE;
	[dreg:$0xe] =	wrdreg s28  }
0x11: {  	s7 =	sand.u32 $0x1, s7;
	s19 =	sshll.u32 s1, $0xA;
	[dreg:$0xf] =	wrdreg s29  }
0x12: {  	s6 =	sadd.s32 s6, s5;
	s8 =	ssub.s32 $0x2, s7;
	[dreg:$0x10] =	wrdreg s30  }
0x13: {  	s10 =	sshll.u32 s7, $0x9;
	s7 =	sshll.u32 s7, $0xD;
	[dreg:$0x11] =	wrdreg s31  }
0x14: {  	s9 =	sshrl.u32 s8, $0x1;
	s6 =	sadd.s32 s7, s6;
	s7 =	simm.s32 $0x2  }
0x15: {  	s8 =	ssub.s32 s8, s9;
	s9 =	sor.u32 s10, s19;
	s6 =	sadd.s32 $0x1A8A00, s6  }
0x16: {  	s10 =	simm.s32 $0x0;
	s9 =	sshrl.u32 s9, $0x3;
	s5 =	smax.u32 s8, $0x1  }
0x17: {  	s8 =	simm.s32 $0x200;
	s4 =	sadd.s32 s4, s9;
	s9 =	simm.s32 $0x1  }
.LBB2_1:
0x18: {  	[tilespmem:s2], [sflag:$0x2] =	stream.linear.gather [hbm4b:s4+s2], $0x200, $0x38;
	[tilespmem:$0xA00] =	vst v63  }
0x19: {  	_ =	swait.ge [sflag:s7], $0x200  }
0x1a: {  	[sflag:s7] =	ssyncset.done $0x0  }
0x1b: {  	s11 =	simm.s32 $0x0;
	[sflag:s7] =	ssyncadd.s32 $0xFFFFFE00  }
0x1c: {  	v0 =	vld [tilespmem:s11+$0x0];
	_ =	sdelay $0x4  }
0x1d: {  	v0 =	vshll.u32 v0, $0x4  }
0x1e: {  	(v2sf) =	vpush v0, $0x0  }
0x1f: {  	(v2sf) =	vpush v0, $0x1  }
0x20: {  	(v2sf) =	vpush v0, $0x2;
	_ =	sdelay $0x1  }
0x21: {  	s12 =	rddreg [dreg:$0xf];
	(v2sf) =	vpush v0, $0x3  }
0x22: {  	s13 =	rddreg [dreg:$0xe]  }
0x23: {  	s14 =	rddreg [dreg:$0xd];
	(v2sf) =	vpush v0, $0x4  }
0x24: {  	s15 =	rddreg [dreg:$0xc]  }
0x25: {  	s16 =	rddreg [dreg:$0xb];
	(v2sf) =	vpush v0, $0x5  }
0x26: {  	s17 =	rddreg [dreg:$0xa]  }
0x27: {  	s18 =	rddreg [dreg:$0x9];
	(v2sf) =	vpush v0, $0x6  }
0x28: {  	s19 =	rddreg [dreg:$0x8]  }
0x29: {  	s20 =	rddreg [dreg:$0x7];
	(v2sf) =	vpush v0, $0x7  }
0x2a: {  	s21 =	rddreg [dreg:$0x6]  }
0x2b: {  	s22 =	rddreg [dreg:$0x5];
	(v2sf) =	vpush v0, $0x8  }
0x2c: {  	s23 =	rddreg [dreg:$0x4];
	s24 =	spop (v2sf)  }
0x2d: {  	s25 =	rddreg [dreg:$0x3];
	(v2sf) =	vpush v0, $0x9;
	s24 =	sand.u32 $0x1FFFFFF0, s24;
	s26 =	spop (v2sf)  }
0x2e: {  	s24 =	sadd.s32 s3, s24;
	s26 =	sand.u32 $0x1FFFFFF0, s26;
	s28 =	spop (v2sf)  }
0x2f: {  	(v2sf) =	vpush v0, $0xA;
	[tilespmem:s8], [sflag:$0x1] =	stream.linear.gather [hbm4b:s24+s2], $0x80, $0x38;
	[tilespmem:$0xA00] =	vst v63  }
0x30: {  	s29 =	sadd.s32 s3, s26;
	s30 =	sand.u32 $0x1FFFFFF0, s28;
	s31 =	spop (v2sf)  }
0x31: {  	(v2sf) =	vpush v0, $0xB;
	[tilespmem:s25], [sflag:$0x1] =	stream.linear.gather [hbm4b:s29+s2], $0x80, $0x38;
	[tilespmem:$0xA00] =	vst v63  }
0x32: {  	s29 =	sadd.s32 s3, s30;
	s30 =	sand.u32 $0x1FFFFFF0, s31;
	s31 =	spop (v2sf)  }
0x33: {  	(v2sf) =	vpush v0, $0xC;
	[tilespmem:s23], [sflag:$0x1] =	stream.linear.gather [hbm4b:s29+s2], $0x80, $0x38;
	[tilespmem:$0xA00] =	vst v63  }
0x34: {  	s25 =	sadd.s32 s3, s30;
	s26 =	sand.u32 $0x1FFFFFF0, s31;
	s28 =	spop (v2sf)  }
0x35: {  	(v2sf) =	vpush v0, $0xD;
	[tilespmem:s22], [sflag:$0x1] =	stream.linear.gather [hbm4b:s25+s2], $0x80, $0x38;
	[tilespmem:$0xA00] =	vst v63  }
0x36: {  	s29 =	sadd.s32 s3, s26;
	s30 =	sand.u32 $0x1FFFFFF0, s28;
	s31 =	spop (v2sf)  }
0x37: {  	(v2sf) =	vpush v0, $0xE;
	[tilespmem:s21], [sflag:$0x1] =	stream.linear.gather [hbm4b:s29+s2], $0x80, $0x38;
	[tilespmem:$0xA00] =	vst v63  }
0x38: {  	s23 =	sand.u32 $0x1FFFFFF0, s31;
	s24 =	spop (v2sf);
	s22 =	sadd.s32 s3, s30  }
0x39: {  	(v2sf) =	vpush v0, $0xF;
	[tilespmem:s20], [sflag:$0x1] =	stream.linear.gather [hbm4b:s22+s2], $0x80, $0x38;
	[tilespmem:$0xA00] =	vst v63  }
0x3a: {  	s25 =	sadd.s32 s3, s23;
	s26 =	sand.u32 $0x1FFFFFF0, s24;
	s28 =	spop (v2sf)  }
0x3b: {  	[tilespmem:s19], [sflag:$0x1] =	stream.linear.gather [hbm4b:s25+s2], $0x80, $0x38;
	[tilespmem:$0xA00] =	vst v63  }
0x3c: {  	s30 =	sand.u32 $0x1FFFFFF0, s28;
	s29 =	sadd.s32 s3, s26;
	s31 =	spop (v2sf)  }
0x3d: {  	[tilespmem:s18], [sflag:$0x1] =	stream.linear.gather [hbm4b:s29+s2], $0x80, $0x38;
	[tilespmem:$0xA00] =	vst v63  }
0x3e: {  	s22 =	sadd.s32 s3, s30;
	s23 =	sand.u32 $0x1FFFFFF0, s31;
	s24 =	spop (v2sf)  }
0x3f: {  	[tilespmem:s17], [sflag:$0x1] =	stream.linear.gather [hbm4b:s22+s2], $0x80, $0x38;
	[tilespmem:$0xA00] =	vst v63  }
0x40: {  	s25 =	sadd.s32 s3, s23;
	s26 =	sand.u32 $0x1FFFFFF0, s24;
	s28 =	spop (v2sf)  }
0x41: {  	[tilespmem:s16], [sflag:$0x1] =	stream.linear.gather [hbm4b:s25+s2], $0x80, $0x38;
	[tilespmem:$0xA00] =	vst v63  }
0x42: {  	s29 =	sadd.s32 s3, s26;
	s30 =	sand.u32 $0x1FFFFFF0, s28;
	s31 =	spop (v2sf)  }
0x43: {  	[tilespmem:s15], [sflag:$0x1] =	stream.linear.gather [hbm4b:s29+s2], $0x80, $0x38;
	[tilespmem:$0xA00] =	vst v63  }
0x44: {  	s17 =	sadd.s32 s3, s30;
	s19 =	sand.u32 $0x1FFFFFF0, s31;
	s20 =	spop (v2sf)  }
0x45: {  	[tilespmem:s14], [sflag:$0x1] =	stream.linear.gather [hbm4b:s17+s2], $0x80, $0x38;
	[tilespmem:$0xA00] =	vst v63  }
0x46: {  	s21 =	sadd.s32 s3, s19;
	s22 =	sand.u32 $0x1FFFFFF0, s20;
	s23 =	spop (v2sf)  }
0x47: {  	[tilespmem:s13], [sflag:$0x1] =	stream.linear.gather [hbm4b:s21+s2], $0x80, $0x38;
	[tilespmem:$0xA00] =	vst v63  }
0x48: {  	s24 =	sadd.s32 s3, s22;
	s25 =	sand.u32 $0x1FFFFFF0, s23;
	s26 =	spop (v2sf)  }
0x49: {  	[tilespmem:s12], [sflag:$0x1] =	stream.linear.gather [hbm4b:s24+s2], $0x80, $0x38;
	[tilespmem:$0xA00] =	vst v63  }
0x4a: {  	s11 =	rddreg [dreg:$0x10];
	s28 =	sadd.s32 s3, s25;
	s29 =	sand.u32 $0x1FFFFFF0, s26  }
0x4b: {  	[tilespmem:s11], [sflag:$0x1] =	stream.linear.gather [hbm4b:s28+s2], $0x80, $0x38;
	[tilespmem:$0xA00] =	vst v63  }
0x4c: {  	s30 =	rddreg [dreg:$0x11];
	s31 =	sadd.s32 s3, s29  }
0x4d: {  	[tilespmem:s30], [sflag:$0x1] =	stream.linear.gather [hbm4b:s31+s2], $0x80, $0x38;
	[tilespmem:$0xA00] =	vst v63  }
0x4e: {  	_ =	swait.ge [sflag:s9], $0x80  }
0x4f: {  	[sflag:s9] =	ssyncset.done $0x0  }
0x50: {  	[sflag:s9] =	ssyncadd.s32 $0xFFFFFF80  }
0x51: {  	_ =	swait.ge [sflag:s9], $0x80  }
0x52: {  	[sflag:s9] =	ssyncset.done $0x0  }
0x53: {  	[sflag:s9] =	ssyncadd.s32 $0xFFFFFF80  }
0x54: {  	_ =	swait.ge [sflag:s9], $0x80  }
0x55: {  	[sflag:s9] =	ssyncset.done $0x0  }
0x56: {  	[sflag:s9] =	ssyncadd.s32 $0xFFFFFF80  }
0x57: {  	_ =	swait.ge [sflag:s9], $0x80  }
0x58: {  	[sflag:s9] =	ssyncset.done $0x0  }
0x59: {  	[sflag:s9] =	ssyncadd.s32 $0xFFFFFF80  }
0x5a: {  	_ =	swait.ge [sflag:s9], $0x80  }
0x5b: {  	[sflag:s9] =	ssyncset.done $0x0  }
0x5c: {  	[sflag:s9] =	ssyncadd.s32 $0xFFFFFF80  }
0x5d: {  	_ =	swait.ge [sflag:s9], $0x80  }
0x5e: {  	[sflag:s9] =	ssyncset.done $0x0  }
0x5f: {  	[sflag:s9] =	ssyncadd.s32 $0xFFFFFF80  }
0x60: {  	_ =	swait.ge [sflag:s9], $0x80  }
0x61: {  	[sflag:s9] =	ssyncset.done $0x0  }
0x62: {  	[sflag:s9] =	ssyncadd.s32 $0xFFFFFF80  }
0x63: {  	_ =	swait.ge [sflag:s9], $0x80  }
0x64: {  	[sflag:s9] =	ssyncset.done $0x0  }
0x65: {  	[sflag:s9] =	ssyncadd.s32 $0xFFFFFF80  }
0x66: {  	_ =	swait.ge [sflag:s9], $0x80  }
0x67: {  	[sflag:s9] =	ssyncset.done $0x0  }
0x68: {  	[sflag:s9] =	ssyncadd.s32 $0xFFFFFF80  }
0x69: {  	_ =	swait.ge [sflag:s9], $0x80  }
0x6a: {  	[sflag:s9] =	ssyncset.done $0x0  }
0x6b: {  	[sflag:s9] =	ssyncadd.s32 $0xFFFFFF80  }
0x6c: {  	_ =	swait.ge [sflag:s9], $0x80  }
0x6d: {  	[sflag:s9] =	ssyncset.done $0x0  }
0x6e: {  	[sflag:s9] =	ssyncadd.s32 $0xFFFFFF80  }
0x6f: {  	_ =	swait.ge [sflag:s9], $0x80  }
0x70: {  	[sflag:s9] =	ssyncset.done $0x0  }
0x71: {  	[sflag:s9] =	ssyncadd.s32 $0xFFFFFF80  }
0x72: {  	_ =	swait.ge [sflag:s9], $0x80  }
0x73: {  	[sflag:s9] =	ssyncset.done $0x0  }
0x74: {  	[sflag:s9] =	ssyncadd.s32 $0xFFFFFF80  }
0x75: {  	_ =	swait.ge [sflag:s9], $0x80  }
0x76: {  	[sflag:s9] =	ssyncset.done $0x0  }
0x77: {  	[sflag:s9] =	ssyncadd.s32 $0xFFFFFF80  }
0x78: {  	_ =	swait.ge [sflag:s9], $0x80  }
0x79: {  	[sflag:s9] =	ssyncset.done $0x0  }
0x7a: {  	[sflag:s9] =	ssyncadd.s32 $0xFFFFFF80  }
0x7b: {  	_ =	swait.ge [sflag:s9], $0x80  }
0x7c: {  	[sflag:s9] =	ssyncset.done $0x0  }
0x7d: {  	[sflag:s9] =	ssyncadd.s32 $0xFFFFFF80  }
0x7e: {  	[hbm4b:s6+s2] =	stream.linear.scatter [tilespmem:s8], [sflag:$0x2], $0x800, $0x38;
	[tilespmem:$0xA00] =	vst v63  }
0x7f: {  	s14 =	simm.s32 $0x80;
	_ =	swait.ge [sflag:s7], $0x800  }
0x80: {  	s12 =	simm.s32 $0x40;
	s11 =	sadd.s32 $0x100, s6;
	[sflag:s7] =	ssyncset.done $0x0  }
.LBB2_2:
0x81: {  	s15 =	sshra.s32 s12, $0x2;
	[sflag:s7] =	ssyncadd.s32 $0xFFFFF800  }
0x82: {  	v0 =	vld [tilespmem:s15+$0x0];
	_ =	sdelay $0x4  }
0x83: {  	v0 =	vshll.u32 v0, $0x4  }
0x84: {  	(v2sf) =	vpush v0, $0x0  }
0x85: {  	(v2sf) =	vpush v0, $0x1  }
0x86: {  	(v2sf) =	vpush v0, $0x2;
	_ =	sdelay $0x1  }
0x87: {  	s16 =	rddreg [dreg:$0xe];
	(v2sf) =	vpush v0, $0x3  }
0x88: {  	s17 =	rddreg [dreg:$0xd]  }
0x89: {  	s18 =	rddreg [dreg:$0xc];
	(v2sf) =	vpush v0, $0x4  }
0x8a: {  	s19 =	rddreg [dreg:$0xb]  }
0x8b: {  	s20 =	rddreg [dreg:$0xa];
	(v2sf) =	vpush v0, $0x5  }
0x8c: {  	s21 =	rddreg [dreg:$0x9]  }
0x8d: {  	s22 =	rddreg [dreg:$0x8];
	(v2sf) =	vpush v0, $0x6  }
0x8e: {  	s23 =	rddreg [dreg:$0x7]  }
0x8f: {  	s24 =	rddreg [dreg:$0x6];
	(v2sf) =	vpush v0, $0x7  }
0x90: {  	s25 =	rddreg [dreg:$0x5]  }
0x91: {  	s12 =	smov.u32 s14;
	s13 =	sadd.s32 $0x40, s14;
	s26 =	rddreg [dreg:$0x4];
	(v2sf) =	vpush v0, $0x8  }
0x92: {  	p0 =	sne.s32 s14, $0x7C0;
	s29 =	rddreg [dreg:$0x3];
	s28 =	spop (v2sf)  }
0x93: {  	s15 =	rddreg [dreg:$0xf];
	s28 =	sand.u32 $0x1FFFFFF0, s28;
	s30 =	spop (v2sf);
	(v2sf) =	vpush v0, $0x9  }
0x94: {  	s28 =	sadd.s32 s3, s28;
	s30 =	sand.u32 $0x1FFFFFF0, s30;
	s31 =	spop (v2sf)  }
0x95: {  	(v2sf) =	vpush v0, $0xA;
	[tilespmem:s8], [sflag:$0x1] =	stream.linear.gather [hbm4b:s28+s2], $0x80, $0x38;
	[tilespmem:$0xA00] =	vst v63  }
0x96: {  	s28 =	sadd.s32 s3, s30;
	s30 =	sand.u32 $0x1FFFFFF0, s31;
	s31 =	spop (v2sf)  }
0x97: {  	(v2sf) =	vpush v0, $0xB;
	[tilespmem:s29], [sflag:$0x1] =	stream.linear.gather [hbm4b:s28+s2], $0x80, $0x38;
	[tilespmem:$0xA00] =	vst v63  }
0x98: {  	s28 =	sadd.s32 s3, s30;
	s29 =	sand.u32 $0x1FFFFFF0, s31;
	s31 =	spop (v2sf)  }
0x99: {  	(v2sf) =	vpush v0, $0xC;
	[tilespmem:s26], [sflag:$0x1] =	stream.linear.gather [hbm4b:s28+s2], $0x80, $0x38;
	[tilespmem:$0xA00] =	vst v63  }
0x9a: {  	s30 =	sand.u32 $0x1FFFFFF0, s31;
	s31 =	spop (v2sf);
	s26 =	sadd.s32 s3, s29  }
0x9b: {  	(v2sf) =	vpush v0, $0xD;
	[tilespmem:s25], [sflag:$0x1] =	stream.linear.gather [hbm4b:s26+s2], $0x80, $0x38;
	[tilespmem:$0xA00] =	vst v63  }
0x9c: {  	s26 =	sadd.s32 s3, s30;
	s30 =	sand.u32 $0x1FFFFFF0, s31;
	s31 =	spop (v2sf)  }
0x9d: {  	(v2sf) =	vpush v0, $0xE;
	[tilespmem:s24], [sflag:$0x1] =	stream.linear.gather [hbm4b:s26+s2], $0x80, $0x38;
	[tilespmem:$0xA00] =	vst v63  }
0x9e: {  	s25 =	sadd.s32 s3, s30;
	s28 =	spop (v2sf);
	s26 =	sand.u32 $0x1FFFFFF0, s31  }
0x9f: {  	(v2sf) =	vpush v0, $0xF;
	[tilespmem:s23], [sflag:$0x1] =	stream.linear.gather [hbm4b:s25+s2], $0x80, $0x38;
	[tilespmem:$0xA00] =	vst v63  }
0xa0: {  	s30 =	sand.u32 $0x1FFFFFF0, s28;
	s31 =	spop (v2sf);
	s29 =	sadd.s32 s3, s26  }
0xa1: {  	[tilespmem:s22], [sflag:$0x1] =	stream.linear.gather [hbm4b:s29+s2], $0x80, $0x38;
	[tilespmem:$0xA00] =	vst v63  }
0xa2: {  	s24 =	sadd.s32 s3, s30;
	s26 =	sand.u32 $0x1FFFFFF0, s31;
	s28 =	spop (v2sf)  }
0xa3: {  	[tilespmem:s21], [sflag:$0x1] =	stream.linear.gather [hbm4b:s24+s2], $0x80, $0x38;
	[tilespmem:$0xA00] =	vst v63  }
0xa4: {  	s29 =	sadd.s32 s3, s26;
	s30 =	sand.u32 $0x1FFFFFF0, s28;
	s31 =	spop (v2sf)  }
0xa5: {  	[tilespmem:s20], [sflag:$0x1] =	stream.linear.gather [hbm4b:s29+s2], $0x80, $0x38;
	[tilespmem:$0xA00] =	vst v63  }
0xa6: {  	s22 =	sadd.s32 s3, s30;
	s23 =	sand.u32 $0x1FFFFFF0, s31;
	s24 =	spop (v2sf)  }
0xa7: {  	[tilespmem:s19], [sflag:$0x1] =	stream.linear.gather [hbm4b:s22+s2], $0x80, $0x38;
	[tilespmem:$0xA00] =	vst v63  }
0xa8: {  	s25 =	sadd.s32 s3, s23;
	s26 =	sand.u32 $0x1FFFFFF0, s24;
	s28 =	spop (v2sf)  }
0xa9: {  	[tilespmem:s18], [sflag:$0x1] =	stream.linear.gather [hbm4b:s25+s2], $0x80, $0x38;
	[tilespmem:$0xA00] =	vst v63  }
0xaa: {  	s29 =	sadd.s32 s3, s26;
	s30 =	sand.u32 $0x1FFFFFF0, s28;
	s31 =	spop (v2sf)  }
0xab: {  	[tilespmem:s17], [sflag:$0x1] =	stream.linear.gather [hbm4b:s29+s2], $0x80, $0x38;
	[tilespmem:$0xA00] =	vst v63  }
0xac: {  	s21 =	sadd.s32 s3, s30;
	s22 =	sand.u32 $0x1FFFFFF0, s31;
	s23 =	spop (v2sf)  }
0xad: {  	[tilespmem:s16], [sflag:$0x1] =	stream.linear.gather [hbm4b:s21+s2], $0x80, $0x38;
	[tilespmem:$0xA00] =	vst v63  }
0xae: {  	s24 =	sadd.s32 s3, s22;
	s25 =	sand.u32 $0x1FFFFFF0, s23;
	s26 =	spop (v2sf)  }
0xaf: {  	[tilespmem:s15], [sflag:$0x1] =	stream.linear.gather [hbm4b:s24+s2], $0x80, $0x38;
	[tilespmem:$0xA00] =	vst v63  }
0xb0: {  	s14 =	rddreg [dreg:$0x10];
	s28 =	sadd.s32 s3, s25;
	s29 =	sand.u32 $0x1FFFFFF0, s26  }
0xb1: {  	[tilespmem:s14], [sflag:$0x1] =	stream.linear.gather [hbm4b:s28+s2], $0x80, $0x38;
	[tilespmem:$0xA00] =	vst v63  }
0xb2: {  	s30 =	rddreg [dreg:$0x11];
	s31 =	sadd.s32 s3, s29  }
0xb3: {  	[tilespmem:s30], [sflag:$0x1] =	stream.linear.gather [hbm4b:s31+s2], $0x80, $0x38;
	[tilespmem:$0xA00] =	vst v63  }
0xb4: {  	_ =	swait.ge [sflag:s9], $0x80  }
0xb5: {  	[sflag:s9] =	ssyncset.done $0x0  }
0xb6: {  	[sflag:s9] =	ssyncadd.s32 $0xFFFFFF80  }
0xb7: {  	_ =	swait.ge [sflag:s9], $0x80  }
0xb8: {  	[sflag:s9] =	ssyncset.done $0x0  }
0xb9: {  	[sflag:s9] =	ssyncadd.s32 $0xFFFFFF80  }
0xba: {  	_ =	swait.ge [sflag:s9], $0x80  }
0xbb: {  	[sflag:s9] =	ssyncset.done $0x0  }
0xbc: {  	[sflag:s9] =	ssyncadd.s32 $0xFFFFFF80  }
0xbd: {  	_ =	swait.ge [sflag:s9], $0x80  }
0xbe: {  	[sflag:s9] =	ssyncset.done $0x0  }
0xbf: {  	[sflag:s9] =	ssyncadd.s32 $0xFFFFFF80  }
0xc0: {  	_ =	swait.ge [sflag:s9], $0x80  }
0xc1: {  	[sflag:s9] =	ssyncset.done $0x0  }
0xc2: {  	[sflag:s9] =	ssyncadd.s32 $0xFFFFFF80  }
0xc3: {  	_ =	swait.ge [sflag:s9], $0x80  }
0xc4: {  	[sflag:s9] =	ssyncset.done $0x0  }
0xc5: {  	[sflag:s9] =	ssyncadd.s32 $0xFFFFFF80  }
0xc6: {  	_ =	swait.ge [sflag:s9], $0x80  }
0xc7: {  	[sflag:s9] =	ssyncset.done $0x0  }
0xc8: {  	[sflag:s9] =	ssyncadd.s32 $0xFFFFFF80  }
0xc9: {  	_ =	swait.ge [sflag:s9], $0x80  }
0xca: {  	[sflag:s9] =	ssyncset.done $0x0  }
0xcb: {  	[sflag:s9] =	ssyncadd.s32 $0xFFFFFF80  }
0xcc: {  	_ =	swait.ge [sflag:s9], $0x80  }
0xcd: {  	[sflag:s9] =	ssyncset.done $0x0  }
0xce: {  	[sflag:s9] =	ssyncadd.s32 $0xFFFFFF80  }
0xcf: {  	_ =	swait.ge [sflag:s9], $0x80  }
0xd0: {  	[sflag:s9] =	ssyncset.done $0x0  }
0xd1: {  	[sflag:s9] =	ssyncadd.s32 $0xFFFFFF80  }
0xd2: {  	_ =	swait.ge [sflag:s9], $0x80  }
0xd3: {  	[sflag:s9] =	ssyncset.done $0x0  }
0xd4: {  	[sflag:s9] =	ssyncadd.s32 $0xFFFFFF80  }
0xd5: {  	_ =	swait.ge [sflag:s9], $0x80  }
0xd6: {  	[sflag:s9] =	ssyncset.done $0x0  }
0xd7: {  	[sflag:s9] =	ssyncadd.s32 $0xFFFFFF80  }
0xd8: {  	_ =	swait.ge [sflag:s9], $0x80  }
0xd9: {  	[sflag:s9] =	ssyncset.done $0x0  }
0xda: {  	[sflag:s9] =	ssyncadd.s32 $0xFFFFFF80  }
0xdb: {  	_ =	swait.ge [sflag:s9], $0x80  }
0xdc: {  	[sflag:s9] =	ssyncset.done $0x0  }
0xdd: {  	[sflag:s9] =	ssyncadd.s32 $0xFFFFFF80  }
0xde: {  	_ =	swait.ge [sflag:s9], $0x80  }
0xdf: {  	[sflag:s9] =	ssyncset.done $0x0  }
0xe0: {  	[sflag:s9] =	ssyncadd.s32 $0xFFFFFF80  }
0xe1: {  	_ =	swait.ge [sflag:s9], $0x80  }
.Ltmp0:
0xe2: {  	[sflag:s9] =	ssyncset.done $0x0;
	(pc) =	sbr.rel @p0 .LBB2_2-.Ltmp0, $4  }
0xe3: {  	[sflag:s9] =	ssyncadd.s32 $0xFFFFFF80  }
0xe4: {  	[hbm4b:s11+s2] =	stream.linear.scatter [tilespmem:s8], [sflag:$0x2], $0x800, $0x38;
	[tilespmem:$0xA00] =	vst v63  }
0xe5: {  	_ =	swait.ge [sflag:s7], $0x800  }
0xe6: {  	s14 =	smov.u32 s13;
	s11 =	sadd.s32 $0x100, s11;
	[sflag:s7] =	ssyncset.done $0x0  }
0xe7: {  	s12 =	sshra.s32 s12, $0x2;
	[sflag:s7] =	ssyncadd.s32 $0xFFFFF800  }
0xe8: {  	v0 =	vld [tilespmem:s12+$0x0];
	_ =	sdelay $0x4  }
0xe9: {  	v0 =	vshll.u32 v0, $0x4  }
0xea: {  	(v2sf) =	vpush v0, $0x0  }
0xeb: {  	(v2sf) =	vpush v0, $0x1  }
0xec: {  	(v2sf) =	vpush v0, $0x2;
	_ =	sdelay $0x1  }
0xed: {  	s13 =	rddreg [dreg:$0xf];
	(v2sf) =	vpush v0, $0x3  }
0xee: {  	s14 =	rddreg [dreg:$0xe]  }
0xef: {  	s15 =	rddreg [dreg:$0xd];
	(v2sf) =	vpush v0, $0x4  }
0xf0: {  	s16 =	rddreg [dreg:$0xc]  }
0xf1: {  	s17 =	rddreg [dreg:$0xb];
	(v2sf) =	vpush v0, $0x5  }
0xf2: {  	s18 =	rddreg [dreg:$0xa]  }
0xf3: {  	s19 =	rddreg [dreg:$0x9];
	(v2sf) =	vpush v0, $0x6  }
0xf4: {  	s20 =	rddreg [dreg:$0x8]  }
0xf5: {  	s21 =	rddreg [dreg:$0x7];
	(v2sf) =	vpush v0, $0x7  }
0xf6: {  	s22 =	rddreg [dreg:$0x6]  }
0xf7: {  	s23 =	rddreg [dreg:$0x5];
	(v2sf) =	vpush v0, $0x8  }
0xf8: {  	s24 =	rddreg [dreg:$0x4];
	s25 =	spop (v2sf)  }
0xf9: {  	s26 =	rddreg [dreg:$0x3];
	(v2sf) =	vpush v0, $0x9;
	s25 =	sand.u32 $0x1FFFFFF0, s25;
	s28 =	spop (v2sf)  }
0xfa: {  	s25 =	sadd.s32 s3, s25;
	s28 =	sand.u32 $0x1FFFFFF0, s28;
	s29 =	spop (v2sf)  }
0xfb: {  	(v2sf) =	vpush v0, $0xA;
	[tilespmem:s8], [sflag:$0x1] =	stream.linear.gather [hbm4b:s25+s2], $0x80, $0x38;
	[tilespmem:$0xA00] =	vst v63  }
0xfc: {  	s25 =	sadd.s32 s3, s28;
	s30 =	sand.u32 $0x1FFFFFF0, s29;
	s31 =	spop (v2sf)  }
0xfd: {  	(v2sf) =	vpush v0, $0xB;
	[tilespmem:s26], [sflag:$0x1] =	stream.linear.gather [hbm4b:s25+s2], $0x80, $0x38;
	[tilespmem:$0xA00] =	vst v63  }
0xfe: {  	s26 =	sadd.s32 s3, s30;
	s30 =	sand.u32 $0x1FFFFFF0, s31;
	s31 =	spop (v2sf)  }
0xff: {  	(v2sf) =	vpush v0, $0xC;
	[tilespmem:s24], [sflag:$0x1] =	stream.linear.gather [hbm4b:s26+s2], $0x80, $0x38;
	[tilespmem:$0xA00] =	vst v63  }
0x100: {  	s29 =	sadd.s32 s3, s30;
	s30 =	sand.u32 $0x1FFFFFF0, s31;
	s31 =	spop (v2sf)  }
0x101: {  	(v2sf) =	vpush v0, $0xD;
	[tilespmem:s23], [sflag:$0x1] =	stream.linear.gather [hbm4b:s29+s2], $0x80, $0x38;
	[tilespmem:$0xA00] =	vst v63  }
0x102: {  	s25 =	sadd.s32 s3, s30;
	s26 =	sand.u32 $0x1FFFFFF0, s31;
	s28 =	spop (v2sf)  }
0x103: {  	(v2sf) =	vpush v0, $0xE;
	[tilespmem:s22], [sflag:$0x1] =	stream.linear.gather [hbm4b:s25+s2], $0x80, $0x38;
	[tilespmem:$0xA00] =	vst v63  }
0x104: {  	s30 =	sand.u32 $0x1FFFFFF0, s28;
	s31 =	spop (v2sf);
	s29 =	sadd.s32 s3, s26  }
0x105: {  	(v2sf) =	vpush v0, $0xF;
	[tilespmem:s21], [sflag:$0x1] =	stream.linear.gather [hbm4b:s29+s2], $0x80, $0x38;
	[tilespmem:$0xA00] =	vst v63  }
0x106: {  	s26 =	sand.u32 $0x1FFFFFF0, s31;
	s28 =	spop (v2sf);
	s25 =	sadd.s32 s3, s30  }
0x107: {  	[tilespmem:s20], [sflag:$0x1] =	stream.linear.gather [hbm4b:s25+s2], $0x80, $0x38;
	[tilespmem:$0xA00] =	vst v63  }
0x108: {  	s30 =	sand.u32 $0x1FFFFFF0, s28;
	s29 =	sadd.s32 s3, s26;
	s31 =	spop (v2sf)  }
0x109: {  	[tilespmem:s19], [sflag:$0x1] =	stream.linear.gather [hbm4b:s29+s2], $0x80, $0x38;
	[tilespmem:$0xA00] =	vst v63  }
0x10a: {  	s21 =	sadd.s32 s3, s30;
	s23 =	sand.u32 $0x1FFFFFF0, s31;
	s24 =	spop (v2sf)  }
0x10b: {  	[tilespmem:s18], [sflag:$0x1] =	stream.linear.gather [hbm4b:s21+s2], $0x80, $0x38;
	[tilespmem:$0xA00] =	vst v63  }
0x10c: {  	s25 =	sadd.s32 s3, s23;
	s26 =	sand.u32 $0x1FFFFFF0, s24;
	s28 =	spop (v2sf)  }
0x10d: {  	[tilespmem:s17], [sflag:$0x1] =	stream.linear.gather [hbm4b:s25+s2], $0x80, $0x38;
	[tilespmem:$0xA00] =	vst v63  }
0x10e: {  	s29 =	sadd.s32 s3, s26;
	s30 =	sand.u32 $0x1FFFFFF0, s28;
	s31 =	spop (v2sf)  }
0x10f: {  	[tilespmem:s16], [sflag:$0x1] =	stream.linear.gather [hbm4b:s29+s2], $0x80, $0x38;
	[tilespmem:$0xA00] =	vst v63  }
0x110: {  	s18 =	sadd.s32 s3, s30;
	s19 =	sand.u32 $0x1FFFFFF0, s31;
	s20 =	spop (v2sf)  }
0x111: {  	[tilespmem:s15], [sflag:$0x1] =	stream.linear.gather [hbm4b:s18+s2], $0x80, $0x38;
	[tilespmem:$0xA00] =	vst v63  }
0x112: {  	s21 =	sadd.s32 s3, s19;
	s22 =	sand.u32 $0x1FFFFFF0, s20;
	s23 =	spop (v2sf)  }
0x113: {  	[tilespmem:s14], [sflag:$0x1] =	stream.linear.gather [hbm4b:s21+s2], $0x80, $0x38;
	[tilespmem:$0xA00] =	vst v63  }
0x114: {  	s24 =	sadd.s32 s3, s22;
	s25 =	sand.u32 $0x1FFFFFF0, s23;
	s26 =	spop (v2sf)  }
0x115: {  	[tilespmem:s13], [sflag:$0x1] =	stream.linear.gather [hbm4b:s24+s2], $0x80, $0x38;
	[tilespmem:$0xA00] =	vst v63  }
0x116: {  	s12 =	rddreg [dreg:$0x10];
	s28 =	sadd.s32 s3, s25;
	s29 =	sand.u32 $0x1FFFFFF0, s26  }
0x117: {  	[tilespmem:s12], [sflag:$0x1] =	stream.linear.gather [hbm4b:s28+s2], $0x80, $0x38;
	[tilespmem:$0xA00] =	vst v63  }
0x118: {  	s30 =	rddreg [dreg:$0x11];
	s31 =	sadd.s32 s3, s29  }
0x119: {  	[tilespmem:s30], [sflag:$0x1] =	stream.linear.gather [hbm4b:s31+s2], $0x80, $0x38;
	[tilespmem:$0xA00] =	vst v63  }
0x11a: {  	_ =	swait.ge [sflag:s9], $0x80  }
0x11b: {  	[sflag:s9] =	ssyncset.done $0x0  }
0x11c: {  	[sflag:s9] =	ssyncadd.s32 $0xFFFFFF80  }
0x11d: {  	_ =	swait.ge [sflag:s9], $0x80  }
0x11e: {  	[sflag:s9] =	ssyncset.done $0x0  }
0x11f: {  	[sflag:s9] =	ssyncadd.s32 $0xFFFFFF80  }
0x120: {  	_ =	swait.ge [sflag:s9], $0x80  }
0x121: {  	[sflag:s9] =	ssyncset.done $0x0  }
0x122: {  	[sflag:s9] =	ssyncadd.s32 $0xFFFFFF80  }
0x123: {  	_ =	swait.ge [sflag:s9], $0x80  }
0x124: {  	[sflag:s9] =	ssyncset.done $0x0  }
0x125: {  	[sflag:s9] =	ssyncadd.s32 $0xFFFFFF80  }
0x126: {  	_ =	swait.ge [sflag:s9], $0x80  }
0x127: {  	[sflag:s9] =	ssyncset.done $0x0  }
0x128: {  	[sflag:s9] =	ssyncadd.s32 $0xFFFFFF80  }
0x129: {  	_ =	swait.ge [sflag:s9], $0x80  }
0x12a: {  	[sflag:s9] =	ssyncset.done $0x0  }
0x12b: {  	[sflag:s9] =	ssyncadd.s32 $0xFFFFFF80  }
0x12c: {  	_ =	swait.ge [sflag:s9], $0x80  }
0x12d: {  	[sflag:s9] =	ssyncset.done $0x0  }
0x12e: {  	[sflag:s9] =	ssyncadd.s32 $0xFFFFFF80  }
0x12f: {  	_ =	swait.ge [sflag:s9], $0x80  }
0x130: {  	[sflag:s9] =	ssyncset.done $0x0  }
0x131: {  	[sflag:s9] =	ssyncadd.s32 $0xFFFFFF80  }
0x132: {  	_ =	swait.ge [sflag:s9], $0x80  }
0x133: {  	[sflag:s9] =	ssyncset.done $0x0  }
0x134: {  	[sflag:s9] =	ssyncadd.s32 $0xFFFFFF80  }
0x135: {  	_ =	swait.ge [sflag:s9], $0x80  }
0x136: {  	[sflag:s9] =	ssyncset.done $0x0  }
0x137: {  	[sflag:s9] =	ssyncadd.s32 $0xFFFFFF80  }
0x138: {  	_ =	swait.ge [sflag:s9], $0x80  }
0x139: {  	[sflag:s9] =	ssyncset.done $0x0  }
0x13a: {  	[sflag:s9] =	ssyncadd.s32 $0xFFFFFF80  }
0x13b: {  	_ =	swait.ge [sflag:s9], $0x80  }
0x13c: {  	[sflag:s9] =	ssyncset.done $0x0  }
0x13d: {  	[sflag:s9] =	ssyncadd.s32 $0xFFFFFF80  }
0x13e: {  	_ =	swait.ge [sflag:s9], $0x80  }
0x13f: {  	[sflag:s9] =	ssyncset.done $0x0  }
0x140: {  	[sflag:s9] =	ssyncadd.s32 $0xFFFFFF80  }
0x141: {  	_ =	swait.ge [sflag:s9], $0x80  }
0x142: {  	[sflag:s9] =	ssyncset.done $0x0  }
0x143: {  	[sflag:s9] =	ssyncadd.s32 $0xFFFFFF80  }
0x144: {  	_ =	swait.ge [sflag:s9], $0x80  }
0x145: {  	[sflag:s9] =	ssyncset.done $0x0  }
0x146: {  	[sflag:s9] =	ssyncadd.s32 $0xFFFFFF80  }
0x147: {  	s10 =	sadd.s32 $0x1, s10;
	_ =	swait.ge [sflag:s9], $0x80  }
0x148: {  	p0 =	sne.s32 s10, s5;
	[sflag:s9] =	ssyncset.done $0x0  }
.Ltmp1:
0x149: {  	[sflag:s9] =	ssyncadd.s32 $0xFFFFFF80;
	(pc) =	sbr.rel @p0 .LBB2_1-.Ltmp1, $4  }
0x14a: {  	[hbm4b:s11+s2] =	stream.linear.scatter [tilespmem:s8], [sflag:$0x2], $0x800, $0x38;
	[tilespmem:$0xA00] =	vst v63  }
0x14b: {  	_ =	swait.ge [sflag:s7], $0x800  }
0x14c: {  	[sflag:s7] =	ssyncset.done $0x0  }
0x14d: {  	[sflag:s7] =	ssyncadd.s32 $0xFFFFF800  }
0x14e: {  	_ =	sfence.sel $0x180000  }
0x14f: {  	[bflag:$0x0] =	sbarrier.arrive $0xFFFF  }
0x150: {  	p0 =	sne.s32 s1, $0x0;
	_ =	strace $0x9000004A  }
0x151: {  	s0 =	sadd.s32 @!p0 $0x100000, s0;
	[bflag:$0x2] =	sbarrier.arrive $0xFFFF  }
0x152: {  	[sflag:s0] =	ssyncadd.tile.s32 @!p0 $0x1;
	_ =	shalt  }
.Lfunc_end2:
_tile_overlayer_lowered:
.L_overlay_start_2:
0x153: {  	(tag) =	ssettag $0x2  }
0x154: {  	s0 =	rddreg [dreg:$0x0];
	s2 =	stileid.u32  }
0x155: {  	s1 =	rddreg [dreg:$0x1];
	p0 =	sne.s32 s2, $0x0  }
0x156: {  	s3 =	rddreg [dreg:$0x2];
	[bflag:$0x3] =	sbarrier.arrive $0xFFFF;
	s2 =	simm.s32 @!p0 $0x1C02  }
0x157: {  	[timem:s3], [sflag:s2] =	dma.local @!p0 [hbm:s0], s1  }
0x158: {  	s0 =	simm.s32 @!p0 $0x2  }
0x159: {  	_ =	swait.ge @!p0 [sflag:s0], s1  }
0x15a: {  	s1 =	ssub.s32 @!p0 $0x0, s1;
	[sflag:s0] =	ssyncset.done @!p0 $0x0  }
0x15b: {  	[sflag:s0] =	ssyncadd.s32 @!p0 s1  }
0x15c: {  	[bflag:$0x3] =	sbarrier.arrive $0xFFFF  }
0x15d: {  	_ =	shalt  }

</sc_bundles>
